<compile_context>
chip_gen: v7x
topology: tpu7x:2x2x1
jax: 0.10.2.dev20260603
libtpu: 0.0.44.dev20260713+nightly
codegen_flags: <defaults>
</compile_context>

<pallas_src>
import functools

import jax
import jax.numpy as jnp
from jax import lax
from jax.experimental import pallas as pl
from jax.experimental.pallas import tpu as pltpu
from jax.experimental.pallas import tpu_sc as plsc

_TAIL_BLK = 4096
_HEAD_BLK = 12288
_SC_ROWS = 8192


def _tail_kernel(h_ref, w1_t_ref, ret_feat_ref, w_ret_t_ref, b_ret_ref,
                 w2_t_ref, b_lin_ref, batch_ref, out_ref, ret2_ref,
                 offs_ref, *, bsz):
    out_ref[...] = jnp.dot(h_ref[...], w1_t_ref[...],
                           preferred_element_type=jnp.float32)
    rm = jnp.mean(ret_feat_ref[...], axis=1)
    rp = jnp.dot(rm, w_ret_t_ref[...],
                 preferred_element_type=jnp.float32) + b_ret_ref[...]
    ret2_ref[...] = jnp.dot(rp, w2_t_ref[...],
                            preferred_element_type=jnp.float32) + b_lin_ref[...]
    bt = batch_ref[...]
    lane = lax.broadcasted_iota(jnp.int32, (1, bsz), 1)
    acc = jnp.zeros((1, bsz), jnp.int32)
    for b in range(bsz):
        s_b = jnp.sum((bt < b).astype(jnp.int32))
        acc = acc + jnp.where(lane == b, s_b, 0)
    offs_ref[...] = acc


def _head_kernel(batch_ref, h_ref, w1_t_ref, ret_feat_ref, w_ret_t_ref,
                 b_ret_ref, w2_t_ref, b_lin_ref, out_ref, *, nb, b):
    rm = jnp.mean(ret_feat_ref[...], axis=1)
    rp = jnp.dot(rm, w_ret_t_ref[...],
                 preferred_element_type=jnp.float32) + b_ret_ref[...]
    ret2 = jnp.dot(rp, w2_t_ref[...],
                   preferred_element_type=jnp.float32) + b_lin_ref[...]
    idx = batch_ref[0, :]
    oh = (idx[:, None] == lax.broadcasted_iota(jnp.int32, (nb, b), 1)
          ).astype(jnp.float32)
    out_ref[...] = (
        jnp.dot(h_ref[...], w1_t_ref[...],
                preferred_element_type=jnp.float32)
        + jnp.dot(oh, ret2, preferred_element_type=jnp.float32))


def kernel(h, ret_feat, batch, W_ret, b_ret, W_lin, b_lin):
    n, h_dim = h.shape
    bsz, r, ret_dim = ret_feat.shape
    w1_t = W_lin[:, :h_dim].T
    w2_t = W_lin[:, h_dim:].T

    sc_rows = _SC_ROWS
    tc_rows = n - sc_rows
    zero2 = lambda i: (0, 0)

    hw1b, ret2, offs = pl.pallas_call(
        functools.partial(_tail_kernel, bsz=bsz),
        grid=(sc_rows // _TAIL_BLK,),
        in_specs=[
            pl.BlockSpec((_TAIL_BLK, h_dim),
                         lambda i: (i + tc_rows // _TAIL_BLK, 0)),
            pl.BlockSpec((h_dim, h_dim), zero2),
            pl.BlockSpec((bsz, r, ret_dim), lambda i: (0, 0, 0)),
            pl.BlockSpec((h_dim, h_dim), zero2),
            pl.BlockSpec((1, h_dim), zero2),
            pl.BlockSpec((h_dim, h_dim), zero2),
            pl.BlockSpec((1, h_dim), zero2),
            pl.BlockSpec((n // h_dim, h_dim), zero2),
        ],
        out_specs=[
            pl.BlockSpec((_TAIL_BLK, h_dim), lambda i: (i, 0)),
            pl.BlockSpec((bsz, h_dim), zero2),
            pl.BlockSpec((1, bsz), zero2),
        ],
        out_shape=(jax.ShapeDtypeStruct((sc_rows, h_dim), jnp.float32),
                   jax.ShapeDtypeStruct((bsz, h_dim), jnp.float32),
                   jax.ShapeDtypeStruct((1, bsz), jnp.int32)),
    )(h, w1_t, ret_feat, W_ret.T, b_ret.reshape(1, h_dim), w2_t,
      b_lin.reshape(1, h_dim), batch.reshape(n // h_dim, h_dim))

    info = plsc.get_sparse_core_info()
    nw = info.num_cores * info.num_subcores
    chunk = sc_rows // nw
    cwords = chunk * h_dim
    mesh = plsc.VectorSubcoreMesh(core_axis_name="c", subcore_axis_name="s")

    @functools.partial(
        pl.kernel, mesh=mesh,
        out_type=jax.ShapeDtypeStruct((sc_rows * h_dim,), jnp.float32),
        scratch_types=[
            pltpu.VMEM((bsz * h_dim,), jnp.float32),
            pltpu.VMEM((16,), jnp.int32),
            pltpu.VMEM((cwords,), jnp.float32),
            pltpu.SemaphoreType.DMA,
            pltpu.SemaphoreType.DMA,
        ],
    )
    def _sc_add(hw1_hbm, offs_hbm, ret2_hbm, out_hbm, table_v, offs_v,
                hv, sin, sout):
        wid = lax.axis_index("s") * info.num_cores + lax.axis_index("c")
        wbase = wid * cwords
        in_h = pltpu.async_copy(hw1_hbm.at[pl.ds(wbase, cwords)], hv, sin)
        pltpu.sync_copy(ret2_hbm, table_v)
        pltpu.sync_copy(offs_hbm, offs_v)
        ov = offs_v[...]
        bounds = [ov[b] for b in range(bsz)]
        bounds.append(jnp.int32(n))
        in_h.wait()
        cbase = tc_rows + wid * chunk
        for b in range(bsz):
            lo = jnp.clip(bounds[b] - cbase, 0, chunk)
            hi = jnp.clip(bounds[b + 1] - cbase, 0, chunk)
            trow = [table_v[pl.ds(b * h_dim + j * 16, 16)]
                    for j in range(h_dim // 16)]

            def _body(row, carry, hv=hv, trow=trow):
                for j in range(h_dim // 16):
                    sl = pl.ds(row * h_dim + j * 16, 16)
                    hv[sl] = hv[sl] + trow[j]
                return carry

            lax.fori_loop(lo, hi, _body, 0)
        pltpu.async_copy(hv, out_hbm.at[pl.ds(wbase, cwords)], sout).wait()

    batch3 = batch[:tc_rows].reshape(tc_rows // _HEAD_BLK, 1, _HEAD_BLK)
    out_a = pl.pallas_call(
        functools.partial(_head_kernel, nb=_HEAD_BLK, b=bsz),
        grid=(tc_rows // _HEAD_BLK,),
        in_specs=[
            pl.BlockSpec((None, 1, _HEAD_BLK), lambda i: (i, 0, 0)),
            pl.BlockSpec((_HEAD_BLK, h_dim), lambda i: (i, 0)),
            pl.BlockSpec((h_dim, h_dim), zero2),
            pl.BlockSpec((bsz, r, ret_dim), lambda i: (0, 0, 0)),
            pl.BlockSpec((h_dim, h_dim), zero2),
            pl.BlockSpec((1, h_dim), zero2),
            pl.BlockSpec((h_dim, h_dim), zero2),
            pl.BlockSpec((1, h_dim), zero2),
        ],
        out_specs=pl.BlockSpec((_HEAD_BLK, h_dim), lambda i: (i, 0)),
        out_shape=jax.ShapeDtypeStruct((n, h_dim), jnp.float32),
    )(batch3, h, w1_t, ret_feat, W_ret.T, b_ret.reshape(1, h_dim), w2_t,
      b_lin.reshape(1, h_dim))

    out_b = _sc_add(hw1b.reshape(sc_rows * h_dim), offs.reshape(bsz),
                    ret2.reshape(bsz * h_dim))

    return lax.dynamic_update_slice(
        out_a, out_b.reshape(sc_rows, h_dim), (tc_rows, 0))

# --- scband reference (transcript-rebuilt; emitter-appended) ---
"""Pipeline reference for scband-concatenation-90701119357422 (READ-ONLY COPY).

The authoritative reference and input builder live on the scoring server;
editing this copy changes nothing except your own understanding.
"""

import jax, jax.numpy as jnp
import numpy as np


def setup_inputs(seed: int = 0) -> dict:
    key = jax.random.key(seed)
    ks = jax.random.split(key, 6)
    N, B, R = 32768, 16, 8
    h_dim, ret_dim = 128, 128
    h = jax.random.normal(ks[0], (N, h_dim), dtype=jnp.float32)
    ret_feat = jax.random.normal(ks[1], (B, R, ret_dim), dtype=jnp.float32)
    batch = jnp.sort(jax.random.randint(ks[2], (N,), 0, B).astype(jnp.int32))
    W_ret = jax.random.normal(ks[3], (h_dim, ret_dim), dtype=jnp.float32) * 0.02
    b_ret = jnp.zeros((h_dim,), dtype=jnp.float32)
    W_lin = jax.random.normal(ks[4], (h_dim, 2 * h_dim), dtype=jnp.float32) * 0.02
    b_lin = jnp.zeros((h_dim,), dtype=jnp.float32)
    return {"h": h, "ret_feat": ret_feat, "batch": batch,
            "W_ret": W_ret, "b_ret": b_ret, "W_lin": W_lin, "b_lin": b_lin}


def reference(h, ret_feat, batch, W_ret, b_ret, W_lin, b_lin):
    # ret_feat: [B, R, ret_dim] -> mean over retrieved items -> [B, ret_dim]
    ret = jnp.mean(ret_feat, axis=1)
    # ret_proj: Linear(ret_feat_dim -> h_dim)
    ret = ret @ W_ret.T + b_ret  # [B, h_dim]
    # The original per-batch loop h[batch==i] = linear(cat(h[batch==i], ret[i].repeat(...)))
    # is equivalent to a gather of ret by segment id followed by a fused linear.
    ret_per_node = jnp.take(ret, batch, axis=0)  # [N, h_dim] gather
    cat = jnp.concatenate([h, ret_per_node], axis=1)  # [N, 2*h_dim]
    out = cat @ W_lin.T + b_lin  # linear(2*h_dim -> h_dim), scatter-overwrite back into h
    return out

if __name__ == "__main__":
    import jax
    _d = setup_inputs()
    print(jax.jit(kernel)(*tuple(_d.values())))

</pallas_src>

<mosaic_0001>
#map = affine_map<(d0, d1) -> (0)>
module attributes {stable_mosaic.version = 14 : i64} {
  func.func @_sc_add(%arg0: i32, %arg1: i32, %arg2: memref<1048576xf32, #tpu.memory_space<hbm>>, %arg3: memref<16xi32, #tpu.memory_space<hbm>>, %arg4: memref<2048xf32, #tpu.memory_space<hbm>>, %arg5: memref<1048576xf32, #tpu.memory_space<hbm>>, %arg6: memref<2048xf32, #tpu.memory_space<vmem>>, %arg7: memref<16xi32, #tpu.memory_space<vmem>>, %arg8: memref<32768xf32, #tpu.memory_space<vmem>>, %arg9: memref<!tpu.dma_semaphore, #tpu.memory_space<semaphore_mem>>, %arg10: memref<!tpu.dma_semaphore, #tpu.memory_space<semaphore_mem>>) attributes {dimension_semantics = [#tpu.dimension_semantics<core_parallel>, #tpu.dimension_semantics<subcore_parallel>], iteration_bounds = array<i64: 2, 16>, scalar_prefetch = 0 : i64, scratch_operands = 5 : i64, tpu.core_type = #tpu.core_type<sc_vector_subcore>, window_params = [{transform_indices = #map}, {transform_indices = #map}, {transform_indices = #map}, {transform_indices = #map}]} {
    %mul3A = arith.constant 2 : i32
    %mul3A_0 = arith.muli %arg1, %mul3A : i32
    %add3A = arith.addi %mul3A_0, %arg0 : i32
    %mul3A_1 = arith.constant 32768 : i32
    %mul3A_2 = arith.muli %add3A, %mul3A_1 : i32
    %dma_start3A = tpu.memref_slice %arg2[%mul3A_2] : memref<1048576xf32, #tpu.memory_space<hbm>> -> memref<32768xf32, #tpu.memory_space<hbm>>
    %dma_start3A_3 = tpu.memref_slice %arg2[%mul3A_2] : memref<1048576xf32, #tpu.memory_space<hbm>> -> memref<32768xf32, #tpu.memory_space<hbm>>
    tpu.enqueue_dma source(%dma_start3A_3 : memref<32768xf32, #tpu.memory_space<hbm>>) target(%arg8 : memref<32768xf32, #tpu.memory_space<vmem>>) target_semaphore(%arg9 : memref<!tpu.dma_semaphore, #tpu.memory_space<semaphore_mem>>)
    "tpu.region"() ({
      %run_scoped3A = tpu.sem_alloc : memref<!tpu.dma_semaphore, #tpu.memory_space<semaphore_mem>>
      tpu.enqueue_dma source(%arg4 : memref<2048xf32, #tpu.memory_space<hbm>>) target(%arg6 : memref<2048xf32, #tpu.memory_space<vmem>>) target_semaphore(%run_scoped3A : memref<!tpu.dma_semaphore, #tpu.memory_space<semaphore_mem>>)
      tpu.wait_dma2 semaphore(%run_scoped3A : memref<!tpu.dma_semaphore, #tpu.memory_space<semaphore_mem>>) src(%arg4 : memref<2048xf32, #tpu.memory_space<hbm>>) dst(%arg6 : memref<2048xf32, #tpu.memory_space<vmem>>)
      tpu.yield
    }) : () -> ()
    "tpu.region"() ({
      %run_scoped3A = tpu.sem_alloc : memref<!tpu.dma_semaphore, #tpu.memory_space<semaphore_mem>>
      tpu.enqueue_dma source(%arg3 : memref<16xi32, #tpu.memory_space<hbm>>) target(%arg7 : memref<16xi32, #tpu.memory_space<vmem>>) target_semaphore(%run_scoped3A : memref<!tpu.dma_semaphore, #tpu.memory_space<semaphore_mem>>)
      tpu.wait_dma2 semaphore(%run_scoped3A : memref<!tpu.dma_semaphore, #tpu.memory_space<semaphore_mem>>) src(%arg3 : memref<16xi32, #tpu.memory_space<hbm>>) dst(%arg7 : memref<16xi32, #tpu.memory_space<vmem>>)
      tpu.yield
    }) : () -> ()
    %get3A = arith.constant 0 : index
    %get3A_4 = tpu.vector_load %arg7[%get3A] {strides = array<i32>} : memref<16xi32, #tpu.memory_space<vmem>>, vector<16xi32>,
    %get3A_5 = vector.shape_cast %get3A_4 : vector<16xi32> to vector<16xi32>
    %slice3A = vector.extract_strided_slice %get3A_5 {offsets = [0], sizes = [1], strides = [1]} : vector<16xi32> to vector<1xi32>
    %squeeze3A = vector.extract %slice3A[0] : i32 from vector<1xi32>
    %slice3A_6 = vector.extract_strided_slice %get3A_5 {offsets = [1], sizes = [1], strides = [1]} : vector<16xi32> to vector<1xi32>
    %squeeze3A_7 = vector.extract %slice3A_6[0] : i32 from vector<1xi32>
    %slice3A_8 = vector.extract_strided_slice %get3A_5 {offsets = [2], sizes = [1], strides = [1]} : vector<16xi32> to vector<1xi32>
    %squeeze3A_9 = vector.extract %slice3A_8[0] : i32 from vector<1xi32>
    %slice3A_10 = vector.extract_strided_slice %get3A_5 {offsets = [3], sizes = [1], strides = [1]} : vector<16xi32> to vector<1xi32>
    %squeeze3A_11 = vector.extract %slice3A_10[0] : i32 from vector<1xi32>
    %slice3A_12 = vector.extract_strided_slice %get3A_5 {offsets = [4], sizes = [1], strides = [1]} : vector<16xi32> to vector<1xi32>
    %squeeze3A_13 = vector.extract %slice3A_12[0] : i32 from vector<1xi32>
    %slice3A_14 = vector.extract_strided_slice %get3A_5 {offsets = [5], sizes = [1], strides = [1]} : vector<16xi32> to vector<1xi32>
    %squeeze3A_15 = vector.extract %slice3A_14[0] : i32 from vector<1xi32>
    %slice3A_16 = vector.extract_strided_slice %get3A_5 {offsets = [6], sizes = [1], strides = [1]} : vector<16xi32> to vector<1xi32>
    %squeeze3A_17 = vector.extract %slice3A_16[0] : i32 from vector<1xi32>
    %slice3A_18 = vector.extract_strided_slice %get3A_5 {offsets = [7], sizes = [1], strides = [1]} : vector<16xi32> to vector<1xi32>
    %squeeze3A_19 = vector.extract %slice3A_18[0] : i32 from vector<1xi32>
    %slice3A_20 = vector.extract_strided_slice %get3A_5 {offsets = [8], sizes = [1], strides = [1]} : vector<16xi32> to vector<1xi32>
    %squeeze3A_21 = vector.extract %slice3A_20[0] : i32 from vector<1xi32>
    %slice3A_22 = vector.extract_strided_slice %get3A_5 {offsets = [9], sizes = [1], strides = [1]} : vector<16xi32> to vector<1xi32>
    %squeeze3A_23 = vector.extract %slice3A_22[0] : i32 from vector<1xi32>
    %slice3A_24 = vector.extract_strided_slice %get3A_5 {offsets = [10], sizes = [1], strides = [1]} : vector<16xi32> to vector<1xi32>
    %squeeze3A_25 = vector.extract %slice3A_24[0] : i32 from vector<1xi32>
    %slice3A_26 = vector.extract_strided_slice %get3A_5 {offsets = [11], sizes = [1], strides = [1]} : vector<16xi32> to vector<1xi32>
    %squeeze3A_27 = vector.extract %slice3A_26[0] : i32 from vector<1xi32>
    %slice3A_28 = vector.extract_strided_slice %get3A_5 {offsets = [12], sizes = [1], strides = [1]} : vector<16xi32> to vector<1xi32>
    %squeeze3A_29 = vector.extract %slice3A_28[0] : i32 from vector<1xi32>
    %slice3A_30 = vector.extract_strided_slice %get3A_5 {offsets = [13], sizes = [1], strides = [1]} : vector<16xi32> to vector<1xi32>
    %squeeze3A_31 = vector.extract %slice3A_30[0] : i32 from vector<1xi32>
    %slice3A_32 = vector.extract_strided_slice %get3A_5 {offsets = [14], sizes = [1], strides = [1]} : vector<16xi32> to vector<1xi32>
    %squeeze3A_33 = vector.extract %slice3A_32[0] : i32 from vector<1xi32>
    %slice3A_34 = vector.extract_strided_slice %get3A_5 {offsets = [15], sizes = [1], strides = [1]} : vector<16xi32> to vector<1xi32>
    %squeeze3A_35 = vector.extract %slice3A_34[0] : i32 from vector<1xi32>
    %dma_wait3A = tpu.memref_slice %arg2[%mul3A_2] : memref<1048576xf32, #tpu.memory_space<hbm>> -> memref<32768xf32, #tpu.memory_space<hbm>>
    %dma_wait3A_36 = tpu.memref_slice %arg2[%mul3A_2] : memref<1048576xf32, #tpu.memory_space<hbm>> -> memref<32768xf32, #tpu.memory_space<hbm>>
    tpu.wait_dma2 semaphore(%arg9 : memref<!tpu.dma_semaphore, #tpu.memory_space<semaphore_mem>>) src(%dma_wait3A_36 : memref<32768xf32, #tpu.memory_space<hbm>>) dst(%arg8 : memref<32768xf32, #tpu.memory_space<vmem>>)
    %mul3A_37 = arith.constant 256 : i32
    %mul3A_38 = arith.muli %add3A, %mul3A_37 : i32
    %add3A_39 = arith.constant 24576 : i32
    %add3A_40 = arith.addi %add3A_39, %mul3A_38 : i32
    %sub3A = arith.subi %squeeze3A, %add3A_40 : i32
    %jit3A = arith.constant 0 : i32
    %jit3A_41 = arith.constant 256 : i32
    %max3A = arith.maxsi %jit3A, %sub3A : i32
    %min3A = arith.minsi %jit3A_41, %max3A : i32
    %sub3A_42 = arith.subi %squeeze3A_7, %add3A_40 : i32
    %jit3A_43 = arith.constant 0 : i32
    %jit3A_44 = arith.constant 256 : i32
    %max3A_45 = arith.maxsi %jit3A_43, %sub3A_42 : i32
    %min3A_46 = arith.minsi %jit3A_44, %max3A_45 : i32
    %get3A_47 = arith.constant 0 : index
    %get3A_48 = tpu.vector_load %arg6[%get3A_47] {strides = array<i32>} : memref<2048xf32, #tpu.memory_space<vmem>>, vector<16xf32>,
    %get3A_49 = vector.shape_cast %get3A_48 : vector<16xf32> to vector<16xf32>
    %get3A_50 = arith.constant 16 : index
    %get3A_51 = tpu.vector_load %arg6[%get3A_50] {strides = array<i32>} : memref<2048xf32, #tpu.memory_space<vmem>>, vector<16xf32>,
    %get3A_52 = vector.shape_cast %get3A_51 : vector<16xf32> to vector<16xf32>
    %get3A_53 = arith.constant 32 : index
    %get3A_54 = tpu.vector_load %arg6[%get3A_53] {strides = array<i32>} : memref<2048xf32, #tpu.memory_space<vmem>>, vector<16xf32>,
    %get3A_55 = vector.shape_cast %get3A_54 : vector<16xf32> to vector<16xf32>
    %get3A_56 = arith.constant 48 : index
    %get3A_57 = tpu.vector_load %arg6[%get3A_56] {strides = array<i32>} : memref<2048xf32, #tpu.memory_space<vmem>>, vector<16xf32>,
    %get3A_58 = vector.shape_cast %get3A_57 : vector<16xf32> to vector<16xf32>
    %get3A_59 = arith.constant 64 : index
    %get3A_60 = tpu.vector_load %arg6[%get3A_59] {strides = array<i32>} : memref<2048xf32, #tpu.memory_space<vmem>>, vector<16xf32>,
    %get3A_61 = vector.shape_cast %get3A_60 : vector<16xf32> to vector<16xf32>
    %get3A_62 = arith.constant 80 : index
    %get3A_63 = tpu.vector_load %arg6[%get3A_62] {strides = array<i32>} : memref<2048xf32, #tpu.memory_space<vmem>>, vector<16xf32>,
    %get3A_64 = vector.shape_cast %get3A_63 : vector<16xf32> to vector<16xf32>
    %get3A_65 = arith.constant 96 : index
    %get3A_66 = tpu.vector_load %arg6[%get3A_65] {strides = array<i32>} : memref<2048xf32, #tpu.memory_space<vmem>>, vector<16xf32>,
    %get3A_67 = vector.shape_cast %get3A_66 : vector<16xf32> to vector<16xf32>
    %get3A_68 = arith.constant 112 : index
    %get3A_69 = tpu.vector_load %arg6[%get3A_68] {strides = array<i32>} : memref<2048xf32, #tpu.memory_space<vmem>>, vector<16xf32>,
    %get3A_70 = vector.shape_cast %get3A_69 : vector<16xf32> to vector<16xf32>
    %while3A = arith.constant 0 : i32
    %while3A_71 = arith.subi %min3A_46, %min3A : i32
    %while3A_72 = arith.addi %min3A, %while3A_71 : i32
    %while3A_73 = arith.constant 1 : i32
    %while3A_74 = arith.divsi %while3A_71, %while3A_73 : i32
    %while3A_75 = arith.muli %while3A_74, %while3A_73 : i32
    %while3A_76 = arith.addi %min3A, %while3A_75 : i32
    %while3A_77 = arith.constant 1 : i32
    scf.for %while3A_729 = %min3A to %while3A_76 step %while3A_77  : i32 {
      %mul3A_730 = arith.constant 128 : i32
      %mul3A_731 = arith.muli %while3A_729, %mul3A_730 : i32
      %add3A_732 = arith.constant 0 : i32
      %add3A_733 = arith.addi %mul3A_731, %add3A_732 : i32
      %get3A_734 = arith.index_cast %add3A_733 : i32 to index
      %get3A_735 = tpu.vector_load %arg8[%get3A_734] {strides = array<i32>} : memref<32768xf32, #tpu.memory_space<vmem>>, vector<16xf32>,
      %get3A_736 = vector.shape_cast %get3A_735 : vector<16xf32> to vector<16xf32>
      %add3A_737 = arith.addf %get3A_736, %get3A_49 : vector<16xf32>
      %swap3A = arith.index_cast %add3A_733 : i32 to index
      %swap3A_738 = tpu.vector_load %arg8[%swap3A] {strides = array<i32>} : memref<32768xf32, #tpu.memory_space<vmem>>, vector<16xf32>,
      %swap3A_739 = vector.shape_cast %swap3A_738 : vector<16xf32> to vector<16xf32>
      %swap3A_740 = vector.shape_cast %add3A_737 : vector<16xf32> to vector<16xf32>
      tpu.vector_store %arg8[%swap3A], %swap3A_740 {strides = array<i32>} : memref<32768xf32, #tpu.memory_space<vmem>>, vector<16xf32>,
      %mul3A_741 = arith.constant 128 : i32
      %mul3A_742 = arith.muli %while3A_729, %mul3A_741 : i32
      %add3A_743 = arith.constant 16 : i32
      %add3A_744 = arith.addi %mul3A_742, %add3A_743 : i32
      %get3A_745 = arith.index_cast %add3A_744 : i32 to index
      %get3A_746 = tpu.vector_load %arg8[%get3A_745] {strides = array<i32>} : memref<32768xf32, #tpu.memory_space<vmem>>, vector<16xf32>,
      %get3A_747 = vector.shape_cast %get3A_746 : vector<16xf32> to vector<16xf32>
      %add3A_748 = arith.addf %get3A_747, %get3A_52 : vector<16xf32>
      %swap3A_749 = arith.index_cast %add3A_744 : i32 to index
      %swap3A_750 = tpu.vector_load %arg8[%swap3A_749] {strides = array<i32>} : memref<32768xf32, #tpu.memory_space<vmem>>, vector<16xf32>,
      %swap3A_751 = vector.shape_cast %swap3A_750 : vector<16xf32> to vector<16xf32>
      %swap3A_752 = vector.shape_cast %add3A_748 : vector<16xf32> to vector<16xf32>
      tpu.vector_store %arg8[%swap3A_749], %swap3A_752 {strides = array<i32>} : memref<32768xf32, #tpu.memory_space<vmem>>, vector<16xf32>,
      %mul3A_753 = arith.constant 128 : i32
      %mul3A_754 = arith.muli %while3A_729, %mul3A_753 : i32
      %add3A_755 = arith.constant 32 : i32
      %add3A_756 = arith.addi %mul3A_754, %add3A_755 : i32
      %get3A_757 = arith.index_cast %add3A_756 : i32 to index
      %get3A_758 = tpu.vector_load %arg8[%get3A_757] {strides = array<i32>} : memref<32768xf32, #tpu.memory_space<vmem>>, vector<16xf32>,
      %get3A_759 = vector.shape_cast %get3A_758 : vector<16xf32> to vector<16xf32>
      %add3A_760 = arith.addf %get3A_759, %get3A_55 : vector<16xf32>
      %swap3A_761 = arith.index_cast %add3A_756 : i32 to index
      %swap3A_762 = tpu.vector_load %arg8[%swap3A_761] {strides = array<i32>} : memref<32768xf32, #tpu.memory_space<vmem>>, vector<16xf32>,
      %swap3A_763 = vector.shape_cast %swap3A_762 : vector<16xf32> to vector<16xf32>
      %swap3A_764 = vector.shape_cast %add3A_760 : vector<16xf32> to vector<16xf32>
      tpu.vector_store %arg8[%swap3A_761], %swap3A_764 {strides = array<i32>} : memref<32768xf32, #tpu.memory_space<vmem>>, vector<16xf32>,
      %mul3A_765 = arith.constant 128 : i32
      %mul3A_766 = arith.muli %while3A_729, %mul3A_765 : i32
      %add3A_767 = arith.constant 48 : i32
      %add3A_768 = arith.addi %mul3A_766, %add3A_767 : i32
      %get3A_769 = arith.index_cast %add3A_768 : i32 to index
      %get3A_770 = tpu.vector_load %arg8[%get3A_769] {strides = array<i32>} : memref<32768xf32, #tpu.memory_space<vmem>>, vector<16xf32>,
      %get3A_771 = vector.shape_cast %get3A_770 : vector<16xf32> to vector<16xf32>
      %add3A_772 = arith.addf %get3A_771, %get3A_58 : vector<16xf32>
      %swap3A_773 = arith.index_cast %add3A_768 : i32 to index
      %swap3A_774 = tpu.vector_load %arg8[%swap3A_773] {strides = array<i32>} : memref<32768xf32, #tpu.memory_space<vmem>>, vector<16xf32>,
      %swap3A_775 = vector.shape_cast %swap3A_774 : vector<16xf32> to vector<16xf32>
      %swap3A_776 = vector.shape_cast %add3A_772 : vector<16xf32> to vector<16xf32>
      tpu.vector_store %arg8[%swap3A_773], %swap3A_776 {strides = array<i32>} : memref<32768xf32, #tpu.memory_space<vmem>>, vector<16xf32>,
      %mul3A_777 = arith.constant 128 : i32
      %mul3A_778 = arith.muli %while3A_729, %mul3A_777 : i32
      %add3A_779 = arith.constant 64 : i32
      %add3A_780 = arith.addi %mul3A_778, %add3A_779 : i32
      %get3A_781 = arith.index_cast %add3A_780 : i32 to index
      %get3A_782 = tpu.vector_load %arg8[%get3A_781] {strides = array<i32>} : memref<32768xf32, #tpu.memory_space<vmem>>, vector<16xf32>,
      %get3A_783 = vector.shape_cast %get3A_782 : vector<16xf32> to vector<16xf32>
      %add3A_784 = arith.addf %get3A_783, %get3A_61 : vector<16xf32>
      %swap3A_785 = arith.index_cast %add3A_780 : i32 to index
      %swap3A_786 = tpu.vector_load %arg8[%swap3A_785] {strides = array<i32>} : memref<32768xf32, #tpu.memory_space<vmem>>, vector<16xf32>,
      %swap3A_787 = vector.shape_cast %swap3A_786 : vector<16xf32> to vector<16xf32>
      %swap3A_788 = vector.shape_cast %add3A_784 : vector<16xf32> to vector<16xf32>
      tpu.vector_store %arg8[%swap3A_785], %swap3A_788 {strides = array<i32>} : memref<32768xf32, #tpu.memory_space<vmem>>, vector<16xf32>,
      %mul3A_789 = arith.constant 128 : i32
      %mul3A_790 = arith.muli %while3A_729, %mul3A_789 : i32
      %add3A_791 = arith.constant 80 : i32
      %add3A_792 = arith.addi %mul3A_790, %add3A_791 : i32
      %get3A_793 = arith.index_cast %add3A_792 : i32 to index
      %get3A_794 = tpu.vector_load %arg8[%get3A_793] {strides = array<i32>} : memref<32768xf32, #tpu.memory_space<vmem>>, vector<16xf32>,
      %get3A_795 = vector.shape_cast %get3A_794 : vector<16xf32> to vector<16xf32>
      %add3A_796 = arith.addf %get3A_795, %get3A_64 : vector<16xf32>
      %swap3A_797 = arith.index_cast %add3A_792 : i32 to index
      %swap3A_798 = tpu.vector_load %arg8[%swap3A_797] {strides = array<i32>} : memref<32768xf32, #tpu.memory_space<vmem>>, vector<16xf32>,
      %swap3A_799 = vector.shape_cast %swap3A_798 : vector<16xf32> to vector<16xf32>
      %swap3A_800 = vector.shape_cast %add3A_796 : vector<16xf32> to vector<16xf32>
      tpu.vector_store %arg8[%swap3A_797], %swap3A_800 {strides = array<i32>} : memref<32768xf32, #tpu.memory_space<vmem>>, vector<16xf32>,
      %mul3A_801 = arith.constant 128 : i32
      %mul3A_802 = arith.muli %while3A_729, %mul3A_801 : i32
      %add3A_803 = arith.constant 96 : i32
      %add3A_804 = arith.addi %mul3A_802, %add3A_803 : i32
      %get3A_805 = arith.index_cast %add3A_804 : i32 to index
      %get3A_806 = tpu.vector_load %arg8[%get3A_805] {strides = array<i32>} : memref<32768xf32, #tpu.memory_space<vmem>>, vector<16xf32>,
      %get3A_807 = vector.shape_cast %get3A_806 : vector<16xf32> to vector<16xf32>
      %add3A_808 = arith.addf %get3A_807, %get3A_67 : vector<16xf32>
      %swap3A_809 = arith.index_cast %add3A_804 : i32 to index
      %swap3A_810 = tpu.vector_load %arg8[%swap3A_809] {strides = array<i32>} : memref<32768xf32, #tpu.memory_space<vmem>>, vector<16xf32>,
      %swap3A_811 = vector.shape_cast %swap3A_810 : vector<16xf32> to vector<16xf32>
      %swap3A_812 = vector.shape_cast %add3A_808 : vector<16xf32> to vector<16xf32>
      tpu.vector_store %arg8[%swap3A_809], %swap3A_812 {strides = array<i32>} : memref<32768xf32, #tpu.memory_space<vmem>>, vector<16xf32>,
      %mul3A_813 = arith.constant 128 : i32
      %mul3A_814 = arith.muli %while3A_729, %mul3A_813 : i32
      %add3A_815 = arith.constant 112 : i32
      %add3A_816 = arith.addi %mul3A_814, %add3A_815 : i32
      %get3A_817 = arith.index_cast %add3A_816 : i32 to index
      %get3A_818 = tpu.vector_load %arg8[%get3A_817] {strides = array<i32>} : memref<32768xf32, #tpu.memory_space<vmem>>, vector<16xf32>,
      %get3A_819 = vector.shape_cast %get3A_818 : vector<16xf32> to vector<16xf32>
      %add3A_820 = arith.addf %get3A_819, %get3A_70 : vector<16xf32>
      %swap3A_821 = arith.index_cast %add3A_816 : i32 to index
      %swap3A_822 = tpu.vector_load %arg8[%swap3A_821] {strides = array<i32>} : memref<32768xf32, #tpu.memory_space<vmem>>, vector<16xf32>,
      %swap3A_823 = vector.shape_cast %swap3A_822 : vector<16xf32> to vector<16xf32>
      %swap3A_824 = vector.shape_cast %add3A_820 : vector<16xf32> to vector<16xf32>
      tpu.vector_store %arg8[%swap3A_821], %swap3A_824 {strides = array<i32>} : memref<32768xf32, #tpu.memory_space<vmem>>, vector<16xf32>,
    }
    %while3A_78 = arith.constant 1 : i32
    scf.for %while3A_729 = %while3A_76 to %while3A_72 step %while3A_78  : i32 {
      %mul3A_730 = arith.constant 128 : i32
      %mul3A_731 = arith.muli %while3A_729, %mul3A_730 : i32
      %add3A_732 = arith.constant 0 : i32
      %add3A_733 = arith.addi %mul3A_731, %add3A_732 : i32
      %get3A_734 = arith.index_cast %add3A_733 : i32 to index
      %get3A_735 = tpu.vector_load %arg8[%get3A_734] {strides = array<i32>} : memref<32768xf32, #tpu.memory_space<vmem>>, vector<16xf32>,
      %get3A_736 = vector.shape_cast %get3A_735 : vector<16xf32> to vector<16xf32>
      %add3A_737 = arith.addf %get3A_736, %get3A_49 : vector<16xf32>
      %swap3A = arith.index_cast %add3A_733 : i32 to index
      %swap3A_738 = tpu.vector_load %arg8[%swap3A] {strides = array<i32>} : memref<32768xf32, #tpu.memory_space<vmem>>, vector<16xf32>,
      %swap3A_739 = vector.shape_cast %swap3A_738 : vector<16xf32> to vector<16xf32>
      %swap3A_740 = vector.shape_cast %add3A_737 : vector<16xf32> to vector<16xf32>
      tpu.vector_store %arg8[%swap3A], %swap3A_740 {strides = array<i32>} : memref<32768xf32, #tpu.memory_space<vmem>>, vector<16xf32>,
      %mul3A_741 = arith.constant 128 : i32
      %mul3A_742 = arith.muli %while3A_729, %mul3A_741 : i32
      %add3A_743 = arith.constant 16 : i32
      %add3A_744 = arith.addi %mul3A_742, %add3A_743 : i32
      %get3A_745 = arith.index_cast %add3A_744 : i32 to index
      %get3A_746 = tpu.vector_load %arg8[%get3A_745] {strides = array<i32>} : memref<32768xf32, #tpu.memory_space<vmem>>, vector<16xf32>,
      %get3A_747 = vector.shape_cast %get3A_746 : vector<16xf32> to vector<16xf32>
      %add3A_748 = arith.addf %get3A_747, %get3A_52 : vector<16xf32>
      %swap3A_749 = arith.index_cast %add3A_744 : i32 to index
      %swap3A_750 = tpu.vector_load %arg8[%swap3A_749] {strides = array<i32>} : memref<32768xf32, #tpu.memory_space<vmem>>, vector<16xf32>,
      %swap3A_751 = vector.shape_cast %swap3A_750 : vector<16xf32> to vector<16xf32>
      %swap3A_752 = vector.shape_cast %add3A_748 : vector<16xf32> to vector<16xf32>
      tpu.vector_store %arg8[%swap3A_749], %swap3A_752 {strides = array<i32>} : memref<32768xf32, #tpu.memory_space<vmem>>, vector<16xf32>,
      %mul3A_753 = arith.constant 128 : i32
      %mul3A_754 = arith.muli %while3A_729, %mul3A_753 : i32
      %add3A_755 = arith.constant 32 : i32
      %add3A_756 = arith.addi %mul3A_754, %add3A_755 : i32
      %get3A_757 = arith.index_cast %add3A_756 : i32 to index
      %get3A_758 = tpu.vector_load %arg8[%get3A_757] {strides = array<i32>} : memref<32768xf32, #tpu.memory_space<vmem>>, vector<16xf32>,
      %get3A_759 = vector.shape_cast %get3A_758 : vector<16xf32> to vector<16xf32>
      %add3A_760 = arith.addf %get3A_759, %get3A_55 : vector<16xf32>
      %swap3A_761 = arith.index_cast %add3A_756 : i32 to index
      %swap3A_762 = tpu.vector_load %arg8[%swap3A_761] {strides = array<i32>} : memref<32768xf32, #tpu.memory_space<vmem>>, vector<16xf32>,
      %swap3A_763 = vector.shape_cast %swap3A_762 : vector<16xf32> to vector<16xf32>
      %swap3A_764 = vector.shape_cast %add3A_760 : vector<16xf32> to vector<16xf32>
      tpu.vector_store %arg8[%swap3A_761], %swap3A_764 {strides = array<i32>} : memref<32768xf32, #tpu.memory_space<vmem>>, vector<16xf32>,
      %mul3A_765 = arith.constant 128 : i32
      %mul3A_766 = arith.muli %while3A_729, %mul3A_765 : i32
      %add3A_767 = arith.constant 48 : i32
      %add3A_768 = arith.addi %mul3A_766, %add3A_767 : i32
      %get3A_769 = arith.index_cast %add3A_768 : i32 to index
      %get3A_770 = tpu.vector_load %arg8[%get3A_769] {strides = array<i32>} : memref<32768xf32, #tpu.memory_space<vmem>>, vector<16xf32>,
      %get3A_771 = vector.shape_cast %get3A_770 : vector<16xf32> to vector<16xf32>
      %add3A_772 = arith.addf %get3A_771, %get3A_58 : vector<16xf32>
      %swap3A_773 = arith.index_cast %add3A_768 : i32 to index
      %swap3A_774 = tpu.vector_load %arg8[%swap3A_773] {strides = array<i32>} : memref<32768xf32, #tpu.memory_space<vmem>>, vector<16xf32>,
      %swap3A_775 = vector.shape_cast %swap3A_774 : vector<16xf32> to vector<16xf32>
      %swap3A_776 = vector.shape_cast %add3A_772 : vector<16xf32> to vector<16xf32>
      tpu.vector_store %arg8[%swap3A_773], %swap3A_776 {strides = array<i32>} : memref<32768xf32, #tpu.memory_space<vmem>>, vector<16xf32>,
      %mul3A_777 = arith.constant 128 : i32
      %mul3A_778 = arith.muli %while3A_729, %mul3A_777 : i32
      %add3A_779 = arith.constant 64 : i32
      %add3A_780 = arith.addi %mul3A_778, %add3A_779 : i32
      %get3A_781 = arith.index_cast %add3A_780 : i32 to index
      %get3A_782 = tpu.vector_load %arg8[%get3A_781] {strides = array<i32>} : memref<32768xf32, #tpu.memory_space<vmem>>, vector<16xf32>,
      %get3A_783 = vector.shape_cast %get3A_782 : vector<16xf32> to vector<16xf32>
      %add3A_784 = arith.addf %get3A_783, %get3A_61 : vector<16xf32>
      %swap3A_785 = arith.index_cast %add3A_780 : i32 to index
      %swap3A_786 = tpu.vector_load %arg8[%swap3A_785] {strides = array<i32>} : memref<32768xf32, #tpu.memory_space<vmem>>, vector<16xf32>,
      %swap3A_787 = vector.shape_cast %swap3A_786 : vector<16xf32> to vector<16xf32>
      %swap3A_788 = vector.shape_cast %add3A_784 : vector<16xf32> to vector<16xf32>
      tpu.vector_store %arg8[%swap3A_785], %swap3A_788 {strides = array<i32>} : memref<32768xf32, #tpu.memory_space<vmem>>, vector<16xf32>,
      %mul3A_789 = arith.constant 128 : i32
      %mul3A_790 = arith.muli %while3A_729, %mul3A_789 : i32
      %add3A_791 = arith.constant 80 : i32
      %add3A_792 = arith.addi %mul3A_790, %add3A_791 : i32
      %get3A_793 = arith.index_cast %add3A_792 : i32 to index
      %get3A_794 = tpu.vector_load %arg8[%get3A_793] {strides = array<i32>} : memref<32768xf32, #tpu.memory_space<vmem>>, vector<16xf32>,
      %get3A_795 = vector.shape_cast %get3A_794 : vector<16xf32> to vector<16xf32>
      %add3A_796 = arith.addf %get3A_795, %get3A_64 : vector<16xf32>
      %swap3A_797 = arith.index_cast %add3A_792 : i32 to index
      %swap3A_798 = tpu.vector_load %arg8[%swap3A_797] {strides = array<i32>} : memref<32768xf32, #tpu.memory_space<vmem>>, vector<16xf32>,
      %swap3A_799 = vector.shape_cast %swap3A_798 : vector<16xf32> to vector<16xf32>
      %swap3A_800 = vector.shape_cast %add3A_796 : vector<16xf32> to vector<16xf32>
      tpu.vector_store %arg8[%swap3A_797], %swap3A_800 {strides = array<i32>} : memref<32768xf32, #tpu.memory_space<vmem>>, vector<16xf32>,
      %mul3A_801 = arith.constant 128 : i32
      %mul3A_802 = arith.muli %while3A_729, %mul3A_801 : i32
      %add3A_803 = arith.constant 96 : i32
      %add3A_804 = arith.addi %mul3A_802, %add3A_803 : i32
      %get3A_805 = arith.index_cast %add3A_804 : i32 to index
      %get3A_806 = tpu.vector_load %arg8[%get3A_805] {strides = array<i32>} : memref<32768xf32, #tpu.memory_space<vmem>>, vector<16xf32>,
      %get3A_807 = vector.shape_cast %get3A_806 : vector<16xf32> to vector<16xf32>
      %add3A_808 = arith.addf %get3A_807, %get3A_67 : vector<16xf32>
      %swap3A_809 = arith.index_cast %add3A_804 : i32 to index
      %swap3A_810 = tpu.vector_load %arg8[%swap3A_809] {strides = array<i32>} : memref<32768xf32, #tpu.memory_space<vmem>>, vector<16xf32>,
      %swap3A_811 = vector.shape_cast %swap3A_810 : vector<16xf32> to vector<16xf32>
      %swap3A_812 = vector.shape_cast %add3A_808 : vector<16xf32> to vector<16xf32>
      tpu.vector_store %arg8[%swap3A_809], %swap3A_812 {strides = array<i32>} : memref<32768xf32, #tpu.memory_space<vmem>>, vector<16xf32>,
      %mul3A_813 = arith.constant 128 : i32
      %mul3A_814 = arith.muli %while3A_729, %mul3A_813 : i32
      %add3A_815 = arith.constant 112 : i32
      %add3A_816 = arith.addi %mul3A_814, %add3A_815 : i32
      %get3A_817 = arith.index_cast %add3A_816 : i32 to index
      %get3A_818 = tpu.vector_load %arg8[%get3A_817] {strides = array<i32>} : memref<32768xf32, #tpu.memory_space<vmem>>, vector<16xf32>,
      %get3A_819 = vector.shape_cast %get3A_818 : vector<16xf32> to vector<16xf32>
      %add3A_820 = arith.addf %get3A_819, %get3A_70 : vector<16xf32>
      %swap3A_821 = arith.index_cast %add3A_816 : i32 to index
      %swap3A_822 = tpu.vector_load %arg8[%swap3A_821] {strides = array<i32>} : memref<32768xf32, #tpu.memory_space<vmem>>, vector<16xf32>,
      %swap3A_823 = vector.shape_cast %swap3A_822 : vector<16xf32> to vector<16xf32>
      %swap3A_824 = vector.shape_cast %add3A_820 : vector<16xf32> to vector<16xf32>
      tpu.vector_store %arg8[%swap3A_821], %swap3A_824 {strides = array<i32>} : memref<32768xf32, #tpu.memory_space<vmem>>, vector<16xf32>,
    }
    %sub3A_79 = arith.subi %squeeze3A_7, %add3A_40 : i32
    %jit3A_80 = arith.constant 0 : i32
    %jit3A_81 = arith.constant 256 : i32
    %max3A_82 = arith.maxsi %jit3A_80, %sub3A_79 : i32
    %min3A_83 = arith.minsi %jit3A_81, %max3A_82 : i32
    %sub3A_84 = arith.subi %squeeze3A_9, %add3A_40 : i32
    %jit3A_85 = arith.constant 0 : i32
    %jit3A_86 = arith.constant 256 : i32
    %max3A_87 = arith.maxsi %jit3A_85, %sub3A_84 : i32
    %min3A_88 = arith.minsi %jit3A_86, %max3A_87 : i32
    %get3A_89 = arith.constant 128 : index
    %get3A_90 = tpu.vector_load %arg6[%get3A_89] {strides = array<i32>} : memref<2048xf32, #tpu.memory_space<vmem>>, vector<16xf32>,
    %get3A_91 = vector.shape_cast %get3A_90 : vector<16xf32> to vector<16xf32>
    %get3A_92 = arith.constant 144 : index
    %get3A_93 = tpu.vector_load %arg6[%get3A_92] {strides = array<i32>} : memref<2048xf32, #tpu.memory_space<vmem>>, vector<16xf32>,
    %get3A_94 = vector.shape_cast %get3A_93 : vector<16xf32> to vector<16xf32>
    %get3A_95 = arith.constant 160 : index
    %get3A_96 = tpu.vector_load %arg6[%get3A_95] {strides = array<i32>} : memref<2048xf32, #tpu.memory_space<vmem>>, vector<16xf32>,
    %get3A_97 = vector.shape_cast %get3A_96 : vector<16xf32> to vector<16xf32>
    %get3A_98 = arith.constant 176 : index
    %get3A_99 = tpu.vector_load %arg6[%get3A_98] {strides = array<i32>} : memref<2048xf32, #tpu.memory_space<vmem>>, vector<16xf32>,
    %get3A_100 = vector.shape_cast %get3A_99 : vector<16xf32> to vector<16xf32>
    %get3A_101 = arith.constant 192 : index
    %get3A_102 = tpu.vector_load %arg6[%get3A_101] {strides = array<i32>} : memref<2048xf32, #tpu.memory_space<vmem>>, vector<16xf32>,
    %get3A_103 = vector.shape_cast %get3A_102 : vector<16xf32> to vector<16xf32>
    %get3A_104 = arith.constant 208 : index
    %get3A_105 = tpu.vector_load %arg6[%get3A_104] {strides = array<i32>} : memref<2048xf32, #tpu.memory_space<vmem>>, vector<16xf32>,
    %get3A_106 = vector.shape_cast %get3A_105 : vector<16xf32> to vector<16xf32>
    %get3A_107 = arith.constant 224 : index
    %get3A_108 = tpu.vector_load %arg6[%get3A_107] {strides = array<i32>} : memref<2048xf32, #tpu.memory_space<vmem>>, vector<16xf32>,
    %get3A_109 = vector.shape_cast %get3A_108 : vector<16xf32> to vector<16xf32>
    %get3A_110 = arith.constant 240 : index
    %get3A_111 = tpu.vector_load %arg6[%get3A_110] {strides = array<i32>} : memref<2048xf32, #tpu.memory_space<vmem>>, vector<16xf32>,
    %get3A_112 = vector.shape_cast %get3A_111 : vector<16xf32> to vector<16xf32>
    %while3A_113 = arith.constant 0 : i32
    %while3A_114 = arith.subi %min3A_88, %min3A_83 : i32
    %while3A_115 = arith.addi %min3A_83, %while3A_114 : i32
    %while3A_116 = arith.constant 1 : i32
    %while3A_117 = arith.divsi %while3A_114, %while3A_116 : i32
    %while3A_118 = arith.muli %while3A_117, %while3A_116 : i32
    %while3A_119 = arith.addi %min3A_83, %while3A_118 : i32
    %while3A_120 = arith.constant 1 : i32
    scf.for %while3A_729 = %min3A_83 to %while3A_119 step %while3A_120  : i32 {
      %mul3A_730 = arith.constant 128 : i32
      %mul3A_731 = arith.muli %while3A_729, %mul3A_730 : i32
      %add3A_732 = arith.constant 0 : i32
      %add3A_733 = arith.addi %mul3A_731, %add3A_732 : i32
      %get3A_734 = arith.index_cast %add3A_733 : i32 to index
      %get3A_735 = tpu.vector_load %arg8[%get3A_734] {strides = array<i32>} : memref<32768xf32, #tpu.memory_space<vmem>>, vector<16xf32>,
      %get3A_736 = vector.shape_cast %get3A_735 : vector<16xf32> to vector<16xf32>
      %add3A_737 = arith.addf %get3A_736, %get3A_91 : vector<16xf32>
      %swap3A = arith.index_cast %add3A_733 : i32 to index
      %swap3A_738 = tpu.vector_load %arg8[%swap3A] {strides = array<i32>} : memref<32768xf32, #tpu.memory_space<vmem>>, vector<16xf32>,
      %swap3A_739 = vector.shape_cast %swap3A_738 : vector<16xf32> to vector<16xf32>
      %swap3A_740 = vector.shape_cast %add3A_737 : vector<16xf32> to vector<16xf32>
      tpu.vector_store %arg8[%swap3A], %swap3A_740 {strides = array<i32>} : memref<32768xf32, #tpu.memory_space<vmem>>, vector<16xf32>,
      %mul3A_741 = arith.constant 128 : i32
      %mul3A_742 = arith.muli %while3A_729, %mul3A_741 : i32
      %add3A_743 = arith.constant 16 : i32
      %add3A_744 = arith.addi %mul3A_742, %add3A_743 : i32
      %get3A_745 = arith.index_cast %add3A_744 : i32 to index
      %get3A_746 = tpu.vector_load %arg8[%get3A_745] {strides = array<i32>} : memref<32768xf32, #tpu.memory_space<vmem>>, vector<16xf32>,
      %get3A_747 = vector.shape_cast %get3A_746 : vector<16xf32> to vector<16xf32>
      %add3A_748 = arith.addf %get3A_747, %get3A_94 : vector<16xf32>
      %swap3A_749 = arith.index_cast %add3A_744 : i32 to index
      %swap3A_750 = tpu.vector_load %arg8[%swap3A_749] {strides = array<i32>} : memref<32768xf32, #tpu.memory_space<vmem>>, vector<16xf32>,
      %swap3A_751 = vector.shape_cast %swap3A_750 : vector<16xf32> to vector<16xf32>
      %swap3A_752 = vector.shape_cast %add3A_748 : vector<16xf32> to vector<16xf32>
      tpu.vector_store %arg8[%swap3A_749], %swap3A_752 {strides = array<i32>} : memref<32768xf32, #tpu.memory_space<vmem>>, vector<16xf32>,
      %mul3A_753 = arith.constant 128 : i32
      %mul3A_754 = arith.muli %while3A_729, %mul3A_753 : i32
      %add3A_755 = arith.constant 32 : i32
      %add3A_756 = arith.addi %mul3A_754, %add3A_755 : i32
      %get3A_757 = arith.index_cast %add3A_756 : i32 to index
      %get3A_758 = tpu.vector_load %arg8[%get3A_757] {strides = array<i32>} : memref<32768xf32, #tpu.memory_space<vmem>>, vector<16xf32>,
      %get3A_759 = vector.shape_cast %get3A_758 : vector<16xf32> to vector<16xf32>
      %add3A_760 = arith.addf %get3A_759, %get3A_97 : vector<16xf32>
      %swap3A_761 = arith.index_cast %add3A_756 : i32 to index
      %swap3A_762 = tpu.vector_load %arg8[%swap3A_761] {strides = array<i32>} : memref<32768xf32, #tpu.memory_space<vmem>>, vector<16xf32>,
      %swap3A_763 = vector.shape_cast %swap3A_762 : vector<16xf32> to vector<16xf32>
      %swap3A_764 = vector.shape_cast %add3A_760 : vector<16xf32> to vector<16xf32>
      tpu.vector_store %arg8[%swap3A_761], %swap3A_764 {strides = array<i32>} : memref<32768xf32, #tpu.memory_space<vmem>>, vector<16xf32>,
      %mul3A_765 = arith.constant 128 : i32
      %mul3A_766 = arith.muli %while3A_729, %mul3A_765 : i32
      %add3A_767 = arith.constant 48 : i32
      %add3A_768 = arith.addi %mul3A_766, %add3A_767 : i32
      %get3A_769 = arith.index_cast %add3A_768 : i32 to index
      %get3A_770 = tpu.vector_load %arg8[%get3A_769] {strides = array<i32>} : memref<32768xf32, #tpu.memory_space<vmem>>, vector<16xf32>,
      %get3A_771 = vector.shape_cast %get3A_770 : vector<16xf32> to vector<16xf32>
      %add3A_772 = arith.addf %get3A_771, %get3A_100 : vector<16xf32>
      %swap3A_773 = arith.index_cast %add3A_768 : i32 to index
      %swap3A_774 = tpu.vector_load %arg8[%swap3A_773] {strides = array<i32>} : memref<32768xf32, #tpu.memory_space<vmem>>, vector<16xf32>,
      %swap3A_775 = vector.shape_cast %swap3A_774 : vector<16xf32> to vector<16xf32>
      %swap3A_776 = vector.shape_cast %add3A_772 : vector<16xf32> to vector<16xf32>
      tpu.vector_store %arg8[%swap3A_773], %swap3A_776 {strides = array<i32>} : memref<32768xf32, #tpu.memory_space<vmem>>, vector<16xf32>,
      %mul3A_777 = arith.constant 128 : i32
      %mul3A_778 = arith.muli %while3A_729, %mul3A_777 : i32
      %add3A_779 = arith.constant 64 : i32
      %add3A_780 = arith.addi %mul3A_778, %add3A_779 : i32
      %get3A_781 = arith.index_cast %add3A_780 : i32 to index
      %get3A_782 = tpu.vector_load %arg8[%get3A_781] {strides = array<i32>} : memref<32768xf32, #tpu.memory_space<vmem>>, vector<16xf32>,
      %get3A_783 = vector.shape_cast %get3A_782 : vector<16xf32> to vector<16xf32>
      %add3A_784 = arith.addf %get3A_783, %get3A_103 : vector<16xf32>
      %swap3A_785 = arith.index_cast %add3A_780 : i32 to index
      %swap3A_786 = tpu.vector_load %arg8[%swap3A_785] {strides = array<i32>} : memref<32768xf32, #tpu.memory_space<vmem>>, vector<16xf32>,
      %swap3A_787 = vector.shape_cast %swap3A_786 : vector<16xf32> to vector<16xf32>
      %swap3A_788 = vector.shape_cast %add3A_784 : vector<16xf32> to vector<16xf32>
      tpu.vector_store %arg8[%swap3A_785], %swap3A_788 {strides = array<i32>} : memref<32768xf32, #tpu.memory_space<vmem>>, vector<16xf32>,
      %mul3A_789 = arith.constant 128 : i32
      %mul3A_790 = arith.muli %while3A_729, %mul3A_789 : i32
      %add3A_791 = arith.constant 80 : i32
      %add3A_792 = arith.addi %mul3A_790, %add3A_791 : i32
      %get3A_793 = arith.index_cast %add3A_792 : i32 to index
      %get3A_794 = tpu.vector_load %arg8[%get3A_793] {strides = array<i32>} : memref<32768xf32, #tpu.memory_space<vmem>>, vector<16xf32>,
      %get3A_795 = vector.shape_cast %get3A_794 : vector<16xf32> to vector<16xf32>
      %add3A_796 = arith.addf %get3A_795, %get3A_106 : vector<16xf32>
      %swap3A_797 = arith.index_cast %add3A_792 : i32 to index
      %swap3A_798 = tpu.vector_load %arg8[%swap3A_797] {strides = array<i32>} : memref<32768xf32, #tpu.memory_space<vmem>>, vector<16xf32>,
      %swap3A_799 = vector.shape_cast %swap3A_798 : vector<16xf32> to vector<16xf32>
      %swap3A_800 = vector.shape_cast %add3A_796 : vector<16xf32> to vector<16xf32>
      tpu.vector_store %arg8[%swap3A_797], %swap3A_800 {strides = array<i32>} : memref<32768xf32, #tpu.memory_space<vmem>>, vector<16xf32>,
      %mul3A_801 = arith.constant 128 : i32
      %mul3A_802 = arith.muli %while3A_729, %mul3A_801 : i32
      %add3A_803 = arith.constant 96 : i32
      %add3A_804 = arith.addi %mul3A_802, %add3A_803 : i32
      %get3A_805 = arith.index_cast %add3A_804 : i32 to index
      %get3A_806 = tpu.vector_load %arg8[%get3A_805] {strides = array<i32>} : memref<32768xf32, #tpu.memory_space<vmem>>, vector<16xf32>,
      %get3A_807 = vector.shape_cast %get3A_806 : vector<16xf32> to vector<16xf32>
      %add3A_808 = arith.addf %get3A_807, %get3A_109 : vector<16xf32>
      %swap3A_809 = arith.index_cast %add3A_804 : i32 to index
      %swap3A_810 = tpu.vector_load %arg8[%swap3A_809] {strides = array<i32>} : memref<32768xf32, #tpu.memory_space<vmem>>, vector<16xf32>,
      %swap3A_811 = vector.shape_cast %swap3A_810 : vector<16xf32> to vector<16xf32>
      %swap3A_812 = vector.shape_cast %add3A_808 : vector<16xf32> to vector<16xf32>
      tpu.vector_store %arg8[%swap3A_809], %swap3A_812 {strides = array<i32>} : memref<32768xf32, #tpu.memory_space<vmem>>, vector<16xf32>,
      %mul3A_813 = arith.constant 128 : i32
      %mul3A_814 = arith.muli %while3A_729, %mul3A_813 : i32
      %add3A_815 = arith.constant 112 : i32
      %add3A_816 = arith.addi %mul3A_814, %add3A_815 : i32
      %get3A_817 = arith.index_cast %add3A_816 : i32 to index
      %get3A_818 = tpu.vector_load %arg8[%get3A_817] {strides = array<i32>} : memref<32768xf32, #tpu.memory_space<vmem>>, vector<16xf32>,
      %get3A_819 = vector.shape_cast %get3A_818 : vector<16xf32> to vector<16xf32>
      %add3A_820 = arith.addf %get3A_819, %get3A_112 : vector<16xf32>
      %swap3A_821 = arith.index_cast %add3A_816 : i32 to index
      %swap3A_822 = tpu.vector_load %arg8[%swap3A_821] {strides = array<i32>} : memref<32768xf32, #tpu.memory_space<vmem>>, vector<16xf32>,
      %swap3A_823 = vector.shape_cast %swap3A_822 : vector<16xf32> to vector<16xf32>
      %swap3A_824 = vector.shape_cast %add3A_820 : vector<16xf32> to vector<16xf32>
      tpu.vector_store %arg8[%swap3A_821], %swap3A_824 {strides = array<i32>} : memref<32768xf32, #tpu.memory_space<vmem>>, vector<16xf32>,
    }
    %while3A_121 = arith.constant 1 : i32
    scf.for %while3A_729 = %while3A_119 to %while3A_115 step %while3A_121  : i32 {
      %mul3A_730 = arith.constant 128 : i32
      %mul3A_731 = arith.muli %while3A_729, %mul3A_730 : i32
      %add3A_732 = arith.constant 0 : i32
      %add3A_733 = arith.addi %mul3A_731, %add3A_732 : i32
      %get3A_734 = arith.index_cast %add3A_733 : i32 to index
      %get3A_735 = tpu.vector_load %arg8[%get3A_734] {strides = array<i32>} : memref<32768xf32, #tpu.memory_space<vmem>>, vector<16xf32>,
      %get3A_736 = vector.shape_cast %get3A_735 : vector<16xf32> to vector<16xf32>
      %add3A_737 = arith.addf %get3A_736, %get3A_91 : vector<16xf32>
      %swap3A = arith.index_cast %add3A_733 : i32 to index
      %swap3A_738 = tpu.vector_load %arg8[%swap3A] {strides = array<i32>} : memref<32768xf32, #tpu.memory_space<vmem>>, vector<16xf32>,
      %swap3A_739 = vector.shape_cast %swap3A_738 : vector<16xf32> to vector<16xf32>
      %swap3A_740 = vector.shape_cast %add3A_737 : vector<16xf32> to vector<16xf32>
      tpu.vector_store %arg8[%swap3A], %swap3A_740 {strides = array<i32>} : memref<32768xf32, #tpu.memory_space<vmem>>, vector<16xf32>,
      %mul3A_741 = arith.constant 128 : i32
      %mul3A_742 = arith.muli %while3A_729, %mul3A_741 : i32
      %add3A_743 = arith.constant 16 : i32
      %add3A_744 = arith.addi %mul3A_742, %add3A_743 : i32
      %get3A_745 = arith.index_cast %add3A_744 : i32 to index
      %get3A_746 = tpu.vector_load %arg8[%get3A_745] {strides = array<i32>} : memref<32768xf32, #tpu.memory_space<vmem>>, vector<16xf32>,
      %get3A_747 = vector.shape_cast %get3A_746 : vector<16xf32> to vector<16xf32>
      %add3A_748 = arith.addf %get3A_747, %get3A_94 : vector<16xf32>
      %swap3A_749 = arith.index_cast %add3A_744 : i32 to index
      %swap3A_750 = tpu.vector_load %arg8[%swap3A_749] {strides = array<i32>} : memref<32768xf32, #tpu.memory_space<vmem>>, vector<16xf32>,
      %swap3A_751 = vector.shape_cast %swap3A_750 : vector<16xf32> to vector<16xf32>
      %swap3A_752 = vector.shape_cast %add3A_748 : vector<16xf32> to vector<16xf32>
      tpu.vector_store %arg8[%swap3A_749], %swap3A_752 {strides = array<i32>} : memref<32768xf32, #tpu.memory_space<vmem>>, vector<16xf32>,
      %mul3A_753 = arith.constant 128 : i32
      %mul3A_754 = arith.muli %while3A_729, %mul3A_753 : i32
      %add3A_755 = arith.constant 32 : i32
      %add3A_756 = arith.addi %mul3A_754, %add3A_755 : i32
      %get3A_757 = arith.index_cast %add3A_756 : i32 to index
      %get3A_758 = tpu.vector_load %arg8[%get3A_757] {strides = array<i32>} : memref<32768xf32, #tpu.memory_space<vmem>>, vector<16xf32>,
      %get3A_759 = vector.shape_cast %get3A_758 : vector<16xf32> to vector<16xf32>
      %add3A_760 = arith.addf %get3A_759, %get3A_97 : vector<16xf32>
      %swap3A_761 = arith.index_cast %add3A_756 : i32 to index
      %swap3A_762 = tpu.vector_load %arg8[%swap3A_761] {strides = array<i32>} : memref<32768xf32, #tpu.memory_space<vmem>>, vector<16xf32>,
      %swap3A_763 = vector.shape_cast %swap3A_762 : vector<16xf32> to vector<16xf32>
      %swap3A_764 = vector.shape_cast %add3A_760 : vector<16xf32> to vector<16xf32>
      tpu.vector_store %arg8[%swap3A_761], %swap3A_764 {strides = array<i32>} : memref<32768xf32, #tpu.memory_space<vmem>>, vector<16xf32>,
      %mul3A_765 = arith.constant 128 : i32
      %mul3A_766 = arith.muli %while3A_729, %mul3A_765 : i32
      %add3A_767 = arith.constant 48 : i32
      %add3A_768 = arith.addi %mul3A_766, %add3A_767 : i32
      %get3A_769 = arith.index_cast %add3A_768 : i32 to index
      %get3A_770 = tpu.vector_load %arg8[%get3A_769] {strides = array<i32>} : memref<32768xf32, #tpu.memory_space<vmem>>, vector<16xf32>,
      %get3A_771 = vector.shape_cast %get3A_770 : vector<16xf32> to vector<16xf32>
      %add3A_772 = arith.addf %get3A_771, %get3A_100 : vector<16xf32>
      %swap3A_773 = arith.index_cast %add3A_768 : i32 to index
      %swap3A_774 = tpu.vector_load %arg8[%swap3A_773] {strides = array<i32>} : memref<32768xf32, #tpu.memory_space<vmem>>, vector<16xf32>,
      %swap3A_775 = vector.shape_cast %swap3A_774 : vector<16xf32> to vector<16xf32>
      %swap3A_776 = vector.shape_cast %add3A_772 : vector<16xf32> to vector<16xf32>
      tpu.vector_store %arg8[%swap3A_773], %swap3A_776 {strides = array<i32>} : memref<32768xf32, #tpu.memory_space<vmem>>, vector<16xf32>,
      %mul3A_777 = arith.constant 128 : i32
      %mul3A_778 = arith.muli %while3A_729, %mul3A_777 : i32
      %add3A_779 = arith.constant 64 : i32
      %add3A_780 = arith.addi %mul3A_778, %add3A_779 : i32
      %get3A_781 = arith.index_cast %add3A_780 : i32 to index
      %get3A_782 = tpu.vector_load %arg8[%get3A_781] {strides = array<i32>} : memref<32768xf32, #tpu.memory_space<vmem>>, vector<16xf32>,
      %get3A_783 = vector.shape_cast %get3A_782 : vector<16xf32> to vector<16xf32>
      %add3A_784 = arith.addf %get3A_783, %get3A_103 : vector<16xf32>
      %swap3A_785 = arith.index_cast %add3A_780 : i32 to index
      %swap3A_786 = tpu.vector_load %arg8[%swap3A_785] {strides = array<i32>} : memref<32768xf32, #tpu.memory_space<vmem>>, vector<16xf32>,
      %swap3A_787 = vector.shape_cast %swap3A_786 : vector<16xf32> to vector<16xf32>
      %swap3A_788 = vector.shape_cast %add3A_784 : vector<16xf32> to vector<16xf32>
      tpu.vector_store %arg8[%swap3A_785], %swap3A_788 {strides = array<i32>} : memref<32768xf32, #tpu.memory_space<vmem>>, vector<16xf32>,
      %mul3A_789 = arith.constant 128 : i32
      %mul3A_790 = arith.muli %while3A_729, %mul3A_789 : i32
      %add3A_791 = arith.constant 80 : i32
      %add3A_792 = arith.addi %mul3A_790, %add3A_791 : i32
      %get3A_793 = arith.index_cast %add3A_792 : i32 to index
      %get3A_794 = tpu.vector_load %arg8[%get3A_793] {strides = array<i32>} : memref<32768xf32, #tpu.memory_space<vmem>>, vector<16xf32>,
      %get3A_795 = vector.shape_cast %get3A_794 : vector<16xf32> to vector<16xf32>
      %add3A_796 = arith.addf %get3A_795, %get3A_106 : vector<16xf32>
      %swap3A_797 = arith.index_cast %add3A_792 : i32 to index
      %swap3A_798 = tpu.vector_load %arg8[%swap3A_797] {strides = array<i32>} : memref<32768xf32, #tpu.memory_space<vmem>>, vector<16xf32>,
      %swap3A_799 = vector.shape_cast %swap3A_798 : vector<16xf32> to vector<16xf32>
      %swap3A_800 = vector.shape_cast %add3A_796 : vector<16xf32> to vector<16xf32>
      tpu.vector_store %arg8[%swap3A_797], %swap3A_800 {strides = array<i32>} : memref<32768xf32, #tpu.memory_space<vmem>>, vector<16xf32>,
      %mul3A_801 = arith.constant 128 : i32
      %mul3A_802 = arith.muli %while3A_729, %mul3A_801 : i32
      %add3A_803 = arith.constant 96 : i32
      %add3A_804 = arith.addi %mul3A_802, %add3A_803 : i32
      %get3A_805 = arith.index_cast %add3A_804 : i32 to index
      %get3A_806 = tpu.vector_load %arg8[%get3A_805] {strides = array<i32>} : memref<32768xf32, #tpu.memory_space<vmem>>, vector<16xf32>,
      %get3A_807 = vector.shape_cast %get3A_806 : vector<16xf32> to vector<16xf32>
      %add3A_808 = arith.addf %get3A_807, %get3A_109 : vector<16xf32>
      %swap3A_809 = arith.index_cast %add3A_804 : i32 to index
      %swap3A_810 = tpu.vector_load %arg8[%swap3A_809] {strides = array<i32>} : memref<32768xf32, #tpu.memory_space<vmem>>, vector<16xf32>,
      %swap3A_811 = vector.shape_cast %swap3A_810 : vector<16xf32> to vector<16xf32>
      %swap3A_812 = vector.shape_cast %add3A_808 : vector<16xf32> to vector<16xf32>
      tpu.vector_store %arg8[%swap3A_809], %swap3A_812 {strides = array<i32>} : memref<32768xf32, #tpu.memory_space<vmem>>, vector<16xf32>,
      %mul3A_813 = arith.constant 128 : i32
      %mul3A_814 = arith.muli %while3A_729, %mul3A_813 : i32
      %add3A_815 = arith.constant 112 : i32
      %add3A_816 = arith.addi %mul3A_814, %add3A_815 : i32
      %get3A_817 = arith.index_cast %add3A_816 : i32 to index
      %get3A_818 = tpu.vector_load %arg8[%get3A_817] {strides = array<i32>} : memref<32768xf32, #tpu.memory_space<vmem>>, vector<16xf32>,
      %get3A_819 = vector.shape_cast %get3A_818 : vector<16xf32> to vector<16xf32>
      %add3A_820 = arith.addf %get3A_819, %get3A_112 : vector<16xf32>
      %swap3A_821 = arith.index_cast %add3A_816 : i32 to index
      %swap3A_822 = tpu.vector_load %arg8[%swap3A_821] {strides = array<i32>} : memref<32768xf32, #tpu.memory_space<vmem>>, vector<16xf32>,
      %swap3A_823 = vector.shape_cast %swap3A_822 : vector<16xf32> to vector<16xf32>
      %swap3A_824 = vector.shape_cast %add3A_820 : vector<16xf32> to vector<16xf32>
      tpu.vector_store %arg8[%swap3A_821], %swap3A_824 {strides = array<i32>} : memref<32768xf32, #tpu.memory_space<vmem>>, vector<16xf32>,
    }
    %sub3A_122 = arith.subi %squeeze3A_9, %add3A_40 : i32
    %jit3A_123 = arith.constant 0 : i32
    %jit3A_124 = arith.constant 256 : i32
    %max3A_125 = arith.maxsi %jit3A_123, %sub3A_122 : i32
    %min3A_126 = arith.minsi %jit3A_124, %max3A_125 : i32
    %sub3A_127 = arith.subi %squeeze3A_11, %add3A_40 : i32
    %jit3A_128 = arith.constant 0 : i32
    %jit3A_129 = arith.constant 256 : i32
    %max3A_130 = arith.maxsi %jit3A_128, %sub3A_127 : i32
    %min3A_131 = arith.minsi %jit3A_129, %max3A_130 : i32
    %get3A_132 = arith.constant 256 : index
    %get3A_133 = tpu.vector_load %arg6[%get3A_132] {strides = array<i32>} : memref<2048xf32, #tpu.memory_space<vmem>>, vector<16xf32>,
    %get3A_134 = vector.shape_cast %get3A_133 : vector<16xf32> to vector<16xf32>
    %get3A_135 = arith.constant 272 : index
    %get3A_136 = tpu.vector_load %arg6[%get3A_135] {strides = array<i32>} : memref<2048xf32, #tpu.memory_space<vmem>>, vector<16xf32>,
    %get3A_137 = vector.shape_cast %get3A_136 : vector<16xf32> to vector<16xf32>
    %get3A_138 = arith.constant 288 : index
    %get3A_139 = tpu.vector_load %arg6[%get3A_138] {strides = array<i32>} : memref<2048xf32, #tpu.memory_space<vmem>>, vector<16xf32>,
    %get3A_140 = vector.shape_cast %get3A_139 : vector<16xf32> to vector<16xf32>
    %get3A_141 = arith.constant 304 : index
    %get3A_142 = tpu.vector_load %arg6[%get3A_141] {strides = array<i32>} : memref<2048xf32, #tpu.memory_space<vmem>>, vector<16xf32>,
    %get3A_143 = vector.shape_cast %get3A_142 : vector<16xf32> to vector<16xf32>
    %get3A_144 = arith.constant 320 : index
    %get3A_145 = tpu.vector_load %arg6[%get3A_144] {strides = array<i32>} : memref<2048xf32, #tpu.memory_space<vmem>>, vector<16xf32>,
    %get3A_146 = vector.shape_cast %get3A_145 : vector<16xf32> to vector<16xf32>
    %get3A_147 = arith.constant 336 : index
    %get3A_148 = tpu.vector_load %arg6[%get3A_147] {strides = array<i32>} : memref<2048xf32, #tpu.memory_space<vmem>>, vector<16xf32>,
    %get3A_149 = vector.shape_cast %get3A_148 : vector<16xf32> to vector<16xf32>
    %get3A_150 = arith.constant 352 : index
    %get3A_151 = tpu.vector_load %arg6[%get3A_150] {strides = array<i32>} : memref<2048xf32, #tpu.memory_space<vmem>>, vector<16xf32>,
    %get3A_152 = vector.shape_cast %get3A_151 : vector<16xf32> to vector<16xf32>
    %get3A_153 = arith.constant 368 : index
    %get3A_154 = tpu.vector_load %arg6[%get3A_153] {strides = array<i32>} : memref<2048xf32, #tpu.memory_space<vmem>>, vector<16xf32>,
    %get3A_155 = vector.shape_cast %get3A_154 : vector<16xf32> to vector<16xf32>
    %while3A_156 = arith.constant 0 : i32
    %while3A_157 = arith.subi %min3A_131, %min3A_126 : i32
    %while3A_158 = arith.addi %min3A_126, %while3A_157 : i32
    %while3A_159 = arith.constant 1 : i32
    %while3A_160 = arith.divsi %while3A_157, %while3A_159 : i32
    %while3A_161 = arith.muli %while3A_160, %while3A_159 : i32
    %while3A_162 = arith.addi %min3A_126, %while3A_161 : i32
    %while3A_163 = arith.constant 1 : i32
    scf.for %while3A_729 = %min3A_126 to %while3A_162 step %while3A_163  : i32 {
      %mul3A_730 = arith.constant 128 : i32
      %mul3A_731 = arith.muli %while3A_729, %mul3A_730 : i32
      %add3A_732 = arith.constant 0 : i32
      %add3A_733 = arith.addi %mul3A_731, %add3A_732 : i32
      %get3A_734 = arith.index_cast %add3A_733 : i32 to index
      %get3A_735 = tpu.vector_load %arg8[%get3A_734] {strides = array<i32>} : memref<32768xf32, #tpu.memory_space<vmem>>, vector<16xf32>,
      %get3A_736 = vector.shape_cast %get3A_735 : vector<16xf32> to vector<16xf32>
      %add3A_737 = arith.addf %get3A_736, %get3A_134 : vector<16xf32>
      %swap3A = arith.index_cast %add3A_733 : i32 to index
      %swap3A_738 = tpu.vector_load %arg8[%swap3A] {strides = array<i32>} : memref<32768xf32, #tpu.memory_space<vmem>>, vector<16xf32>,
      %swap3A_739 = vector.shape_cast %swap3A_738 : vector<16xf32> to vector<16xf32>
      %swap3A_740 = vector.shape_cast %add3A_737 : vector<16xf32> to vector<16xf32>
      tpu.vector_store %arg8[%swap3A], %swap3A_740 {strides = array<i32>} : memref<32768xf32, #tpu.memory_space<vmem>>, vector<16xf32>,
      %mul3A_741 = arith.constant 128 : i32
      %mul3A_742 = arith.muli %while3A_729, %mul3A_741 : i32
      %add3A_743 = arith.constant 16 : i32
      %add3A_744 = arith.addi %mul3A_742, %add3A_743 : i32
      %get3A_745 = arith.index_cast %add3A_744 : i32 to index
      %get3A_746 = tpu.vector_load %arg8[%get3A_745] {strides = array<i32>} : memref<32768xf32, #tpu.memory_space<vmem>>, vector<16xf32>,
      %get3A_747 = vector.shape_cast %get3A_746 : vector<16xf32> to vector<16xf32>
      %add3A_748 = arith.addf %get3A_747, %get3A_137 : vector<16xf32>
      %swap3A_749 = arith.index_cast %add3A_744 : i32 to index
      %swap3A_750 = tpu.vector_load %arg8[%swap3A_749] {strides = array<i32>} : memref<32768xf32, #tpu.memory_space<vmem>>, vector<16xf32>,
      %swap3A_751 = vector.shape_cast %swap3A_750 : vector<16xf32> to vector<16xf32>
      %swap3A_752 = vector.shape_cast %add3A_748 : vector<16xf32> to vector<16xf32>
      tpu.vector_store %arg8[%swap3A_749], %swap3A_752 {strides = array<i32>} : memref<32768xf32, #tpu.memory_space<vmem>>, vector<16xf32>,
      %mul3A_753 = arith.constant 128 : i32
      %mul3A_754 = arith.muli %while3A_729, %mul3A_753 : i32
      %add3A_755 = arith.constant 32 : i32
      %add3A_756 = arith.addi %mul3A_754, %add3A_755 : i32
      %get3A_757 = arith.index_cast %add3A_756 : i32 to index
      %get3A_758 = tpu.vector_load %arg8[%get3A_757] {strides = array<i32>} : memref<32768xf32, #tpu.memory_space<vmem>>, vector<16xf32>,
      %get3A_759 = vector.shape_cast %get3A_758 : vector<16xf32> to vector<16xf32>
      %add3A_760 = arith.addf %get3A_759, %get3A_140 : vector<16xf32>
      %swap3A_761 = arith.index_cast %add3A_756 : i32 to index
      %swap3A_762 = tpu.vector_load %arg8[%swap3A_761] {strides = array<i32>} : memref<32768xf32, #tpu.memory_space<vmem>>, vector<16xf32>,
      %swap3A_763 = vector.shape_cast %swap3A_762 : vector<16xf32> to vector<16xf32>
      %swap3A_764 = vector.shape_cast %add3A_760 : vector<16xf32> to vector<16xf32>
      tpu.vector_store %arg8[%swap3A_761], %swap3A_764 {strides = array<i32>} : memref<32768xf32, #tpu.memory_space<vmem>>, vector<16xf32>,
      %mul3A_765 = arith.constant 128 : i32
      %mul3A_766 = arith.muli %while3A_729, %mul3A_765 : i32
      %add3A_767 = arith.constant 48 : i32
      %add3A_768 = arith.addi %mul3A_766, %add3A_767 : i32
      %get3A_769 = arith.index_cast %add3A_768 : i32 to index
      %get3A_770 = tpu.vector_load %arg8[%get3A_769] {strides = array<i32>} : memref<32768xf32, #tpu.memory_space<vmem>>, vector<16xf32>,
      %get3A_771 = vector.shape_cast %get3A_770 : vector<16xf32> to vector<16xf32>
      %add3A_772 = arith.addf %get3A_771, %get3A_143 : vector<16xf32>
      %swap3A_773 = arith.index_cast %add3A_768 : i32 to index
      %swap3A_774 = tpu.vector_load %arg8[%swap3A_773] {strides = array<i32>} : memref<32768xf32, #tpu.memory_space<vmem>>, vector<16xf32>,
      %swap3A_775 = vector.shape_cast %swap3A_774 : vector<16xf32> to vector<16xf32>
      %swap3A_776 = vector.shape_cast %add3A_772 : vector<16xf32> to vector<16xf32>
      tpu.vector_store %arg8[%swap3A_773], %swap3A_776 {strides = array<i32>} : memref<32768xf32, #tpu.memory_space<vmem>>, vector<16xf32>,
      %mul3A_777 = arith.constant 128 : i32
      %mul3A_778 = arith.muli %while3A_729, %mul3A_777 : i32
      %add3A_779 = arith.constant 64 : i32
      %add3A_780 = arith.addi %mul3A_778, %add3A_779 : i32
      %get3A_781 = arith.index_cast %add3A_780 : i32 to index
      %get3A_782 = tpu.vector_load %arg8[%get3A_781] {strides = array<i32>} : memref<32768xf32, #tpu.memory_space<vmem>>, vector<16xf32>,
      %get3A_783 = vector.shape_cast %get3A_782 : vector<16xf32> to vector<16xf32>
      %add3A_784 = arith.addf %get3A_783, %get3A_146 : vector<16xf32>
      %swap3A_785 = arith.index_cast %add3A_780 : i32 to index
      %swap3A_786 = tpu.vector_load %arg8[%swap3A_785] {strides = array<i32>} : memref<32768xf32, #tpu.memory_space<vmem>>, vector<16xf32>,
      %swap3A_787 = vector.shape_cast %swap3A_786 : vector<16xf32> to vector<16xf32>
      %swap3A_788 = vector.shape_cast %add3A_784 : vector<16xf32> to vector<16xf32>
      tpu.vector_store %arg8[%swap3A_785], %swap3A_788 {strides = array<i32>} : memref<32768xf32, #tpu.memory_space<vmem>>, vector<16xf32>,
      %mul3A_789 = arith.constant 128 : i32
      %mul3A_790 = arith.muli %while3A_729, %mul3A_789 : i32
      %add3A_791 = arith.constant 80 : i32
      %add3A_792 = arith.addi %mul3A_790, %add3A_791 : i32
      %get3A_793 = arith.index_cast %add3A_792 : i32 to index
      %get3A_794 = tpu.vector_load %arg8[%get3A_793] {strides = array<i32>} : memref<32768xf32, #tpu.memory_space<vmem>>, vector<16xf32>,
      %get3A_795 = vector.shape_cast %get3A_794 : vector<16xf32> to vector<16xf32>
      %add3A_796 = arith.addf %get3A_795, %get3A_149 : vector<16xf32>
      %swap3A_797 = arith.index_cast %add3A_792 : i32 to index
      %swap3A_798 = tpu.vector_load %arg8[%swap3A_797] {strides = array<i32>} : memref<32768xf32, #tpu.memory_space<vmem>>, vector<16xf32>,
      %swap3A_799 = vector.shape_cast %swap3A_798 : vector<16xf32> to vector<16xf32>
      %swap3A_800 = vector.shape_cast %add3A_796 : vector<16xf32> to vector<16xf32>
      tpu.vector_store %arg8[%swap3A_797], %swap3A_800 {strides = array<i32>} : memref<32768xf32, #tpu.memory_space<vmem>>, vector<16xf32>,
      %mul3A_801 = arith.constant 128 : i32
      %mul3A_802 = arith.muli %while3A_729, %mul3A_801 : i32
      %add3A_803 = arith.constant 96 : i32
      %add3A_804 = arith.addi %mul3A_802, %add3A_803 : i32
      %get3A_805 = arith.index_cast %add3A_804 : i32 to index
      %get3A_806 = tpu.vector_load %arg8[%get3A_805] {strides = array<i32>} : memref<32768xf32, #tpu.memory_space<vmem>>, vector<16xf32>,
      %get3A_807 = vector.shape_cast %get3A_806 : vector<16xf32> to vector<16xf32>
      %add3A_808 = arith.addf %get3A_807, %get3A_152 : vector<16xf32>
      %swap3A_809 = arith.index_cast %add3A_804 : i32 to index
      %swap3A_810 = tpu.vector_load %arg8[%swap3A_809] {strides = array<i32>} : memref<32768xf32, #tpu.memory_space<vmem>>, vector<16xf32>,
      %swap3A_811 = vector.shape_cast %swap3A_810 : vector<16xf32> to vector<16xf32>
      %swap3A_812 = vector.shape_cast %add3A_808 : vector<16xf32> to vector<16xf32>
      tpu.vector_store %arg8[%swap3A_809], %swap3A_812 {strides = array<i32>} : memref<32768xf32, #tpu.memory_space<vmem>>, vector<16xf32>,
      %mul3A_813 = arith.constant 128 : i32
      %mul3A_814 = arith.muli %while3A_729, %mul3A_813 : i32
      %add3A_815 = arith.constant 112 : i32
      %add3A_816 = arith.addi %mul3A_814, %add3A_815 : i32
      %get3A_817 = arith.index_cast %add3A_816 : i32 to index
      %get3A_818 = tpu.vector_load %arg8[%get3A_817] {strides = array<i32>} : memref<32768xf32, #tpu.memory_space<vmem>>, vector<16xf32>,
      %get3A_819 = vector.shape_cast %get3A_818 : vector<16xf32> to vector<16xf32>
      %add3A_820 = arith.addf %get3A_819, %get3A_155 : vector<16xf32>
      %swap3A_821 = arith.index_cast %add3A_816 : i32 to index
      %swap3A_822 = tpu.vector_load %arg8[%swap3A_821] {strides = array<i32>} : memref<32768xf32, #tpu.memory_space<vmem>>, vector<16xf32>,
      %swap3A_823 = vector.shape_cast %swap3A_822 : vector<16xf32> to vector<16xf32>
      %swap3A_824 = vector.shape_cast %add3A_820 : vector<16xf32> to vector<16xf32>
      tpu.vector_store %arg8[%swap3A_821], %swap3A_824 {strides = array<i32>} : memref<32768xf32, #tpu.memory_space<vmem>>, vector<16xf32>,
    }
    %while3A_164 = arith.constant 1 : i32
    scf.for %while3A_729 = %while3A_162 to %while3A_158 step %while3A_164  : i32 {
      %mul3A_730 = arith.constant 128 : i32
      %mul3A_731 = arith.muli %while3A_729, %mul3A_730 : i32
      %add3A_732 = arith.constant 0 : i32
      %add3A_733 = arith.addi %mul3A_731, %add3A_732 : i32
      %get3A_734 = arith.index_cast %add3A_733 : i32 to index
      %get3A_735 = tpu.vector_load %arg8[%get3A_734] {strides = array<i32>} : memref<32768xf32, #tpu.memory_space<vmem>>, vector<16xf32>,
      %get3A_736 = vector.shape_cast %get3A_735 : vector<16xf32> to vector<16xf32>
      %add3A_737 = arith.addf %get3A_736, %get3A_134 : vector<16xf32>
      %swap3A = arith.index_cast %add3A_733 : i32 to index
      %swap3A_738 = tpu.vector_load %arg8[%swap3A] {strides = array<i32>} : memref<32768xf32, #tpu.memory_space<vmem>>, vector<16xf32>,
      %swap3A_739 = vector.shape_cast %swap3A_738 : vector<16xf32> to vector<16xf32>
      %swap3A_740 = vector.shape_cast %add3A_737 : vector<16xf32> to vector<16xf32>
      tpu.vector_store %arg8[%swap3A], %swap3A_740 {strides = array<i32>} : memref<32768xf32, #tpu.memory_space<vmem>>, vector<16xf32>,
      %mul3A_741 = arith.constant 128 : i32
      %mul3A_742 = arith.muli %while3A_729, %mul3A_741 : i32
      %add3A_743 = arith.constant 16 : i32
      %add3A_744 = arith.addi %mul3A_742, %add3A_743 : i32
      %get3A_745 = arith.index_cast %add3A_744 : i32 to index
      %get3A_746 = tpu.vector_load %arg8[%get3A_745] {strides = array<i32>} : memref<32768xf32, #tpu.memory_space<vmem>>, vector<16xf32>,
      %get3A_747 = vector.shape_cast %get3A_746 : vector<16xf32> to vector<16xf32>
      %add3A_748 = arith.addf %get3A_747, %get3A_137 : vector<16xf32>
      %swap3A_749 = arith.index_cast %add3A_744 : i32 to index
      %swap3A_750 = tpu.vector_load %arg8[%swap3A_749] {strides = array<i32>} : memref<32768xf32, #tpu.memory_space<vmem>>, vector<16xf32>,
      %swap3A_751 = vector.shape_cast %swap3A_750 : vector<16xf32> to vector<16xf32>
      %swap3A_752 = vector.shape_cast %add3A_748 : vector<16xf32> to vector<16xf32>
      tpu.vector_store %arg8[%swap3A_749], %swap3A_752 {strides = array<i32>} : memref<32768xf32, #tpu.memory_space<vmem>>, vector<16xf32>,
      %mul3A_753 = arith.constant 128 : i32
      %mul3A_754 = arith.muli %while3A_729, %mul3A_753 : i32
      %add3A_755 = arith.constant 32 : i32
      %add3A_756 = arith.addi %mul3A_754, %add3A_755 : i32
      %get3A_757 = arith.index_cast %add3A_756 : i32 to index
      %get3A_758 = tpu.vector_load %arg8[%get3A_757] {strides = array<i32>} : memref<32768xf32, #tpu.memory_space<vmem>>, vector<16xf32>,
      %get3A_759 = vector.shape_cast %get3A_758 : vector<16xf32> to vector<16xf32>
      %add3A_760 = arith.addf %get3A_759, %get3A_140 : vector<16xf32>
      %swap3A_761 = arith.index_cast %add3A_756 : i32 to index
      %swap3A_762 = tpu.vector_load %arg8[%swap3A_761] {strides = array<i32>} : memref<32768xf32, #tpu.memory_space<vmem>>, vector<16xf32>,
      %swap3A_763 = vector.shape_cast %swap3A_762 : vector<16xf32> to vector<16xf32>
      %swap3A_764 = vector.shape_cast %add3A_760 : vector<16xf32> to vector<16xf32>
      tpu.vector_store %arg8[%swap3A_761], %swap3A_764 {strides = array<i32>} : memref<32768xf32, #tpu.memory_space<vmem>>, vector<16xf32>,
      %mul3A_765 = arith.constant 128 : i32
      %mul3A_766 = arith.muli %while3A_729, %mul3A_765 : i32
      %add3A_767 = arith.constant 48 : i32
      %add3A_768 = arith.addi %mul3A_766, %add3A_767 : i32
      %get3A_769 = arith.index_cast %add3A_768 : i32 to index
      %get3A_770 = tpu.vector_load %arg8[%get3A_769] {strides = array<i32>} : memref<32768xf32, #tpu.memory_space<vmem>>, vector<16xf32>,
      %get3A_771 = vector.shape_cast %get3A_770 : vector<16xf32> to vector<16xf32>
      %add3A_772 = arith.addf %get3A_771, %get3A_143 : vector<16xf32>
      %swap3A_773 = arith.index_cast %add3A_768 : i32 to index
      %swap3A_774 = tpu.vector_load %arg8[%swap3A_773] {strides = array<i32>} : memref<32768xf32, #tpu.memory_space<vmem>>, vector<16xf32>,
      %swap3A_775 = vector.shape_cast %swap3A_774 : vector<16xf32> to vector<16xf32>
      %swap3A_776 = vector.shape_cast %add3A_772 : vector<16xf32> to vector<16xf32>
      tpu.vector_store %arg8[%swap3A_773], %swap3A_776 {strides = array<i32>} : memref<32768xf32, #tpu.memory_space<vmem>>, vector<16xf32>,
      %mul3A_777 = arith.constant 128 : i32
      %mul3A_778 = arith.muli %while3A_729, %mul3A_777 : i32
      %add3A_779 = arith.constant 64 : i32
      %add3A_780 = arith.addi %mul3A_778, %add3A_779 : i32
      %get3A_781 = arith.index_cast %add3A_780 : i32 to index
      %get3A_782 = tpu.vector_load %arg8[%get3A_781] {strides = array<i32>} : memref<32768xf32, #tpu.memory_space<vmem>>, vector<16xf32>,
      %get3A_783 = vector.shape_cast %get3A_782 : vector<16xf32> to vector<16xf32>
      %add3A_784 = arith.addf %get3A_783, %get3A_146 : vector<16xf32>
      %swap3A_785 = arith.index_cast %add3A_780 : i32 to index
      %swap3A_786 = tpu.vector_load %arg8[%swap3A_785] {strides = array<i32>} : memref<32768xf32, #tpu.memory_space<vmem>>, vector<16xf32>,
      %swap3A_787 = vector.shape_cast %swap3A_786 : vector<16xf32> to vector<16xf32>
      %swap3A_788 = vector.shape_cast %add3A_784 : vector<16xf32> to vector<16xf32>
      tpu.vector_store %arg8[%swap3A_785], %swap3A_788 {strides = array<i32>} : memref<32768xf32, #tpu.memory_space<vmem>>, vector<16xf32>,
      %mul3A_789 = arith.constant 128 : i32
      %mul3A_790 = arith.muli %while3A_729, %mul3A_789 : i32
      %add3A_791 = arith.constant 80 : i32
      %add3A_792 = arith.addi %mul3A_790, %add3A_791 : i32
      %get3A_793 = arith.index_cast %add3A_792 : i32 to index
      %get3A_794 = tpu.vector_load %arg8[%get3A_793] {strides = array<i32>} : memref<32768xf32, #tpu.memory_space<vmem>>, vector<16xf32>,
      %get3A_795 = vector.shape_cast %get3A_794 : vector<16xf32> to vector<16xf32>
      %add3A_796 = arith.addf %get3A_795, %get3A_149 : vector<16xf32>
      %swap3A_797 = arith.index_cast %add3A_792 : i32 to index
      %swap3A_798 = tpu.vector_load %arg8[%swap3A_797] {strides = array<i32>} : memref<32768xf32, #tpu.memory_space<vmem>>, vector<16xf32>,
      %swap3A_799 = vector.shape_cast %swap3A_798 : vector<16xf32> to vector<16xf32>
      %swap3A_800 = vector.shape_cast %add3A_796 : vector<16xf32> to vector<16xf32>
      tpu.vector_store %arg8[%swap3A_797], %swap3A_800 {strides = array<i32>} : memref<32768xf32, #tpu.memory_space<vmem>>, vector<16xf32>,
      %mul3A_801 = arith.constant 128 : i32
      %mul3A_802 = arith.muli %while3A_729, %mul3A_801 : i32
      %add3A_803 = arith.constant 96 : i32
      %add3A_804 = arith.addi %mul3A_802, %add3A_803 : i32
      %get3A_805 = arith.index_cast %add3A_804 : i32 to index
      %get3A_806 = tpu.vector_load %arg8[%get3A_805] {strides = array<i32>} : memref<32768xf32, #tpu.memory_space<vmem>>, vector<16xf32>,
      %get3A_807 = vector.shape_cast %get3A_806 : vector<16xf32> to vector<16xf32>
      %add3A_808 = arith.addf %get3A_807, %get3A_152 : vector<16xf32>
      %swap3A_809 = arith.index_cast %add3A_804 : i32 to index
      %swap3A_810 = tpu.vector_load %arg8[%swap3A_809] {strides = array<i32>} : memref<32768xf32, #tpu.memory_space<vmem>>, vector<16xf32>,
      %swap3A_811 = vector.shape_cast %swap3A_810 : vector<16xf32> to vector<16xf32>
      %swap3A_812 = vector.shape_cast %add3A_808 : vector<16xf32> to vector<16xf32>
      tpu.vector_store %arg8[%swap3A_809], %swap3A_812 {strides = array<i32>} : memref<32768xf32, #tpu.memory_space<vmem>>, vector<16xf32>,
      %mul3A_813 = arith.constant 128 : i32
      %mul3A_814 = arith.muli %while3A_729, %mul3A_813 : i32
      %add3A_815 = arith.constant 112 : i32
      %add3A_816 = arith.addi %mul3A_814, %add3A_815 : i32
      %get3A_817 = arith.index_cast %add3A_816 : i32 to index
      %get3A_818 = tpu.vector_load %arg8[%get3A_817] {strides = array<i32>} : memref<32768xf32, #tpu.memory_space<vmem>>, vector<16xf32>,
      %get3A_819 = vector.shape_cast %get3A_818 : vector<16xf32> to vector<16xf32>
      %add3A_820 = arith.addf %get3A_819, %get3A_155 : vector<16xf32>
      %swap3A_821 = arith.index_cast %add3A_816 : i32 to index
      %swap3A_822 = tpu.vector_load %arg8[%swap3A_821] {strides = array<i32>} : memref<32768xf32, #tpu.memory_space<vmem>>, vector<16xf32>,
      %swap3A_823 = vector.shape_cast %swap3A_822 : vector<16xf32> to vector<16xf32>
      %swap3A_824 = vector.shape_cast %add3A_820 : vector<16xf32> to vector<16xf32>
      tpu.vector_store %arg8[%swap3A_821], %swap3A_824 {strides = array<i32>} : memref<32768xf32, #tpu.memory_space<vmem>>, vector<16xf32>,
    }
    %sub3A_165 = arith.subi %squeeze3A_11, %add3A_40 : i32
    %jit3A_166 = arith.constant 0 : i32
    %jit3A_167 = arith.constant 256 : i32
    %max3A_168 = arith.maxsi %jit3A_166, %sub3A_165 : i32
    %min3A_169 = arith.minsi %jit3A_167, %max3A_168 : i32
    %sub3A_170 = arith.subi %squeeze3A_13, %add3A_40 : i32
    %jit3A_171 = arith.constant 0 : i32
    %jit3A_172 = arith.constant 256 : i32
    %max3A_173 = arith.maxsi %jit3A_171, %sub3A_170 : i32
    %min3A_174 = arith.minsi %jit3A_172, %max3A_173 : i32
    %get3A_175 = arith.constant 384 : index
    %get3A_176 = tpu.vector_load %arg6[%get3A_175] {strides = array<i32>} : memref<2048xf32, #tpu.memory_space<vmem>>, vector<16xf32>,
    %get3A_177 = vector.shape_cast %get3A_176 : vector<16xf32> to vector<16xf32>
    %get3A_178 = arith.constant 400 : index
    %get3A_179 = tpu.vector_load %arg6[%get3A_178] {strides = array<i32>} : memref<2048xf32, #tpu.memory_space<vmem>>, vector<16xf32>,
    %get3A_180 = vector.shape_cast %get3A_179 : vector<16xf32> to vector<16xf32>
    %get3A_181 = arith.constant 416 : index
    %get3A_182 = tpu.vector_load %arg6[%get3A_181] {strides = array<i32>} : memref<2048xf32, #tpu.memory_space<vmem>>, vector<16xf32>,
    %get3A_183 = vector.shape_cast %get3A_182 : vector<16xf32> to vector<16xf32>
    %get3A_184 = arith.constant 432 : index
    %get3A_185 = tpu.vector_load %arg6[%get3A_184] {strides = array<i32>} : memref<2048xf32, #tpu.memory_space<vmem>>, vector<16xf32>,
    %get3A_186 = vector.shape_cast %get3A_185 : vector<16xf32> to vector<16xf32>
    %get3A_187 = arith.constant 448 : index
    %get3A_188 = tpu.vector_load %arg6[%get3A_187] {strides = array<i32>} : memref<2048xf32, #tpu.memory_space<vmem>>, vector<16xf32>,
    %get3A_189 = vector.shape_cast %get3A_188 : vector<16xf32> to vector<16xf32>
    %get3A_190 = arith.constant 464 : index
    %get3A_191 = tpu.vector_load %arg6[%get3A_190] {strides = array<i32>} : memref<2048xf32, #tpu.memory_space<vmem>>, vector<16xf32>,
    %get3A_192 = vector.shape_cast %get3A_191 : vector<16xf32> to vector<16xf32>
    %get3A_193 = arith.constant 480 : index
    %get3A_194 = tpu.vector_load %arg6[%get3A_193] {strides = array<i32>} : memref<2048xf32, #tpu.memory_space<vmem>>, vector<16xf32>,
    %get3A_195 = vector.shape_cast %get3A_194 : vector<16xf32> to vector<16xf32>
    %get3A_196 = arith.constant 496 : index
    %get3A_197 = tpu.vector_load %arg6[%get3A_196] {strides = array<i32>} : memref<2048xf32, #tpu.memory_space<vmem>>, vector<16xf32>,
    %get3A_198 = vector.shape_cast %get3A_197 : vector<16xf32> to vector<16xf32>
    %while3A_199 = arith.constant 0 : i32
    %while3A_200 = arith.subi %min3A_174, %min3A_169 : i32
    %while3A_201 = arith.addi %min3A_169, %while3A_200 : i32
    %while3A_202 = arith.constant 1 : i32
    %while3A_203 = arith.divsi %while3A_200, %while3A_202 : i32
    %while3A_204 = arith.muli %while3A_203, %while3A_202 : i32
    %while3A_205 = arith.addi %min3A_169, %while3A_204 : i32
    %while3A_206 = arith.constant 1 : i32
    scf.for %while3A_729 = %min3A_169 to %while3A_205 step %while3A_206  : i32 {
      %mul3A_730 = arith.constant 128 : i32
      %mul3A_731 = arith.muli %while3A_729, %mul3A_730 : i32
      %add3A_732 = arith.constant 0 : i32
      %add3A_733 = arith.addi %mul3A_731, %add3A_732 : i32
      %get3A_734 = arith.index_cast %add3A_733 : i32 to index
      %get3A_735 = tpu.vector_load %arg8[%get3A_734] {strides = array<i32>} : memref<32768xf32, #tpu.memory_space<vmem>>, vector<16xf32>,
      %get3A_736 = vector.shape_cast %get3A_735 : vector<16xf32> to vector<16xf32>
      %add3A_737 = arith.addf %get3A_736, %get3A_177 : vector<16xf32>
      %swap3A = arith.index_cast %add3A_733 : i32 to index
      %swap3A_738 = tpu.vector_load %arg8[%swap3A] {strides = array<i32>} : memref<32768xf32, #tpu.memory_space<vmem>>, vector<16xf32>,
      %swap3A_739 = vector.shape_cast %swap3A_738 : vector<16xf32> to vector<16xf32>
      %swap3A_740 = vector.shape_cast %add3A_737 : vector<16xf32> to vector<16xf32>
      tpu.vector_store %arg8[%swap3A], %swap3A_740 {strides = array<i32>} : memref<32768xf32, #tpu.memory_space<vmem>>, vector<16xf32>,
      %mul3A_741 = arith.constant 128 : i32
      %mul3A_742 = arith.muli %while3A_729, %mul3A_741 : i32
      %add3A_743 = arith.constant 16 : i32
      %add3A_744 = arith.addi %mul3A_742, %add3A_743 : i32
      %get3A_745 = arith.index_cast %add3A_744 : i32 to index
      %get3A_746 = tpu.vector_load %arg8[%get3A_745] {strides = array<i32>} : memref<32768xf32, #tpu.memory_space<vmem>>, vector<16xf32>,
      %get3A_747 = vector.shape_cast %get3A_746 : vector<16xf32> to vector<16xf32>
      %add3A_748 = arith.addf %get3A_747, %get3A_180 : vector<16xf32>
      %swap3A_749 = arith.index_cast %add3A_744 : i32 to index
      %swap3A_750 = tpu.vector_load %arg8[%swap3A_749] {strides = array<i32>} : memref<32768xf32, #tpu.memory_space<vmem>>, vector<16xf32>,
      %swap3A_751 = vector.shape_cast %swap3A_750 : vector<16xf32> to vector<16xf32>
      %swap3A_752 = vector.shape_cast %add3A_748 : vector<16xf32> to vector<16xf32>
      tpu.vector_store %arg8[%swap3A_749], %swap3A_752 {strides = array<i32>} : memref<32768xf32, #tpu.memory_space<vmem>>, vector<16xf32>,
      %mul3A_753 = arith.constant 128 : i32
      %mul3A_754 = arith.muli %while3A_729, %mul3A_753 : i32
      %add3A_755 = arith.constant 32 : i32
      %add3A_756 = arith.addi %mul3A_754, %add3A_755 : i32
      %get3A_757 = arith.index_cast %add3A_756 : i32 to index
      %get3A_758 = tpu.vector_load %arg8[%get3A_757] {strides = array<i32>} : memref<32768xf32, #tpu.memory_space<vmem>>, vector<16xf32>,
      %get3A_759 = vector.shape_cast %get3A_758 : vector<16xf32> to vector<16xf32>
      %add3A_760 = arith.addf %get3A_759, %get3A_183 : vector<16xf32>
      %swap3A_761 = arith.index_cast %add3A_756 : i32 to index
      %swap3A_762 = tpu.vector_load %arg8[%swap3A_761] {strides = array<i32>} : memref<32768xf32, #tpu.memory_space<vmem>>, vector<16xf32>,
      %swap3A_763 = vector.shape_cast %swap3A_762 : vector<16xf32> to vector<16xf32>
      %swap3A_764 = vector.shape_cast %add3A_760 : vector<16xf32> to vector<16xf32>
      tpu.vector_store %arg8[%swap3A_761], %swap3A_764 {strides = array<i32>} : memref<32768xf32, #tpu.memory_space<vmem>>, vector<16xf32>,
      %mul3A_765 = arith.constant 128 : i32
      %mul3A_766 = arith.muli %while3A_729, %mul3A_765 : i32
      %add3A_767 = arith.constant 48 : i32
      %add3A_768 = arith.addi %mul3A_766, %add3A_767 : i32
      %get3A_769 = arith.index_cast %add3A_768 : i32 to index
      %get3A_770 = tpu.vector_load %arg8[%get3A_769] {strides = array<i32>} : memref<32768xf32, #tpu.memory_space<vmem>>, vector<16xf32>,
      %get3A_771 = vector.shape_cast %get3A_770 : vector<16xf32> to vector<16xf32>
      %add3A_772 = arith.addf %get3A_771, %get3A_186 : vector<16xf32>
      %swap3A_773 = arith.index_cast %add3A_768 : i32 to index
      %swap3A_774 = tpu.vector_load %arg8[%swap3A_773] {strides = array<i32>} : memref<32768xf32, #tpu.memory_space<vmem>>, vector<16xf32>,
      %swap3A_775 = vector.shape_cast %swap3A_774 : vector<16xf32> to vector<16xf32>
      %swap3A_776 = vector.shape_cast %add3A_772 : vector<16xf32> to vector<16xf32>
      tpu.vector_store %arg8[%swap3A_773], %swap3A_776 {strides = array<i32>} : memref<32768xf32, #tpu.memory_space<vmem>>, vector<16xf32>,
      %mul3A_777 = arith.constant 128 : i32
      %mul3A_778 = arith.muli %while3A_729, %mul3A_777 : i32
      %add3A_779 = arith.constant 64 : i32
      %add3A_780 = arith.addi %mul3A_778, %add3A_779 : i32
      %get3A_781 = arith.index_cast %add3A_780 : i32 to index
      %get3A_782 = tpu.vector_load %arg8[%get3A_781] {strides = array<i32>} : memref<32768xf32, #tpu.memory_space<vmem>>, vector<16xf32>,
      %get3A_783 = vector.shape_cast %get3A_782 : vector<16xf32> to vector<16xf32>
      %add3A_784 = arith.addf %get3A_783, %get3A_189 : vector<16xf32>
      %swap3A_785 = arith.index_cast %add3A_780 : i32 to index
      %swap3A_786 = tpu.vector_load %arg8[%swap3A_785] {strides = array<i32>} : memref<32768xf32, #tpu.memory_space<vmem>>, vector<16xf32>,
      %swap3A_787 = vector.shape_cast %swap3A_786 : vector<16xf32> to vector<16xf32>
      %swap3A_788 = vector.shape_cast %add3A_784 : vector<16xf32> to vector<16xf32>
      tpu.vector_store %arg8[%swap3A_785], %swap3A_788 {strides = array<i32>} : memref<32768xf32, #tpu.memory_space<vmem>>, vector<16xf32>,
      %mul3A_789 = arith.constant 128 : i32
      %mul3A_790 = arith.muli %while3A_729, %mul3A_789 : i32
      %add3A_791 = arith.constant 80 : i32
      %add3A_792 = arith.addi %mul3A_790, %add3A_791 : i32
      %get3A_793 = arith.index_cast %add3A_792 : i32 to index
      %get3A_794 = tpu.vector_load %arg8[%get3A_793] {strides = array<i32>} : memref<32768xf32, #tpu.memory_space<vmem>>, vector<16xf32>,
      %get3A_795 = vector.shape_cast %get3A_794 : vector<16xf32> to vector<16xf32>
      %add3A_796 = arith.addf %get3A_795, %get3A_192 : vector<16xf32>
      %swap3A_797 = arith.index_cast %add3A_792 : i32 to index
      %swap3A_798 = tpu.vector_load %arg8[%swap3A_797] {strides = array<i32>} : memref<32768xf32, #tpu.memory_space<vmem>>, vector<16xf32>,
      %swap3A_799 = vector.shape_cast %swap3A_798 : vector<16xf32> to vector<16xf32>
      %swap3A_800 = vector.shape_cast %add3A_796 : vector<16xf32> to vector<16xf32>
      tpu.vector_store %arg8[%swap3A_797], %swap3A_800 {strides = array<i32>} : memref<32768xf32, #tpu.memory_space<vmem>>, vector<16xf32>,
      %mul3A_801 = arith.constant 128 : i32
      %mul3A_802 = arith.muli %while3A_729, %mul3A_801 : i32
      %add3A_803 = arith.constant 96 : i32
      %add3A_804 = arith.addi %mul3A_802, %add3A_803 : i32
      %get3A_805 = arith.index_cast %add3A_804 : i32 to index
      %get3A_806 = tpu.vector_load %arg8[%get3A_805] {strides = array<i32>} : memref<32768xf32, #tpu.memory_space<vmem>>, vector<16xf32>,
      %get3A_807 = vector.shape_cast %get3A_806 : vector<16xf32> to vector<16xf32>
      %add3A_808 = arith.addf %get3A_807, %get3A_195 : vector<16xf32>
      %swap3A_809 = arith.index_cast %add3A_804 : i32 to index
      %swap3A_810 = tpu.vector_load %arg8[%swap3A_809] {strides = array<i32>} : memref<32768xf32, #tpu.memory_space<vmem>>, vector<16xf32>,
      %swap3A_811 = vector.shape_cast %swap3A_810 : vector<16xf32> to vector<16xf32>
      %swap3A_812 = vector.shape_cast %add3A_808 : vector<16xf32> to vector<16xf32>
      tpu.vector_store %arg8[%swap3A_809], %swap3A_812 {strides = array<i32>} : memref<32768xf32, #tpu.memory_space<vmem>>, vector<16xf32>,
      %mul3A_813 = arith.constant 128 : i32
      %mul3A_814 = arith.muli %while3A_729, %mul3A_813 : i32
      %add3A_815 = arith.constant 112 : i32
      %add3A_816 = arith.addi %mul3A_814, %add3A_815 : i32
      %get3A_817 = arith.index_cast %add3A_816 : i32 to index
      %get3A_818 = tpu.vector_load %arg8[%get3A_817] {strides = array<i32>} : memref<32768xf32, #tpu.memory_space<vmem>>, vector<16xf32>,
      %get3A_819 = vector.shape_cast %get3A_818 : vector<16xf32> to vector<16xf32>
      %add3A_820 = arith.addf %get3A_819, %get3A_198 : vector<16xf32>
      %swap3A_821 = arith.index_cast %add3A_816 : i32 to index
      %swap3A_822 = tpu.vector_load %arg8[%swap3A_821] {strides = array<i32>} : memref<32768xf32, #tpu.memory_space<vmem>>, vector<16xf32>,
      %swap3A_823 = vector.shape_cast %swap3A_822 : vector<16xf32> to vector<16xf32>
      %swap3A_824 = vector.shape_cast %add3A_820 : vector<16xf32> to vector<16xf32>
      tpu.vector_store %arg8[%swap3A_821], %swap3A_824 {strides = array<i32>} : memref<32768xf32, #tpu.memory_space<vmem>>, vector<16xf32>,
    }
    %while3A_207 = arith.constant 1 : i32
    scf.for %while3A_729 = %while3A_205 to %while3A_201 step %while3A_207  : i32 {
      %mul3A_730 = arith.constant 128 : i32
      %mul3A_731 = arith.muli %while3A_729, %mul3A_730 : i32
      %add3A_732 = arith.constant 0 : i32
      %add3A_733 = arith.addi %mul3A_731, %add3A_732 : i32
      %get3A_734 = arith.index_cast %add3A_733 : i32 to index
      %get3A_735 = tpu.vector_load %arg8[%get3A_734] {strides = array<i32>} : memref<32768xf32, #tpu.memory_space<vmem>>, vector<16xf32>,
      %get3A_736 = vector.shape_cast %get3A_735 : vector<16xf32> to vector<16xf32>
      %add3A_737 = arith.addf %get3A_736, %get3A_177 : vector<16xf32>
      %swap3A = arith.index_cast %add3A_733 : i32 to index
      %swap3A_738 = tpu.vector_load %arg8[%swap3A] {strides = array<i32>} : memref<32768xf32, #tpu.memory_space<vmem>>, vector<16xf32>,
      %swap3A_739 = vector.shape_cast %swap3A_738 : vector<16xf32> to vector<16xf32>
      %swap3A_740 = vector.shape_cast %add3A_737 : vector<16xf32> to vector<16xf32>
      tpu.vector_store %arg8[%swap3A], %swap3A_740 {strides = array<i32>} : memref<32768xf32, #tpu.memory_space<vmem>>, vector<16xf32>,
      %mul3A_741 = arith.constant 128 : i32
      %mul3A_742 = arith.muli %while3A_729, %mul3A_741 : i32
      %add3A_743 = arith.constant 16 : i32
      %add3A_744 = arith.addi %mul3A_742, %add3A_743 : i32
      %get3A_745 = arith.index_cast %add3A_744 : i32 to index
      %get3A_746 = tpu.vector_load %arg8[%get3A_745] {strides = array<i32>} : memref<32768xf32, #tpu.memory_space<vmem>>, vector<16xf32>,
      %get3A_747 = vector.shape_cast %get3A_746 : vector<16xf32> to vector<16xf32>
      %add3A_748 = arith.addf %get3A_747, %get3A_180 : vector<16xf32>
      %swap3A_749 = arith.index_cast %add3A_744 : i32 to index
      %swap3A_750 = tpu.vector_load %arg8[%swap3A_749] {strides = array<i32>} : memref<32768xf32, #tpu.memory_space<vmem>>, vector<16xf32>,
      %swap3A_751 = vector.shape_cast %swap3A_750 : vector<16xf32> to vector<16xf32>
      %swap3A_752 = vector.shape_cast %add3A_748 : vector<16xf32> to vector<16xf32>
      tpu.vector_store %arg8[%swap3A_749], %swap3A_752 {strides = array<i32>} : memref<32768xf32, #tpu.memory_space<vmem>>, vector<16xf32>,
      %mul3A_753 = arith.constant 128 : i32
      %mul3A_754 = arith.muli %while3A_729, %mul3A_753 : i32
      %add3A_755 = arith.constant 32 : i32
      %add3A_756 = arith.addi %mul3A_754, %add3A_755 : i32
      %get3A_757 = arith.index_cast %add3A_756 : i32 to index
      %get3A_758 = tpu.vector_load %arg8[%get3A_757] {strides = array<i32>} : memref<32768xf32, #tpu.memory_space<vmem>>, vector<16xf32>,
      %get3A_759 = vector.shape_cast %get3A_758 : vector<16xf32> to vector<16xf32>
      %add3A_760 = arith.addf %get3A_759, %get3A_183 : vector<16xf32>
      %swap3A_761 = arith.index_cast %add3A_756 : i32 to index
      %swap3A_762 = tpu.vector_load %arg8[%swap3A_761] {strides = array<i32>} : memref<32768xf32, #tpu.memory_space<vmem>>, vector<16xf32>,
      %swap3A_763 = vector.shape_cast %swap3A_762 : vector<16xf32> to vector<16xf32>
      %swap3A_764 = vector.shape_cast %add3A_760 : vector<16xf32> to vector<16xf32>
      tpu.vector_store %arg8[%swap3A_761], %swap3A_764 {strides = array<i32>} : memref<32768xf32, #tpu.memory_space<vmem>>, vector<16xf32>,
      %mul3A_765 = arith.constant 128 : i32
      %mul3A_766 = arith.muli %while3A_729, %mul3A_765 : i32
      %add3A_767 = arith.constant 48 : i32
      %add3A_768 = arith.addi %mul3A_766, %add3A_767 : i32
      %get3A_769 = arith.index_cast %add3A_768 : i32 to index
      %get3A_770 = tpu.vector_load %arg8[%get3A_769] {strides = array<i32>} : memref<32768xf32, #tpu.memory_space<vmem>>, vector<16xf32>,
      %get3A_771 = vector.shape_cast %get3A_770 : vector<16xf32> to vector<16xf32>
      %add3A_772 = arith.addf %get3A_771, %get3A_186 : vector<16xf32>
      %swap3A_773 = arith.index_cast %add3A_768 : i32 to index
      %swap3A_774 = tpu.vector_load %arg8[%swap3A_773] {strides = array<i32>} : memref<32768xf32, #tpu.memory_space<vmem>>, vector<16xf32>,
      %swap3A_775 = vector.shape_cast %swap3A_774 : vector<16xf32> to vector<16xf32>
      %swap3A_776 = vector.shape_cast %add3A_772 : vector<16xf32> to vector<16xf32>
      tpu.vector_store %arg8[%swap3A_773], %swap3A_776 {strides = array<i32>} : memref<32768xf32, #tpu.memory_space<vmem>>, vector<16xf32>,
      %mul3A_777 = arith.constant 128 : i32
      %mul3A_778 = arith.muli %while3A_729, %mul3A_777 : i32
      %add3A_779 = arith.constant 64 : i32
      %add3A_780 = arith.addi %mul3A_778, %add3A_779 : i32
      %get3A_781 = arith.index_cast %add3A_780 : i32 to index
      %get3A_782 = tpu.vector_load %arg8[%get3A_781] {strides = array<i32>} : memref<32768xf32, #tpu.memory_space<vmem>>, vector<16xf32>,
      %get3A_783 = vector.shape_cast %get3A_782 : vector<16xf32> to vector<16xf32>
      %add3A_784 = arith.addf %get3A_783, %get3A_189 : vector<16xf32>
      %swap3A_785 = arith.index_cast %add3A_780 : i32 to index
      %swap3A_786 = tpu.vector_load %arg8[%swap3A_785] {strides = array<i32>} : memref<32768xf32, #tpu.memory_space<vmem>>, vector<16xf32>,
      %swap3A_787 = vector.shape_cast %swap3A_786 : vector<16xf32> to vector<16xf32>
      %swap3A_788 = vector.shape_cast %add3A_784 : vector<16xf32> to vector<16xf32>
      tpu.vector_store %arg8[%swap3A_785], %swap3A_788 {strides = array<i32>} : memref<32768xf32, #tpu.memory_space<vmem>>, vector<16xf32>,
      %mul3A_789 = arith.constant 128 : i32
      %mul3A_790 = arith.muli %while3A_729, %mul3A_789 : i32
      %add3A_791 = arith.constant 80 : i32
      %add3A_792 = arith.addi %mul3A_790, %add3A_791 : i32
      %get3A_793 = arith.index_cast %add3A_792 : i32 to index
      %get3A_794 = tpu.vector_load %arg8[%get3A_793] {strides = array<i32>} : memref<32768xf32, #tpu.memory_space<vmem>>, vector<16xf32>,
      %get3A_795 = vector.shape_cast %get3A_794 : vector<16xf32> to vector<16xf32>
      %add3A_796 = arith.addf %get3A_795, %get3A_192 : vector<16xf32>
      %swap3A_797 = arith.index_cast %add3A_792 : i32 to index
      %swap3A_798 = tpu.vector_load %arg8[%swap3A_797] {strides = array<i32>} : memref<32768xf32, #tpu.memory_space<vmem>>, vector<16xf32>,
      %swap3A_799 = vector.shape_cast %swap3A_798 : vector<16xf32> to vector<16xf32>
      %swap3A_800 = vector.shape_cast %add3A_796 : vector<16xf32> to vector<16xf32>
      tpu.vector_store %arg8[%swap3A_797], %swap3A_800 {strides = array<i32>} : memref<32768xf32, #tpu.memory_space<vmem>>, vector<16xf32>,
      %mul3A_801 = arith.constant 128 : i32
      %mul3A_802 = arith.muli %while3A_729, %mul3A_801 : i32
      %add3A_803 = arith.constant 96 : i32
      %add3A_804 = arith.addi %mul3A_802, %add3A_803 : i32
      %get3A_805 = arith.index_cast %add3A_804 : i32 to index
      %get3A_806 = tpu.vector_load %arg8[%get3A_805] {strides = array<i32>} : memref<32768xf32, #tpu.memory_space<vmem>>, vector<16xf32>,
      %get3A_807 = vector.shape_cast %get3A_806 : vector<16xf32> to vector<16xf32>
      %add3A_808 = arith.addf %get3A_807, %get3A_195 : vector<16xf32>
      %swap3A_809 = arith.index_cast %add3A_804 : i32 to index
      %swap3A_810 = tpu.vector_load %arg8[%swap3A_809] {strides = array<i32>} : memref<32768xf32, #tpu.memory_space<vmem>>, vector<16xf32>,
      %swap3A_811 = vector.shape_cast %swap3A_810 : vector<16xf32> to vector<16xf32>
      %swap3A_812 = vector.shape_cast %add3A_808 : vector<16xf32> to vector<16xf32>
      tpu.vector_store %arg8[%swap3A_809], %swap3A_812 {strides = array<i32>} : memref<32768xf32, #tpu.memory_space<vmem>>, vector<16xf32>,
      %mul3A_813 = arith.constant 128 : i32
      %mul3A_814 = arith.muli %while3A_729, %mul3A_813 : i32
      %add3A_815 = arith.constant 112 : i32
      %add3A_816 = arith.addi %mul3A_814, %add3A_815 : i32
      %get3A_817 = arith.index_cast %add3A_816 : i32 to index
      %get3A_818 = tpu.vector_load %arg8[%get3A_817] {strides = array<i32>} : memref<32768xf32, #tpu.memory_space<vmem>>, vector<16xf32>,
      %get3A_819 = vector.shape_cast %get3A_818 : vector<16xf32> to vector<16xf32>
      %add3A_820 = arith.addf %get3A_819, %get3A_198 : vector<16xf32>
      %swap3A_821 = arith.index_cast %add3A_816 : i32 to index
      %swap3A_822 = tpu.vector_load %arg8[%swap3A_821] {strides = array<i32>} : memref<32768xf32, #tpu.memory_space<vmem>>, vector<16xf32>,
      %swap3A_823 = vector.shape_cast %swap3A_822 : vector<16xf32> to vector<16xf32>
      %swap3A_824 = vector.shape_cast %add3A_820 : vector<16xf32> to vector<16xf32>
      tpu.vector_store %arg8[%swap3A_821], %swap3A_824 {strides = array<i32>} : memref<32768xf32, #tpu.memory_space<vmem>>, vector<16xf32>,
    }
    %sub3A_208 = arith.subi %squeeze3A_13, %add3A_40 : i32
    %jit3A_209 = arith.constant 0 : i32
    %jit3A_210 = arith.constant 256 : i32
    %max3A_211 = arith.maxsi %jit3A_209, %sub3A_208 : i32
    %min3A_212 = arith.minsi %jit3A_210, %max3A_211 : i32
    %sub3A_213 = arith.subi %squeeze3A_15, %add3A_40 : i32
    %jit3A_214 = arith.constant 0 : i32
    %jit3A_215 = arith.constant 256 : i32
    %max3A_216 = arith.maxsi %jit3A_214, %sub3A_213 : i32
    %min3A_217 = arith.minsi %jit3A_215, %max3A_216 : i32
    %get3A_218 = arith.constant 512 : index
    %get3A_219 = tpu.vector_load %arg6[%get3A_218] {strides = array<i32>} : memref<2048xf32, #tpu.memory_space<vmem>>, vector<16xf32>,
    %get3A_220 = vector.shape_cast %get3A_219 : vector<16xf32> to vector<16xf32>
    %get3A_221 = arith.constant 528 : index
    %get3A_222 = tpu.vector_load %arg6[%get3A_221] {strides = array<i32>} : memref<2048xf32, #tpu.memory_space<vmem>>, vector<16xf32>,
    %get3A_223 = vector.shape_cast %get3A_222 : vector<16xf32> to vector<16xf32>
    %get3A_224 = arith.constant 544 : index
    %get3A_225 = tpu.vector_load %arg6[%get3A_224] {strides = array<i32>} : memref<2048xf32, #tpu.memory_space<vmem>>, vector<16xf32>,
    %get3A_226 = vector.shape_cast %get3A_225 : vector<16xf32> to vector<16xf32>
    %get3A_227 = arith.constant 560 : index
    %get3A_228 = tpu.vector_load %arg6[%get3A_227] {strides = array<i32>} : memref<2048xf32, #tpu.memory_space<vmem>>, vector<16xf32>,
    %get3A_229 = vector.shape_cast %get3A_228 : vector<16xf32> to vector<16xf32>
    %get3A_230 = arith.constant 576 : index
    %get3A_231 = tpu.vector_load %arg6[%get3A_230] {strides = array<i32>} : memref<2048xf32, #tpu.memory_space<vmem>>, vector<16xf32>,
    %get3A_232 = vector.shape_cast %get3A_231 : vector<16xf32> to vector<16xf32>
    %get3A_233 = arith.constant 592 : index
    %get3A_234 = tpu.vector_load %arg6[%get3A_233] {strides = array<i32>} : memref<2048xf32, #tpu.memory_space<vmem>>, vector<16xf32>,
    %get3A_235 = vector.shape_cast %get3A_234 : vector<16xf32> to vector<16xf32>
    %get3A_236 = arith.constant 608 : index
    %get3A_237 = tpu.vector_load %arg6[%get3A_236] {strides = array<i32>} : memref<2048xf32, #tpu.memory_space<vmem>>, vector<16xf32>,
    %get3A_238 = vector.shape_cast %get3A_237 : vector<16xf32> to vector<16xf32>
    %get3A_239 = arith.constant 624 : index
    %get3A_240 = tpu.vector_load %arg6[%get3A_239] {strides = array<i32>} : memref<2048xf32, #tpu.memory_space<vmem>>, vector<16xf32>,
    %get3A_241 = vector.shape_cast %get3A_240 : vector<16xf32> to vector<16xf32>
    %while3A_242 = arith.constant 0 : i32
    %while3A_243 = arith.subi %min3A_217, %min3A_212 : i32
    %while3A_244 = arith.addi %min3A_212, %while3A_243 : i32
    %while3A_245 = arith.constant 1 : i32
    %while3A_246 = arith.divsi %while3A_243, %while3A_245 : i32
    %while3A_247 = arith.muli %while3A_246, %while3A_245 : i32
    %while3A_248 = arith.addi %min3A_212, %while3A_247 : i32
    %while3A_249 = arith.constant 1 : i32
    scf.for %while3A_729 = %min3A_212 to %while3A_248 step %while3A_249  : i32 {
      %mul3A_730 = arith.constant 128 : i32
      %mul3A_731 = arith.muli %while3A_729, %mul3A_730 : i32
      %add3A_732 = arith.constant 0 : i32
      %add3A_733 = arith.addi %mul3A_731, %add3A_732 : i32
      %get3A_734 = arith.index_cast %add3A_733 : i32 to index
      %get3A_735 = tpu.vector_load %arg8[%get3A_734] {strides = array<i32>} : memref<32768xf32, #tpu.memory_space<vmem>>, vector<16xf32>,
      %get3A_736 = vector.shape_cast %get3A_735 : vector<16xf32> to vector<16xf32>
      %add3A_737 = arith.addf %get3A_736, %get3A_220 : vector<16xf32>
      %swap3A = arith.index_cast %add3A_733 : i32 to index
      %swap3A_738 = tpu.vector_load %arg8[%swap3A] {strides = array<i32>} : memref<32768xf32, #tpu.memory_space<vmem>>, vector<16xf32>,
      %swap3A_739 = vector.shape_cast %swap3A_738 : vector<16xf32> to vector<16xf32>
      %swap3A_740 = vector.shape_cast %add3A_737 : vector<16xf32> to vector<16xf32>
      tpu.vector_store %arg8[%swap3A], %swap3A_740 {strides = array<i32>} : memref<32768xf32, #tpu.memory_space<vmem>>, vector<16xf32>,
      %mul3A_741 = arith.constant 128 : i32
      %mul3A_742 = arith.muli %while3A_729, %mul3A_741 : i32
      %add3A_743 = arith.constant 16 : i32
      %add3A_744 = arith.addi %mul3A_742, %add3A_743 : i32
      %get3A_745 = arith.index_cast %add3A_744 : i32 to index
      %get3A_746 = tpu.vector_load %arg8[%get3A_745] {strides = array<i32>} : memref<32768xf32, #tpu.memory_space<vmem>>, vector<16xf32>,
      %get3A_747 = vector.shape_cast %get3A_746 : vector<16xf32> to vector<16xf32>
      %add3A_748 = arith.addf %get3A_747, %get3A_223 : vector<16xf32>
      %swap3A_749 = arith.index_cast %add3A_744 : i32 to index
      %swap3A_750 = tpu.vector_load %arg8[%swap3A_749] {strides = array<i32>} : memref<32768xf32, #tpu.memory_space<vmem>>, vector<16xf32>,
      %swap3A_751 = vector.shape_cast %swap3A_750 : vector<16xf32> to vector<16xf32>
      %swap3A_752 = vector.shape_cast %add3A_748 : vector<16xf32> to vector<16xf32>
      tpu.vector_store %arg8[%swap3A_749], %swap3A_752 {strides = array<i32>} : memref<32768xf32, #tpu.memory_space<vmem>>, vector<16xf32>,
      %mul3A_753 = arith.constant 128 : i32
      %mul3A_754 = arith.muli %while3A_729, %mul3A_753 : i32
      %add3A_755 = arith.constant 32 : i32
      %add3A_756 = arith.addi %mul3A_754, %add3A_755 : i32
      %get3A_757 = arith.index_cast %add3A_756 : i32 to index
      %get3A_758 = tpu.vector_load %arg8[%get3A_757] {strides = array<i32>} : memref<32768xf32, #tpu.memory_space<vmem>>, vector<16xf32>,
      %get3A_759 = vector.shape_cast %get3A_758 : vector<16xf32> to vector<16xf32>
      %add3A_760 = arith.addf %get3A_759, %get3A_226 : vector<16xf32>
      %swap3A_761 = arith.index_cast %add3A_756 : i32 to index
      %swap3A_762 = tpu.vector_load %arg8[%swap3A_761] {strides = array<i32>} : memref<32768xf32, #tpu.memory_space<vmem>>, vector<16xf32>,
      %swap3A_763 = vector.shape_cast %swap3A_762 : vector<16xf32> to vector<16xf32>
      %swap3A_764 = vector.shape_cast %add3A_760 : vector<16xf32> to vector<16xf32>
      tpu.vector_store %arg8[%swap3A_761], %swap3A_764 {strides = array<i32>} : memref<32768xf32, #tpu.memory_space<vmem>>, vector<16xf32>,
      %mul3A_765 = arith.constant 128 : i32
      %mul3A_766 = arith.muli %while3A_729, %mul3A_765 : i32
      %add3A_767 = arith.constant 48 : i32
      %add3A_768 = arith.addi %mul3A_766, %add3A_767 : i32
      %get3A_769 = arith.index_cast %add3A_768 : i32 to index
      %get3A_770 = tpu.vector_load %arg8[%get3A_769] {strides = array<i32>} : memref<32768xf32, #tpu.memory_space<vmem>>, vector<16xf32>,
      %get3A_771 = vector.shape_cast %get3A_770 : vector<16xf32> to vector<16xf32>
      %add3A_772 = arith.addf %get3A_771, %get3A_229 : vector<16xf32>
      %swap3A_773 = arith.index_cast %add3A_768 : i32 to index
      %swap3A_774 = tpu.vector_load %arg8[%swap3A_773] {strides = array<i32>} : memref<32768xf32, #tpu.memory_space<vmem>>, vector<16xf32>,
      %swap3A_775 = vector.shape_cast %swap3A_774 : vector<16xf32> to vector<16xf32>
      %swap3A_776 = vector.shape_cast %add3A_772 : vector<16xf32> to vector<16xf32>
      tpu.vector_store %arg8[%swap3A_773], %swap3A_776 {strides = array<i32>} : memref<32768xf32, #tpu.memory_space<vmem>>, vector<16xf32>,
      %mul3A_777 = arith.constant 128 : i32
      %mul3A_778 = arith.muli %while3A_729, %mul3A_777 : i32
      %add3A_779 = arith.constant 64 : i32
      %add3A_780 = arith.addi %mul3A_778, %add3A_779 : i32
      %get3A_781 = arith.index_cast %add3A_780 : i32 to index
      %get3A_782 = tpu.vector_load %arg8[%get3A_781] {strides = array<i32>} : memref<32768xf32, #tpu.memory_space<vmem>>, vector<16xf32>,
      %get3A_783 = vector.shape_cast %get3A_782 : vector<16xf32> to vector<16xf32>
      %add3A_784 = arith.addf %get3A_783, %get3A_232 : vector<16xf32>
      %swap3A_785 = arith.index_cast %add3A_780 : i32 to index
      %swap3A_786 = tpu.vector_load %arg8[%swap3A_785] {strides = array<i32>} : memref<32768xf32, #tpu.memory_space<vmem>>, vector<16xf32>,
      %swap3A_787 = vector.shape_cast %swap3A_786 : vector<16xf32> to vector<16xf32>
      %swap3A_788 = vector.shape_cast %add3A_784 : vector<16xf32> to vector<16xf32>
      tpu.vector_store %arg8[%swap3A_785], %swap3A_788 {strides = array<i32>} : memref<32768xf32, #tpu.memory_space<vmem>>, vector<16xf32>,
      %mul3A_789 = arith.constant 128 : i32
      %mul3A_790 = arith.muli %while3A_729, %mul3A_789 : i32
      %add3A_791 = arith.constant 80 : i32
      %add3A_792 = arith.addi %mul3A_790, %add3A_791 : i32
      %get3A_793 = arith.index_cast %add3A_792 : i32 to index
      %get3A_794 = tpu.vector_load %arg8[%get3A_793] {strides = array<i32>} : memref<32768xf32, #tpu.memory_space<vmem>>, vector<16xf32>,
      %get3A_795 = vector.shape_cast %get3A_794 : vector<16xf32> to vector<16xf32>
      %add3A_796 = arith.addf %get3A_795, %get3A_235 : vector<16xf32>
      %swap3A_797 = arith.index_cast %add3A_792 : i32 to index
      %swap3A_798 = tpu.vector_load %arg8[%swap3A_797] {strides = array<i32>} : memref<32768xf32, #tpu.memory_space<vmem>>, vector<16xf32>,
      %swap3A_799 = vector.shape_cast %swap3A_798 : vector<16xf32> to vector<16xf32>
      %swap3A_800 = vector.shape_cast %add3A_796 : vector<16xf32> to vector<16xf32>
      tpu.vector_store %arg8[%swap3A_797], %swap3A_800 {strides = array<i32>} : memref<32768xf32, #tpu.memory_space<vmem>>, vector<16xf32>,
      %mul3A_801 = arith.constant 128 : i32
      %mul3A_802 = arith.muli %while3A_729, %mul3A_801 : i32
      %add3A_803 = arith.constant 96 : i32
      %add3A_804 = arith.addi %mul3A_802, %add3A_803 : i32
      %get3A_805 = arith.index_cast %add3A_804 : i32 to index
      %get3A_806 = tpu.vector_load %arg8[%get3A_805] {strides = array<i32>} : memref<32768xf32, #tpu.memory_space<vmem>>, vector<16xf32>,
      %get3A_807 = vector.shape_cast %get3A_806 : vector<16xf32> to vector<16xf32>
      %add3A_808 = arith.addf %get3A_807, %get3A_238 : vector<16xf32>
      %swap3A_809 = arith.index_cast %add3A_804 : i32 to index
      %swap3A_810 = tpu.vector_load %arg8[%swap3A_809] {strides = array<i32>} : memref<32768xf32, #tpu.memory_space<vmem>>, vector<16xf32>,
      %swap3A_811 = vector.shape_cast %swap3A_810 : vector<16xf32> to vector<16xf32>
      %swap3A_812 = vector.shape_cast %add3A_808 : vector<16xf32> to vector<16xf32>
      tpu.vector_store %arg8[%swap3A_809], %swap3A_812 {strides = array<i32>} : memref<32768xf32, #tpu.memory_space<vmem>>, vector<16xf32>,
      %mul3A_813 = arith.constant 128 : i32
      %mul3A_814 = arith.muli %while3A_729, %mul3A_813 : i32
      %add3A_815 = arith.constant 112 : i32
      %add3A_816 = arith.addi %mul3A_814, %add3A_815 : i32
      %get3A_817 = arith.index_cast %add3A_816 : i32 to index
      %get3A_818 = tpu.vector_load %arg8[%get3A_817] {strides = array<i32>} : memref<32768xf32, #tpu.memory_space<vmem>>, vector<16xf32>,
      %get3A_819 = vector.shape_cast %get3A_818 : vector<16xf32> to vector<16xf32>
      %add3A_820 = arith.addf %get3A_819, %get3A_241 : vector<16xf32>
      %swap3A_821 = arith.index_cast %add3A_816 : i32 to index
      %swap3A_822 = tpu.vector_load %arg8[%swap3A_821] {strides = array<i32>} : memref<32768xf32, #tpu.memory_space<vmem>>, vector<16xf32>,
      %swap3A_823 = vector.shape_cast %swap3A_822 : vector<16xf32> to vector<16xf32>
      %swap3A_824 = vector.shape_cast %add3A_820 : vector<16xf32> to vector<16xf32>
      tpu.vector_store %arg8[%swap3A_821], %swap3A_824 {strides = array<i32>} : memref<32768xf32, #tpu.memory_space<vmem>>, vector<16xf32>,
    }
    %while3A_250 = arith.constant 1 : i32
    scf.for %while3A_729 = %while3A_248 to %while3A_244 step %while3A_250  : i32 {
      %mul3A_730 = arith.constant 128 : i32
      %mul3A_731 = arith.muli %while3A_729, %mul3A_730 : i32
      %add3A_732 = arith.constant 0 : i32
      %add3A_733 = arith.addi %mul3A_731, %add3A_732 : i32
      %get3A_734 = arith.index_cast %add3A_733 : i32 to index
      %get3A_735 = tpu.vector_load %arg8[%get3A_734] {strides = array<i32>} : memref<32768xf32, #tpu.memory_space<vmem>>, vector<16xf32>,
      %get3A_736 = vector.shape_cast %get3A_735 : vector<16xf32> to vector<16xf32>
      %add3A_737 = arith.addf %get3A_736, %get3A_220 : vector<16xf32>
      %swap3A = arith.index_cast %add3A_733 : i32 to index
      %swap3A_738 = tpu.vector_load %arg8[%swap3A] {strides = array<i32>} : memref<32768xf32, #tpu.memory_space<vmem>>, vector<16xf32>,
      %swap3A_739 = vector.shape_cast %swap3A_738 : vector<16xf32> to vector<16xf32>
      %swap3A_740 = vector.shape_cast %add3A_737 : vector<16xf32> to vector<16xf32>
      tpu.vector_store %arg8[%swap3A], %swap3A_740 {strides = array<i32>} : memref<32768xf32, #tpu.memory_space<vmem>>, vector<16xf32>,
      %mul3A_741 = arith.constant 128 : i32
      %mul3A_742 = arith.muli %while3A_729, %mul3A_741 : i32
      %add3A_743 = arith.constant 16 : i32
      %add3A_744 = arith.addi %mul3A_742, %add3A_743 : i32
      %get3A_745 = arith.index_cast %add3A_744 : i32 to index
      %get3A_746 = tpu.vector_load %arg8[%get3A_745] {strides = array<i32>} : memref<32768xf32, #tpu.memory_space<vmem>>, vector<16xf32>,
      %get3A_747 = vector.shape_cast %get3A_746 : vector<16xf32> to vector<16xf32>
      %add3A_748 = arith.addf %get3A_747, %get3A_223 : vector<16xf32>
      %swap3A_749 = arith.index_cast %add3A_744 : i32 to index
      %swap3A_750 = tpu.vector_load %arg8[%swap3A_749] {strides = array<i32>} : memref<32768xf32, #tpu.memory_space<vmem>>, vector<16xf32>,
      %swap3A_751 = vector.shape_cast %swap3A_750 : vector<16xf32> to vector<16xf32>
      %swap3A_752 = vector.shape_cast %add3A_748 : vector<16xf32> to vector<16xf32>
      tpu.vector_store %arg8[%swap3A_749], %swap3A_752 {strides = array<i32>} : memref<32768xf32, #tpu.memory_space<vmem>>, vector<16xf32>,
      %mul3A_753 = arith.constant 128 : i32
      %mul3A_754 = arith.muli %while3A_729, %mul3A_753 : i32
      %add3A_755 = arith.constant 32 : i32
      %add3A_756 = arith.addi %mul3A_754, %add3A_755 : i32
      %get3A_757 = arith.index_cast %add3A_756 : i32 to index
      %get3A_758 = tpu.vector_load %arg8[%get3A_757] {strides = array<i32>} : memref<32768xf32, #tpu.memory_space<vmem>>, vector<16xf32>,
      %get3A_759 = vector.shape_cast %get3A_758 : vector<16xf32> to vector<16xf32>
      %add3A_760 = arith.addf %get3A_759, %get3A_226 : vector<16xf32>
      %swap3A_761 = arith.index_cast %add3A_756 : i32 to index
      %swap3A_762 = tpu.vector_load %arg8[%swap3A_761] {strides = array<i32>} : memref<32768xf32, #tpu.memory_space<vmem>>, vector<16xf32>,
      %swap3A_763 = vector.shape_cast %swap3A_762 : vector<16xf32> to vector<16xf32>
      %swap3A_764 = vector.shape_cast %add3A_760 : vector<16xf32> to vector<16xf32>
      tpu.vector_store %arg8[%swap3A_761], %swap3A_764 {strides = array<i32>} : memref<32768xf32, #tpu.memory_space<vmem>>, vector<16xf32>,
      %mul3A_765 = arith.constant 128 : i32
      %mul3A_766 = arith.muli %while3A_729, %mul3A_765 : i32
      %add3A_767 = arith.constant 48 : i32
      %add3A_768 = arith.addi %mul3A_766, %add3A_767 : i32
      %get3A_769 = arith.index_cast %add3A_768 : i32 to index
      %get3A_770 = tpu.vector_load %arg8[%get3A_769] {strides = array<i32>} : memref<32768xf32, #tpu.memory_space<vmem>>, vector<16xf32>,
      %get3A_771 = vector.shape_cast %get3A_770 : vector<16xf32> to vector<16xf32>
      %add3A_772 = arith.addf %get3A_771, %get3A_229 : vector<16xf32>
      %swap3A_773 = arith.index_cast %add3A_768 : i32 to index
      %swap3A_774 = tpu.vector_load %arg8[%swap3A_773] {strides = array<i32>} : memref<32768xf32, #tpu.memory_space<vmem>>, vector<16xf32>,
      %swap3A_775 = vector.shape_cast %swap3A_774 : vector<16xf32> to vector<16xf32>
      %swap3A_776 = vector.shape_cast %add3A_772 : vector<16xf32> to vector<16xf32>
      tpu.vector_store %arg8[%swap3A_773], %swap3A_776 {strides = array<i32>} : memref<32768xf32, #tpu.memory_space<vmem>>, vector<16xf32>,
      %mul3A_777 = arith.constant 128 : i32
      %mul3A_778 = arith.muli %while3A_729, %mul3A_777 : i32
      %add3A_779 = arith.constant 64 : i32
      %add3A_780 = arith.addi %mul3A_778, %add3A_779 : i32
      %get3A_781 = arith.index_cast %add3A_780 : i32 to index
      %get3A_782 = tpu.vector_load %arg8[%get3A_781] {strides = array<i32>} : memref<32768xf32, #tpu.memory_space<vmem>>, vector<16xf32>,
      %get3A_783 = vector.shape_cast %get3A_782 : vector<16xf32> to vector<16xf32>
      %add3A_784 = arith.addf %get3A_783, %get3A_232 : vector<16xf32>
      %swap3A_785 = arith.index_cast %add3A_780 : i32 to index
      %swap3A_786 = tpu.vector_load %arg8[%swap3A_785] {strides = array<i32>} : memref<32768xf32, #tpu.memory_space<vmem>>, vector<16xf32>,
      %swap3A_787 = vector.shape_cast %swap3A_786 : vector<16xf32> to vector<16xf32>
      %swap3A_788 = vector.shape_cast %add3A_784 : vector<16xf32> to vector<16xf32>
      tpu.vector_store %arg8[%swap3A_785], %swap3A_788 {strides = array<i32>} : memref<32768xf32, #tpu.memory_space<vmem>>, vector<16xf32>,
      %mul3A_789 = arith.constant 128 : i32
      %mul3A_790 = arith.muli %while3A_729, %mul3A_789 : i32
      %add3A_791 = arith.constant 80 : i32
      %add3A_792 = arith.addi %mul3A_790, %add3A_791 : i32
      %get3A_793 = arith.index_cast %add3A_792 : i32 to index
      %get3A_794 = tpu.vector_load %arg8[%get3A_793] {strides = array<i32>} : memref<32768xf32, #tpu.memory_space<vmem>>, vector<16xf32>,
      %get3A_795 = vector.shape_cast %get3A_794 : vector<16xf32> to vector<16xf32>
      %add3A_796 = arith.addf %get3A_795, %get3A_235 : vector<16xf32>
      %swap3A_797 = arith.index_cast %add3A_792 : i32 to index
      %swap3A_798 = tpu.vector_load %arg8[%swap3A_797] {strides = array<i32>} : memref<32768xf32, #tpu.memory_space<vmem>>, vector<16xf32>,
      %swap3A_799 = vector.shape_cast %swap3A_798 : vector<16xf32> to vector<16xf32>
      %swap3A_800 = vector.shape_cast %add3A_796 : vector<16xf32> to vector<16xf32>
      tpu.vector_store %arg8[%swap3A_797], %swap3A_800 {strides = array<i32>} : memref<32768xf32, #tpu.memory_space<vmem>>, vector<16xf32>,
      %mul3A_801 = arith.constant 128 : i32
      %mul3A_802 = arith.muli %while3A_729, %mul3A_801 : i32
      %add3A_803 = arith.constant 96 : i32
      %add3A_804 = arith.addi %mul3A_802, %add3A_803 : i32
      %get3A_805 = arith.index_cast %add3A_804 : i32 to index
      %get3A_806 = tpu.vector_load %arg8[%get3A_805] {strides = array<i32>} : memref<32768xf32, #tpu.memory_space<vmem>>, vector<16xf32>,
      %get3A_807 = vector.shape_cast %get3A_806 : vector<16xf32> to vector<16xf32>
      %add3A_808 = arith.addf %get3A_807, %get3A_238 : vector<16xf32>
      %swap3A_809 = arith.index_cast %add3A_804 : i32 to index
      %swap3A_810 = tpu.vector_load %arg8[%swap3A_809] {strides = array<i32>} : memref<32768xf32, #tpu.memory_space<vmem>>, vector<16xf32>,
      %swap3A_811 = vector.shape_cast %swap3A_810 : vector<16xf32> to vector<16xf32>
      %swap3A_812 = vector.shape_cast %add3A_808 : vector<16xf32> to vector<16xf32>
      tpu.vector_store %arg8[%swap3A_809], %swap3A_812 {strides = array<i32>} : memref<32768xf32, #tpu.memory_space<vmem>>, vector<16xf32>,
      %mul3A_813 = arith.constant 128 : i32
      %mul3A_814 = arith.muli %while3A_729, %mul3A_813 : i32
      %add3A_815 = arith.constant 112 : i32
      %add3A_816 = arith.addi %mul3A_814, %add3A_815 : i32
      %get3A_817 = arith.index_cast %add3A_816 : i32 to index
      %get3A_818 = tpu.vector_load %arg8[%get3A_817] {strides = array<i32>} : memref<32768xf32, #tpu.memory_space<vmem>>, vector<16xf32>,
      %get3A_819 = vector.shape_cast %get3A_818 : vector<16xf32> to vector<16xf32>
      %add3A_820 = arith.addf %get3A_819, %get3A_241 : vector<16xf32>
      %swap3A_821 = arith.index_cast %add3A_816 : i32 to index
      %swap3A_822 = tpu.vector_load %arg8[%swap3A_821] {strides = array<i32>} : memref<32768xf32, #tpu.memory_space<vmem>>, vector<16xf32>,
      %swap3A_823 = vector.shape_cast %swap3A_822 : vector<16xf32> to vector<16xf32>
      %swap3A_824 = vector.shape_cast %add3A_820 : vector<16xf32> to vector<16xf32>
      tpu.vector_store %arg8[%swap3A_821], %swap3A_824 {strides = array<i32>} : memref<32768xf32, #tpu.memory_space<vmem>>, vector<16xf32>,
    }
    %sub3A_251 = arith.subi %squeeze3A_15, %add3A_40 : i32
    %jit3A_252 = arith.constant 0 : i32
    %jit3A_253 = arith.constant 256 : i32
    %max3A_254 = arith.maxsi %jit3A_252, %sub3A_251 : i32
    %min3A_255 = arith.minsi %jit3A_253, %max3A_254 : i32
    %sub3A_256 = arith.subi %squeeze3A_17, %add3A_40 : i32
    %jit3A_257 = arith.constant 0 : i32
    %jit3A_258 = arith.constant 256 : i32
    %max3A_259 = arith.maxsi %jit3A_257, %sub3A_256 : i32
    %min3A_260 = arith.minsi %jit3A_258, %max3A_259 : i32
    %get3A_261 = arith.constant 640 : index
    %get3A_262 = tpu.vector_load %arg6[%get3A_261] {strides = array<i32>} : memref<2048xf32, #tpu.memory_space<vmem>>, vector<16xf32>,
    %get3A_263 = vector.shape_cast %get3A_262 : vector<16xf32> to vector<16xf32>
    %get3A_264 = arith.constant 656 : index
    %get3A_265 = tpu.vector_load %arg6[%get3A_264] {strides = array<i32>} : memref<2048xf32, #tpu.memory_space<vmem>>, vector<16xf32>,
    %get3A_266 = vector.shape_cast %get3A_265 : vector<16xf32> to vector<16xf32>
    %get3A_267 = arith.constant 672 : index
    %get3A_268 = tpu.vector_load %arg6[%get3A_267] {strides = array<i32>} : memref<2048xf32, #tpu.memory_space<vmem>>, vector<16xf32>,
    %get3A_269 = vector.shape_cast %get3A_268 : vector<16xf32> to vector<16xf32>
    %get3A_270 = arith.constant 688 : index
    %get3A_271 = tpu.vector_load %arg6[%get3A_270] {strides = array<i32>} : memref<2048xf32, #tpu.memory_space<vmem>>, vector<16xf32>,
    %get3A_272 = vector.shape_cast %get3A_271 : vector<16xf32> to vector<16xf32>
    %get3A_273 = arith.constant 704 : index
    %get3A_274 = tpu.vector_load %arg6[%get3A_273] {strides = array<i32>} : memref<2048xf32, #tpu.memory_space<vmem>>, vector<16xf32>,
    %get3A_275 = vector.shape_cast %get3A_274 : vector<16xf32> to vector<16xf32>
    %get3A_276 = arith.constant 720 : index
    %get3A_277 = tpu.vector_load %arg6[%get3A_276] {strides = array<i32>} : memref<2048xf32, #tpu.memory_space<vmem>>, vector<16xf32>,
    %get3A_278 = vector.shape_cast %get3A_277 : vector<16xf32> to vector<16xf32>
    %get3A_279 = arith.constant 736 : index
    %get3A_280 = tpu.vector_load %arg6[%get3A_279] {strides = array<i32>} : memref<2048xf32, #tpu.memory_space<vmem>>, vector<16xf32>,
    %get3A_281 = vector.shape_cast %get3A_280 : vector<16xf32> to vector<16xf32>
    %get3A_282 = arith.constant 752 : index
    %get3A_283 = tpu.vector_load %arg6[%get3A_282] {strides = array<i32>} : memref<2048xf32, #tpu.memory_space<vmem>>, vector<16xf32>,
    %get3A_284 = vector.shape_cast %get3A_283 : vector<16xf32> to vector<16xf32>
    %while3A_285 = arith.constant 0 : i32
    %while3A_286 = arith.subi %min3A_260, %min3A_255 : i32
    %while3A_287 = arith.addi %min3A_255, %while3A_286 : i32
    %while3A_288 = arith.constant 1 : i32
    %while3A_289 = arith.divsi %while3A_286, %while3A_288 : i32
    %while3A_290 = arith.muli %while3A_289, %while3A_288 : i32
    %while3A_291 = arith.addi %min3A_255, %while3A_290 : i32
    %while3A_292 = arith.constant 1 : i32
    scf.for %while3A_729 = %min3A_255 to %while3A_291 step %while3A_292  : i32 {
      %mul3A_730 = arith.constant 128 : i32
      %mul3A_731 = arith.muli %while3A_729, %mul3A_730 : i32
      %add3A_732 = arith.constant 0 : i32
      %add3A_733 = arith.addi %mul3A_731, %add3A_732 : i32
      %get3A_734 = arith.index_cast %add3A_733 : i32 to index
      %get3A_735 = tpu.vector_load %arg8[%get3A_734] {strides = array<i32>} : memref<32768xf32, #tpu.memory_space<vmem>>, vector<16xf32>,
      %get3A_736 = vector.shape_cast %get3A_735 : vector<16xf32> to vector<16xf32>
      %add3A_737 = arith.addf %get3A_736, %get3A_263 : vector<16xf32>
      %swap3A = arith.index_cast %add3A_733 : i32 to index
      %swap3A_738 = tpu.vector_load %arg8[%swap3A] {strides = array<i32>} : memref<32768xf32, #tpu.memory_space<vmem>>, vector<16xf32>,
      %swap3A_739 = vector.shape_cast %swap3A_738 : vector<16xf32> to vector<16xf32>
      %swap3A_740 = vector.shape_cast %add3A_737 : vector<16xf32> to vector<16xf32>
      tpu.vector_store %arg8[%swap3A], %swap3A_740 {strides = array<i32>} : memref<32768xf32, #tpu.memory_space<vmem>>, vector<16xf32>,
      %mul3A_741 = arith.constant 128 : i32
      %mul3A_742 = arith.muli %while3A_729, %mul3A_741 : i32
      %add3A_743 = arith.constant 16 : i32
      %add3A_744 = arith.addi %mul3A_742, %add3A_743 : i32
      %get3A_745 = arith.index_cast %add3A_744 : i32 to index
      %get3A_746 = tpu.vector_load %arg8[%get3A_745] {strides = array<i32>} : memref<32768xf32, #tpu.memory_space<vmem>>, vector<16xf32>,
      %get3A_747 = vector.shape_cast %get3A_746 : vector<16xf32> to vector<16xf32>
      %add3A_748 = arith.addf %get3A_747, %get3A_266 : vector<16xf32>
      %swap3A_749 = arith.index_cast %add3A_744 : i32 to index
      %swap3A_750 = tpu.vector_load %arg8[%swap3A_749] {strides = array<i32>} : memref<32768xf32, #tpu.memory_space<vmem>>, vector<16xf32>,
      %swap3A_751 = vector.shape_cast %swap3A_750 : vector<16xf32> to vector<16xf32>
      %swap3A_752 = vector.shape_cast %add3A_748 : vector<16xf32> to vector<16xf32>
      tpu.vector_store %arg8[%swap3A_749], %swap3A_752 {strides = array<i32>} : memref<32768xf32, #tpu.memory_space<vmem>>, vector<16xf32>,
      %mul3A_753 = arith.constant 128 : i32
      %mul3A_754 = arith.muli %while3A_729, %mul3A_753 : i32
      %add3A_755 = arith.constant 32 : i32
      %add3A_756 = arith.addi %mul3A_754, %add3A_755 : i32
      %get3A_757 = arith.index_cast %add3A_756 : i32 to index
      %get3A_758 = tpu.vector_load %arg8[%get3A_757] {strides = array<i32>} : memref<32768xf32, #tpu.memory_space<vmem>>, vector<16xf32>,
      %get3A_759 = vector.shape_cast %get3A_758 : vector<16xf32> to vector<16xf32>
      %add3A_760 = arith.addf %get3A_759, %get3A_269 : vector<16xf32>
      %swap3A_761 = arith.index_cast %add3A_756 : i32 to index
      %swap3A_762 = tpu.vector_load %arg8[%swap3A_761] {strides = array<i32>} : memref<32768xf32, #tpu.memory_space<vmem>>, vector<16xf32>,
      %swap3A_763 = vector.shape_cast %swap3A_762 : vector<16xf32> to vector<16xf32>
      %swap3A_764 = vector.shape_cast %add3A_760 : vector<16xf32> to vector<16xf32>
      tpu.vector_store %arg8[%swap3A_761], %swap3A_764 {strides = array<i32>} : memref<32768xf32, #tpu.memory_space<vmem>>, vector<16xf32>,
      %mul3A_765 = arith.constant 128 : i32
      %mul3A_766 = arith.muli %while3A_729, %mul3A_765 : i32
      %add3A_767 = arith.constant 48 : i32
      %add3A_768 = arith.addi %mul3A_766, %add3A_767 : i32
      %get3A_769 = arith.index_cast %add3A_768 : i32 to index
      %get3A_770 = tpu.vector_load %arg8[%get3A_769] {strides = array<i32>} : memref<32768xf32, #tpu.memory_space<vmem>>, vector<16xf32>,
      %get3A_771 = vector.shape_cast %get3A_770 : vector<16xf32> to vector<16xf32>
      %add3A_772 = arith.addf %get3A_771, %get3A_272 : vector<16xf32>
      %swap3A_773 = arith.index_cast %add3A_768 : i32 to index
      %swap3A_774 = tpu.vector_load %arg8[%swap3A_773] {strides = array<i32>} : memref<32768xf32, #tpu.memory_space<vmem>>, vector<16xf32>,
      %swap3A_775 = vector.shape_cast %swap3A_774 : vector<16xf32> to vector<16xf32>
      %swap3A_776 = vector.shape_cast %add3A_772 : vector<16xf32> to vector<16xf32>
      tpu.vector_store %arg8[%swap3A_773], %swap3A_776 {strides = array<i32>} : memref<32768xf32, #tpu.memory_space<vmem>>, vector<16xf32>,
      %mul3A_777 = arith.constant 128 : i32
      %mul3A_778 = arith.muli %while3A_729, %mul3A_777 : i32
      %add3A_779 = arith.constant 64 : i32
      %add3A_780 = arith.addi %mul3A_778, %add3A_779 : i32
      %get3A_781 = arith.index_cast %add3A_780 : i32 to index
      %get3A_782 = tpu.vector_load %arg8[%get3A_781] {strides = array<i32>} : memref<32768xf32, #tpu.memory_space<vmem>>, vector<16xf32>,
      %get3A_783 = vector.shape_cast %get3A_782 : vector<16xf32> to vector<16xf32>
      %add3A_784 = arith.addf %get3A_783, %get3A_275 : vector<16xf32>
      %swap3A_785 = arith.index_cast %add3A_780 : i32 to index
      %swap3A_786 = tpu.vector_load %arg8[%swap3A_785] {strides = array<i32>} : memref<32768xf32, #tpu.memory_space<vmem>>, vector<16xf32>,
      %swap3A_787 = vector.shape_cast %swap3A_786 : vector<16xf32> to vector<16xf32>
      %swap3A_788 = vector.shape_cast %add3A_784 : vector<16xf32> to vector<16xf32>
      tpu.vector_store %arg8[%swap3A_785], %swap3A_788 {strides = array<i32>} : memref<32768xf32, #tpu.memory_space<vmem>>, vector<16xf32>,
      %mul3A_789 = arith.constant 128 : i32
      %mul3A_790 = arith.muli %while3A_729, %mul3A_789 : i32
      %add3A_791 = arith.constant 80 : i32
      %add3A_792 = arith.addi %mul3A_790, %add3A_791 : i32
      %get3A_793 = arith.index_cast %add3A_792 : i32 to index
      %get3A_794 = tpu.vector_load %arg8[%get3A_793] {strides = array<i32>} : memref<32768xf32, #tpu.memory_space<vmem>>, vector<16xf32>,
      %get3A_795 = vector.shape_cast %get3A_794 : vector<16xf32> to vector<16xf32>
      %add3A_796 = arith.addf %get3A_795, %get3A_278 : vector<16xf32>
      %swap3A_797 = arith.index_cast %add3A_792 : i32 to index
      %swap3A_798 = tpu.vector_load %arg8[%swap3A_797] {strides = array<i32>} : memref<32768xf32, #tpu.memory_space<vmem>>, vector<16xf32>,
      %swap3A_799 = vector.shape_cast %swap3A_798 : vector<16xf32> to vector<16xf32>
      %swap3A_800 = vector.shape_cast %add3A_796 : vector<16xf32> to vector<16xf32>
      tpu.vector_store %arg8[%swap3A_797], %swap3A_800 {strides = array<i32>} : memref<32768xf32, #tpu.memory_space<vmem>>, vector<16xf32>,
      %mul3A_801 = arith.constant 128 : i32
      %mul3A_802 = arith.muli %while3A_729, %mul3A_801 : i32
      %add3A_803 = arith.constant 96 : i32
      %add3A_804 = arith.addi %mul3A_802, %add3A_803 : i32
      %get3A_805 = arith.index_cast %add3A_804 : i32 to index
      %get3A_806 = tpu.vector_load %arg8[%get3A_805] {strides = array<i32>} : memref<32768xf32, #tpu.memory_space<vmem>>, vector<16xf32>,
      %get3A_807 = vector.shape_cast %get3A_806 : vector<16xf32> to vector<16xf32>
      %add3A_808 = arith.addf %get3A_807, %get3A_281 : vector<16xf32>
      %swap3A_809 = arith.index_cast %add3A_804 : i32 to index
      %swap3A_810 = tpu.vector_load %arg8[%swap3A_809] {strides = array<i32>} : memref<32768xf32, #tpu.memory_space<vmem>>, vector<16xf32>,
      %swap3A_811 = vector.shape_cast %swap3A_810 : vector<16xf32> to vector<16xf32>
      %swap3A_812 = vector.shape_cast %add3A_808 : vector<16xf32> to vector<16xf32>
      tpu.vector_store %arg8[%swap3A_809], %swap3A_812 {strides = array<i32>} : memref<32768xf32, #tpu.memory_space<vmem>>, vector<16xf32>,
      %mul3A_813 = arith.constant 128 : i32
      %mul3A_814 = arith.muli %while3A_729, %mul3A_813 : i32
      %add3A_815 = arith.constant 112 : i32
      %add3A_816 = arith.addi %mul3A_814, %add3A_815 : i32
      %get3A_817 = arith.index_cast %add3A_816 : i32 to index
      %get3A_818 = tpu.vector_load %arg8[%get3A_817] {strides = array<i32>} : memref<32768xf32, #tpu.memory_space<vmem>>, vector<16xf32>,
      %get3A_819 = vector.shape_cast %get3A_818 : vector<16xf32> to vector<16xf32>
      %add3A_820 = arith.addf %get3A_819, %get3A_284 : vector<16xf32>
      %swap3A_821 = arith.index_cast %add3A_816 : i32 to index
      %swap3A_822 = tpu.vector_load %arg8[%swap3A_821] {strides = array<i32>} : memref<32768xf32, #tpu.memory_space<vmem>>, vector<16xf32>,
      %swap3A_823 = vector.shape_cast %swap3A_822 : vector<16xf32> to vector<16xf32>
      %swap3A_824 = vector.shape_cast %add3A_820 : vector<16xf32> to vector<16xf32>
      tpu.vector_store %arg8[%swap3A_821], %swap3A_824 {strides = array<i32>} : memref<32768xf32, #tpu.memory_space<vmem>>, vector<16xf32>,
    }
    %while3A_293 = arith.constant 1 : i32
    scf.for %while3A_729 = %while3A_291 to %while3A_287 step %while3A_293  : i32 {
      %mul3A_730 = arith.constant 128 : i32
      %mul3A_731 = arith.muli %while3A_729, %mul3A_730 : i32
      %add3A_732 = arith.constant 0 : i32
      %add3A_733 = arith.addi %mul3A_731, %add3A_732 : i32
      %get3A_734 = arith.index_cast %add3A_733 : i32 to index
      %get3A_735 = tpu.vector_load %arg8[%get3A_734] {strides = array<i32>} : memref<32768xf32, #tpu.memory_space<vmem>>, vector<16xf32>,
      %get3A_736 = vector.shape_cast %get3A_735 : vector<16xf32> to vector<16xf32>
      %add3A_737 = arith.addf %get3A_736, %get3A_263 : vector<16xf32>
      %swap3A = arith.index_cast %add3A_733 : i32 to index
      %swap3A_738 = tpu.vector_load %arg8[%swap3A] {strides = array<i32>} : memref<32768xf32, #tpu.memory_space<vmem>>, vector<16xf32>,
      %swap3A_739 = vector.shape_cast %swap3A_738 : vector<16xf32> to vector<16xf32>
      %swap3A_740 = vector.shape_cast %add3A_737 : vector<16xf32> to vector<16xf32>
      tpu.vector_store %arg8[%swap3A], %swap3A_740 {strides = array<i32>} : memref<32768xf32, #tpu.memory_space<vmem>>, vector<16xf32>,
      %mul3A_741 = arith.constant 128 : i32
      %mul3A_742 = arith.muli %while3A_729, %mul3A_741 : i32
      %add3A_743 = arith.constant 16 : i32
      %add3A_744 = arith.addi %mul3A_742, %add3A_743 : i32
      %get3A_745 = arith.index_cast %add3A_744 : i32 to index
      %get3A_746 = tpu.vector_load %arg8[%get3A_745] {strides = array<i32>} : memref<32768xf32, #tpu.memory_space<vmem>>, vector<16xf32>,
      %get3A_747 = vector.shape_cast %get3A_746 : vector<16xf32> to vector<16xf32>
      %add3A_748 = arith.addf %get3A_747, %get3A_266 : vector<16xf32>
      %swap3A_749 = arith.index_cast %add3A_744 : i32 to index
      %swap3A_750 = tpu.vector_load %arg8[%swap3A_749] {strides = array<i32>} : memref<32768xf32, #tpu.memory_space<vmem>>, vector<16xf32>,
      %swap3A_751 = vector.shape_cast %swap3A_750 : vector<16xf32> to vector<16xf32>
      %swap3A_752 = vector.shape_cast %add3A_748 : vector<16xf32> to vector<16xf32>
      tpu.vector_store %arg8[%swap3A_749], %swap3A_752 {strides = array<i32>} : memref<32768xf32, #tpu.memory_space<vmem>>, vector<16xf32>,
      %mul3A_753 = arith.constant 128 : i32
      %mul3A_754 = arith.muli %while3A_729, %mul3A_753 : i32
      %add3A_755 = arith.constant 32 : i32
      %add3A_756 = arith.addi %mul3A_754, %add3A_755 : i32
      %get3A_757 = arith.index_cast %add3A_756 : i32 to index
      %get3A_758 = tpu.vector_load %arg8[%get3A_757] {strides = array<i32>} : memref<32768xf32, #tpu.memory_space<vmem>>, vector<16xf32>,
      %get3A_759 = vector.shape_cast %get3A_758 : vector<16xf32> to vector<16xf32>
      %add3A_760 = arith.addf %get3A_759, %get3A_269 : vector<16xf32>
      %swap3A_761 = arith.index_cast %add3A_756 : i32 to index
      %swap3A_762 = tpu.vector_load %arg8[%swap3A_761] {strides = array<i32>} : memref<32768xf32, #tpu.memory_space<vmem>>, vector<16xf32>,
      %swap3A_763 = vector.shape_cast %swap3A_762 : vector<16xf32> to vector<16xf32>
      %swap3A_764 = vector.shape_cast %add3A_760 : vector<16xf32> to vector<16xf32>
      tpu.vector_store %arg8[%swap3A_761], %swap3A_764 {strides = array<i32>} : memref<32768xf32, #tpu.memory_space<vmem>>, vector<16xf32>,
      %mul3A_765 = arith.constant 128 : i32
      %mul3A_766 = arith.muli %while3A_729, %mul3A_765 : i32
      %add3A_767 = arith.constant 48 : i32
      %add3A_768 = arith.addi %mul3A_766, %add3A_767 : i32
      %get3A_769 = arith.index_cast %add3A_768 : i32 to index
      %get3A_770 = tpu.vector_load %arg8[%get3A_769] {strides = array<i32>} : memref<32768xf32, #tpu.memory_space<vmem>>, vector<16xf32>,
      %get3A_771 = vector.shape_cast %get3A_770 : vector<16xf32> to vector<16xf32>
      %add3A_772 = arith.addf %get3A_771, %get3A_272 : vector<16xf32>
      %swap3A_773 = arith.index_cast %add3A_768 : i32 to index
      %swap3A_774 = tpu.vector_load %arg8[%swap3A_773] {strides = array<i32>} : memref<32768xf32, #tpu.memory_space<vmem>>, vector<16xf32>,
      %swap3A_775 = vector.shape_cast %swap3A_774 : vector<16xf32> to vector<16xf32>
      %swap3A_776 = vector.shape_cast %add3A_772 : vector<16xf32> to vector<16xf32>
      tpu.vector_store %arg8[%swap3A_773], %swap3A_776 {strides = array<i32>} : memref<32768xf32, #tpu.memory_space<vmem>>, vector<16xf32>,
      %mul3A_777 = arith.constant 128 : i32
      %mul3A_778 = arith.muli %while3A_729, %mul3A_777 : i32
      %add3A_779 = arith.constant 64 : i32
      %add3A_780 = arith.addi %mul3A_778, %add3A_779 : i32
      %get3A_781 = arith.index_cast %add3A_780 : i32 to index
      %get3A_782 = tpu.vector_load %arg8[%get3A_781] {strides = array<i32>} : memref<32768xf32, #tpu.memory_space<vmem>>, vector<16xf32>,
      %get3A_783 = vector.shape_cast %get3A_782 : vector<16xf32> to vector<16xf32>
      %add3A_784 = arith.addf %get3A_783, %get3A_275 : vector<16xf32>
      %swap3A_785 = arith.index_cast %add3A_780 : i32 to index
      %swap3A_786 = tpu.vector_load %arg8[%swap3A_785] {strides = array<i32>} : memref<32768xf32, #tpu.memory_space<vmem>>, vector<16xf32>,
      %swap3A_787 = vector.shape_cast %swap3A_786 : vector<16xf32> to vector<16xf32>
      %swap3A_788 = vector.shape_cast %add3A_784 : vector<16xf32> to vector<16xf32>
      tpu.vector_store %arg8[%swap3A_785], %swap3A_788 {strides = array<i32>} : memref<32768xf32, #tpu.memory_space<vmem>>, vector<16xf32>,
      %mul3A_789 = arith.constant 128 : i32
      %mul3A_790 = arith.muli %while3A_729, %mul3A_789 : i32
      %add3A_791 = arith.constant 80 : i32
      %add3A_792 = arith.addi %mul3A_790, %add3A_791 : i32
      %get3A_793 = arith.index_cast %add3A_792 : i32 to index
      %get3A_794 = tpu.vector_load %arg8[%get3A_793] {strides = array<i32>} : memref<32768xf32, #tpu.memory_space<vmem>>, vector<16xf32>,
      %get3A_795 = vector.shape_cast %get3A_794 : vector<16xf32> to vector<16xf32>
      %add3A_796 = arith.addf %get3A_795, %get3A_278 : vector<16xf32>
      %swap3A_797 = arith.index_cast %add3A_792 : i32 to index
      %swap3A_798 = tpu.vector_load %arg8[%swap3A_797] {strides = array<i32>} : memref<32768xf32, #tpu.memory_space<vmem>>, vector<16xf32>,
      %swap3A_799 = vector.shape_cast %swap3A_798 : vector<16xf32> to vector<16xf32>
      %swap3A_800 = vector.shape_cast %add3A_796 : vector<16xf32> to vector<16xf32>
      tpu.vector_store %arg8[%swap3A_797], %swap3A_800 {strides = array<i32>} : memref<32768xf32, #tpu.memory_space<vmem>>, vector<16xf32>,
      %mul3A_801 = arith.constant 128 : i32
      %mul3A_802 = arith.muli %while3A_729, %mul3A_801 : i32
      %add3A_803 = arith.constant 96 : i32
      %add3A_804 = arith.addi %mul3A_802, %add3A_803 : i32
      %get3A_805 = arith.index_cast %add3A_804 : i32 to index
      %get3A_806 = tpu.vector_load %arg8[%get3A_805] {strides = array<i32>} : memref<32768xf32, #tpu.memory_space<vmem>>, vector<16xf32>,
      %get3A_807 = vector.shape_cast %get3A_806 : vector<16xf32> to vector<16xf32>
      %add3A_808 = arith.addf %get3A_807, %get3A_281 : vector<16xf32>
      %swap3A_809 = arith.index_cast %add3A_804 : i32 to index
      %swap3A_810 = tpu.vector_load %arg8[%swap3A_809] {strides = array<i32>} : memref<32768xf32, #tpu.memory_space<vmem>>, vector<16xf32>,
      %swap3A_811 = vector.shape_cast %swap3A_810 : vector<16xf32> to vector<16xf32>
      %swap3A_812 = vector.shape_cast %add3A_808 : vector<16xf32> to vector<16xf32>
      tpu.vector_store %arg8[%swap3A_809], %swap3A_812 {strides = array<i32>} : memref<32768xf32, #tpu.memory_space<vmem>>, vector<16xf32>,
      %mul3A_813 = arith.constant 128 : i32
      %mul3A_814 = arith.muli %while3A_729, %mul3A_813 : i32
      %add3A_815 = arith.constant 112 : i32
      %add3A_816 = arith.addi %mul3A_814, %add3A_815 : i32
      %get3A_817 = arith.index_cast %add3A_816 : i32 to index
      %get3A_818 = tpu.vector_load %arg8[%get3A_817] {strides = array<i32>} : memref<32768xf32, #tpu.memory_space<vmem>>, vector<16xf32>,
      %get3A_819 = vector.shape_cast %get3A_818 : vector<16xf32> to vector<16xf32>
      %add3A_820 = arith.addf %get3A_819, %get3A_284 : vector<16xf32>
      %swap3A_821 = arith.index_cast %add3A_816 : i32 to index
      %swap3A_822 = tpu.vector_load %arg8[%swap3A_821] {strides = array<i32>} : memref<32768xf32, #tpu.memory_space<vmem>>, vector<16xf32>,
      %swap3A_823 = vector.shape_cast %swap3A_822 : vector<16xf32> to vector<16xf32>
      %swap3A_824 = vector.shape_cast %add3A_820 : vector<16xf32> to vector<16xf32>
      tpu.vector_store %arg8[%swap3A_821], %swap3A_824 {strides = array<i32>} : memref<32768xf32, #tpu.memory_space<vmem>>, vector<16xf32>,
    }
    %sub3A_294 = arith.subi %squeeze3A_17, %add3A_40 : i32
    %jit3A_295 = arith.constant 0 : i32
    %jit3A_296 = arith.constant 256 : i32
    %max3A_297 = arith.maxsi %jit3A_295, %sub3A_294 : i32
    %min3A_298 = arith.minsi %jit3A_296, %max3A_297 : i32
    %sub3A_299 = arith.subi %squeeze3A_19, %add3A_40 : i32
    %jit3A_300 = arith.constant 0 : i32
    %jit3A_301 = arith.constant 256 : i32
    %max3A_302 = arith.maxsi %jit3A_300, %sub3A_299 : i32
    %min3A_303 = arith.minsi %jit3A_301, %max3A_302 : i32
    %get3A_304 = arith.constant 768 : index
    %get3A_305 = tpu.vector_load %arg6[%get3A_304] {strides = array<i32>} : memref<2048xf32, #tpu.memory_space<vmem>>, vector<16xf32>,
    %get3A_306 = vector.shape_cast %get3A_305 : vector<16xf32> to vector<16xf32>
    %get3A_307 = arith.constant 784 : index
    %get3A_308 = tpu.vector_load %arg6[%get3A_307] {strides = array<i32>} : memref<2048xf32, #tpu.memory_space<vmem>>, vector<16xf32>,
    %get3A_309 = vector.shape_cast %get3A_308 : vector<16xf32> to vector<16xf32>
    %get3A_310 = arith.constant 800 : index
    %get3A_311 = tpu.vector_load %arg6[%get3A_310] {strides = array<i32>} : memref<2048xf32, #tpu.memory_space<vmem>>, vector<16xf32>,
    %get3A_312 = vector.shape_cast %get3A_311 : vector<16xf32> to vector<16xf32>
    %get3A_313 = arith.constant 816 : index
    %get3A_314 = tpu.vector_load %arg6[%get3A_313] {strides = array<i32>} : memref<2048xf32, #tpu.memory_space<vmem>>, vector<16xf32>,
    %get3A_315 = vector.shape_cast %get3A_314 : vector<16xf32> to vector<16xf32>
    %get3A_316 = arith.constant 832 : index
    %get3A_317 = tpu.vector_load %arg6[%get3A_316] {strides = array<i32>} : memref<2048xf32, #tpu.memory_space<vmem>>, vector<16xf32>,
    %get3A_318 = vector.shape_cast %get3A_317 : vector<16xf32> to vector<16xf32>
    %get3A_319 = arith.constant 848 : index
    %get3A_320 = tpu.vector_load %arg6[%get3A_319] {strides = array<i32>} : memref<2048xf32, #tpu.memory_space<vmem>>, vector<16xf32>,
    %get3A_321 = vector.shape_cast %get3A_320 : vector<16xf32> to vector<16xf32>
    %get3A_322 = arith.constant 864 : index
    %get3A_323 = tpu.vector_load %arg6[%get3A_322] {strides = array<i32>} : memref<2048xf32, #tpu.memory_space<vmem>>, vector<16xf32>,
    %get3A_324 = vector.shape_cast %get3A_323 : vector<16xf32> to vector<16xf32>
    %get3A_325 = arith.constant 880 : index
    %get3A_326 = tpu.vector_load %arg6[%get3A_325] {strides = array<i32>} : memref<2048xf32, #tpu.memory_space<vmem>>, vector<16xf32>,
    %get3A_327 = vector.shape_cast %get3A_326 : vector<16xf32> to vector<16xf32>
    %while3A_328 = arith.constant 0 : i32
    %while3A_329 = arith.subi %min3A_303, %min3A_298 : i32
    %while3A_330 = arith.addi %min3A_298, %while3A_329 : i32
    %while3A_331 = arith.constant 1 : i32
    %while3A_332 = arith.divsi %while3A_329, %while3A_331 : i32
    %while3A_333 = arith.muli %while3A_332, %while3A_331 : i32
    %while3A_334 = arith.addi %min3A_298, %while3A_333 : i32
    %while3A_335 = arith.constant 1 : i32
    scf.for %while3A_729 = %min3A_298 to %while3A_334 step %while3A_335  : i32 {
      %mul3A_730 = arith.constant 128 : i32
      %mul3A_731 = arith.muli %while3A_729, %mul3A_730 : i32
      %add3A_732 = arith.constant 0 : i32
      %add3A_733 = arith.addi %mul3A_731, %add3A_732 : i32
      %get3A_734 = arith.index_cast %add3A_733 : i32 to index
      %get3A_735 = tpu.vector_load %arg8[%get3A_734] {strides = array<i32>} : memref<32768xf32, #tpu.memory_space<vmem>>, vector<16xf32>,
      %get3A_736 = vector.shape_cast %get3A_735 : vector<16xf32> to vector<16xf32>
      %add3A_737 = arith.addf %get3A_736, %get3A_306 : vector<16xf32>
      %swap3A = arith.index_cast %add3A_733 : i32 to index
      %swap3A_738 = tpu.vector_load %arg8[%swap3A] {strides = array<i32>} : memref<32768xf32, #tpu.memory_space<vmem>>, vector<16xf32>,
      %swap3A_739 = vector.shape_cast %swap3A_738 : vector<16xf32> to vector<16xf32>
      %swap3A_740 = vector.shape_cast %add3A_737 : vector<16xf32> to vector<16xf32>
      tpu.vector_store %arg8[%swap3A], %swap3A_740 {strides = array<i32>} : memref<32768xf32, #tpu.memory_space<vmem>>, vector<16xf32>,
      %mul3A_741 = arith.constant 128 : i32
      %mul3A_742 = arith.muli %while3A_729, %mul3A_741 : i32
      %add3A_743 = arith.constant 16 : i32
      %add3A_744 = arith.addi %mul3A_742, %add3A_743 : i32
      %get3A_745 = arith.index_cast %add3A_744 : i32 to index
      %get3A_746 = tpu.vector_load %arg8[%get3A_745] {strides = array<i32>} : memref<32768xf32, #tpu.memory_space<vmem>>, vector<16xf32>,
      %get3A_747 = vector.shape_cast %get3A_746 : vector<16xf32> to vector<16xf32>
      %add3A_748 = arith.addf %get3A_747, %get3A_309 : vector<16xf32>
      %swap3A_749 = arith.index_cast %add3A_744 : i32 to index
      %swap3A_750 = tpu.vector_load %arg8[%swap3A_749] {strides = array<i32>} : memref<32768xf32, #tpu.memory_space<vmem>>, vector<16xf32>,
      %swap3A_751 = vector.shape_cast %swap3A_750 : vector<16xf32> to vector<16xf32>
      %swap3A_752 = vector.shape_cast %add3A_748 : vector<16xf32> to vector<16xf32>
      tpu.vector_store %arg8[%swap3A_749], %swap3A_752 {strides = array<i32>} : memref<32768xf32, #tpu.memory_space<vmem>>, vector<16xf32>,
      %mul3A_753 = arith.constant 128 : i32
      %mul3A_754 = arith.muli %while3A_729, %mul3A_753 : i32
      %add3A_755 = arith.constant 32 : i32
      %add3A_756 = arith.addi %mul3A_754, %add3A_755 : i32
      %get3A_757 = arith.index_cast %add3A_756 : i32 to index
      %get3A_758 = tpu.vector_load %arg8[%get3A_757] {strides = array<i32>} : memref<32768xf32, #tpu.memory_space<vmem>>, vector<16xf32>,
      %get3A_759 = vector.shape_cast %get3A_758 : vector<16xf32> to vector<16xf32>
      %add3A_760 = arith.addf %get3A_759, %get3A_312 : vector<16xf32>
      %swap3A_761 = arith.index_cast %add3A_756 : i32 to index
      %swap3A_762 = tpu.vector_load %arg8[%swap3A_761] {strides = array<i32>} : memref<32768xf32, #tpu.memory_space<vmem>>, vector<16xf32>,
      %swap3A_763 = vector.shape_cast %swap3A_762 : vector<16xf32> to vector<16xf32>
      %swap3A_764 = vector.shape_cast %add3A_760 : vector<16xf32> to vector<16xf32>
      tpu.vector_store %arg8[%swap3A_761], %swap3A_764 {strides = array<i32>} : memref<32768xf32, #tpu.memory_space<vmem>>, vector<16xf32>,
      %mul3A_765 = arith.constant 128 : i32
      %mul3A_766 = arith.muli %while3A_729, %mul3A_765 : i32
      %add3A_767 = arith.constant 48 : i32
      %add3A_768 = arith.addi %mul3A_766, %add3A_767 : i32
      %get3A_769 = arith.index_cast %add3A_768 : i32 to index
      %get3A_770 = tpu.vector_load %arg8[%get3A_769] {strides = array<i32>} : memref<32768xf32, #tpu.memory_space<vmem>>, vector<16xf32>,
      %get3A_771 = vector.shape_cast %get3A_770 : vector<16xf32> to vector<16xf32>
      %add3A_772 = arith.addf %get3A_771, %get3A_315 : vector<16xf32>
      %swap3A_773 = arith.index_cast %add3A_768 : i32 to index
      %swap3A_774 = tpu.vector_load %arg8[%swap3A_773] {strides = array<i32>} : memref<32768xf32, #tpu.memory_space<vmem>>, vector<16xf32>,
      %swap3A_775 = vector.shape_cast %swap3A_774 : vector<16xf32> to vector<16xf32>
      %swap3A_776 = vector.shape_cast %add3A_772 : vector<16xf32> to vector<16xf32>
      tpu.vector_store %arg8[%swap3A_773], %swap3A_776 {strides = array<i32>} : memref<32768xf32, #tpu.memory_space<vmem>>, vector<16xf32>,
      %mul3A_777 = arith.constant 128 : i32
      %mul3A_778 = arith.muli %while3A_729, %mul3A_777 : i32
      %add3A_779 = arith.constant 64 : i32
      %add3A_780 = arith.addi %mul3A_778, %add3A_779 : i32
      %get3A_781 = arith.index_cast %add3A_780 : i32 to index
      %get3A_782 = tpu.vector_load %arg8[%get3A_781] {strides = array<i32>} : memref<32768xf32, #tpu.memory_space<vmem>>, vector<16xf32>,
      %get3A_783 = vector.shape_cast %get3A_782 : vector<16xf32> to vector<16xf32>
      %add3A_784 = arith.addf %get3A_783, %get3A_318 : vector<16xf32>
      %swap3A_785 = arith.index_cast %add3A_780 : i32 to index
      %swap3A_786 = tpu.vector_load %arg8[%swap3A_785] {strides = array<i32>} : memref<32768xf32, #tpu.memory_space<vmem>>, vector<16xf32>,
      %swap3A_787 = vector.shape_cast %swap3A_786 : vector<16xf32> to vector<16xf32>
      %swap3A_788 = vector.shape_cast %add3A_784 : vector<16xf32> to vector<16xf32>
      tpu.vector_store %arg8[%swap3A_785], %swap3A_788 {strides = array<i32>} : memref<32768xf32, #tpu.memory_space<vmem>>, vector<16xf32>,
      %mul3A_789 = arith.constant 128 : i32
      %mul3A_790 = arith.muli %while3A_729, %mul3A_789 : i32
      %add3A_791 = arith.constant 80 : i32
      %add3A_792 = arith.addi %mul3A_790, %add3A_791 : i32
      %get3A_793 = arith.index_cast %add3A_792 : i32 to index
      %get3A_794 = tpu.vector_load %arg8[%get3A_793] {strides = array<i32>} : memref<32768xf32, #tpu.memory_space<vmem>>, vector<16xf32>,
      %get3A_795 = vector.shape_cast %get3A_794 : vector<16xf32> to vector<16xf32>
      %add3A_796 = arith.addf %get3A_795, %get3A_321 : vector<16xf32>
      %swap3A_797 = arith.index_cast %add3A_792 : i32 to index
      %swap3A_798 = tpu.vector_load %arg8[%swap3A_797] {strides = array<i32>} : memref<32768xf32, #tpu.memory_space<vmem>>, vector<16xf32>,
      %swap3A_799 = vector.shape_cast %swap3A_798 : vector<16xf32> to vector<16xf32>
      %swap3A_800 = vector.shape_cast %add3A_796 : vector<16xf32> to vector<16xf32>
      tpu.vector_store %arg8[%swap3A_797], %swap3A_800 {strides = array<i32>} : memref<32768xf32, #tpu.memory_space<vmem>>, vector<16xf32>,
      %mul3A_801 = arith.constant 128 : i32
      %mul3A_802 = arith.muli %while3A_729, %mul3A_801 : i32
      %add3A_803 = arith.constant 96 : i32
      %add3A_804 = arith.addi %mul3A_802, %add3A_803 : i32
      %get3A_805 = arith.index_cast %add3A_804 : i32 to index
      %get3A_806 = tpu.vector_load %arg8[%get3A_805] {strides = array<i32>} : memref<32768xf32, #tpu.memory_space<vmem>>, vector<16xf32>,
      %get3A_807 = vector.shape_cast %get3A_806 : vector<16xf32> to vector<16xf32>
      %add3A_808 = arith.addf %get3A_807, %get3A_324 : vector<16xf32>
      %swap3A_809 = arith.index_cast %add3A_804 : i32 to index
      %swap3A_810 = tpu.vector_load %arg8[%swap3A_809] {strides = array<i32>} : memref<32768xf32, #tpu.memory_space<vmem>>, vector<16xf32>,
      %swap3A_811 = vector.shape_cast %swap3A_810 : vector<16xf32> to vector<16xf32>
      %swap3A_812 = vector.shape_cast %add3A_808 : vector<16xf32> to vector<16xf32>
      tpu.vector_store %arg8[%swap3A_809], %swap3A_812 {strides = array<i32>} : memref<32768xf32, #tpu.memory_space<vmem>>, vector<16xf32>,
      %mul3A_813 = arith.constant 128 : i32
      %mul3A_814 = arith.muli %while3A_729, %mul3A_813 : i32
      %add3A_815 = arith.constant 112 : i32
      %add3A_816 = arith.addi %mul3A_814, %add3A_815 : i32
      %get3A_817 = arith.index_cast %add3A_816 : i32 to index
      %get3A_818 = tpu.vector_load %arg8[%get3A_817] {strides = array<i32>} : memref<32768xf32, #tpu.memory_space<vmem>>, vector<16xf32>,
      %get3A_819 = vector.shape_cast %get3A_818 : vector<16xf32> to vector<16xf32>
      %add3A_820 = arith.addf %get3A_819, %get3A_327 : vector<16xf32>
      %swap3A_821 = arith.index_cast %add3A_816 : i32 to index
      %swap3A_822 = tpu.vector_load %arg8[%swap3A_821] {strides = array<i32>} : memref<32768xf32, #tpu.memory_space<vmem>>, vector<16xf32>,
      %swap3A_823 = vector.shape_cast %swap3A_822 : vector<16xf32> to vector<16xf32>
      %swap3A_824 = vector.shape_cast %add3A_820 : vector<16xf32> to vector<16xf32>
      tpu.vector_store %arg8[%swap3A_821], %swap3A_824 {strides = array<i32>} : memref<32768xf32, #tpu.memory_space<vmem>>, vector<16xf32>,
    }
    %while3A_336 = arith.constant 1 : i32
    scf.for %while3A_729 = %while3A_334 to %while3A_330 step %while3A_336  : i32 {
      %mul3A_730 = arith.constant 128 : i32
      %mul3A_731 = arith.muli %while3A_729, %mul3A_730 : i32
      %add3A_732 = arith.constant 0 : i32
      %add3A_733 = arith.addi %mul3A_731, %add3A_732 : i32
      %get3A_734 = arith.index_cast %add3A_733 : i32 to index
      %get3A_735 = tpu.vector_load %arg8[%get3A_734] {strides = array<i32>} : memref<32768xf32, #tpu.memory_space<vmem>>, vector<16xf32>,
      %get3A_736 = vector.shape_cast %get3A_735 : vector<16xf32> to vector<16xf32>
      %add3A_737 = arith.addf %get3A_736, %get3A_306 : vector<16xf32>
      %swap3A = arith.index_cast %add3A_733 : i32 to index
      %swap3A_738 = tpu.vector_load %arg8[%swap3A] {strides = array<i32>} : memref<32768xf32, #tpu.memory_space<vmem>>, vector<16xf32>,
      %swap3A_739 = vector.shape_cast %swap3A_738 : vector<16xf32> to vector<16xf32>
      %swap3A_740 = vector.shape_cast %add3A_737 : vector<16xf32> to vector<16xf32>
      tpu.vector_store %arg8[%swap3A], %swap3A_740 {strides = array<i32>} : memref<32768xf32, #tpu.memory_space<vmem>>, vector<16xf32>,
      %mul3A_741 = arith.constant 128 : i32
      %mul3A_742 = arith.muli %while3A_729, %mul3A_741 : i32
      %add3A_743 = arith.constant 16 : i32
      %add3A_744 = arith.addi %mul3A_742, %add3A_743 : i32
      %get3A_745 = arith.index_cast %add3A_744 : i32 to index
      %get3A_746 = tpu.vector_load %arg8[%get3A_745] {strides = array<i32>} : memref<32768xf32, #tpu.memory_space<vmem>>, vector<16xf32>,
      %get3A_747 = vector.shape_cast %get3A_746 : vector<16xf32> to vector<16xf32>
      %add3A_748 = arith.addf %get3A_747, %get3A_309 : vector<16xf32>
      %swap3A_749 = arith.index_cast %add3A_744 : i32 to index
      %swap3A_750 = tpu.vector_load %arg8[%swap3A_749] {strides = array<i32>} : memref<32768xf32, #tpu.memory_space<vmem>>, vector<16xf32>,
      %swap3A_751 = vector.shape_cast %swap3A_750 : vector<16xf32> to vector<16xf32>
      %swap3A_752 = vector.shape_cast %add3A_748 : vector<16xf32> to vector<16xf32>
      tpu.vector_store %arg8[%swap3A_749], %swap3A_752 {strides = array<i32>} : memref<32768xf32, #tpu.memory_space<vmem>>, vector<16xf32>,
      %mul3A_753 = arith.constant 128 : i32
      %mul3A_754 = arith.muli %while3A_729, %mul3A_753 : i32
      %add3A_755 = arith.constant 32 : i32
      %add3A_756 = arith.addi %mul3A_754, %add3A_755 : i32
      %get3A_757 = arith.index_cast %add3A_756 : i32 to index
      %get3A_758 = tpu.vector_load %arg8[%get3A_757] {strides = array<i32>} : memref<32768xf32, #tpu.memory_space<vmem>>, vector<16xf32>,
      %get3A_759 = vector.shape_cast %get3A_758 : vector<16xf32> to vector<16xf32>
      %add3A_760 = arith.addf %get3A_759, %get3A_312 : vector<16xf32>
      %swap3A_761 = arith.index_cast %add3A_756 : i32 to index
      %swap3A_762 = tpu.vector_load %arg8[%swap3A_761] {strides = array<i32>} : memref<32768xf32, #tpu.memory_space<vmem>>, vector<16xf32>,
      %swap3A_763 = vector.shape_cast %swap3A_762 : vector<16xf32> to vector<16xf32>
      %swap3A_764 = vector.shape_cast %add3A_760 : vector<16xf32> to vector<16xf32>
      tpu.vector_store %arg8[%swap3A_761], %swap3A_764 {strides = array<i32>} : memref<32768xf32, #tpu.memory_space<vmem>>, vector<16xf32>,
      %mul3A_765 = arith.constant 128 : i32
      %mul3A_766 = arith.muli %while3A_729, %mul3A_765 : i32
      %add3A_767 = arith.constant 48 : i32
      %add3A_768 = arith.addi %mul3A_766, %add3A_767 : i32
      %get3A_769 = arith.index_cast %add3A_768 : i32 to index
      %get3A_770 = tpu.vector_load %arg8[%get3A_769] {strides = array<i32>} : memref<32768xf32, #tpu.memory_space<vmem>>, vector<16xf32>,
      %get3A_771 = vector.shape_cast %get3A_770 : vector<16xf32> to vector<16xf32>
      %add3A_772 = arith.addf %get3A_771, %get3A_315 : vector<16xf32>
      %swap3A_773 = arith.index_cast %add3A_768 : i32 to index
      %swap3A_774 = tpu.vector_load %arg8[%swap3A_773] {strides = array<i32>} : memref<32768xf32, #tpu.memory_space<vmem>>, vector<16xf32>,
      %swap3A_775 = vector.shape_cast %swap3A_774 : vector<16xf32> to vector<16xf32>
      %swap3A_776 = vector.shape_cast %add3A_772 : vector<16xf32> to vector<16xf32>
      tpu.vector_store %arg8[%swap3A_773], %swap3A_776 {strides = array<i32>} : memref<32768xf32, #tpu.memory_space<vmem>>, vector<16xf32>,
      %mul3A_777 = arith.constant 128 : i32
      %mul3A_778 = arith.muli %while3A_729, %mul3A_777 : i32
      %add3A_779 = arith.constant 64 : i32
      %add3A_780 = arith.addi %mul3A_778, %add3A_779 : i32
      %get3A_781 = arith.index_cast %add3A_780 : i32 to index
      %get3A_782 = tpu.vector_load %arg8[%get3A_781] {strides = array<i32>} : memref<32768xf32, #tpu.memory_space<vmem>>, vector<16xf32>,
      %get3A_783 = vector.shape_cast %get3A_782 : vector<16xf32> to vector<16xf32>
      %add3A_784 = arith.addf %get3A_783, %get3A_318 : vector<16xf32>
      %swap3A_785 = arith.index_cast %add3A_780 : i32 to index
      %swap3A_786 = tpu.vector_load %arg8[%swap3A_785] {strides = array<i32>} : memref<32768xf32, #tpu.memory_space<vmem>>, vector<16xf32>,
      %swap3A_787 = vector.shape_cast %swap3A_786 : vector<16xf32> to vector<16xf32>
      %swap3A_788 = vector.shape_cast %add3A_784 : vector<16xf32> to vector<16xf32>
      tpu.vector_store %arg8[%swap3A_785], %swap3A_788 {strides = array<i32>} : memref<32768xf32, #tpu.memory_space<vmem>>, vector<16xf32>,
      %mul3A_789 = arith.constant 128 : i32
      %mul3A_790 = arith.muli %while3A_729, %mul3A_789 : i32
      %add3A_791 = arith.constant 80 : i32
      %add3A_792 = arith.addi %mul3A_790, %add3A_791 : i32
      %get3A_793 = arith.index_cast %add3A_792 : i32 to index
      %get3A_794 = tpu.vector_load %arg8[%get3A_793] {strides = array<i32>} : memref<32768xf32, #tpu.memory_space<vmem>>, vector<16xf32>,
      %get3A_795 = vector.shape_cast %get3A_794 : vector<16xf32> to vector<16xf32>
      %add3A_796 = arith.addf %get3A_795, %get3A_321 : vector<16xf32>
      %swap3A_797 = arith.index_cast %add3A_792 : i32 to index
      %swap3A_798 = tpu.vector_load %arg8[%swap3A_797] {strides = array<i32>} : memref<32768xf32, #tpu.memory_space<vmem>>, vector<16xf32>,
      %swap3A_799 = vector.shape_cast %swap3A_798 : vector<16xf32> to vector<16xf32>
      %swap3A_800 = vector.shape_cast %add3A_796 : vector<16xf32> to vector<16xf32>
      tpu.vector_store %arg8[%swap3A_797], %swap3A_800 {strides = array<i32>} : memref<32768xf32, #tpu.memory_space<vmem>>, vector<16xf32>,
      %mul3A_801 = arith.constant 128 : i32
      %mul3A_802 = arith.muli %while3A_729, %mul3A_801 : i32
      %add3A_803 = arith.constant 96 : i32
      %add3A_804 = arith.addi %mul3A_802, %add3A_803 : i32
      %get3A_805 = arith.index_cast %add3A_804 : i32 to index
      %get3A_806 = tpu.vector_load %arg8[%get3A_805] {strides = array<i32>} : memref<32768xf32, #tpu.memory_space<vmem>>, vector<16xf32>,
      %get3A_807 = vector.shape_cast %get3A_806 : vector<16xf32> to vector<16xf32>
      %add3A_808 = arith.addf %get3A_807, %get3A_324 : vector<16xf32>
      %swap3A_809 = arith.index_cast %add3A_804 : i32 to index
      %swap3A_810 = tpu.vector_load %arg8[%swap3A_809] {strides = array<i32>} : memref<32768xf32, #tpu.memory_space<vmem>>, vector<16xf32>,
      %swap3A_811 = vector.shape_cast %swap3A_810 : vector<16xf32> to vector<16xf32>
      %swap3A_812 = vector.shape_cast %add3A_808 : vector<16xf32> to vector<16xf32>
      tpu.vector_store %arg8[%swap3A_809], %swap3A_812 {strides = array<i32>} : memref<32768xf32, #tpu.memory_space<vmem>>, vector<16xf32>,
      %mul3A_813 = arith.constant 128 : i32
      %mul3A_814 = arith.muli %while3A_729, %mul3A_813 : i32
      %add3A_815 = arith.constant 112 : i32
      %add3A_816 = arith.addi %mul3A_814, %add3A_815 : i32
      %get3A_817 = arith.index_cast %add3A_816 : i32 to index
      %get3A_818 = tpu.vector_load %arg8[%get3A_817] {strides = array<i32>} : memref<32768xf32, #tpu.memory_space<vmem>>, vector<16xf32>,
      %get3A_819 = vector.shape_cast %get3A_818 : vector<16xf32> to vector<16xf32>
      %add3A_820 = arith.addf %get3A_819, %get3A_327 : vector<16xf32>
      %swap3A_821 = arith.index_cast %add3A_816 : i32 to index
      %swap3A_822 = tpu.vector_load %arg8[%swap3A_821] {strides = array<i32>} : memref<32768xf32, #tpu.memory_space<vmem>>, vector<16xf32>,
      %swap3A_823 = vector.shape_cast %swap3A_822 : vector<16xf32> to vector<16xf32>
      %swap3A_824 = vector.shape_cast %add3A_820 : vector<16xf32> to vector<16xf32>
      tpu.vector_store %arg8[%swap3A_821], %swap3A_824 {strides = array<i32>} : memref<32768xf32, #tpu.memory_space<vmem>>, vector<16xf32>,
    }
    %sub3A_337 = arith.subi %squeeze3A_19, %add3A_40 : i32
    %jit3A_338 = arith.constant 0 : i32
    %jit3A_339 = arith.constant 256 : i32
    %max3A_340 = arith.maxsi %jit3A_338, %sub3A_337 : i32
    %min3A_341 = arith.minsi %jit3A_339, %max3A_340 : i32
    %sub3A_342 = arith.subi %squeeze3A_21, %add3A_40 : i32
    %jit3A_343 = arith.constant 0 : i32
    %jit3A_344 = arith.constant 256 : i32
    %max3A_345 = arith.maxsi %jit3A_343, %sub3A_342 : i32
    %min3A_346 = arith.minsi %jit3A_344, %max3A_345 : i32
    %get3A_347 = arith.constant 896 : index
    %get3A_348 = tpu.vector_load %arg6[%get3A_347] {strides = array<i32>} : memref<2048xf32, #tpu.memory_space<vmem>>, vector<16xf32>,
    %get3A_349 = vector.shape_cast %get3A_348 : vector<16xf32> to vector<16xf32>
    %get3A_350 = arith.constant 912 : index
    %get3A_351 = tpu.vector_load %arg6[%get3A_350] {strides = array<i32>} : memref<2048xf32, #tpu.memory_space<vmem>>, vector<16xf32>,
    %get3A_352 = vector.shape_cast %get3A_351 : vector<16xf32> to vector<16xf32>
    %get3A_353 = arith.constant 928 : index
    %get3A_354 = tpu.vector_load %arg6[%get3A_353] {strides = array<i32>} : memref<2048xf32, #tpu.memory_space<vmem>>, vector<16xf32>,
    %get3A_355 = vector.shape_cast %get3A_354 : vector<16xf32> to vector<16xf32>
    %get3A_356 = arith.constant 944 : index
    %get3A_357 = tpu.vector_load %arg6[%get3A_356] {strides = array<i32>} : memref<2048xf32, #tpu.memory_space<vmem>>, vector<16xf32>,
    %get3A_358 = vector.shape_cast %get3A_357 : vector<16xf32> to vector<16xf32>
    %get3A_359 = arith.constant 960 : index
    %get3A_360 = tpu.vector_load %arg6[%get3A_359] {strides = array<i32>} : memref<2048xf32, #tpu.memory_space<vmem>>, vector<16xf32>,
    %get3A_361 = vector.shape_cast %get3A_360 : vector<16xf32> to vector<16xf32>
    %get3A_362 = arith.constant 976 : index
    %get3A_363 = tpu.vector_load %arg6[%get3A_362] {strides = array<i32>} : memref<2048xf32, #tpu.memory_space<vmem>>, vector<16xf32>,
    %get3A_364 = vector.shape_cast %get3A_363 : vector<16xf32> to vector<16xf32>
    %get3A_365 = arith.constant 992 : index
    %get3A_366 = tpu.vector_load %arg6[%get3A_365] {strides = array<i32>} : memref<2048xf32, #tpu.memory_space<vmem>>, vector<16xf32>,
    %get3A_367 = vector.shape_cast %get3A_366 : vector<16xf32> to vector<16xf32>
    %get3A_368 = arith.constant 1008 : index
    %get3A_369 = tpu.vector_load %arg6[%get3A_368] {strides = array<i32>} : memref<2048xf32, #tpu.memory_space<vmem>>, vector<16xf32>,
    %get3A_370 = vector.shape_cast %get3A_369 : vector<16xf32> to vector<16xf32>
    %while3A_371 = arith.constant 0 : i32
    %while3A_372 = arith.subi %min3A_346, %min3A_341 : i32
    %while3A_373 = arith.addi %min3A_341, %while3A_372 : i32
    %while3A_374 = arith.constant 1 : i32
    %while3A_375 = arith.divsi %while3A_372, %while3A_374 : i32
    %while3A_376 = arith.muli %while3A_375, %while3A_374 : i32
    %while3A_377 = arith.addi %min3A_341, %while3A_376 : i32
    %while3A_378 = arith.constant 1 : i32
    scf.for %while3A_729 = %min3A_341 to %while3A_377 step %while3A_378  : i32 {
      %mul3A_730 = arith.constant 128 : i32
      %mul3A_731 = arith.muli %while3A_729, %mul3A_730 : i32
      %add3A_732 = arith.constant 0 : i32
      %add3A_733 = arith.addi %mul3A_731, %add3A_732 : i32
      %get3A_734 = arith.index_cast %add3A_733 : i32 to index
      %get3A_735 = tpu.vector_load %arg8[%get3A_734] {strides = array<i32>} : memref<32768xf32, #tpu.memory_space<vmem>>, vector<16xf32>,
      %get3A_736 = vector.shape_cast %get3A_735 : vector<16xf32> to vector<16xf32>
      %add3A_737 = arith.addf %get3A_736, %get3A_349 : vector<16xf32>
      %swap3A = arith.index_cast %add3A_733 : i32 to index
      %swap3A_738 = tpu.vector_load %arg8[%swap3A] {strides = array<i32>} : memref<32768xf32, #tpu.memory_space<vmem>>, vector<16xf32>,
      %swap3A_739 = vector.shape_cast %swap3A_738 : vector<16xf32> to vector<16xf32>
      %swap3A_740 = vector.shape_cast %add3A_737 : vector<16xf32> to vector<16xf32>
      tpu.vector_store %arg8[%swap3A], %swap3A_740 {strides = array<i32>} : memref<32768xf32, #tpu.memory_space<vmem>>, vector<16xf32>,
      %mul3A_741 = arith.constant 128 : i32
      %mul3A_742 = arith.muli %while3A_729, %mul3A_741 : i32
      %add3A_743 = arith.constant 16 : i32
      %add3A_744 = arith.addi %mul3A_742, %add3A_743 : i32
      %get3A_745 = arith.index_cast %add3A_744 : i32 to index
      %get3A_746 = tpu.vector_load %arg8[%get3A_745] {strides = array<i32>} : memref<32768xf32, #tpu.memory_space<vmem>>, vector<16xf32>,
      %get3A_747 = vector.shape_cast %get3A_746 : vector<16xf32> to vector<16xf32>
      %add3A_748 = arith.addf %get3A_747, %get3A_352 : vector<16xf32>
      %swap3A_749 = arith.index_cast %add3A_744 : i32 to index
      %swap3A_750 = tpu.vector_load %arg8[%swap3A_749] {strides = array<i32>} : memref<32768xf32, #tpu.memory_space<vmem>>, vector<16xf32>,
      %swap3A_751 = vector.shape_cast %swap3A_750 : vector<16xf32> to vector<16xf32>
      %swap3A_752 = vector.shape_cast %add3A_748 : vector<16xf32> to vector<16xf32>
      tpu.vector_store %arg8[%swap3A_749], %swap3A_752 {strides = array<i32>} : memref<32768xf32, #tpu.memory_space<vmem>>, vector<16xf32>,
      %mul3A_753 = arith.constant 128 : i32
      %mul3A_754 = arith.muli %while3A_729, %mul3A_753 : i32
      %add3A_755 = arith.constant 32 : i32
      %add3A_756 = arith.addi %mul3A_754, %add3A_755 : i32
      %get3A_757 = arith.index_cast %add3A_756 : i32 to index
      %get3A_758 = tpu.vector_load %arg8[%get3A_757] {strides = array<i32>} : memref<32768xf32, #tpu.memory_space<vmem>>, vector<16xf32>,
      %get3A_759 = vector.shape_cast %get3A_758 : vector<16xf32> to vector<16xf32>
      %add3A_760 = arith.addf %get3A_759, %get3A_355 : vector<16xf32>
      %swap3A_761 = arith.index_cast %add3A_756 : i32 to index
      %swap3A_762 = tpu.vector_load %arg8[%swap3A_761] {strides = array<i32>} : memref<32768xf32, #tpu.memory_space<vmem>>, vector<16xf32>,
      %swap3A_763 = vector.shape_cast %swap3A_762 : vector<16xf32> to vector<16xf32>
      %swap3A_764 = vector.shape_cast %add3A_760 : vector<16xf32> to vector<16xf32>
      tpu.vector_store %arg8[%swap3A_761], %swap3A_764 {strides = array<i32>} : memref<32768xf32, #tpu.memory_space<vmem>>, vector<16xf32>,
      %mul3A_765 = arith.constant 128 : i32
      %mul3A_766 = arith.muli %while3A_729, %mul3A_765 : i32
      %add3A_767 = arith.constant 48 : i32
      %add3A_768 = arith.addi %mul3A_766, %add3A_767 : i32
      %get3A_769 = arith.index_cast %add3A_768 : i32 to index
      %get3A_770 = tpu.vector_load %arg8[%get3A_769] {strides = array<i32>} : memref<32768xf32, #tpu.memory_space<vmem>>, vector<16xf32>,
      %get3A_771 = vector.shape_cast %get3A_770 : vector<16xf32> to vector<16xf32>
      %add3A_772 = arith.addf %get3A_771, %get3A_358 : vector<16xf32>
      %swap3A_773 = arith.index_cast %add3A_768 : i32 to index
      %swap3A_774 = tpu.vector_load %arg8[%swap3A_773] {strides = array<i32>} : memref<32768xf32, #tpu.memory_space<vmem>>, vector<16xf32>,
      %swap3A_775 = vector.shape_cast %swap3A_774 : vector<16xf32> to vector<16xf32>
      %swap3A_776 = vector.shape_cast %add3A_772 : vector<16xf32> to vector<16xf32>
      tpu.vector_store %arg8[%swap3A_773], %swap3A_776 {strides = array<i32>} : memref<32768xf32, #tpu.memory_space<vmem>>, vector<16xf32>,
      %mul3A_777 = arith.constant 128 : i32
      %mul3A_778 = arith.muli %while3A_729, %mul3A_777 : i32
      %add3A_779 = arith.constant 64 : i32
      %add3A_780 = arith.addi %mul3A_778, %add3A_779 : i32
      %get3A_781 = arith.index_cast %add3A_780 : i32 to index
      %get3A_782 = tpu.vector_load %arg8[%get3A_781] {strides = array<i32>} : memref<32768xf32, #tpu.memory_space<vmem>>, vector<16xf32>,
      %get3A_783 = vector.shape_cast %get3A_782 : vector<16xf32> to vector<16xf32>
      %add3A_784 = arith.addf %get3A_783, %get3A_361 : vector<16xf32>
      %swap3A_785 = arith.index_cast %add3A_780 : i32 to index
      %swap3A_786 = tpu.vector_load %arg8[%swap3A_785] {strides = array<i32>} : memref<32768xf32, #tpu.memory_space<vmem>>, vector<16xf32>,
      %swap3A_787 = vector.shape_cast %swap3A_786 : vector<16xf32> to vector<16xf32>
      %swap3A_788 = vector.shape_cast %add3A_784 : vector<16xf32> to vector<16xf32>
      tpu.vector_store %arg8[%swap3A_785], %swap3A_788 {strides = array<i32>} : memref<32768xf32, #tpu.memory_space<vmem>>, vector<16xf32>,
      %mul3A_789 = arith.constant 128 : i32
      %mul3A_790 = arith.muli %while3A_729, %mul3A_789 : i32
      %add3A_791 = arith.constant 80 : i32
      %add3A_792 = arith.addi %mul3A_790, %add3A_791 : i32
      %get3A_793 = arith.index_cast %add3A_792 : i32 to index
      %get3A_794 = tpu.vector_load %arg8[%get3A_793] {strides = array<i32>} : memref<32768xf32, #tpu.memory_space<vmem>>, vector<16xf32>,
      %get3A_795 = vector.shape_cast %get3A_794 : vector<16xf32> to vector<16xf32>
      %add3A_796 = arith.addf %get3A_795, %get3A_364 : vector<16xf32>
      %swap3A_797 = arith.index_cast %add3A_792 : i32 to index
      %swap3A_798 = tpu.vector_load %arg8[%swap3A_797] {strides = array<i32>} : memref<32768xf32, #tpu.memory_space<vmem>>, vector<16xf32>,
      %swap3A_799 = vector.shape_cast %swap3A_798 : vector<16xf32> to vector<16xf32>
      %swap3A_800 = vector.shape_cast %add3A_796 : vector<16xf32> to vector<16xf32>
      tpu.vector_store %arg8[%swap3A_797], %swap3A_800 {strides = array<i32>} : memref<32768xf32, #tpu.memory_space<vmem>>, vector<16xf32>,
      %mul3A_801 = arith.constant 128 : i32
      %mul3A_802 = arith.muli %while3A_729, %mul3A_801 : i32
      %add3A_803 = arith.constant 96 : i32
      %add3A_804 = arith.addi %mul3A_802, %add3A_803 : i32
      %get3A_805 = arith.index_cast %add3A_804 : i32 to index
      %get3A_806 = tpu.vector_load %arg8[%get3A_805] {strides = array<i32>} : memref<32768xf32, #tpu.memory_space<vmem>>, vector<16xf32>,
      %get3A_807 = vector.shape_cast %get3A_806 : vector<16xf32> to vector<16xf32>
      %add3A_808 = arith.addf %get3A_807, %get3A_367 : vector<16xf32>
      %swap3A_809 = arith.index_cast %add3A_804 : i32 to index
      %swap3A_810 = tpu.vector_load %arg8[%swap3A_809] {strides = array<i32>} : memref<32768xf32, #tpu.memory_space<vmem>>, vector<16xf32>,
      %swap3A_811 = vector.shape_cast %swap3A_810 : vector<16xf32> to vector<16xf32>
      %swap3A_812 = vector.shape_cast %add3A_808 : vector<16xf32> to vector<16xf32>
      tpu.vector_store %arg8[%swap3A_809], %swap3A_812 {strides = array<i32>} : memref<32768xf32, #tpu.memory_space<vmem>>, vector<16xf32>,
      %mul3A_813 = arith.constant 128 : i32
      %mul3A_814 = arith.muli %while3A_729, %mul3A_813 : i32
      %add3A_815 = arith.constant 112 : i32
      %add3A_816 = arith.addi %mul3A_814, %add3A_815 : i32
      %get3A_817 = arith.index_cast %add3A_816 : i32 to index
      %get3A_818 = tpu.vector_load %arg8[%get3A_817] {strides = array<i32>} : memref<32768xf32, #tpu.memory_space<vmem>>, vector<16xf32>,
      %get3A_819 = vector.shape_cast %get3A_818 : vector<16xf32> to vector<16xf32>
      %add3A_820 = arith.addf %get3A_819, %get3A_370 : vector<16xf32>
      %swap3A_821 = arith.index_cast %add3A_816 : i32 to index
      %swap3A_822 = tpu.vector_load %arg8[%swap3A_821] {strides = array<i32>} : memref<32768xf32, #tpu.memory_space<vmem>>, vector<16xf32>,
      %swap3A_823 = vector.shape_cast %swap3A_822 : vector<16xf32> to vector<16xf32>
      %swap3A_824 = vector.shape_cast %add3A_820 : vector<16xf32> to vector<16xf32>
      tpu.vector_store %arg8[%swap3A_821], %swap3A_824 {strides = array<i32>} : memref<32768xf32, #tpu.memory_space<vmem>>, vector<16xf32>,
    }
    %while3A_379 = arith.constant 1 : i32
    scf.for %while3A_729 = %while3A_377 to %while3A_373 step %while3A_379  : i32 {
      %mul3A_730 = arith.constant 128 : i32
      %mul3A_731 = arith.muli %while3A_729, %mul3A_730 : i32
      %add3A_732 = arith.constant 0 : i32
      %add3A_733 = arith.addi %mul3A_731, %add3A_732 : i32
      %get3A_734 = arith.index_cast %add3A_733 : i32 to index
      %get3A_735 = tpu.vector_load %arg8[%get3A_734] {strides = array<i32>} : memref<32768xf32, #tpu.memory_space<vmem>>, vector<16xf32>,
      %get3A_736 = vector.shape_cast %get3A_735 : vector<16xf32> to vector<16xf32>
      %add3A_737 = arith.addf %get3A_736, %get3A_349 : vector<16xf32>
      %swap3A = arith.index_cast %add3A_733 : i32 to index
      %swap3A_738 = tpu.vector_load %arg8[%swap3A] {strides = array<i32>} : memref<32768xf32, #tpu.memory_space<vmem>>, vector<16xf32>,
      %swap3A_739 = vector.shape_cast %swap3A_738 : vector<16xf32> to vector<16xf32>
      %swap3A_740 = vector.shape_cast %add3A_737 : vector<16xf32> to vector<16xf32>
      tpu.vector_store %arg8[%swap3A], %swap3A_740 {strides = array<i32>} : memref<32768xf32, #tpu.memory_space<vmem>>, vector<16xf32>,
      %mul3A_741 = arith.constant 128 : i32
      %mul3A_742 = arith.muli %while3A_729, %mul3A_741 : i32
      %add3A_743 = arith.constant 16 : i32
      %add3A_744 = arith.addi %mul3A_742, %add3A_743 : i32
      %get3A_745 = arith.index_cast %add3A_744 : i32 to index
      %get3A_746 = tpu.vector_load %arg8[%get3A_745] {strides = array<i32>} : memref<32768xf32, #tpu.memory_space<vmem>>, vector<16xf32>,
      %get3A_747 = vector.shape_cast %get3A_746 : vector<16xf32> to vector<16xf32>
      %add3A_748 = arith.addf %get3A_747, %get3A_352 : vector<16xf32>
      %swap3A_749 = arith.index_cast %add3A_744 : i32 to index
      %swap3A_750 = tpu.vector_load %arg8[%swap3A_749] {strides = array<i32>} : memref<32768xf32, #tpu.memory_space<vmem>>, vector<16xf32>,
      %swap3A_751 = vector.shape_cast %swap3A_750 : vector<16xf32> to vector<16xf32>
      %swap3A_752 = vector.shape_cast %add3A_748 : vector<16xf32> to vector<16xf32>
      tpu.vector_store %arg8[%swap3A_749], %swap3A_752 {strides = array<i32>} : memref<32768xf32, #tpu.memory_space<vmem>>, vector<16xf32>,
      %mul3A_753 = arith.constant 128 : i32
      %mul3A_754 = arith.muli %while3A_729, %mul3A_753 : i32
      %add3A_755 = arith.constant 32 : i32
      %add3A_756 = arith.addi %mul3A_754, %add3A_755 : i32
      %get3A_757 = arith.index_cast %add3A_756 : i32 to index
      %get3A_758 = tpu.vector_load %arg8[%get3A_757] {strides = array<i32>} : memref<32768xf32, #tpu.memory_space<vmem>>, vector<16xf32>,
      %get3A_759 = vector.shape_cast %get3A_758 : vector<16xf32> to vector<16xf32>
      %add3A_760 = arith.addf %get3A_759, %get3A_355 : vector<16xf32>
      %swap3A_761 = arith.index_cast %add3A_756 : i32 to index
      %swap3A_762 = tpu.vector_load %arg8[%swap3A_761] {strides = array<i32>} : memref<32768xf32, #tpu.memory_space<vmem>>, vector<16xf32>,
      %swap3A_763 = vector.shape_cast %swap3A_762 : vector<16xf32> to vector<16xf32>
      %swap3A_764 = vector.shape_cast %add3A_760 : vector<16xf32> to vector<16xf32>
      tpu.vector_store %arg8[%swap3A_761], %swap3A_764 {strides = array<i32>} : memref<32768xf32, #tpu.memory_space<vmem>>, vector<16xf32>,
      %mul3A_765 = arith.constant 128 : i32
      %mul3A_766 = arith.muli %while3A_729, %mul3A_765 : i32
      %add3A_767 = arith.constant 48 : i32
      %add3A_768 = arith.addi %mul3A_766, %add3A_767 : i32
      %get3A_769 = arith.index_cast %add3A_768 : i32 to index
      %get3A_770 = tpu.vector_load %arg8[%get3A_769] {strides = array<i32>} : memref<32768xf32, #tpu.memory_space<vmem>>, vector<16xf32>,
      %get3A_771 = vector.shape_cast %get3A_770 : vector<16xf32> to vector<16xf32>
      %add3A_772 = arith.addf %get3A_771, %get3A_358 : vector<16xf32>
      %swap3A_773 = arith.index_cast %add3A_768 : i32 to index
      %swap3A_774 = tpu.vector_load %arg8[%swap3A_773] {strides = array<i32>} : memref<32768xf32, #tpu.memory_space<vmem>>, vector<16xf32>,
      %swap3A_775 = vector.shape_cast %swap3A_774 : vector<16xf32> to vector<16xf32>
      %swap3A_776 = vector.shape_cast %add3A_772 : vector<16xf32> to vector<16xf32>
      tpu.vector_store %arg8[%swap3A_773], %swap3A_776 {strides = array<i32>} : memref<32768xf32, #tpu.memory_space<vmem>>, vector<16xf32>,
      %mul3A_777 = arith.constant 128 : i32
      %mul3A_778 = arith.muli %while3A_729, %mul3A_777 : i32
      %add3A_779 = arith.constant 64 : i32
      %add3A_780 = arith.addi %mul3A_778, %add3A_779 : i32
      %get3A_781 = arith.index_cast %add3A_780 : i32 to index
      %get3A_782 = tpu.vector_load %arg8[%get3A_781] {strides = array<i32>} : memref<32768xf32, #tpu.memory_space<vmem>>, vector<16xf32>,
      %get3A_783 = vector.shape_cast %get3A_782 : vector<16xf32> to vector<16xf32>
      %add3A_784 = arith.addf %get3A_783, %get3A_361 : vector<16xf32>
      %swap3A_785 = arith.index_cast %add3A_780 : i32 to index
      %swap3A_786 = tpu.vector_load %arg8[%swap3A_785] {strides = array<i32>} : memref<32768xf32, #tpu.memory_space<vmem>>, vector<16xf32>,
      %swap3A_787 = vector.shape_cast %swap3A_786 : vector<16xf32> to vector<16xf32>
      %swap3A_788 = vector.shape_cast %add3A_784 : vector<16xf32> to vector<16xf32>
      tpu.vector_store %arg8[%swap3A_785], %swap3A_788 {strides = array<i32>} : memref<32768xf32, #tpu.memory_space<vmem>>, vector<16xf32>,
      %mul3A_789 = arith.constant 128 : i32
      %mul3A_790 = arith.muli %while3A_729, %mul3A_789 : i32
      %add3A_791 = arith.constant 80 : i32
      %add3A_792 = arith.addi %mul3A_790, %add3A_791 : i32
      %get3A_793 = arith.index_cast %add3A_792 : i32 to index
      %get3A_794 = tpu.vector_load %arg8[%get3A_793] {strides = array<i32>} : memref<32768xf32, #tpu.memory_space<vmem>>, vector<16xf32>,
      %get3A_795 = vector.shape_cast %get3A_794 : vector<16xf32> to vector<16xf32>
      %add3A_796 = arith.addf %get3A_795, %get3A_364 : vector<16xf32>
      %swap3A_797 = arith.index_cast %add3A_792 : i32 to index
      %swap3A_798 = tpu.vector_load %arg8[%swap3A_797] {strides = array<i32>} : memref<32768xf32, #tpu.memory_space<vmem>>, vector<16xf32>,
      %swap3A_799 = vector.shape_cast %swap3A_798 : vector<16xf32> to vector<16xf32>
      %swap3A_800 = vector.shape_cast %add3A_796 : vector<16xf32> to vector<16xf32>
      tpu.vector_store %arg8[%swap3A_797], %swap3A_800 {strides = array<i32>} : memref<32768xf32, #tpu.memory_space<vmem>>, vector<16xf32>,
      %mul3A_801 = arith.constant 128 : i32
      %mul3A_802 = arith.muli %while3A_729, %mul3A_801 : i32
      %add3A_803 = arith.constant 96 : i32
      %add3A_804 = arith.addi %mul3A_802, %add3A_803 : i32
      %get3A_805 = arith.index_cast %add3A_804 : i32 to index
      %get3A_806 = tpu.vector_load %arg8[%get3A_805] {strides = array<i32>} : memref<32768xf32, #tpu.memory_space<vmem>>, vector<16xf32>,
      %get3A_807 = vector.shape_cast %get3A_806 : vector<16xf32> to vector<16xf32>
      %add3A_808 = arith.addf %get3A_807, %get3A_367 : vector<16xf32>
      %swap3A_809 = arith.index_cast %add3A_804 : i32 to index
      %swap3A_810 = tpu.vector_load %arg8[%swap3A_809] {strides = array<i32>} : memref<32768xf32, #tpu.memory_space<vmem>>, vector<16xf32>,
      %swap3A_811 = vector.shape_cast %swap3A_810 : vector<16xf32> to vector<16xf32>
      %swap3A_812 = vector.shape_cast %add3A_808 : vector<16xf32> to vector<16xf32>
      tpu.vector_store %arg8[%swap3A_809], %swap3A_812 {strides = array<i32>} : memref<32768xf32, #tpu.memory_space<vmem>>, vector<16xf32>,
      %mul3A_813 = arith.constant 128 : i32
      %mul3A_814 = arith.muli %while3A_729, %mul3A_813 : i32
      %add3A_815 = arith.constant 112 : i32
      %add3A_816 = arith.addi %mul3A_814, %add3A_815 : i32
      %get3A_817 = arith.index_cast %add3A_816 : i32 to index
      %get3A_818 = tpu.vector_load %arg8[%get3A_817] {strides = array<i32>} : memref<32768xf32, #tpu.memory_space<vmem>>, vector<16xf32>,
      %get3A_819 = vector.shape_cast %get3A_818 : vector<16xf32> to vector<16xf32>
      %add3A_820 = arith.addf %get3A_819, %get3A_370 : vector<16xf32>
      %swap3A_821 = arith.index_cast %add3A_816 : i32 to index
      %swap3A_822 = tpu.vector_load %arg8[%swap3A_821] {strides = array<i32>} : memref<32768xf32, #tpu.memory_space<vmem>>, vector<16xf32>,
      %swap3A_823 = vector.shape_cast %swap3A_822 : vector<16xf32> to vector<16xf32>
      %swap3A_824 = vector.shape_cast %add3A_820 : vector<16xf32> to vector<16xf32>
      tpu.vector_store %arg8[%swap3A_821], %swap3A_824 {strides = array<i32>} : memref<32768xf32, #tpu.memory_space<vmem>>, vector<16xf32>,
    }
    %sub3A_380 = arith.subi %squeeze3A_21, %add3A_40 : i32
    %jit3A_381 = arith.constant 0 : i32
    %jit3A_382 = arith.constant 256 : i32
    %max3A_383 = arith.maxsi %jit3A_381, %sub3A_380 : i32
    %min3A_384 = arith.minsi %jit3A_382, %max3A_383 : i32
    %sub3A_385 = arith.subi %squeeze3A_23, %add3A_40 : i32
    %jit3A_386 = arith.constant 0 : i32
    %jit3A_387 = arith.constant 256 : i32
    %max3A_388 = arith.maxsi %jit3A_386, %sub3A_385 : i32
    %min3A_389 = arith.minsi %jit3A_387, %max3A_388 : i32
    %get3A_390 = arith.constant 1024 : index
    %get3A_391 = tpu.vector_load %arg6[%get3A_390] {strides = array<i32>} : memref<2048xf32, #tpu.memory_space<vmem>>, vector<16xf32>,
    %get3A_392 = vector.shape_cast %get3A_391 : vector<16xf32> to vector<16xf32>
    %get3A_393 = arith.constant 1040 : index
    %get3A_394 = tpu.vector_load %arg6[%get3A_393] {strides = array<i32>} : memref<2048xf32, #tpu.memory_space<vmem>>, vector<16xf32>,
    %get3A_395 = vector.shape_cast %get3A_394 : vector<16xf32> to vector<16xf32>
    %get3A_396 = arith.constant 1056 : index
    %get3A_397 = tpu.vector_load %arg6[%get3A_396] {strides = array<i32>} : memref<2048xf32, #tpu.memory_space<vmem>>, vector<16xf32>,
    %get3A_398 = vector.shape_cast %get3A_397 : vector<16xf32> to vector<16xf32>
    %get3A_399 = arith.constant 1072 : index
    %get3A_400 = tpu.vector_load %arg6[%get3A_399] {strides = array<i32>} : memref<2048xf32, #tpu.memory_space<vmem>>, vector<16xf32>,
    %get3A_401 = vector.shape_cast %get3A_400 : vector<16xf32> to vector<16xf32>
    %get3A_402 = arith.constant 1088 : index
    %get3A_403 = tpu.vector_load %arg6[%get3A_402] {strides = array<i32>} : memref<2048xf32, #tpu.memory_space<vmem>>, vector<16xf32>,
    %get3A_404 = vector.shape_cast %get3A_403 : vector<16xf32> to vector<16xf32>
    %get3A_405 = arith.constant 1104 : index
    %get3A_406 = tpu.vector_load %arg6[%get3A_405] {strides = array<i32>} : memref<2048xf32, #tpu.memory_space<vmem>>, vector<16xf32>,
    %get3A_407 = vector.shape_cast %get3A_406 : vector<16xf32> to vector<16xf32>
    %get3A_408 = arith.constant 1120 : index
    %get3A_409 = tpu.vector_load %arg6[%get3A_408] {strides = array<i32>} : memref<2048xf32, #tpu.memory_space<vmem>>, vector<16xf32>,
    %get3A_410 = vector.shape_cast %get3A_409 : vector<16xf32> to vector<16xf32>
    %get3A_411 = arith.constant 1136 : index
    %get3A_412 = tpu.vector_load %arg6[%get3A_411] {strides = array<i32>} : memref<2048xf32, #tpu.memory_space<vmem>>, vector<16xf32>,
    %get3A_413 = vector.shape_cast %get3A_412 : vector<16xf32> to vector<16xf32>
    %while3A_414 = arith.constant 0 : i32
    %while3A_415 = arith.subi %min3A_389, %min3A_384 : i32
    %while3A_416 = arith.addi %min3A_384, %while3A_415 : i32
    %while3A_417 = arith.constant 1 : i32
    %while3A_418 = arith.divsi %while3A_415, %while3A_417 : i32
    %while3A_419 = arith.muli %while3A_418, %while3A_417 : i32
    %while3A_420 = arith.addi %min3A_384, %while3A_419 : i32
    %while3A_421 = arith.constant 1 : i32
    scf.for %while3A_729 = %min3A_384 to %while3A_420 step %while3A_421  : i32 {
      %mul3A_730 = arith.constant 128 : i32
      %mul3A_731 = arith.muli %while3A_729, %mul3A_730 : i32
      %add3A_732 = arith.constant 0 : i32
      %add3A_733 = arith.addi %mul3A_731, %add3A_732 : i32
      %get3A_734 = arith.index_cast %add3A_733 : i32 to index
      %get3A_735 = tpu.vector_load %arg8[%get3A_734] {strides = array<i32>} : memref<32768xf32, #tpu.memory_space<vmem>>, vector<16xf32>,
      %get3A_736 = vector.shape_cast %get3A_735 : vector<16xf32> to vector<16xf32>
      %add3A_737 = arith.addf %get3A_736, %get3A_392 : vector<16xf32>
      %swap3A = arith.index_cast %add3A_733 : i32 to index
      %swap3A_738 = tpu.vector_load %arg8[%swap3A] {strides = array<i32>} : memref<32768xf32, #tpu.memory_space<vmem>>, vector<16xf32>,
      %swap3A_739 = vector.shape_cast %swap3A_738 : vector<16xf32> to vector<16xf32>
      %swap3A_740 = vector.shape_cast %add3A_737 : vector<16xf32> to vector<16xf32>
      tpu.vector_store %arg8[%swap3A], %swap3A_740 {strides = array<i32>} : memref<32768xf32, #tpu.memory_space<vmem>>, vector<16xf32>,
      %mul3A_741 = arith.constant 128 : i32
      %mul3A_742 = arith.muli %while3A_729, %mul3A_741 : i32
      %add3A_743 = arith.constant 16 : i32
      %add3A_744 = arith.addi %mul3A_742, %add3A_743 : i32
      %get3A_745 = arith.index_cast %add3A_744 : i32 to index
      %get3A_746 = tpu.vector_load %arg8[%get3A_745] {strides = array<i32>} : memref<32768xf32, #tpu.memory_space<vmem>>, vector<16xf32>,
      %get3A_747 = vector.shape_cast %get3A_746 : vector<16xf32> to vector<16xf32>
      %add3A_748 = arith.addf %get3A_747, %get3A_395 : vector<16xf32>
      %swap3A_749 = arith.index_cast %add3A_744 : i32 to index
      %swap3A_750 = tpu.vector_load %arg8[%swap3A_749] {strides = array<i32>} : memref<32768xf32, #tpu.memory_space<vmem>>, vector<16xf32>,
      %swap3A_751 = vector.shape_cast %swap3A_750 : vector<16xf32> to vector<16xf32>
      %swap3A_752 = vector.shape_cast %add3A_748 : vector<16xf32> to vector<16xf32>
      tpu.vector_store %arg8[%swap3A_749], %swap3A_752 {strides = array<i32>} : memref<32768xf32, #tpu.memory_space<vmem>>, vector<16xf32>,
      %mul3A_753 = arith.constant 128 : i32
      %mul3A_754 = arith.muli %while3A_729, %mul3A_753 : i32
      %add3A_755 = arith.constant 32 : i32
      %add3A_756 = arith.addi %mul3A_754, %add3A_755 : i32
      %get3A_757 = arith.index_cast %add3A_756 : i32 to index
      %get3A_758 = tpu.vector_load %arg8[%get3A_757] {strides = array<i32>} : memref<32768xf32, #tpu.memory_space<vmem>>, vector<16xf32>,
      %get3A_759 = vector.shape_cast %get3A_758 : vector<16xf32> to vector<16xf32>
      %add3A_760 = arith.addf %get3A_759, %get3A_398 : vector<16xf32>
      %swap3A_761 = arith.index_cast %add3A_756 : i32 to index
      %swap3A_762 = tpu.vector_load %arg8[%swap3A_761] {strides = array<i32>} : memref<32768xf32, #tpu.memory_space<vmem>>, vector<16xf32>,
      %swap3A_763 = vector.shape_cast %swap3A_762 : vector<16xf32> to vector<16xf32>
      %swap3A_764 = vector.shape_cast %add3A_760 : vector<16xf32> to vector<16xf32>
      tpu.vector_store %arg8[%swap3A_761], %swap3A_764 {strides = array<i32>} : memref<32768xf32, #tpu.memory_space<vmem>>, vector<16xf32>,
      %mul3A_765 = arith.constant 128 : i32
      %mul3A_766 = arith.muli %while3A_729, %mul3A_765 : i32
      %add3A_767 = arith.constant 48 : i32
      %add3A_768 = arith.addi %mul3A_766, %add3A_767 : i32
      %get3A_769 = arith.index_cast %add3A_768 : i32 to index
      %get3A_770 = tpu.vector_load %arg8[%get3A_769] {strides = array<i32>} : memref<32768xf32, #tpu.memory_space<vmem>>, vector<16xf32>,
      %get3A_771 = vector.shape_cast %get3A_770 : vector<16xf32> to vector<16xf32>
      %add3A_772 = arith.addf %get3A_771, %get3A_401 : vector<16xf32>
      %swap3A_773 = arith.index_cast %add3A_768 : i32 to index
      %swap3A_774 = tpu.vector_load %arg8[%swap3A_773] {strides = array<i32>} : memref<32768xf32, #tpu.memory_space<vmem>>, vector<16xf32>,
      %swap3A_775 = vector.shape_cast %swap3A_774 : vector<16xf32> to vector<16xf32>
      %swap3A_776 = vector.shape_cast %add3A_772 : vector<16xf32> to vector<16xf32>
      tpu.vector_store %arg8[%swap3A_773], %swap3A_776 {strides = array<i32>} : memref<32768xf32, #tpu.memory_space<vmem>>, vector<16xf32>,
      %mul3A_777 = arith.constant 128 : i32
      %mul3A_778 = arith.muli %while3A_729, %mul3A_777 : i32
      %add3A_779 = arith.constant 64 : i32
      %add3A_780 = arith.addi %mul3A_778, %add3A_779 : i32
      %get3A_781 = arith.index_cast %add3A_780 : i32 to index
      %get3A_782 = tpu.vector_load %arg8[%get3A_781] {strides = array<i32>} : memref<32768xf32, #tpu.memory_space<vmem>>, vector<16xf32>,
      %get3A_783 = vector.shape_cast %get3A_782 : vector<16xf32> to vector<16xf32>
      %add3A_784 = arith.addf %get3A_783, %get3A_404 : vector<16xf32>
      %swap3A_785 = arith.index_cast %add3A_780 : i32 to index
      %swap3A_786 = tpu.vector_load %arg8[%swap3A_785] {strides = array<i32>} : memref<32768xf32, #tpu.memory_space<vmem>>, vector<16xf32>,
      %swap3A_787 = vector.shape_cast %swap3A_786 : vector<16xf32> to vector<16xf32>
      %swap3A_788 = vector.shape_cast %add3A_784 : vector<16xf32> to vector<16xf32>
      tpu.vector_store %arg8[%swap3A_785], %swap3A_788 {strides = array<i32>} : memref<32768xf32, #tpu.memory_space<vmem>>, vector<16xf32>,
      %mul3A_789 = arith.constant 128 : i32
      %mul3A_790 = arith.muli %while3A_729, %mul3A_789 : i32
      %add3A_791 = arith.constant 80 : i32
      %add3A_792 = arith.addi %mul3A_790, %add3A_791 : i32
      %get3A_793 = arith.index_cast %add3A_792 : i32 to index
      %get3A_794 = tpu.vector_load %arg8[%get3A_793] {strides = array<i32>} : memref<32768xf32, #tpu.memory_space<vmem>>, vector<16xf32>,
      %get3A_795 = vector.shape_cast %get3A_794 : vector<16xf32> to vector<16xf32>
      %add3A_796 = arith.addf %get3A_795, %get3A_407 : vector<16xf32>
      %swap3A_797 = arith.index_cast %add3A_792 : i32 to index
      %swap3A_798 = tpu.vector_load %arg8[%swap3A_797] {strides = array<i32>} : memref<32768xf32, #tpu.memory_space<vmem>>, vector<16xf32>,
      %swap3A_799 = vector.shape_cast %swap3A_798 : vector<16xf32> to vector<16xf32>
      %swap3A_800 = vector.shape_cast %add3A_796 : vector<16xf32> to vector<16xf32>
      tpu.vector_store %arg8[%swap3A_797], %swap3A_800 {strides = array<i32>} : memref<32768xf32, #tpu.memory_space<vmem>>, vector<16xf32>,
      %mul3A_801 = arith.constant 128 : i32
      %mul3A_802 = arith.muli %while3A_729, %mul3A_801 : i32
      %add3A_803 = arith.constant 96 : i32
      %add3A_804 = arith.addi %mul3A_802, %add3A_803 : i32
      %get3A_805 = arith.index_cast %add3A_804 : i32 to index
      %get3A_806 = tpu.vector_load %arg8[%get3A_805] {strides = array<i32>} : memref<32768xf32, #tpu.memory_space<vmem>>, vector<16xf32>,
      %get3A_807 = vector.shape_cast %get3A_806 : vector<16xf32> to vector<16xf32>
      %add3A_808 = arith.addf %get3A_807, %get3A_410 : vector<16xf32>
      %swap3A_809 = arith.index_cast %add3A_804 : i32 to index
      %swap3A_810 = tpu.vector_load %arg8[%swap3A_809] {strides = array<i32>} : memref<32768xf32, #tpu.memory_space<vmem>>, vector<16xf32>,
      %swap3A_811 = vector.shape_cast %swap3A_810 : vector<16xf32> to vector<16xf32>
      %swap3A_812 = vector.shape_cast %add3A_808 : vector<16xf32> to vector<16xf32>
      tpu.vector_store %arg8[%swap3A_809], %swap3A_812 {strides = array<i32>} : memref<32768xf32, #tpu.memory_space<vmem>>, vector<16xf32>,
      %mul3A_813 = arith.constant 128 : i32
      %mul3A_814 = arith.muli %while3A_729, %mul3A_813 : i32
      %add3A_815 = arith.constant 112 : i32
      %add3A_816 = arith.addi %mul3A_814, %add3A_815 : i32
      %get3A_817 = arith.index_cast %add3A_816 : i32 to index
      %get3A_818 = tpu.vector_load %arg8[%get3A_817] {strides = array<i32>} : memref<32768xf32, #tpu.memory_space<vmem>>, vector<16xf32>,
      %get3A_819 = vector.shape_cast %get3A_818 : vector<16xf32> to vector<16xf32>
      %add3A_820 = arith.addf %get3A_819, %get3A_413 : vector<16xf32>
      %swap3A_821 = arith.index_cast %add3A_816 : i32 to index
      %swap3A_822 = tpu.vector_load %arg8[%swap3A_821] {strides = array<i32>} : memref<32768xf32, #tpu.memory_space<vmem>>, vector<16xf32>,
      %swap3A_823 = vector.shape_cast %swap3A_822 : vector<16xf32> to vector<16xf32>
      %swap3A_824 = vector.shape_cast %add3A_820 : vector<16xf32> to vector<16xf32>
      tpu.vector_store %arg8[%swap3A_821], %swap3A_824 {strides = array<i32>} : memref<32768xf32, #tpu.memory_space<vmem>>, vector<16xf32>,
    }
    %while3A_422 = arith.constant 1 : i32
    scf.for %while3A_729 = %while3A_420 to %while3A_416 step %while3A_422  : i32 {
      %mul3A_730 = arith.constant 128 : i32
      %mul3A_731 = arith.muli %while3A_729, %mul3A_730 : i32
      %add3A_732 = arith.constant 0 : i32
      %add3A_733 = arith.addi %mul3A_731, %add3A_732 : i32
      %get3A_734 = arith.index_cast %add3A_733 : i32 to index
      %get3A_735 = tpu.vector_load %arg8[%get3A_734] {strides = array<i32>} : memref<32768xf32, #tpu.memory_space<vmem>>, vector<16xf32>,
      %get3A_736 = vector.shape_cast %get3A_735 : vector<16xf32> to vector<16xf32>
      %add3A_737 = arith.addf %get3A_736, %get3A_392 : vector<16xf32>
      %swap3A = arith.index_cast %add3A_733 : i32 to index
      %swap3A_738 = tpu.vector_load %arg8[%swap3A] {strides = array<i32>} : memref<32768xf32, #tpu.memory_space<vmem>>, vector<16xf32>,
      %swap3A_739 = vector.shape_cast %swap3A_738 : vector<16xf32> to vector<16xf32>
      %swap3A_740 = vector.shape_cast %add3A_737 : vector<16xf32> to vector<16xf32>
      tpu.vector_store %arg8[%swap3A], %swap3A_740 {strides = array<i32>} : memref<32768xf32, #tpu.memory_space<vmem>>, vector<16xf32>,
      %mul3A_741 = arith.constant 128 : i32
      %mul3A_742 = arith.muli %while3A_729, %mul3A_741 : i32
      %add3A_743 = arith.constant 16 : i32
      %add3A_744 = arith.addi %mul3A_742, %add3A_743 : i32
      %get3A_745 = arith.index_cast %add3A_744 : i32 to index
      %get3A_746 = tpu.vector_load %arg8[%get3A_745] {strides = array<i32>} : memref<32768xf32, #tpu.memory_space<vmem>>, vector<16xf32>,
      %get3A_747 = vector.shape_cast %get3A_746 : vector<16xf32> to vector<16xf32>
      %add3A_748 = arith.addf %get3A_747, %get3A_395 : vector<16xf32>
      %swap3A_749 = arith.index_cast %add3A_744 : i32 to index
      %swap3A_750 = tpu.vector_load %arg8[%swap3A_749] {strides = array<i32>} : memref<32768xf32, #tpu.memory_space<vmem>>, vector<16xf32>,
      %swap3A_751 = vector.shape_cast %swap3A_750 : vector<16xf32> to vector<16xf32>
      %swap3A_752 = vector.shape_cast %add3A_748 : vector<16xf32> to vector<16xf32>
      tpu.vector_store %arg8[%swap3A_749], %swap3A_752 {strides = array<i32>} : memref<32768xf32, #tpu.memory_space<vmem>>, vector<16xf32>,
      %mul3A_753 = arith.constant 128 : i32
      %mul3A_754 = arith.muli %while3A_729, %mul3A_753 : i32
      %add3A_755 = arith.constant 32 : i32
      %add3A_756 = arith.addi %mul3A_754, %add3A_755 : i32
      %get3A_757 = arith.index_cast %add3A_756 : i32 to index
      %get3A_758 = tpu.vector_load %arg8[%get3A_757] {strides = array<i32>} : memref<32768xf32, #tpu.memory_space<vmem>>, vector<16xf32>,
      %get3A_759 = vector.shape_cast %get3A_758 : vector<16xf32> to vector<16xf32>
      %add3A_760 = arith.addf %get3A_759, %get3A_398 : vector<16xf32>
      %swap3A_761 = arith.index_cast %add3A_756 : i32 to index
      %swap3A_762 = tpu.vector_load %arg8[%swap3A_761] {strides = array<i32>} : memref<32768xf32, #tpu.memory_space<vmem>>, vector<16xf32>,
      %swap3A_763 = vector.shape_cast %swap3A_762 : vector<16xf32> to vector<16xf32>
      %swap3A_764 = vector.shape_cast %add3A_760 : vector<16xf32> to vector<16xf32>
      tpu.vector_store %arg8[%swap3A_761], %swap3A_764 {strides = array<i32>} : memref<32768xf32, #tpu.memory_space<vmem>>, vector<16xf32>,
      %mul3A_765 = arith.constant 128 : i32
      %mul3A_766 = arith.muli %while3A_729, %mul3A_765 : i32
      %add3A_767 = arith.constant 48 : i32
      %add3A_768 = arith.addi %mul3A_766, %add3A_767 : i32
      %get3A_769 = arith.index_cast %add3A_768 : i32 to index
      %get3A_770 = tpu.vector_load %arg8[%get3A_769] {strides = array<i32>} : memref<32768xf32, #tpu.memory_space<vmem>>, vector<16xf32>,
      %get3A_771 = vector.shape_cast %get3A_770 : vector<16xf32> to vector<16xf32>
      %add3A_772 = arith.addf %get3A_771, %get3A_401 : vector<16xf32>
      %swap3A_773 = arith.index_cast %add3A_768 : i32 to index
      %swap3A_774 = tpu.vector_load %arg8[%swap3A_773] {strides = array<i32>} : memref<32768xf32, #tpu.memory_space<vmem>>, vector<16xf32>,
      %swap3A_775 = vector.shape_cast %swap3A_774 : vector<16xf32> to vector<16xf32>
      %swap3A_776 = vector.shape_cast %add3A_772 : vector<16xf32> to vector<16xf32>
      tpu.vector_store %arg8[%swap3A_773], %swap3A_776 {strides = array<i32>} : memref<32768xf32, #tpu.memory_space<vmem>>, vector<16xf32>,
      %mul3A_777 = arith.constant 128 : i32
      %mul3A_778 = arith.muli %while3A_729, %mul3A_777 : i32
      %add3A_779 = arith.constant 64 : i32
      %add3A_780 = arith.addi %mul3A_778, %add3A_779 : i32
      %get3A_781 = arith.index_cast %add3A_780 : i32 to index
      %get3A_782 = tpu.vector_load %arg8[%get3A_781] {strides = array<i32>} : memref<32768xf32, #tpu.memory_space<vmem>>, vector<16xf32>,
      %get3A_783 = vector.shape_cast %get3A_782 : vector<16xf32> to vector<16xf32>
      %add3A_784 = arith.addf %get3A_783, %get3A_404 : vector<16xf32>
      %swap3A_785 = arith.index_cast %add3A_780 : i32 to index
      %swap3A_786 = tpu.vector_load %arg8[%swap3A_785] {strides = array<i32>} : memref<32768xf32, #tpu.memory_space<vmem>>, vector<16xf32>,
      %swap3A_787 = vector.shape_cast %swap3A_786 : vector<16xf32> to vector<16xf32>
      %swap3A_788 = vector.shape_cast %add3A_784 : vector<16xf32> to vector<16xf32>
      tpu.vector_store %arg8[%swap3A_785], %swap3A_788 {strides = array<i32>} : memref<32768xf32, #tpu.memory_space<vmem>>, vector<16xf32>,
      %mul3A_789 = arith.constant 128 : i32
      %mul3A_790 = arith.muli %while3A_729, %mul3A_789 : i32
      %add3A_791 = arith.constant 80 : i32
      %add3A_792 = arith.addi %mul3A_790, %add3A_791 : i32
      %get3A_793 = arith.index_cast %add3A_792 : i32 to index
      %get3A_794 = tpu.vector_load %arg8[%get3A_793] {strides = array<i32>} : memref<32768xf32, #tpu.memory_space<vmem>>, vector<16xf32>,
      %get3A_795 = vector.shape_cast %get3A_794 : vector<16xf32> to vector<16xf32>
      %add3A_796 = arith.addf %get3A_795, %get3A_407 : vector<16xf32>
      %swap3A_797 = arith.index_cast %add3A_792 : i32 to index
      %swap3A_798 = tpu.vector_load %arg8[%swap3A_797] {strides = array<i32>} : memref<32768xf32, #tpu.memory_space<vmem>>, vector<16xf32>,
      %swap3A_799 = vector.shape_cast %swap3A_798 : vector<16xf32> to vector<16xf32>
      %swap3A_800 = vector.shape_cast %add3A_796 : vector<16xf32> to vector<16xf32>
      tpu.vector_store %arg8[%swap3A_797], %swap3A_800 {strides = array<i32>} : memref<32768xf32, #tpu.memory_space<vmem>>, vector<16xf32>,
      %mul3A_801 = arith.constant 128 : i32
      %mul3A_802 = arith.muli %while3A_729, %mul3A_801 : i32
      %add3A_803 = arith.constant 96 : i32
      %add3A_804 = arith.addi %mul3A_802, %add3A_803 : i32
      %get3A_805 = arith.index_cast %add3A_804 : i32 to index
      %get3A_806 = tpu.vector_load %arg8[%get3A_805] {strides = array<i32>} : memref<32768xf32, #tpu.memory_space<vmem>>, vector<16xf32>,
      %get3A_807 = vector.shape_cast %get3A_806 : vector<16xf32> to vector<16xf32>
      %add3A_808 = arith.addf %get3A_807, %get3A_410 : vector<16xf32>
      %swap3A_809 = arith.index_cast %add3A_804 : i32 to index
      %swap3A_810 = tpu.vector_load %arg8[%swap3A_809] {strides = array<i32>} : memref<32768xf32, #tpu.memory_space<vmem>>, vector<16xf32>,
      %swap3A_811 = vector.shape_cast %swap3A_810 : vector<16xf32> to vector<16xf32>
      %swap3A_812 = vector.shape_cast %add3A_808 : vector<16xf32> to vector<16xf32>
      tpu.vector_store %arg8[%swap3A_809], %swap3A_812 {strides = array<i32>} : memref<32768xf32, #tpu.memory_space<vmem>>, vector<16xf32>,
      %mul3A_813 = arith.constant 128 : i32
      %mul3A_814 = arith.muli %while3A_729, %mul3A_813 : i32
      %add3A_815 = arith.constant 112 : i32
      %add3A_816 = arith.addi %mul3A_814, %add3A_815 : i32
      %get3A_817 = arith.index_cast %add3A_816 : i32 to index
      %get3A_818 = tpu.vector_load %arg8[%get3A_817] {strides = array<i32>} : memref<32768xf32, #tpu.memory_space<vmem>>, vector<16xf32>,
      %get3A_819 = vector.shape_cast %get3A_818 : vector<16xf32> to vector<16xf32>
      %add3A_820 = arith.addf %get3A_819, %get3A_413 : vector<16xf32>
      %swap3A_821 = arith.index_cast %add3A_816 : i32 to index
      %swap3A_822 = tpu.vector_load %arg8[%swap3A_821] {strides = array<i32>} : memref<32768xf32, #tpu.memory_space<vmem>>, vector<16xf32>,
      %swap3A_823 = vector.shape_cast %swap3A_822 : vector<16xf32> to vector<16xf32>
      %swap3A_824 = vector.shape_cast %add3A_820 : vector<16xf32> to vector<16xf32>
      tpu.vector_store %arg8[%swap3A_821], %swap3A_824 {strides = array<i32>} : memref<32768xf32, #tpu.memory_space<vmem>>, vector<16xf32>,
    }
    %sub3A_423 = arith.subi %squeeze3A_23, %add3A_40 : i32
    %jit3A_424 = arith.constant 0 : i32
    %jit3A_425 = arith.constant 256 : i32
    %max3A_426 = arith.maxsi %jit3A_424, %sub3A_423 : i32
    %min3A_427 = arith.minsi %jit3A_425, %max3A_426 : i32
    %sub3A_428 = arith.subi %squeeze3A_25, %add3A_40 : i32
    %jit3A_429 = arith.constant 0 : i32
    %jit3A_430 = arith.constant 256 : i32
    %max3A_431 = arith.maxsi %jit3A_429, %sub3A_428 : i32
    %min3A_432 = arith.minsi %jit3A_430, %max3A_431 : i32
    %get3A_433 = arith.constant 1152 : index
    %get3A_434 = tpu.vector_load %arg6[%get3A_433] {strides = array<i32>} : memref<2048xf32, #tpu.memory_space<vmem>>, vector<16xf32>,
    %get3A_435 = vector.shape_cast %get3A_434 : vector<16xf32> to vector<16xf32>
    %get3A_436 = arith.constant 1168 : index
    %get3A_437 = tpu.vector_load %arg6[%get3A_436] {strides = array<i32>} : memref<2048xf32, #tpu.memory_space<vmem>>, vector<16xf32>,
    %get3A_438 = vector.shape_cast %get3A_437 : vector<16xf32> to vector<16xf32>
    %get3A_439 = arith.constant 1184 : index
    %get3A_440 = tpu.vector_load %arg6[%get3A_439] {strides = array<i32>} : memref<2048xf32, #tpu.memory_space<vmem>>, vector<16xf32>,
    %get3A_441 = vector.shape_cast %get3A_440 : vector<16xf32> to vector<16xf32>
    %get3A_442 = arith.constant 1200 : index
    %get3A_443 = tpu.vector_load %arg6[%get3A_442] {strides = array<i32>} : memref<2048xf32, #tpu.memory_space<vmem>>, vector<16xf32>,
    %get3A_444 = vector.shape_cast %get3A_443 : vector<16xf32> to vector<16xf32>
    %get3A_445 = arith.constant 1216 : index
    %get3A_446 = tpu.vector_load %arg6[%get3A_445] {strides = array<i32>} : memref<2048xf32, #tpu.memory_space<vmem>>, vector<16xf32>,
    %get3A_447 = vector.shape_cast %get3A_446 : vector<16xf32> to vector<16xf32>
    %get3A_448 = arith.constant 1232 : index
    %get3A_449 = tpu.vector_load %arg6[%get3A_448] {strides = array<i32>} : memref<2048xf32, #tpu.memory_space<vmem>>, vector<16xf32>,
    %get3A_450 = vector.shape_cast %get3A_449 : vector<16xf32> to vector<16xf32>
    %get3A_451 = arith.constant 1248 : index
    %get3A_452 = tpu.vector_load %arg6[%get3A_451] {strides = array<i32>} : memref<2048xf32, #tpu.memory_space<vmem>>, vector<16xf32>,
    %get3A_453 = vector.shape_cast %get3A_452 : vector<16xf32> to vector<16xf32>
    %get3A_454 = arith.constant 1264 : index
    %get3A_455 = tpu.vector_load %arg6[%get3A_454] {strides = array<i32>} : memref<2048xf32, #tpu.memory_space<vmem>>, vector<16xf32>,
    %get3A_456 = vector.shape_cast %get3A_455 : vector<16xf32> to vector<16xf32>
    %while3A_457 = arith.constant 0 : i32
    %while3A_458 = arith.subi %min3A_432, %min3A_427 : i32
    %while3A_459 = arith.addi %min3A_427, %while3A_458 : i32
    %while3A_460 = arith.constant 1 : i32
    %while3A_461 = arith.divsi %while3A_458, %while3A_460 : i32
    %while3A_462 = arith.muli %while3A_461, %while3A_460 : i32
    %while3A_463 = arith.addi %min3A_427, %while3A_462 : i32
    %while3A_464 = arith.constant 1 : i32
    scf.for %while3A_729 = %min3A_427 to %while3A_463 step %while3A_464  : i32 {
      %mul3A_730 = arith.constant 128 : i32
      %mul3A_731 = arith.muli %while3A_729, %mul3A_730 : i32
      %add3A_732 = arith.constant 0 : i32
      %add3A_733 = arith.addi %mul3A_731, %add3A_732 : i32
      %get3A_734 = arith.index_cast %add3A_733 : i32 to index
      %get3A_735 = tpu.vector_load %arg8[%get3A_734] {strides = array<i32>} : memref<32768xf32, #tpu.memory_space<vmem>>, vector<16xf32>,
      %get3A_736 = vector.shape_cast %get3A_735 : vector<16xf32> to vector<16xf32>
      %add3A_737 = arith.addf %get3A_736, %get3A_435 : vector<16xf32>
      %swap3A = arith.index_cast %add3A_733 : i32 to index
      %swap3A_738 = tpu.vector_load %arg8[%swap3A] {strides = array<i32>} : memref<32768xf32, #tpu.memory_space<vmem>>, vector<16xf32>,
      %swap3A_739 = vector.shape_cast %swap3A_738 : vector<16xf32> to vector<16xf32>
      %swap3A_740 = vector.shape_cast %add3A_737 : vector<16xf32> to vector<16xf32>
      tpu.vector_store %arg8[%swap3A], %swap3A_740 {strides = array<i32>} : memref<32768xf32, #tpu.memory_space<vmem>>, vector<16xf32>,
      %mul3A_741 = arith.constant 128 : i32
      %mul3A_742 = arith.muli %while3A_729, %mul3A_741 : i32
      %add3A_743 = arith.constant 16 : i32
      %add3A_744 = arith.addi %mul3A_742, %add3A_743 : i32
      %get3A_745 = arith.index_cast %add3A_744 : i32 to index
      %get3A_746 = tpu.vector_load %arg8[%get3A_745] {strides = array<i32>} : memref<32768xf32, #tpu.memory_space<vmem>>, vector<16xf32>,
      %get3A_747 = vector.shape_cast %get3A_746 : vector<16xf32> to vector<16xf32>
      %add3A_748 = arith.addf %get3A_747, %get3A_438 : vector<16xf32>
      %swap3A_749 = arith.index_cast %add3A_744 : i32 to index
      %swap3A_750 = tpu.vector_load %arg8[%swap3A_749] {strides = array<i32>} : memref<32768xf32, #tpu.memory_space<vmem>>, vector<16xf32>,
      %swap3A_751 = vector.shape_cast %swap3A_750 : vector<16xf32> to vector<16xf32>
      %swap3A_752 = vector.shape_cast %add3A_748 : vector<16xf32> to vector<16xf32>
      tpu.vector_store %arg8[%swap3A_749], %swap3A_752 {strides = array<i32>} : memref<32768xf32, #tpu.memory_space<vmem>>, vector<16xf32>,
      %mul3A_753 = arith.constant 128 : i32
      %mul3A_754 = arith.muli %while3A_729, %mul3A_753 : i32
      %add3A_755 = arith.constant 32 : i32
      %add3A_756 = arith.addi %mul3A_754, %add3A_755 : i32
      %get3A_757 = arith.index_cast %add3A_756 : i32 to index
      %get3A_758 = tpu.vector_load %arg8[%get3A_757] {strides = array<i32>} : memref<32768xf32, #tpu.memory_space<vmem>>, vector<16xf32>,
      %get3A_759 = vector.shape_cast %get3A_758 : vector<16xf32> to vector<16xf32>
      %add3A_760 = arith.addf %get3A_759, %get3A_441 : vector<16xf32>
      %swap3A_761 = arith.index_cast %add3A_756 : i32 to index
      %swap3A_762 = tpu.vector_load %arg8[%swap3A_761] {strides = array<i32>} : memref<32768xf32, #tpu.memory_space<vmem>>, vector<16xf32>,
      %swap3A_763 = vector.shape_cast %swap3A_762 : vector<16xf32> to vector<16xf32>
      %swap3A_764 = vector.shape_cast %add3A_760 : vector<16xf32> to vector<16xf32>
      tpu.vector_store %arg8[%swap3A_761], %swap3A_764 {strides = array<i32>} : memref<32768xf32, #tpu.memory_space<vmem>>, vector<16xf32>,
      %mul3A_765 = arith.constant 128 : i32
      %mul3A_766 = arith.muli %while3A_729, %mul3A_765 : i32
      %add3A_767 = arith.constant 48 : i32
      %add3A_768 = arith.addi %mul3A_766, %add3A_767 : i32
      %get3A_769 = arith.index_cast %add3A_768 : i32 to index
      %get3A_770 = tpu.vector_load %arg8[%get3A_769] {strides = array<i32>} : memref<32768xf32, #tpu.memory_space<vmem>>, vector<16xf32>,
      %get3A_771 = vector.shape_cast %get3A_770 : vector<16xf32> to vector<16xf32>
      %add3A_772 = arith.addf %get3A_771, %get3A_444 : vector<16xf32>
      %swap3A_773 = arith.index_cast %add3A_768 : i32 to index
      %swap3A_774 = tpu.vector_load %arg8[%swap3A_773] {strides = array<i32>} : memref<32768xf32, #tpu.memory_space<vmem>>, vector<16xf32>,
      %swap3A_775 = vector.shape_cast %swap3A_774 : vector<16xf32> to vector<16xf32>
      %swap3A_776 = vector.shape_cast %add3A_772 : vector<16xf32> to vector<16xf32>
      tpu.vector_store %arg8[%swap3A_773], %swap3A_776 {strides = array<i32>} : memref<32768xf32, #tpu.memory_space<vmem>>, vector<16xf32>,
      %mul3A_777 = arith.constant 128 : i32
      %mul3A_778 = arith.muli %while3A_729, %mul3A_777 : i32
      %add3A_779 = arith.constant 64 : i32
      %add3A_780 = arith.addi %mul3A_778, %add3A_779 : i32
      %get3A_781 = arith.index_cast %add3A_780 : i32 to index
      %get3A_782 = tpu.vector_load %arg8[%get3A_781] {strides = array<i32>} : memref<32768xf32, #tpu.memory_space<vmem>>, vector<16xf32>,
      %get3A_783 = vector.shape_cast %get3A_782 : vector<16xf32> to vector<16xf32>
      %add3A_784 = arith.addf %get3A_783, %get3A_447 : vector<16xf32>
      %swap3A_785 = arith.index_cast %add3A_780 : i32 to index
      %swap3A_786 = tpu.vector_load %arg8[%swap3A_785] {strides = array<i32>} : memref<32768xf32, #tpu.memory_space<vmem>>, vector<16xf32>,
      %swap3A_787 = vector.shape_cast %swap3A_786 : vector<16xf32> to vector<16xf32>
      %swap3A_788 = vector.shape_cast %add3A_784 : vector<16xf32> to vector<16xf32>
      tpu.vector_store %arg8[%swap3A_785], %swap3A_788 {strides = array<i32>} : memref<32768xf32, #tpu.memory_space<vmem>>, vector<16xf32>,
      %mul3A_789 = arith.constant 128 : i32
      %mul3A_790 = arith.muli %while3A_729, %mul3A_789 : i32
      %add3A_791 = arith.constant 80 : i32
      %add3A_792 = arith.addi %mul3A_790, %add3A_791 : i32
      %get3A_793 = arith.index_cast %add3A_792 : i32 to index
      %get3A_794 = tpu.vector_load %arg8[%get3A_793] {strides = array<i32>} : memref<32768xf32, #tpu.memory_space<vmem>>, vector<16xf32>,
      %get3A_795 = vector.shape_cast %get3A_794 : vector<16xf32> to vector<16xf32>
      %add3A_796 = arith.addf %get3A_795, %get3A_450 : vector<16xf32>
      %swap3A_797 = arith.index_cast %add3A_792 : i32 to index
      %swap3A_798 = tpu.vector_load %arg8[%swap3A_797] {strides = array<i32>} : memref<32768xf32, #tpu.memory_space<vmem>>, vector<16xf32>,
      %swap3A_799 = vector.shape_cast %swap3A_798 : vector<16xf32> to vector<16xf32>
      %swap3A_800 = vector.shape_cast %add3A_796 : vector<16xf32> to vector<16xf32>
      tpu.vector_store %arg8[%swap3A_797], %swap3A_800 {strides = array<i32>} : memref<32768xf32, #tpu.memory_space<vmem>>, vector<16xf32>,
      %mul3A_801 = arith.constant 128 : i32
      %mul3A_802 = arith.muli %while3A_729, %mul3A_801 : i32
      %add3A_803 = arith.constant 96 : i32
      %add3A_804 = arith.addi %mul3A_802, %add3A_803 : i32
      %get3A_805 = arith.index_cast %add3A_804 : i32 to index
      %get3A_806 = tpu.vector_load %arg8[%get3A_805] {strides = array<i32>} : memref<32768xf32, #tpu.memory_space<vmem>>, vector<16xf32>,
      %get3A_807 = vector.shape_cast %get3A_806 : vector<16xf32> to vector<16xf32>
      %add3A_808 = arith.addf %get3A_807, %get3A_453 : vector<16xf32>
      %swap3A_809 = arith.index_cast %add3A_804 : i32 to index
      %swap3A_810 = tpu.vector_load %arg8[%swap3A_809] {strides = array<i32>} : memref<32768xf32, #tpu.memory_space<vmem>>, vector<16xf32>,
      %swap3A_811 = vector.shape_cast %swap3A_810 : vector<16xf32> to vector<16xf32>
      %swap3A_812 = vector.shape_cast %add3A_808 : vector<16xf32> to vector<16xf32>
      tpu.vector_store %arg8[%swap3A_809], %swap3A_812 {strides = array<i32>} : memref<32768xf32, #tpu.memory_space<vmem>>, vector<16xf32>,
      %mul3A_813 = arith.constant 128 : i32
      %mul3A_814 = arith.muli %while3A_729, %mul3A_813 : i32
      %add3A_815 = arith.constant 112 : i32
      %add3A_816 = arith.addi %mul3A_814, %add3A_815 : i32
      %get3A_817 = arith.index_cast %add3A_816 : i32 to index
      %get3A_818 = tpu.vector_load %arg8[%get3A_817] {strides = array<i32>} : memref<32768xf32, #tpu.memory_space<vmem>>, vector<16xf32>,
      %get3A_819 = vector.shape_cast %get3A_818 : vector<16xf32> to vector<16xf32>
      %add3A_820 = arith.addf %get3A_819, %get3A_456 : vector<16xf32>
      %swap3A_821 = arith.index_cast %add3A_816 : i32 to index
      %swap3A_822 = tpu.vector_load %arg8[%swap3A_821] {strides = array<i32>} : memref<32768xf32, #tpu.memory_space<vmem>>, vector<16xf32>,
      %swap3A_823 = vector.shape_cast %swap3A_822 : vector<16xf32> to vector<16xf32>
      %swap3A_824 = vector.shape_cast %add3A_820 : vector<16xf32> to vector<16xf32>
      tpu.vector_store %arg8[%swap3A_821], %swap3A_824 {strides = array<i32>} : memref<32768xf32, #tpu.memory_space<vmem>>, vector<16xf32>,
    }
    %while3A_465 = arith.constant 1 : i32
    scf.for %while3A_729 = %while3A_463 to %while3A_459 step %while3A_465  : i32 {
      %mul3A_730 = arith.constant 128 : i32
      %mul3A_731 = arith.muli %while3A_729, %mul3A_730 : i32
      %add3A_732 = arith.constant 0 : i32
      %add3A_733 = arith.addi %mul3A_731, %add3A_732 : i32
      %get3A_734 = arith.index_cast %add3A_733 : i32 to index
      %get3A_735 = tpu.vector_load %arg8[%get3A_734] {strides = array<i32>} : memref<32768xf32, #tpu.memory_space<vmem>>, vector<16xf32>,
      %get3A_736 = vector.shape_cast %get3A_735 : vector<16xf32> to vector<16xf32>
      %add3A_737 = arith.addf %get3A_736, %get3A_435 : vector<16xf32>
      %swap3A = arith.index_cast %add3A_733 : i32 to index
      %swap3A_738 = tpu.vector_load %arg8[%swap3A] {strides = array<i32>} : memref<32768xf32, #tpu.memory_space<vmem>>, vector<16xf32>,
      %swap3A_739 = vector.shape_cast %swap3A_738 : vector<16xf32> to vector<16xf32>
      %swap3A_740 = vector.shape_cast %add3A_737 : vector<16xf32> to vector<16xf32>
      tpu.vector_store %arg8[%swap3A], %swap3A_740 {strides = array<i32>} : memref<32768xf32, #tpu.memory_space<vmem>>, vector<16xf32>,
      %mul3A_741 = arith.constant 128 : i32
      %mul3A_742 = arith.muli %while3A_729, %mul3A_741 : i32
      %add3A_743 = arith.constant 16 : i32
      %add3A_744 = arith.addi %mul3A_742, %add3A_743 : i32
      %get3A_745 = arith.index_cast %add3A_744 : i32 to index
      %get3A_746 = tpu.vector_load %arg8[%get3A_745] {strides = array<i32>} : memref<32768xf32, #tpu.memory_space<vmem>>, vector<16xf32>,
      %get3A_747 = vector.shape_cast %get3A_746 : vector<16xf32> to vector<16xf32>
      %add3A_748 = arith.addf %get3A_747, %get3A_438 : vector<16xf32>
      %swap3A_749 = arith.index_cast %add3A_744 : i32 to index
      %swap3A_750 = tpu.vector_load %arg8[%swap3A_749] {strides = array<i32>} : memref<32768xf32, #tpu.memory_space<vmem>>, vector<16xf32>,
      %swap3A_751 = vector.shape_cast %swap3A_750 : vector<16xf32> to vector<16xf32>
      %swap3A_752 = vector.shape_cast %add3A_748 : vector<16xf32> to vector<16xf32>
      tpu.vector_store %arg8[%swap3A_749], %swap3A_752 {strides = array<i32>} : memref<32768xf32, #tpu.memory_space<vmem>>, vector<16xf32>,
      %mul3A_753 = arith.constant 128 : i32
      %mul3A_754 = arith.muli %while3A_729, %mul3A_753 : i32
      %add3A_755 = arith.constant 32 : i32
      %add3A_756 = arith.addi %mul3A_754, %add3A_755 : i32
      %get3A_757 = arith.index_cast %add3A_756 : i32 to index
      %get3A_758 = tpu.vector_load %arg8[%get3A_757] {strides = array<i32>} : memref<32768xf32, #tpu.memory_space<vmem>>, vector<16xf32>,
      %get3A_759 = vector.shape_cast %get3A_758 : vector<16xf32> to vector<16xf32>
      %add3A_760 = arith.addf %get3A_759, %get3A_441 : vector<16xf32>
      %swap3A_761 = arith.index_cast %add3A_756 : i32 to index
      %swap3A_762 = tpu.vector_load %arg8[%swap3A_761] {strides = array<i32>} : memref<32768xf32, #tpu.memory_space<vmem>>, vector<16xf32>,
      %swap3A_763 = vector.shape_cast %swap3A_762 : vector<16xf32> to vector<16xf32>
      %swap3A_764 = vector.shape_cast %add3A_760 : vector<16xf32> to vector<16xf32>
      tpu.vector_store %arg8[%swap3A_761], %swap3A_764 {strides = array<i32>} : memref<32768xf32, #tpu.memory_space<vmem>>, vector<16xf32>,
      %mul3A_765 = arith.constant 128 : i32
      %mul3A_766 = arith.muli %while3A_729, %mul3A_765 : i32
      %add3A_767 = arith.constant 48 : i32
      %add3A_768 = arith.addi %mul3A_766, %add3A_767 : i32
      %get3A_769 = arith.index_cast %add3A_768 : i32 to index
      %get3A_770 = tpu.vector_load %arg8[%get3A_769] {strides = array<i32>} : memref<32768xf32, #tpu.memory_space<vmem>>, vector<16xf32>,
      %get3A_771 = vector.shape_cast %get3A_770 : vector<16xf32> to vector<16xf32>
      %add3A_772 = arith.addf %get3A_771, %get3A_444 : vector<16xf32>
      %swap3A_773 = arith.index_cast %add3A_768 : i32 to index
      %swap3A_774 = tpu.vector_load %arg8[%swap3A_773] {strides = array<i32>} : memref<32768xf32, #tpu.memory_space<vmem>>, vector<16xf32>,
      %swap3A_775 = vector.shape_cast %swap3A_774 : vector<16xf32> to vector<16xf32>
      %swap3A_776 = vector.shape_cast %add3A_772 : vector<16xf32> to vector<16xf32>
      tpu.vector_store %arg8[%swap3A_773], %swap3A_776 {strides = array<i32>} : memref<32768xf32, #tpu.memory_space<vmem>>, vector<16xf32>,
      %mul3A_777 = arith.constant 128 : i32
      %mul3A_778 = arith.muli %while3A_729, %mul3A_777 : i32
      %add3A_779 = arith.constant 64 : i32
      %add3A_780 = arith.addi %mul3A_778, %add3A_779 : i32
      %get3A_781 = arith.index_cast %add3A_780 : i32 to index
      %get3A_782 = tpu.vector_load %arg8[%get3A_781] {strides = array<i32>} : memref<32768xf32, #tpu.memory_space<vmem>>, vector<16xf32>,
      %get3A_783 = vector.shape_cast %get3A_782 : vector<16xf32> to vector<16xf32>
      %add3A_784 = arith.addf %get3A_783, %get3A_447 : vector<16xf32>
      %swap3A_785 = arith.index_cast %add3A_780 : i32 to index
      %swap3A_786 = tpu.vector_load %arg8[%swap3A_785] {strides = array<i32>} : memref<32768xf32, #tpu.memory_space<vmem>>, vector<16xf32>,
      %swap3A_787 = vector.shape_cast %swap3A_786 : vector<16xf32> to vector<16xf32>
      %swap3A_788 = vector.shape_cast %add3A_784 : vector<16xf32> to vector<16xf32>
      tpu.vector_store %arg8[%swap3A_785], %swap3A_788 {strides = array<i32>} : memref<32768xf32, #tpu.memory_space<vmem>>, vector<16xf32>,
      %mul3A_789 = arith.constant 128 : i32
      %mul3A_790 = arith.muli %while3A_729, %mul3A_789 : i32
      %add3A_791 = arith.constant 80 : i32
      %add3A_792 = arith.addi %mul3A_790, %add3A_791 : i32
      %get3A_793 = arith.index_cast %add3A_792 : i32 to index
      %get3A_794 = tpu.vector_load %arg8[%get3A_793] {strides = array<i32>} : memref<32768xf32, #tpu.memory_space<vmem>>, vector<16xf32>,
      %get3A_795 = vector.shape_cast %get3A_794 : vector<16xf32> to vector<16xf32>
      %add3A_796 = arith.addf %get3A_795, %get3A_450 : vector<16xf32>
      %swap3A_797 = arith.index_cast %add3A_792 : i32 to index
      %swap3A_798 = tpu.vector_load %arg8[%swap3A_797] {strides = array<i32>} : memref<32768xf32, #tpu.memory_space<vmem>>, vector<16xf32>,
      %swap3A_799 = vector.shape_cast %swap3A_798 : vector<16xf32> to vector<16xf32>
      %swap3A_800 = vector.shape_cast %add3A_796 : vector<16xf32> to vector<16xf32>
      tpu.vector_store %arg8[%swap3A_797], %swap3A_800 {strides = array<i32>} : memref<32768xf32, #tpu.memory_space<vmem>>, vector<16xf32>,
      %mul3A_801 = arith.constant 128 : i32
      %mul3A_802 = arith.muli %while3A_729, %mul3A_801 : i32
      %add3A_803 = arith.constant 96 : i32
      %add3A_804 = arith.addi %mul3A_802, %add3A_803 : i32
      %get3A_805 = arith.index_cast %add3A_804 : i32 to index
      %get3A_806 = tpu.vector_load %arg8[%get3A_805] {strides = array<i32>} : memref<32768xf32, #tpu.memory_space<vmem>>, vector<16xf32>,
      %get3A_807 = vector.shape_cast %get3A_806 : vector<16xf32> to vector<16xf32>
      %add3A_808 = arith.addf %get3A_807, %get3A_453 : vector<16xf32>
      %swap3A_809 = arith.index_cast %add3A_804 : i32 to index
      %swap3A_810 = tpu.vector_load %arg8[%swap3A_809] {strides = array<i32>} : memref<32768xf32, #tpu.memory_space<vmem>>, vector<16xf32>,
      %swap3A_811 = vector.shape_cast %swap3A_810 : vector<16xf32> to vector<16xf32>
      %swap3A_812 = vector.shape_cast %add3A_808 : vector<16xf32> to vector<16xf32>
      tpu.vector_store %arg8[%swap3A_809], %swap3A_812 {strides = array<i32>} : memref<32768xf32, #tpu.memory_space<vmem>>, vector<16xf32>,
      %mul3A_813 = arith.constant 128 : i32
      %mul3A_814 = arith.muli %while3A_729, %mul3A_813 : i32
      %add3A_815 = arith.constant 112 : i32
      %add3A_816 = arith.addi %mul3A_814, %add3A_815 : i32
      %get3A_817 = arith.index_cast %add3A_816 : i32 to index
      %get3A_818 = tpu.vector_load %arg8[%get3A_817] {strides = array<i32>} : memref<32768xf32, #tpu.memory_space<vmem>>, vector<16xf32>,
      %get3A_819 = vector.shape_cast %get3A_818 : vector<16xf32> to vector<16xf32>
      %add3A_820 = arith.addf %get3A_819, %get3A_456 : vector<16xf32>
      %swap3A_821 = arith.index_cast %add3A_816 : i32 to index
      %swap3A_822 = tpu.vector_load %arg8[%swap3A_821] {strides = array<i32>} : memref<32768xf32, #tpu.memory_space<vmem>>, vector<16xf32>,
      %swap3A_823 = vector.shape_cast %swap3A_822 : vector<16xf32> to vector<16xf32>
      %swap3A_824 = vector.shape_cast %add3A_820 : vector<16xf32> to vector<16xf32>
      tpu.vector_store %arg8[%swap3A_821], %swap3A_824 {strides = array<i32>} : memref<32768xf32, #tpu.memory_space<vmem>>, vector<16xf32>,
    }
    %sub3A_466 = arith.subi %squeeze3A_25, %add3A_40 : i32
    %jit3A_467 = arith.constant 0 : i32
    %jit3A_468 = arith.constant 256 : i32
    %max3A_469 = arith.maxsi %jit3A_467, %sub3A_466 : i32
    %min3A_470 = arith.minsi %jit3A_468, %max3A_469 : i32
    %sub3A_471 = arith.subi %squeeze3A_27, %add3A_40 : i32
    %jit3A_472 = arith.constant 0 : i32
    %jit3A_473 = arith.constant 256 : i32
    %max3A_474 = arith.maxsi %jit3A_472, %sub3A_471 : i32
    %min3A_475 = arith.minsi %jit3A_473, %max3A_474 : i32
    %get3A_476 = arith.constant 1280 : index
    %get3A_477 = tpu.vector_load %arg6[%get3A_476] {strides = array<i32>} : memref<2048xf32, #tpu.memory_space<vmem>>, vector<16xf32>,
    %get3A_478 = vector.shape_cast %get3A_477 : vector<16xf32> to vector<16xf32>
    %get3A_479 = arith.constant 1296 : index
    %get3A_480 = tpu.vector_load %arg6[%get3A_479] {strides = array<i32>} : memref<2048xf32, #tpu.memory_space<vmem>>, vector<16xf32>,
    %get3A_481 = vector.shape_cast %get3A_480 : vector<16xf32> to vector<16xf32>
    %get3A_482 = arith.constant 1312 : index
    %get3A_483 = tpu.vector_load %arg6[%get3A_482] {strides = array<i32>} : memref<2048xf32, #tpu.memory_space<vmem>>, vector<16xf32>,
    %get3A_484 = vector.shape_cast %get3A_483 : vector<16xf32> to vector<16xf32>
    %get3A_485 = arith.constant 1328 : index
    %get3A_486 = tpu.vector_load %arg6[%get3A_485] {strides = array<i32>} : memref<2048xf32, #tpu.memory_space<vmem>>, vector<16xf32>,
    %get3A_487 = vector.shape_cast %get3A_486 : vector<16xf32> to vector<16xf32>
    %get3A_488 = arith.constant 1344 : index
    %get3A_489 = tpu.vector_load %arg6[%get3A_488] {strides = array<i32>} : memref<2048xf32, #tpu.memory_space<vmem>>, vector<16xf32>,
    %get3A_490 = vector.shape_cast %get3A_489 : vector<16xf32> to vector<16xf32>
    %get3A_491 = arith.constant 1360 : index
    %get3A_492 = tpu.vector_load %arg6[%get3A_491] {strides = array<i32>} : memref<2048xf32, #tpu.memory_space<vmem>>, vector<16xf32>,
    %get3A_493 = vector.shape_cast %get3A_492 : vector<16xf32> to vector<16xf32>
    %get3A_494 = arith.constant 1376 : index
    %get3A_495 = tpu.vector_load %arg6[%get3A_494] {strides = array<i32>} : memref<2048xf32, #tpu.memory_space<vmem>>, vector<16xf32>,
    %get3A_496 = vector.shape_cast %get3A_495 : vector<16xf32> to vector<16xf32>
    %get3A_497 = arith.constant 1392 : index
    %get3A_498 = tpu.vector_load %arg6[%get3A_497] {strides = array<i32>} : memref<2048xf32, #tpu.memory_space<vmem>>, vector<16xf32>,
    %get3A_499 = vector.shape_cast %get3A_498 : vector<16xf32> to vector<16xf32>
    %while3A_500 = arith.constant 0 : i32
    %while3A_501 = arith.subi %min3A_475, %min3A_470 : i32
    %while3A_502 = arith.addi %min3A_470, %while3A_501 : i32
    %while3A_503 = arith.constant 1 : i32
    %while3A_504 = arith.divsi %while3A_501, %while3A_503 : i32
    %while3A_505 = arith.muli %while3A_504, %while3A_503 : i32
    %while3A_506 = arith.addi %min3A_470, %while3A_505 : i32
    %while3A_507 = arith.constant 1 : i32
    scf.for %while3A_729 = %min3A_470 to %while3A_506 step %while3A_507  : i32 {
      %mul3A_730 = arith.constant 128 : i32
      %mul3A_731 = arith.muli %while3A_729, %mul3A_730 : i32
      %add3A_732 = arith.constant 0 : i32
      %add3A_733 = arith.addi %mul3A_731, %add3A_732 : i32
      %get3A_734 = arith.index_cast %add3A_733 : i32 to index
      %get3A_735 = tpu.vector_load %arg8[%get3A_734] {strides = array<i32>} : memref<32768xf32, #tpu.memory_space<vmem>>, vector<16xf32>,
      %get3A_736 = vector.shape_cast %get3A_735 : vector<16xf32> to vector<16xf32>
      %add3A_737 = arith.addf %get3A_736, %get3A_478 : vector<16xf32>
      %swap3A = arith.index_cast %add3A_733 : i32 to index
      %swap3A_738 = tpu.vector_load %arg8[%swap3A] {strides = array<i32>} : memref<32768xf32, #tpu.memory_space<vmem>>, vector<16xf32>,
      %swap3A_739 = vector.shape_cast %swap3A_738 : vector<16xf32> to vector<16xf32>
      %swap3A_740 = vector.shape_cast %add3A_737 : vector<16xf32> to vector<16xf32>
      tpu.vector_store %arg8[%swap3A], %swap3A_740 {strides = array<i32>} : memref<32768xf32, #tpu.memory_space<vmem>>, vector<16xf32>,
      %mul3A_741 = arith.constant 128 : i32
      %mul3A_742 = arith.muli %while3A_729, %mul3A_741 : i32
      %add3A_743 = arith.constant 16 : i32
      %add3A_744 = arith.addi %mul3A_742, %add3A_743 : i32
      %get3A_745 = arith.index_cast %add3A_744 : i32 to index
      %get3A_746 = tpu.vector_load %arg8[%get3A_745] {strides = array<i32>} : memref<32768xf32, #tpu.memory_space<vmem>>, vector<16xf32>,
      %get3A_747 = vector.shape_cast %get3A_746 : vector<16xf32> to vector<16xf32>
      %add3A_748 = arith.addf %get3A_747, %get3A_481 : vector<16xf32>
      %swap3A_749 = arith.index_cast %add3A_744 : i32 to index
      %swap3A_750 = tpu.vector_load %arg8[%swap3A_749] {strides = array<i32>} : memref<32768xf32, #tpu.memory_space<vmem>>, vector<16xf32>,
      %swap3A_751 = vector.shape_cast %swap3A_750 : vector<16xf32> to vector<16xf32>
      %swap3A_752 = vector.shape_cast %add3A_748 : vector<16xf32> to vector<16xf32>
      tpu.vector_store %arg8[%swap3A_749], %swap3A_752 {strides = array<i32>} : memref<32768xf32, #tpu.memory_space<vmem>>, vector<16xf32>,
      %mul3A_753 = arith.constant 128 : i32
      %mul3A_754 = arith.muli %while3A_729, %mul3A_753 : i32
      %add3A_755 = arith.constant 32 : i32
      %add3A_756 = arith.addi %mul3A_754, %add3A_755 : i32
      %get3A_757 = arith.index_cast %add3A_756 : i32 to index
      %get3A_758 = tpu.vector_load %arg8[%get3A_757] {strides = array<i32>} : memref<32768xf32, #tpu.memory_space<vmem>>, vector<16xf32>,
      %get3A_759 = vector.shape_cast %get3A_758 : vector<16xf32> to vector<16xf32>
      %add3A_760 = arith.addf %get3A_759, %get3A_484 : vector<16xf32>
      %swap3A_761 = arith.index_cast %add3A_756 : i32 to index
      %swap3A_762 = tpu.vector_load %arg8[%swap3A_761] {strides = array<i32>} : memref<32768xf32, #tpu.memory_space<vmem>>, vector<16xf32>,
      %swap3A_763 = vector.shape_cast %swap3A_762 : vector<16xf32> to vector<16xf32>
      %swap3A_764 = vector.shape_cast %add3A_760 : vector<16xf32> to vector<16xf32>
      tpu.vector_store %arg8[%swap3A_761], %swap3A_764 {strides = array<i32>} : memref<32768xf32, #tpu.memory_space<vmem>>, vector<16xf32>,
      %mul3A_765 = arith.constant 128 : i32
      %mul3A_766 = arith.muli %while3A_729, %mul3A_765 : i32
      %add3A_767 = arith.constant 48 : i32
      %add3A_768 = arith.addi %mul3A_766, %add3A_767 : i32
      %get3A_769 = arith.index_cast %add3A_768 : i32 to index
      %get3A_770 = tpu.vector_load %arg8[%get3A_769] {strides = array<i32>} : memref<32768xf32, #tpu.memory_space<vmem>>, vector<16xf32>,
      %get3A_771 = vector.shape_cast %get3A_770 : vector<16xf32> to vector<16xf32>
      %add3A_772 = arith.addf %get3A_771, %get3A_487 : vector<16xf32>
      %swap3A_773 = arith.index_cast %add3A_768 : i32 to index
      %swap3A_774 = tpu.vector_load %arg8[%swap3A_773] {strides = array<i32>} : memref<32768xf32, #tpu.memory_space<vmem>>, vector<16xf32>,
      %swap3A_775 = vector.shape_cast %swap3A_774 : vector<16xf32> to vector<16xf32>
      %swap3A_776 = vector.shape_cast %add3A_772 : vector<16xf32> to vector<16xf32>
      tpu.vector_store %arg8[%swap3A_773], %swap3A_776 {strides = array<i32>} : memref<32768xf32, #tpu.memory_space<vmem>>, vector<16xf32>,
      %mul3A_777 = arith.constant 128 : i32
      %mul3A_778 = arith.muli %while3A_729, %mul3A_777 : i32
      %add3A_779 = arith.constant 64 : i32
      %add3A_780 = arith.addi %mul3A_778, %add3A_779 : i32
      %get3A_781 = arith.index_cast %add3A_780 : i32 to index
      %get3A_782 = tpu.vector_load %arg8[%get3A_781] {strides = array<i32>} : memref<32768xf32, #tpu.memory_space<vmem>>, vector<16xf32>,
      %get3A_783 = vector.shape_cast %get3A_782 : vector<16xf32> to vector<16xf32>
      %add3A_784 = arith.addf %get3A_783, %get3A_490 : vector<16xf32>
      %swap3A_785 = arith.index_cast %add3A_780 : i32 to index
      %swap3A_786 = tpu.vector_load %arg8[%swap3A_785] {strides = array<i32>} : memref<32768xf32, #tpu.memory_space<vmem>>, vector<16xf32>,
      %swap3A_787 = vector.shape_cast %swap3A_786 : vector<16xf32> to vector<16xf32>
      %swap3A_788 = vector.shape_cast %add3A_784 : vector<16xf32> to vector<16xf32>
      tpu.vector_store %arg8[%swap3A_785], %swap3A_788 {strides = array<i32>} : memref<32768xf32, #tpu.memory_space<vmem>>, vector<16xf32>,
      %mul3A_789 = arith.constant 128 : i32
      %mul3A_790 = arith.muli %while3A_729, %mul3A_789 : i32
      %add3A_791 = arith.constant 80 : i32
      %add3A_792 = arith.addi %mul3A_790, %add3A_791 : i32
      %get3A_793 = arith.index_cast %add3A_792 : i32 to index
      %get3A_794 = tpu.vector_load %arg8[%get3A_793] {strides = array<i32>} : memref<32768xf32, #tpu.memory_space<vmem>>, vector<16xf32>,
      %get3A_795 = vector.shape_cast %get3A_794 : vector<16xf32> to vector<16xf32>
      %add3A_796 = arith.addf %get3A_795, %get3A_493 : vector<16xf32>
      %swap3A_797 = arith.index_cast %add3A_792 : i32 to index
      %swap3A_798 = tpu.vector_load %arg8[%swap3A_797] {strides = array<i32>} : memref<32768xf32, #tpu.memory_space<vmem>>, vector<16xf32>,
      %swap3A_799 = vector.shape_cast %swap3A_798 : vector<16xf32> to vector<16xf32>
      %swap3A_800 = vector.shape_cast %add3A_796 : vector<16xf32> to vector<16xf32>
      tpu.vector_store %arg8[%swap3A_797], %swap3A_800 {strides = array<i32>} : memref<32768xf32, #tpu.memory_space<vmem>>, vector<16xf32>,
      %mul3A_801 = arith.constant 128 : i32
      %mul3A_802 = arith.muli %while3A_729, %mul3A_801 : i32
      %add3A_803 = arith.constant 96 : i32
      %add3A_804 = arith.addi %mul3A_802, %add3A_803 : i32
      %get3A_805 = arith.index_cast %add3A_804 : i32 to index
      %get3A_806 = tpu.vector_load %arg8[%get3A_805] {strides = array<i32>} : memref<32768xf32, #tpu.memory_space<vmem>>, vector<16xf32>,
      %get3A_807 = vector.shape_cast %get3A_806 : vector<16xf32> to vector<16xf32>
      %add3A_808 = arith.addf %get3A_807, %get3A_496 : vector<16xf32>
      %swap3A_809 = arith.index_cast %add3A_804 : i32 to index
      %swap3A_810 = tpu.vector_load %arg8[%swap3A_809] {strides = array<i32>} : memref<32768xf32, #tpu.memory_space<vmem>>, vector<16xf32>,
      %swap3A_811 = vector.shape_cast %swap3A_810 : vector<16xf32> to vector<16xf32>
      %swap3A_812 = vector.shape_cast %add3A_808 : vector<16xf32> to vector<16xf32>
      tpu.vector_store %arg8[%swap3A_809], %swap3A_812 {strides = array<i32>} : memref<32768xf32, #tpu.memory_space<vmem>>, vector<16xf32>,
      %mul3A_813 = arith.constant 128 : i32
      %mul3A_814 = arith.muli %while3A_729, %mul3A_813 : i32
      %add3A_815 = arith.constant 112 : i32
      %add3A_816 = arith.addi %mul3A_814, %add3A_815 : i32
      %get3A_817 = arith.index_cast %add3A_816 : i32 to index
      %get3A_818 = tpu.vector_load %arg8[%get3A_817] {strides = array<i32>} : memref<32768xf32, #tpu.memory_space<vmem>>, vector<16xf32>,
      %get3A_819 = vector.shape_cast %get3A_818 : vector<16xf32> to vector<16xf32>
      %add3A_820 = arith.addf %get3A_819, %get3A_499 : vector<16xf32>
      %swap3A_821 = arith.index_cast %add3A_816 : i32 to index
      %swap3A_822 = tpu.vector_load %arg8[%swap3A_821] {strides = array<i32>} : memref<32768xf32, #tpu.memory_space<vmem>>, vector<16xf32>,
      %swap3A_823 = vector.shape_cast %swap3A_822 : vector<16xf32> to vector<16xf32>
      %swap3A_824 = vector.shape_cast %add3A_820 : vector<16xf32> to vector<16xf32>
      tpu.vector_store %arg8[%swap3A_821], %swap3A_824 {strides = array<i32>} : memref<32768xf32, #tpu.memory_space<vmem>>, vector<16xf32>,
    }
    %while3A_508 = arith.constant 1 : i32
    scf.for %while3A_729 = %while3A_506 to %while3A_502 step %while3A_508  : i32 {
      %mul3A_730 = arith.constant 128 : i32
      %mul3A_731 = arith.muli %while3A_729, %mul3A_730 : i32
      %add3A_732 = arith.constant 0 : i32
      %add3A_733 = arith.addi %mul3A_731, %add3A_732 : i32
      %get3A_734 = arith.index_cast %add3A_733 : i32 to index
      %get3A_735 = tpu.vector_load %arg8[%get3A_734] {strides = array<i32>} : memref<32768xf32, #tpu.memory_space<vmem>>, vector<16xf32>,
      %get3A_736 = vector.shape_cast %get3A_735 : vector<16xf32> to vector<16xf32>
      %add3A_737 = arith.addf %get3A_736, %get3A_478 : vector<16xf32>
      %swap3A = arith.index_cast %add3A_733 : i32 to index
      %swap3A_738 = tpu.vector_load %arg8[%swap3A] {strides = array<i32>} : memref<32768xf32, #tpu.memory_space<vmem>>, vector<16xf32>,
      %swap3A_739 = vector.shape_cast %swap3A_738 : vector<16xf32> to vector<16xf32>
      %swap3A_740 = vector.shape_cast %add3A_737 : vector<16xf32> to vector<16xf32>
      tpu.vector_store %arg8[%swap3A], %swap3A_740 {strides = array<i32>} : memref<32768xf32, #tpu.memory_space<vmem>>, vector<16xf32>,
      %mul3A_741 = arith.constant 128 : i32
      %mul3A_742 = arith.muli %while3A_729, %mul3A_741 : i32
      %add3A_743 = arith.constant 16 : i32
      %add3A_744 = arith.addi %mul3A_742, %add3A_743 : i32
      %get3A_745 = arith.index_cast %add3A_744 : i32 to index
      %get3A_746 = tpu.vector_load %arg8[%get3A_745] {strides = array<i32>} : memref<32768xf32, #tpu.memory_space<vmem>>, vector<16xf32>,
      %get3A_747 = vector.shape_cast %get3A_746 : vector<16xf32> to vector<16xf32>
      %add3A_748 = arith.addf %get3A_747, %get3A_481 : vector<16xf32>
      %swap3A_749 = arith.index_cast %add3A_744 : i32 to index
      %swap3A_750 = tpu.vector_load %arg8[%swap3A_749] {strides = array<i32>} : memref<32768xf32, #tpu.memory_space<vmem>>, vector<16xf32>,
      %swap3A_751 = vector.shape_cast %swap3A_750 : vector<16xf32> to vector<16xf32>
      %swap3A_752 = vector.shape_cast %add3A_748 : vector<16xf32> to vector<16xf32>
      tpu.vector_store %arg8[%swap3A_749], %swap3A_752 {strides = array<i32>} : memref<32768xf32, #tpu.memory_space<vmem>>, vector<16xf32>,
      %mul3A_753 = arith.constant 128 : i32
      %mul3A_754 = arith.muli %while3A_729, %mul3A_753 : i32
      %add3A_755 = arith.constant 32 : i32
      %add3A_756 = arith.addi %mul3A_754, %add3A_755 : i32
      %get3A_757 = arith.index_cast %add3A_756 : i32 to index
      %get3A_758 = tpu.vector_load %arg8[%get3A_757] {strides = array<i32>} : memref<32768xf32, #tpu.memory_space<vmem>>, vector<16xf32>,
      %get3A_759 = vector.shape_cast %get3A_758 : vector<16xf32> to vector<16xf32>
      %add3A_760 = arith.addf %get3A_759, %get3A_484 : vector<16xf32>
      %swap3A_761 = arith.index_cast %add3A_756 : i32 to index
      %swap3A_762 = tpu.vector_load %arg8[%swap3A_761] {strides = array<i32>} : memref<32768xf32, #tpu.memory_space<vmem>>, vector<16xf32>,
      %swap3A_763 = vector.shape_cast %swap3A_762 : vector<16xf32> to vector<16xf32>
      %swap3A_764 = vector.shape_cast %add3A_760 : vector<16xf32> to vector<16xf32>
      tpu.vector_store %arg8[%swap3A_761], %swap3A_764 {strides = array<i32>} : memref<32768xf32, #tpu.memory_space<vmem>>, vector<16xf32>,
      %mul3A_765 = arith.constant 128 : i32
      %mul3A_766 = arith.muli %while3A_729, %mul3A_765 : i32
      %add3A_767 = arith.constant 48 : i32
      %add3A_768 = arith.addi %mul3A_766, %add3A_767 : i32
      %get3A_769 = arith.index_cast %add3A_768 : i32 to index
      %get3A_770 = tpu.vector_load %arg8[%get3A_769] {strides = array<i32>} : memref<32768xf32, #tpu.memory_space<vmem>>, vector<16xf32>,
      %get3A_771 = vector.shape_cast %get3A_770 : vector<16xf32> to vector<16xf32>
      %add3A_772 = arith.addf %get3A_771, %get3A_487 : vector<16xf32>
      %swap3A_773 = arith.index_cast %add3A_768 : i32 to index
      %swap3A_774 = tpu.vector_load %arg8[%swap3A_773] {strides = array<i32>} : memref<32768xf32, #tpu.memory_space<vmem>>, vector<16xf32>,
      %swap3A_775 = vector.shape_cast %swap3A_774 : vector<16xf32> to vector<16xf32>
      %swap3A_776 = vector.shape_cast %add3A_772 : vector<16xf32> to vector<16xf32>
      tpu.vector_store %arg8[%swap3A_773], %swap3A_776 {strides = array<i32>} : memref<32768xf32, #tpu.memory_space<vmem>>, vector<16xf32>,
      %mul3A_777 = arith.constant 128 : i32
      %mul3A_778 = arith.muli %while3A_729, %mul3A_777 : i32
      %add3A_779 = arith.constant 64 : i32
      %add3A_780 = arith.addi %mul3A_778, %add3A_779 : i32
      %get3A_781 = arith.index_cast %add3A_780 : i32 to index
      %get3A_782 = tpu.vector_load %arg8[%get3A_781] {strides = array<i32>} : memref<32768xf32, #tpu.memory_space<vmem>>, vector<16xf32>,
      %get3A_783 = vector.shape_cast %get3A_782 : vector<16xf32> to vector<16xf32>
      %add3A_784 = arith.addf %get3A_783, %get3A_490 : vector<16xf32>
      %swap3A_785 = arith.index_cast %add3A_780 : i32 to index
      %swap3A_786 = tpu.vector_load %arg8[%swap3A_785] {strides = array<i32>} : memref<32768xf32, #tpu.memory_space<vmem>>, vector<16xf32>,
      %swap3A_787 = vector.shape_cast %swap3A_786 : vector<16xf32> to vector<16xf32>
      %swap3A_788 = vector.shape_cast %add3A_784 : vector<16xf32> to vector<16xf32>
      tpu.vector_store %arg8[%swap3A_785], %swap3A_788 {strides = array<i32>} : memref<32768xf32, #tpu.memory_space<vmem>>, vector<16xf32>,
      %mul3A_789 = arith.constant 128 : i32
      %mul3A_790 = arith.muli %while3A_729, %mul3A_789 : i32
      %add3A_791 = arith.constant 80 : i32
      %add3A_792 = arith.addi %mul3A_790, %add3A_791 : i32
      %get3A_793 = arith.index_cast %add3A_792 : i32 to index
      %get3A_794 = tpu.vector_load %arg8[%get3A_793] {strides = array<i32>} : memref<32768xf32, #tpu.memory_space<vmem>>, vector<16xf32>,
      %get3A_795 = vector.shape_cast %get3A_794 : vector<16xf32> to vector<16xf32>
      %add3A_796 = arith.addf %get3A_795, %get3A_493 : vector<16xf32>
      %swap3A_797 = arith.index_cast %add3A_792 : i32 to index
      %swap3A_798 = tpu.vector_load %arg8[%swap3A_797] {strides = array<i32>} : memref<32768xf32, #tpu.memory_space<vmem>>, vector<16xf32>,
      %swap3A_799 = vector.shape_cast %swap3A_798 : vector<16xf32> to vector<16xf32>
      %swap3A_800 = vector.shape_cast %add3A_796 : vector<16xf32> to vector<16xf32>
      tpu.vector_store %arg8[%swap3A_797], %swap3A_800 {strides = array<i32>} : memref<32768xf32, #tpu.memory_space<vmem>>, vector<16xf32>,
      %mul3A_801 = arith.constant 128 : i32
      %mul3A_802 = arith.muli %while3A_729, %mul3A_801 : i32
      %add3A_803 = arith.constant 96 : i32
      %add3A_804 = arith.addi %mul3A_802, %add3A_803 : i32
      %get3A_805 = arith.index_cast %add3A_804 : i32 to index
      %get3A_806 = tpu.vector_load %arg8[%get3A_805] {strides = array<i32>} : memref<32768xf32, #tpu.memory_space<vmem>>, vector<16xf32>,
      %get3A_807 = vector.shape_cast %get3A_806 : vector<16xf32> to vector<16xf32>
      %add3A_808 = arith.addf %get3A_807, %get3A_496 : vector<16xf32>
      %swap3A_809 = arith.index_cast %add3A_804 : i32 to index
      %swap3A_810 = tpu.vector_load %arg8[%swap3A_809] {strides = array<i32>} : memref<32768xf32, #tpu.memory_space<vmem>>, vector<16xf32>,
      %swap3A_811 = vector.shape_cast %swap3A_810 : vector<16xf32> to vector<16xf32>
      %swap3A_812 = vector.shape_cast %add3A_808 : vector<16xf32> to vector<16xf32>
      tpu.vector_store %arg8[%swap3A_809], %swap3A_812 {strides = array<i32>} : memref<32768xf32, #tpu.memory_space<vmem>>, vector<16xf32>,
      %mul3A_813 = arith.constant 128 : i32
      %mul3A_814 = arith.muli %while3A_729, %mul3A_813 : i32
      %add3A_815 = arith.constant 112 : i32
      %add3A_816 = arith.addi %mul3A_814, %add3A_815 : i32
      %get3A_817 = arith.index_cast %add3A_816 : i32 to index
      %get3A_818 = tpu.vector_load %arg8[%get3A_817] {strides = array<i32>} : memref<32768xf32, #tpu.memory_space<vmem>>, vector<16xf32>,
      %get3A_819 = vector.shape_cast %get3A_818 : vector<16xf32> to vector<16xf32>
      %add3A_820 = arith.addf %get3A_819, %get3A_499 : vector<16xf32>
      %swap3A_821 = arith.index_cast %add3A_816 : i32 to index
      %swap3A_822 = tpu.vector_load %arg8[%swap3A_821] {strides = array<i32>} : memref<32768xf32, #tpu.memory_space<vmem>>, vector<16xf32>,
      %swap3A_823 = vector.shape_cast %swap3A_822 : vector<16xf32> to vector<16xf32>
      %swap3A_824 = vector.shape_cast %add3A_820 : vector<16xf32> to vector<16xf32>
      tpu.vector_store %arg8[%swap3A_821], %swap3A_824 {strides = array<i32>} : memref<32768xf32, #tpu.memory_space<vmem>>, vector<16xf32>,
    }
    %sub3A_509 = arith.subi %squeeze3A_27, %add3A_40 : i32
    %jit3A_510 = arith.constant 0 : i32
    %jit3A_511 = arith.constant 256 : i32
    %max3A_512 = arith.maxsi %jit3A_510, %sub3A_509 : i32
    %min3A_513 = arith.minsi %jit3A_511, %max3A_512 : i32
    %sub3A_514 = arith.subi %squeeze3A_29, %add3A_40 : i32
    %jit3A_515 = arith.constant 0 : i32
    %jit3A_516 = arith.constant 256 : i32
    %max3A_517 = arith.maxsi %jit3A_515, %sub3A_514 : i32
    %min3A_518 = arith.minsi %jit3A_516, %max3A_517 : i32
    %get3A_519 = arith.constant 1408 : index
    %get3A_520 = tpu.vector_load %arg6[%get3A_519] {strides = array<i32>} : memref<2048xf32, #tpu.memory_space<vmem>>, vector<16xf32>,
    %get3A_521 = vector.shape_cast %get3A_520 : vector<16xf32> to vector<16xf32>
    %get3A_522 = arith.constant 1424 : index
    %get3A_523 = tpu.vector_load %arg6[%get3A_522] {strides = array<i32>} : memref<2048xf32, #tpu.memory_space<vmem>>, vector<16xf32>,
    %get3A_524 = vector.shape_cast %get3A_523 : vector<16xf32> to vector<16xf32>
    %get3A_525 = arith.constant 1440 : index
    %get3A_526 = tpu.vector_load %arg6[%get3A_525] {strides = array<i32>} : memref<2048xf32, #tpu.memory_space<vmem>>, vector<16xf32>,
    %get3A_527 = vector.shape_cast %get3A_526 : vector<16xf32> to vector<16xf32>
    %get3A_528 = arith.constant 1456 : index
    %get3A_529 = tpu.vector_load %arg6[%get3A_528] {strides = array<i32>} : memref<2048xf32, #tpu.memory_space<vmem>>, vector<16xf32>,
    %get3A_530 = vector.shape_cast %get3A_529 : vector<16xf32> to vector<16xf32>
    %get3A_531 = arith.constant 1472 : index
    %get3A_532 = tpu.vector_load %arg6[%get3A_531] {strides = array<i32>} : memref<2048xf32, #tpu.memory_space<vmem>>, vector<16xf32>,
    %get3A_533 = vector.shape_cast %get3A_532 : vector<16xf32> to vector<16xf32>
    %get3A_534 = arith.constant 1488 : index
    %get3A_535 = tpu.vector_load %arg6[%get3A_534] {strides = array<i32>} : memref<2048xf32, #tpu.memory_space<vmem>>, vector<16xf32>,
    %get3A_536 = vector.shape_cast %get3A_535 : vector<16xf32> to vector<16xf32>
    %get3A_537 = arith.constant 1504 : index
    %get3A_538 = tpu.vector_load %arg6[%get3A_537] {strides = array<i32>} : memref<2048xf32, #tpu.memory_space<vmem>>, vector<16xf32>,
    %get3A_539 = vector.shape_cast %get3A_538 : vector<16xf32> to vector<16xf32>
    %get3A_540 = arith.constant 1520 : index
    %get3A_541 = tpu.vector_load %arg6[%get3A_540] {strides = array<i32>} : memref<2048xf32, #tpu.memory_space<vmem>>, vector<16xf32>,
    %get3A_542 = vector.shape_cast %get3A_541 : vector<16xf32> to vector<16xf32>
    %while3A_543 = arith.constant 0 : i32
    %while3A_544 = arith.subi %min3A_518, %min3A_513 : i32
    %while3A_545 = arith.addi %min3A_513, %while3A_544 : i32
    %while3A_546 = arith.constant 1 : i32
    %while3A_547 = arith.divsi %while3A_544, %while3A_546 : i32
    %while3A_548 = arith.muli %while3A_547, %while3A_546 : i32
    %while3A_549 = arith.addi %min3A_513, %while3A_548 : i32
    %while3A_550 = arith.constant 1 : i32
    scf.for %while3A_729 = %min3A_513 to %while3A_549 step %while3A_550  : i32 {
      %mul3A_730 = arith.constant 128 : i32
      %mul3A_731 = arith.muli %while3A_729, %mul3A_730 : i32
      %add3A_732 = arith.constant 0 : i32
      %add3A_733 = arith.addi %mul3A_731, %add3A_732 : i32
      %get3A_734 = arith.index_cast %add3A_733 : i32 to index
      %get3A_735 = tpu.vector_load %arg8[%get3A_734] {strides = array<i32>} : memref<32768xf32, #tpu.memory_space<vmem>>, vector<16xf32>,
      %get3A_736 = vector.shape_cast %get3A_735 : vector<16xf32> to vector<16xf32>
      %add3A_737 = arith.addf %get3A_736, %get3A_521 : vector<16xf32>
      %swap3A = arith.index_cast %add3A_733 : i32 to index
      %swap3A_738 = tpu.vector_load %arg8[%swap3A] {strides = array<i32>} : memref<32768xf32, #tpu.memory_space<vmem>>, vector<16xf32>,
      %swap3A_739 = vector.shape_cast %swap3A_738 : vector<16xf32> to vector<16xf32>
      %swap3A_740 = vector.shape_cast %add3A_737 : vector<16xf32> to vector<16xf32>
      tpu.vector_store %arg8[%swap3A], %swap3A_740 {strides = array<i32>} : memref<32768xf32, #tpu.memory_space<vmem>>, vector<16xf32>,
      %mul3A_741 = arith.constant 128 : i32
      %mul3A_742 = arith.muli %while3A_729, %mul3A_741 : i32
      %add3A_743 = arith.constant 16 : i32
      %add3A_744 = arith.addi %mul3A_742, %add3A_743 : i32
      %get3A_745 = arith.index_cast %add3A_744 : i32 to index
      %get3A_746 = tpu.vector_load %arg8[%get3A_745] {strides = array<i32>} : memref<32768xf32, #tpu.memory_space<vmem>>, vector<16xf32>,
      %get3A_747 = vector.shape_cast %get3A_746 : vector<16xf32> to vector<16xf32>
      %add3A_748 = arith.addf %get3A_747, %get3A_524 : vector<16xf32>
      %swap3A_749 = arith.index_cast %add3A_744 : i32 to index
      %swap3A_750 = tpu.vector_load %arg8[%swap3A_749] {strides = array<i32>} : memref<32768xf32, #tpu.memory_space<vmem>>, vector<16xf32>,
      %swap3A_751 = vector.shape_cast %swap3A_750 : vector<16xf32> to vector<16xf32>
      %swap3A_752 = vector.shape_cast %add3A_748 : vector<16xf32> to vector<16xf32>
      tpu.vector_store %arg8[%swap3A_749], %swap3A_752 {strides = array<i32>} : memref<32768xf32, #tpu.memory_space<vmem>>, vector<16xf32>,
      %mul3A_753 = arith.constant 128 : i32
      %mul3A_754 = arith.muli %while3A_729, %mul3A_753 : i32
      %add3A_755 = arith.constant 32 : i32
      %add3A_756 = arith.addi %mul3A_754, %add3A_755 : i32
      %get3A_757 = arith.index_cast %add3A_756 : i32 to index
      %get3A_758 = tpu.vector_load %arg8[%get3A_757] {strides = array<i32>} : memref<32768xf32, #tpu.memory_space<vmem>>, vector<16xf32>,
      %get3A_759 = vector.shape_cast %get3A_758 : vector<16xf32> to vector<16xf32>
      %add3A_760 = arith.addf %get3A_759, %get3A_527 : vector<16xf32>
      %swap3A_761 = arith.index_cast %add3A_756 : i32 to index
      %swap3A_762 = tpu.vector_load %arg8[%swap3A_761] {strides = array<i32>} : memref<32768xf32, #tpu.memory_space<vmem>>, vector<16xf32>,
      %swap3A_763 = vector.shape_cast %swap3A_762 : vector<16xf32> to vector<16xf32>
      %swap3A_764 = vector.shape_cast %add3A_760 : vector<16xf32> to vector<16xf32>
      tpu.vector_store %arg8[%swap3A_761], %swap3A_764 {strides = array<i32>} : memref<32768xf32, #tpu.memory_space<vmem>>, vector<16xf32>,
      %mul3A_765 = arith.constant 128 : i32
      %mul3A_766 = arith.muli %while3A_729, %mul3A_765 : i32
      %add3A_767 = arith.constant 48 : i32
      %add3A_768 = arith.addi %mul3A_766, %add3A_767 : i32
      %get3A_769 = arith.index_cast %add3A_768 : i32 to index
      %get3A_770 = tpu.vector_load %arg8[%get3A_769] {strides = array<i32>} : memref<32768xf32, #tpu.memory_space<vmem>>, vector<16xf32>,
      %get3A_771 = vector.shape_cast %get3A_770 : vector<16xf32> to vector<16xf32>
      %add3A_772 = arith.addf %get3A_771, %get3A_530 : vector<16xf32>
      %swap3A_773 = arith.index_cast %add3A_768 : i32 to index
      %swap3A_774 = tpu.vector_load %arg8[%swap3A_773] {strides = array<i32>} : memref<32768xf32, #tpu.memory_space<vmem>>, vector<16xf32>,
      %swap3A_775 = vector.shape_cast %swap3A_774 : vector<16xf32> to vector<16xf32>
      %swap3A_776 = vector.shape_cast %add3A_772 : vector<16xf32> to vector<16xf32>
      tpu.vector_store %arg8[%swap3A_773], %swap3A_776 {strides = array<i32>} : memref<32768xf32, #tpu.memory_space<vmem>>, vector<16xf32>,
      %mul3A_777 = arith.constant 128 : i32
      %mul3A_778 = arith.muli %while3A_729, %mul3A_777 : i32
      %add3A_779 = arith.constant 64 : i32
      %add3A_780 = arith.addi %mul3A_778, %add3A_779 : i32
      %get3A_781 = arith.index_cast %add3A_780 : i32 to index
      %get3A_782 = tpu.vector_load %arg8[%get3A_781] {strides = array<i32>} : memref<32768xf32, #tpu.memory_space<vmem>>, vector<16xf32>,
      %get3A_783 = vector.shape_cast %get3A_782 : vector<16xf32> to vector<16xf32>
      %add3A_784 = arith.addf %get3A_783, %get3A_533 : vector<16xf32>
      %swap3A_785 = arith.index_cast %add3A_780 : i32 to index
      %swap3A_786 = tpu.vector_load %arg8[%swap3A_785] {strides = array<i32>} : memref<32768xf32, #tpu.memory_space<vmem>>, vector<16xf32>,
      %swap3A_787 = vector.shape_cast %swap3A_786 : vector<16xf32> to vector<16xf32>
      %swap3A_788 = vector.shape_cast %add3A_784 : vector<16xf32> to vector<16xf32>
      tpu.vector_store %arg8[%swap3A_785], %swap3A_788 {strides = array<i32>} : memref<32768xf32, #tpu.memory_space<vmem>>, vector<16xf32>,
      %mul3A_789 = arith.constant 128 : i32
      %mul3A_790 = arith.muli %while3A_729, %mul3A_789 : i32
      %add3A_791 = arith.constant 80 : i32
      %add3A_792 = arith.addi %mul3A_790, %add3A_791 : i32
      %get3A_793 = arith.index_cast %add3A_792 : i32 to index
      %get3A_794 = tpu.vector_load %arg8[%get3A_793] {strides = array<i32>} : memref<32768xf32, #tpu.memory_space<vmem>>, vector<16xf32>,
      %get3A_795 = vector.shape_cast %get3A_794 : vector<16xf32> to vector<16xf32>
      %add3A_796 = arith.addf %get3A_795, %get3A_536 : vector<16xf32>
      %swap3A_797 = arith.index_cast %add3A_792 : i32 to index
      %swap3A_798 = tpu.vector_load %arg8[%swap3A_797] {strides = array<i32>} : memref<32768xf32, #tpu.memory_space<vmem>>, vector<16xf32>,
      %swap3A_799 = vector.shape_cast %swap3A_798 : vector<16xf32> to vector<16xf32>
      %swap3A_800 = vector.shape_cast %add3A_796 : vector<16xf32> to vector<16xf32>
      tpu.vector_store %arg8[%swap3A_797], %swap3A_800 {strides = array<i32>} : memref<32768xf32, #tpu.memory_space<vmem>>, vector<16xf32>,
      %mul3A_801 = arith.constant 128 : i32
      %mul3A_802 = arith.muli %while3A_729, %mul3A_801 : i32
      %add3A_803 = arith.constant 96 : i32
      %add3A_804 = arith.addi %mul3A_802, %add3A_803 : i32
      %get3A_805 = arith.index_cast %add3A_804 : i32 to index
      %get3A_806 = tpu.vector_load %arg8[%get3A_805] {strides = array<i32>} : memref<32768xf32, #tpu.memory_space<vmem>>, vector<16xf32>,
      %get3A_807 = vector.shape_cast %get3A_806 : vector<16xf32> to vector<16xf32>
      %add3A_808 = arith.addf %get3A_807, %get3A_539 : vector<16xf32>
      %swap3A_809 = arith.index_cast %add3A_804 : i32 to index
      %swap3A_810 = tpu.vector_load %arg8[%swap3A_809] {strides = array<i32>} : memref<32768xf32, #tpu.memory_space<vmem>>, vector<16xf32>,
      %swap3A_811 = vector.shape_cast %swap3A_810 : vector<16xf32> to vector<16xf32>
      %swap3A_812 = vector.shape_cast %add3A_808 : vector<16xf32> to vector<16xf32>
      tpu.vector_store %arg8[%swap3A_809], %swap3A_812 {strides = array<i32>} : memref<32768xf32, #tpu.memory_space<vmem>>, vector<16xf32>,
      %mul3A_813 = arith.constant 128 : i32
      %mul3A_814 = arith.muli %while3A_729, %mul3A_813 : i32
      %add3A_815 = arith.constant 112 : i32
      %add3A_816 = arith.addi %mul3A_814, %add3A_815 : i32
      %get3A_817 = arith.index_cast %add3A_816 : i32 to index
      %get3A_818 = tpu.vector_load %arg8[%get3A_817] {strides = array<i32>} : memref<32768xf32, #tpu.memory_space<vmem>>, vector<16xf32>,
      %get3A_819 = vector.shape_cast %get3A_818 : vector<16xf32> to vector<16xf32>
      %add3A_820 = arith.addf %get3A_819, %get3A_542 : vector<16xf32>
      %swap3A_821 = arith.index_cast %add3A_816 : i32 to index
      %swap3A_822 = tpu.vector_load %arg8[%swap3A_821] {strides = array<i32>} : memref<32768xf32, #tpu.memory_space<vmem>>, vector<16xf32>,
      %swap3A_823 = vector.shape_cast %swap3A_822 : vector<16xf32> to vector<16xf32>
      %swap3A_824 = vector.shape_cast %add3A_820 : vector<16xf32> to vector<16xf32>
      tpu.vector_store %arg8[%swap3A_821], %swap3A_824 {strides = array<i32>} : memref<32768xf32, #tpu.memory_space<vmem>>, vector<16xf32>,
    }
    %while3A_551 = arith.constant 1 : i32
    scf.for %while3A_729 = %while3A_549 to %while3A_545 step %while3A_551  : i32 {
      %mul3A_730 = arith.constant 128 : i32
      %mul3A_731 = arith.muli %while3A_729, %mul3A_730 : i32
      %add3A_732 = arith.constant 0 : i32
      %add3A_733 = arith.addi %mul3A_731, %add3A_732 : i32
      %get3A_734 = arith.index_cast %add3A_733 : i32 to index
      %get3A_735 = tpu.vector_load %arg8[%get3A_734] {strides = array<i32>} : memref<32768xf32, #tpu.memory_space<vmem>>, vector<16xf32>,
      %get3A_736 = vector.shape_cast %get3A_735 : vector<16xf32> to vector<16xf32>
      %add3A_737 = arith.addf %get3A_736, %get3A_521 : vector<16xf32>
      %swap3A = arith.index_cast %add3A_733 : i32 to index
      %swap3A_738 = tpu.vector_load %arg8[%swap3A] {strides = array<i32>} : memref<32768xf32, #tpu.memory_space<vmem>>, vector<16xf32>,
      %swap3A_739 = vector.shape_cast %swap3A_738 : vector<16xf32> to vector<16xf32>
      %swap3A_740 = vector.shape_cast %add3A_737 : vector<16xf32> to vector<16xf32>
      tpu.vector_store %arg8[%swap3A], %swap3A_740 {strides = array<i32>} : memref<32768xf32, #tpu.memory_space<vmem>>, vector<16xf32>,
      %mul3A_741 = arith.constant 128 : i32
      %mul3A_742 = arith.muli %while3A_729, %mul3A_741 : i32
      %add3A_743 = arith.constant 16 : i32
      %add3A_744 = arith.addi %mul3A_742, %add3A_743 : i32
      %get3A_745 = arith.index_cast %add3A_744 : i32 to index
      %get3A_746 = tpu.vector_load %arg8[%get3A_745] {strides = array<i32>} : memref<32768xf32, #tpu.memory_space<vmem>>, vector<16xf32>,
      %get3A_747 = vector.shape_cast %get3A_746 : vector<16xf32> to vector<16xf32>
      %add3A_748 = arith.addf %get3A_747, %get3A_524 : vector<16xf32>
      %swap3A_749 = arith.index_cast %add3A_744 : i32 to index
      %swap3A_750 = tpu.vector_load %arg8[%swap3A_749] {strides = array<i32>} : memref<32768xf32, #tpu.memory_space<vmem>>, vector<16xf32>,
      %swap3A_751 = vector.shape_cast %swap3A_750 : vector<16xf32> to vector<16xf32>
      %swap3A_752 = vector.shape_cast %add3A_748 : vector<16xf32> to vector<16xf32>
      tpu.vector_store %arg8[%swap3A_749], %swap3A_752 {strides = array<i32>} : memref<32768xf32, #tpu.memory_space<vmem>>, vector<16xf32>,
      %mul3A_753 = arith.constant 128 : i32
      %mul3A_754 = arith.muli %while3A_729, %mul3A_753 : i32
      %add3A_755 = arith.constant 32 : i32
      %add3A_756 = arith.addi %mul3A_754, %add3A_755 : i32
      %get3A_757 = arith.index_cast %add3A_756 : i32 to index
      %get3A_758 = tpu.vector_load %arg8[%get3A_757] {strides = array<i32>} : memref<32768xf32, #tpu.memory_space<vmem>>, vector<16xf32>,
      %get3A_759 = vector.shape_cast %get3A_758 : vector<16xf32> to vector<16xf32>
      %add3A_760 = arith.addf %get3A_759, %get3A_527 : vector<16xf32>
      %swap3A_761 = arith.index_cast %add3A_756 : i32 to index
      %swap3A_762 = tpu.vector_load %arg8[%swap3A_761] {strides = array<i32>} : memref<32768xf32, #tpu.memory_space<vmem>>, vector<16xf32>,
      %swap3A_763 = vector.shape_cast %swap3A_762 : vector<16xf32> to vector<16xf32>
      %swap3A_764 = vector.shape_cast %add3A_760 : vector<16xf32> to vector<16xf32>
      tpu.vector_store %arg8[%swap3A_761], %swap3A_764 {strides = array<i32>} : memref<32768xf32, #tpu.memory_space<vmem>>, vector<16xf32>,
      %mul3A_765 = arith.constant 128 : i32
      %mul3A_766 = arith.muli %while3A_729, %mul3A_765 : i32
      %add3A_767 = arith.constant 48 : i32
      %add3A_768 = arith.addi %mul3A_766, %add3A_767 : i32
      %get3A_769 = arith.index_cast %add3A_768 : i32 to index
      %get3A_770 = tpu.vector_load %arg8[%get3A_769] {strides = array<i32>} : memref<32768xf32, #tpu.memory_space<vmem>>, vector<16xf32>,
      %get3A_771 = vector.shape_cast %get3A_770 : vector<16xf32> to vector<16xf32>
      %add3A_772 = arith.addf %get3A_771, %get3A_530 : vector<16xf32>
      %swap3A_773 = arith.index_cast %add3A_768 : i32 to index
      %swap3A_774 = tpu.vector_load %arg8[%swap3A_773] {strides = array<i32>} : memref<32768xf32, #tpu.memory_space<vmem>>, vector<16xf32>,
      %swap3A_775 = vector.shape_cast %swap3A_774 : vector<16xf32> to vector<16xf32>
      %swap3A_776 = vector.shape_cast %add3A_772 : vector<16xf32> to vector<16xf32>
      tpu.vector_store %arg8[%swap3A_773], %swap3A_776 {strides = array<i32>} : memref<32768xf32, #tpu.memory_space<vmem>>, vector<16xf32>,
      %mul3A_777 = arith.constant 128 : i32
      %mul3A_778 = arith.muli %while3A_729, %mul3A_777 : i32
      %add3A_779 = arith.constant 64 : i32
      %add3A_780 = arith.addi %mul3A_778, %add3A_779 : i32
      %get3A_781 = arith.index_cast %add3A_780 : i32 to index
      %get3A_782 = tpu.vector_load %arg8[%get3A_781] {strides = array<i32>} : memref<32768xf32, #tpu.memory_space<vmem>>, vector<16xf32>,
      %get3A_783 = vector.shape_cast %get3A_782 : vector<16xf32> to vector<16xf32>
      %add3A_784 = arith.addf %get3A_783, %get3A_533 : vector<16xf32>
      %swap3A_785 = arith.index_cast %add3A_780 : i32 to index
      %swap3A_786 = tpu.vector_load %arg8[%swap3A_785] {strides = array<i32>} : memref<32768xf32, #tpu.memory_space<vmem>>, vector<16xf32>,
      %swap3A_787 = vector.shape_cast %swap3A_786 : vector<16xf32> to vector<16xf32>
      %swap3A_788 = vector.shape_cast %add3A_784 : vector<16xf32> to vector<16xf32>
      tpu.vector_store %arg8[%swap3A_785], %swap3A_788 {strides = array<i32>} : memref<32768xf32, #tpu.memory_space<vmem>>, vector<16xf32>,
      %mul3A_789 = arith.constant 128 : i32
      %mul3A_790 = arith.muli %while3A_729, %mul3A_789 : i32
      %add3A_791 = arith.constant 80 : i32
      %add3A_792 = arith.addi %mul3A_790, %add3A_791 : i32
      %get3A_793 = arith.index_cast %add3A_792 : i32 to index
      %get3A_794 = tpu.vector_load %arg8[%get3A_793] {strides = array<i32>} : memref<32768xf32, #tpu.memory_space<vmem>>, vector<16xf32>,
      %get3A_795 = vector.shape_cast %get3A_794 : vector<16xf32> to vector<16xf32>
      %add3A_796 = arith.addf %get3A_795, %get3A_536 : vector<16xf32>
      %swap3A_797 = arith.index_cast %add3A_792 : i32 to index
      %swap3A_798 = tpu.vector_load %arg8[%swap3A_797] {strides = array<i32>} : memref<32768xf32, #tpu.memory_space<vmem>>, vector<16xf32>,
      %swap3A_799 = vector.shape_cast %swap3A_798 : vector<16xf32> to vector<16xf32>
      %swap3A_800 = vector.shape_cast %add3A_796 : vector<16xf32> to vector<16xf32>
      tpu.vector_store %arg8[%swap3A_797], %swap3A_800 {strides = array<i32>} : memref<32768xf32, #tpu.memory_space<vmem>>, vector<16xf32>,
      %mul3A_801 = arith.constant 128 : i32
      %mul3A_802 = arith.muli %while3A_729, %mul3A_801 : i32
      %add3A_803 = arith.constant 96 : i32
      %add3A_804 = arith.addi %mul3A_802, %add3A_803 : i32
      %get3A_805 = arith.index_cast %add3A_804 : i32 to index
      %get3A_806 = tpu.vector_load %arg8[%get3A_805] {strides = array<i32>} : memref<32768xf32, #tpu.memory_space<vmem>>, vector<16xf32>,
      %get3A_807 = vector.shape_cast %get3A_806 : vector<16xf32> to vector<16xf32>
      %add3A_808 = arith.addf %get3A_807, %get3A_539 : vector<16xf32>
      %swap3A_809 = arith.index_cast %add3A_804 : i32 to index
      %swap3A_810 = tpu.vector_load %arg8[%swap3A_809] {strides = array<i32>} : memref<32768xf32, #tpu.memory_space<vmem>>, vector<16xf32>,
      %swap3A_811 = vector.shape_cast %swap3A_810 : vector<16xf32> to vector<16xf32>
      %swap3A_812 = vector.shape_cast %add3A_808 : vector<16xf32> to vector<16xf32>
      tpu.vector_store %arg8[%swap3A_809], %swap3A_812 {strides = array<i32>} : memref<32768xf32, #tpu.memory_space<vmem>>, vector<16xf32>,
      %mul3A_813 = arith.constant 128 : i32
      %mul3A_814 = arith.muli %while3A_729, %mul3A_813 : i32
      %add3A_815 = arith.constant 112 : i32
      %add3A_816 = arith.addi %mul3A_814, %add3A_815 : i32
      %get3A_817 = arith.index_cast %add3A_816 : i32 to index
      %get3A_818 = tpu.vector_load %arg8[%get3A_817] {strides = array<i32>} : memref<32768xf32, #tpu.memory_space<vmem>>, vector<16xf32>,
      %get3A_819 = vector.shape_cast %get3A_818 : vector<16xf32> to vector<16xf32>
      %add3A_820 = arith.addf %get3A_819, %get3A_542 : vector<16xf32>
      %swap3A_821 = arith.index_cast %add3A_816 : i32 to index
      %swap3A_822 = tpu.vector_load %arg8[%swap3A_821] {strides = array<i32>} : memref<32768xf32, #tpu.memory_space<vmem>>, vector<16xf32>,
      %swap3A_823 = vector.shape_cast %swap3A_822 : vector<16xf32> to vector<16xf32>
      %swap3A_824 = vector.shape_cast %add3A_820 : vector<16xf32> to vector<16xf32>
      tpu.vector_store %arg8[%swap3A_821], %swap3A_824 {strides = array<i32>} : memref<32768xf32, #tpu.memory_space<vmem>>, vector<16xf32>,
    }
    %sub3A_552 = arith.subi %squeeze3A_29, %add3A_40 : i32
    %jit3A_553 = arith.constant 0 : i32
    %jit3A_554 = arith.constant 256 : i32
    %max3A_555 = arith.maxsi %jit3A_553, %sub3A_552 : i32
    %min3A_556 = arith.minsi %jit3A_554, %max3A_555 : i32
    %sub3A_557 = arith.subi %squeeze3A_31, %add3A_40 : i32
    %jit3A_558 = arith.constant 0 : i32
    %jit3A_559 = arith.constant 256 : i32
    %max3A_560 = arith.maxsi %jit3A_558, %sub3A_557 : i32
    %min3A_561 = arith.minsi %jit3A_559, %max3A_560 : i32
    %get3A_562 = arith.constant 1536 : index
    %get3A_563 = tpu.vector_load %arg6[%get3A_562] {strides = array<i32>} : memref<2048xf32, #tpu.memory_space<vmem>>, vector<16xf32>,
    %get3A_564 = vector.shape_cast %get3A_563 : vector<16xf32> to vector<16xf32>
    %get3A_565 = arith.constant 1552 : index
    %get3A_566 = tpu.vector_load %arg6[%get3A_565] {strides = array<i32>} : memref<2048xf32, #tpu.memory_space<vmem>>, vector<16xf32>,
    %get3A_567 = vector.shape_cast %get3A_566 : vector<16xf32> to vector<16xf32>
    %get3A_568 = arith.constant 1568 : index
    %get3A_569 = tpu.vector_load %arg6[%get3A_568] {strides = array<i32>} : memref<2048xf32, #tpu.memory_space<vmem>>, vector<16xf32>,
    %get3A_570 = vector.shape_cast %get3A_569 : vector<16xf32> to vector<16xf32>
    %get3A_571 = arith.constant 1584 : index
    %get3A_572 = tpu.vector_load %arg6[%get3A_571] {strides = array<i32>} : memref<2048xf32, #tpu.memory_space<vmem>>, vector<16xf32>,
    %get3A_573 = vector.shape_cast %get3A_572 : vector<16xf32> to vector<16xf32>
    %get3A_574 = arith.constant 1600 : index
    %get3A_575 = tpu.vector_load %arg6[%get3A_574] {strides = array<i32>} : memref<2048xf32, #tpu.memory_space<vmem>>, vector<16xf32>,
    %get3A_576 = vector.shape_cast %get3A_575 : vector<16xf32> to vector<16xf32>
    %get3A_577 = arith.constant 1616 : index
    %get3A_578 = tpu.vector_load %arg6[%get3A_577] {strides = array<i32>} : memref<2048xf32, #tpu.memory_space<vmem>>, vector<16xf32>,
    %get3A_579 = vector.shape_cast %get3A_578 : vector<16xf32> to vector<16xf32>
    %get3A_580 = arith.constant 1632 : index
    %get3A_581 = tpu.vector_load %arg6[%get3A_580] {strides = array<i32>} : memref<2048xf32, #tpu.memory_space<vmem>>, vector<16xf32>,
    %get3A_582 = vector.shape_cast %get3A_581 : vector<16xf32> to vector<16xf32>
    %get3A_583 = arith.constant 1648 : index
    %get3A_584 = tpu.vector_load %arg6[%get3A_583] {strides = array<i32>} : memref<2048xf32, #tpu.memory_space<vmem>>, vector<16xf32>,
    %get3A_585 = vector.shape_cast %get3A_584 : vector<16xf32> to vector<16xf32>
    %while3A_586 = arith.constant 0 : i32
    %while3A_587 = arith.subi %min3A_561, %min3A_556 : i32
    %while3A_588 = arith.addi %min3A_556, %while3A_587 : i32
    %while3A_589 = arith.constant 1 : i32
    %while3A_590 = arith.divsi %while3A_587, %while3A_589 : i32
    %while3A_591 = arith.muli %while3A_590, %while3A_589 : i32
    %while3A_592 = arith.addi %min3A_556, %while3A_591 : i32
    %while3A_593 = arith.constant 1 : i32
    scf.for %while3A_729 = %min3A_556 to %while3A_592 step %while3A_593  : i32 {
      %mul3A_730 = arith.constant 128 : i32
      %mul3A_731 = arith.muli %while3A_729, %mul3A_730 : i32
      %add3A_732 = arith.constant 0 : i32
      %add3A_733 = arith.addi %mul3A_731, %add3A_732 : i32
      %get3A_734 = arith.index_cast %add3A_733 : i32 to index
      %get3A_735 = tpu.vector_load %arg8[%get3A_734] {strides = array<i32>} : memref<32768xf32, #tpu.memory_space<vmem>>, vector<16xf32>,
      %get3A_736 = vector.shape_cast %get3A_735 : vector<16xf32> to vector<16xf32>
      %add3A_737 = arith.addf %get3A_736, %get3A_564 : vector<16xf32>
      %swap3A = arith.index_cast %add3A_733 : i32 to index
      %swap3A_738 = tpu.vector_load %arg8[%swap3A] {strides = array<i32>} : memref<32768xf32, #tpu.memory_space<vmem>>, vector<16xf32>,
      %swap3A_739 = vector.shape_cast %swap3A_738 : vector<16xf32> to vector<16xf32>
      %swap3A_740 = vector.shape_cast %add3A_737 : vector<16xf32> to vector<16xf32>
      tpu.vector_store %arg8[%swap3A], %swap3A_740 {strides = array<i32>} : memref<32768xf32, #tpu.memory_space<vmem>>, vector<16xf32>,
      %mul3A_741 = arith.constant 128 : i32
      %mul3A_742 = arith.muli %while3A_729, %mul3A_741 : i32
      %add3A_743 = arith.constant 16 : i32
      %add3A_744 = arith.addi %mul3A_742, %add3A_743 : i32
      %get3A_745 = arith.index_cast %add3A_744 : i32 to index
      %get3A_746 = tpu.vector_load %arg8[%get3A_745] {strides = array<i32>} : memref<32768xf32, #tpu.memory_space<vmem>>, vector<16xf32>,
      %get3A_747 = vector.shape_cast %get3A_746 : vector<16xf32> to vector<16xf32>
      %add3A_748 = arith.addf %get3A_747, %get3A_567 : vector<16xf32>
      %swap3A_749 = arith.index_cast %add3A_744 : i32 to index
      %swap3A_750 = tpu.vector_load %arg8[%swap3A_749] {strides = array<i32>} : memref<32768xf32, #tpu.memory_space<vmem>>, vector<16xf32>,
      %swap3A_751 = vector.shape_cast %swap3A_750 : vector<16xf32> to vector<16xf32>
      %swap3A_752 = vector.shape_cast %add3A_748 : vector<16xf32> to vector<16xf32>
      tpu.vector_store %arg8[%swap3A_749], %swap3A_752 {strides = array<i32>} : memref<32768xf32, #tpu.memory_space<vmem>>, vector<16xf32>,
      %mul3A_753 = arith.constant 128 : i32
      %mul3A_754 = arith.muli %while3A_729, %mul3A_753 : i32
      %add3A_755 = arith.constant 32 : i32
      %add3A_756 = arith.addi %mul3A_754, %add3A_755 : i32
      %get3A_757 = arith.index_cast %add3A_756 : i32 to index
      %get3A_758 = tpu.vector_load %arg8[%get3A_757] {strides = array<i32>} : memref<32768xf32, #tpu.memory_space<vmem>>, vector<16xf32>,
      %get3A_759 = vector.shape_cast %get3A_758 : vector<16xf32> to vector<16xf32>
      %add3A_760 = arith.addf %get3A_759, %get3A_570 : vector<16xf32>
      %swap3A_761 = arith.index_cast %add3A_756 : i32 to index
      %swap3A_762 = tpu.vector_load %arg8[%swap3A_761] {strides = array<i32>} : memref<32768xf32, #tpu.memory_space<vmem>>, vector<16xf32>,
      %swap3A_763 = vector.shape_cast %swap3A_762 : vector<16xf32> to vector<16xf32>
      %swap3A_764 = vector.shape_cast %add3A_760 : vector<16xf32> to vector<16xf32>
      tpu.vector_store %arg8[%swap3A_761], %swap3A_764 {strides = array<i32>} : memref<32768xf32, #tpu.memory_space<vmem>>, vector<16xf32>,
      %mul3A_765 = arith.constant 128 : i32
      %mul3A_766 = arith.muli %while3A_729, %mul3A_765 : i32
      %add3A_767 = arith.constant 48 : i32
      %add3A_768 = arith.addi %mul3A_766, %add3A_767 : i32
      %get3A_769 = arith.index_cast %add3A_768 : i32 to index
      %get3A_770 = tpu.vector_load %arg8[%get3A_769] {strides = array<i32>} : memref<32768xf32, #tpu.memory_space<vmem>>, vector<16xf32>,
      %get3A_771 = vector.shape_cast %get3A_770 : vector<16xf32> to vector<16xf32>
      %add3A_772 = arith.addf %get3A_771, %get3A_573 : vector<16xf32>
      %swap3A_773 = arith.index_cast %add3A_768 : i32 to index
      %swap3A_774 = tpu.vector_load %arg8[%swap3A_773] {strides = array<i32>} : memref<32768xf32, #tpu.memory_space<vmem>>, vector<16xf32>,
      %swap3A_775 = vector.shape_cast %swap3A_774 : vector<16xf32> to vector<16xf32>
      %swap3A_776 = vector.shape_cast %add3A_772 : vector<16xf32> to vector<16xf32>
      tpu.vector_store %arg8[%swap3A_773], %swap3A_776 {strides = array<i32>} : memref<32768xf32, #tpu.memory_space<vmem>>, vector<16xf32>,
      %mul3A_777 = arith.constant 128 : i32
      %mul3A_778 = arith.muli %while3A_729, %mul3A_777 : i32
      %add3A_779 = arith.constant 64 : i32
      %add3A_780 = arith.addi %mul3A_778, %add3A_779 : i32
      %get3A_781 = arith.index_cast %add3A_780 : i32 to index
      %get3A_782 = tpu.vector_load %arg8[%get3A_781] {strides = array<i32>} : memref<32768xf32, #tpu.memory_space<vmem>>, vector<16xf32>,
      %get3A_783 = vector.shape_cast %get3A_782 : vector<16xf32> to vector<16xf32>
      %add3A_784 = arith.addf %get3A_783, %get3A_576 : vector<16xf32>
      %swap3A_785 = arith.index_cast %add3A_780 : i32 to index
      %swap3A_786 = tpu.vector_load %arg8[%swap3A_785] {strides = array<i32>} : memref<32768xf32, #tpu.memory_space<vmem>>, vector<16xf32>,
      %swap3A_787 = vector.shape_cast %swap3A_786 : vector<16xf32> to vector<16xf32>
      %swap3A_788 = vector.shape_cast %add3A_784 : vector<16xf32> to vector<16xf32>
      tpu.vector_store %arg8[%swap3A_785], %swap3A_788 {strides = array<i32>} : memref<32768xf32, #tpu.memory_space<vmem>>, vector<16xf32>,
      %mul3A_789 = arith.constant 128 : i32
      %mul3A_790 = arith.muli %while3A_729, %mul3A_789 : i32
      %add3A_791 = arith.constant 80 : i32
      %add3A_792 = arith.addi %mul3A_790, %add3A_791 : i32
      %get3A_793 = arith.index_cast %add3A_792 : i32 to index
      %get3A_794 = tpu.vector_load %arg8[%get3A_793] {strides = array<i32>} : memref<32768xf32, #tpu.memory_space<vmem>>, vector<16xf32>,
      %get3A_795 = vector.shape_cast %get3A_794 : vector<16xf32> to vector<16xf32>
      %add3A_796 = arith.addf %get3A_795, %get3A_579 : vector<16xf32>
      %swap3A_797 = arith.index_cast %add3A_792 : i32 to index
      %swap3A_798 = tpu.vector_load %arg8[%swap3A_797] {strides = array<i32>} : memref<32768xf32, #tpu.memory_space<vmem>>, vector<16xf32>,
      %swap3A_799 = vector.shape_cast %swap3A_798 : vector<16xf32> to vector<16xf32>
      %swap3A_800 = vector.shape_cast %add3A_796 : vector<16xf32> to vector<16xf32>
      tpu.vector_store %arg8[%swap3A_797], %swap3A_800 {strides = array<i32>} : memref<32768xf32, #tpu.memory_space<vmem>>, vector<16xf32>,
      %mul3A_801 = arith.constant 128 : i32
      %mul3A_802 = arith.muli %while3A_729, %mul3A_801 : i32
      %add3A_803 = arith.constant 96 : i32
      %add3A_804 = arith.addi %mul3A_802, %add3A_803 : i32
      %get3A_805 = arith.index_cast %add3A_804 : i32 to index
      %get3A_806 = tpu.vector_load %arg8[%get3A_805] {strides = array<i32>} : memref<32768xf32, #tpu.memory_space<vmem>>, vector<16xf32>,
      %get3A_807 = vector.shape_cast %get3A_806 : vector<16xf32> to vector<16xf32>
      %add3A_808 = arith.addf %get3A_807, %get3A_582 : vector<16xf32>
      %swap3A_809 = arith.index_cast %add3A_804 : i32 to index
      %swap3A_810 = tpu.vector_load %arg8[%swap3A_809] {strides = array<i32>} : memref<32768xf32, #tpu.memory_space<vmem>>, vector<16xf32>,
      %swap3A_811 = vector.shape_cast %swap3A_810 : vector<16xf32> to vector<16xf32>
      %swap3A_812 = vector.shape_cast %add3A_808 : vector<16xf32> to vector<16xf32>
      tpu.vector_store %arg8[%swap3A_809], %swap3A_812 {strides = array<i32>} : memref<32768xf32, #tpu.memory_space<vmem>>, vector<16xf32>,
      %mul3A_813 = arith.constant 128 : i32
      %mul3A_814 = arith.muli %while3A_729, %mul3A_813 : i32
      %add3A_815 = arith.constant 112 : i32
      %add3A_816 = arith.addi %mul3A_814, %add3A_815 : i32
      %get3A_817 = arith.index_cast %add3A_816 : i32 to index
      %get3A_818 = tpu.vector_load %arg8[%get3A_817] {strides = array<i32>} : memref<32768xf32, #tpu.memory_space<vmem>>, vector<16xf32>,
      %get3A_819 = vector.shape_cast %get3A_818 : vector<16xf32> to vector<16xf32>
      %add3A_820 = arith.addf %get3A_819, %get3A_585 : vector<16xf32>
      %swap3A_821 = arith.index_cast %add3A_816 : i32 to index
      %swap3A_822 = tpu.vector_load %arg8[%swap3A_821] {strides = array<i32>} : memref<32768xf32, #tpu.memory_space<vmem>>, vector<16xf32>,
      %swap3A_823 = vector.shape_cast %swap3A_822 : vector<16xf32> to vector<16xf32>
      %swap3A_824 = vector.shape_cast %add3A_820 : vector<16xf32> to vector<16xf32>
      tpu.vector_store %arg8[%swap3A_821], %swap3A_824 {strides = array<i32>} : memref<32768xf32, #tpu.memory_space<vmem>>, vector<16xf32>,
    }
    %while3A_594 = arith.constant 1 : i32
    scf.for %while3A_729 = %while3A_592 to %while3A_588 step %while3A_594  : i32 {
      %mul3A_730 = arith.constant 128 : i32
      %mul3A_731 = arith.muli %while3A_729, %mul3A_730 : i32
      %add3A_732 = arith.constant 0 : i32
      %add3A_733 = arith.addi %mul3A_731, %add3A_732 : i32
      %get3A_734 = arith.index_cast %add3A_733 : i32 to index
      %get3A_735 = tpu.vector_load %arg8[%get3A_734] {strides = array<i32>} : memref<32768xf32, #tpu.memory_space<vmem>>, vector<16xf32>,
      %get3A_736 = vector.shape_cast %get3A_735 : vector<16xf32> to vector<16xf32>
      %add3A_737 = arith.addf %get3A_736, %get3A_564 : vector<16xf32>
      %swap3A = arith.index_cast %add3A_733 : i32 to index
      %swap3A_738 = tpu.vector_load %arg8[%swap3A] {strides = array<i32>} : memref<32768xf32, #tpu.memory_space<vmem>>, vector<16xf32>,
      %swap3A_739 = vector.shape_cast %swap3A_738 : vector<16xf32> to vector<16xf32>
      %swap3A_740 = vector.shape_cast %add3A_737 : vector<16xf32> to vector<16xf32>
      tpu.vector_store %arg8[%swap3A], %swap3A_740 {strides = array<i32>} : memref<32768xf32, #tpu.memory_space<vmem>>, vector<16xf32>,
      %mul3A_741 = arith.constant 128 : i32
      %mul3A_742 = arith.muli %while3A_729, %mul3A_741 : i32
      %add3A_743 = arith.constant 16 : i32
      %add3A_744 = arith.addi %mul3A_742, %add3A_743 : i32
      %get3A_745 = arith.index_cast %add3A_744 : i32 to index
      %get3A_746 = tpu.vector_load %arg8[%get3A_745] {strides = array<i32>} : memref<32768xf32, #tpu.memory_space<vmem>>, vector<16xf32>,
      %get3A_747 = vector.shape_cast %get3A_746 : vector<16xf32> to vector<16xf32>
      %add3A_748 = arith.addf %get3A_747, %get3A_567 : vector<16xf32>
      %swap3A_749 = arith.index_cast %add3A_744 : i32 to index
      %swap3A_750 = tpu.vector_load %arg8[%swap3A_749] {strides = array<i32>} : memref<32768xf32, #tpu.memory_space<vmem>>, vector<16xf32>,
      %swap3A_751 = vector.shape_cast %swap3A_750 : vector<16xf32> to vector<16xf32>
      %swap3A_752 = vector.shape_cast %add3A_748 : vector<16xf32> to vector<16xf32>
      tpu.vector_store %arg8[%swap3A_749], %swap3A_752 {strides = array<i32>} : memref<32768xf32, #tpu.memory_space<vmem>>, vector<16xf32>,
      %mul3A_753 = arith.constant 128 : i32
      %mul3A_754 = arith.muli %while3A_729, %mul3A_753 : i32
      %add3A_755 = arith.constant 32 : i32
      %add3A_756 = arith.addi %mul3A_754, %add3A_755 : i32
      %get3A_757 = arith.index_cast %add3A_756 : i32 to index
      %get3A_758 = tpu.vector_load %arg8[%get3A_757] {strides = array<i32>} : memref<32768xf32, #tpu.memory_space<vmem>>, vector<16xf32>,
      %get3A_759 = vector.shape_cast %get3A_758 : vector<16xf32> to vector<16xf32>
      %add3A_760 = arith.addf %get3A_759, %get3A_570 : vector<16xf32>
      %swap3A_761 = arith.index_cast %add3A_756 : i32 to index
      %swap3A_762 = tpu.vector_load %arg8[%swap3A_761] {strides = array<i32>} : memref<32768xf32, #tpu.memory_space<vmem>>, vector<16xf32>,
      %swap3A_763 = vector.shape_cast %swap3A_762 : vector<16xf32> to vector<16xf32>
      %swap3A_764 = vector.shape_cast %add3A_760 : vector<16xf32> to vector<16xf32>
      tpu.vector_store %arg8[%swap3A_761], %swap3A_764 {strides = array<i32>} : memref<32768xf32, #tpu.memory_space<vmem>>, vector<16xf32>,
      %mul3A_765 = arith.constant 128 : i32
      %mul3A_766 = arith.muli %while3A_729, %mul3A_765 : i32
      %add3A_767 = arith.constant 48 : i32
      %add3A_768 = arith.addi %mul3A_766, %add3A_767 : i32
      %get3A_769 = arith.index_cast %add3A_768 : i32 to index
      %get3A_770 = tpu.vector_load %arg8[%get3A_769] {strides = array<i32>} : memref<32768xf32, #tpu.memory_space<vmem>>, vector<16xf32>,
      %get3A_771 = vector.shape_cast %get3A_770 : vector<16xf32> to vector<16xf32>
      %add3A_772 = arith.addf %get3A_771, %get3A_573 : vector<16xf32>
      %swap3A_773 = arith.index_cast %add3A_768 : i32 to index
      %swap3A_774 = tpu.vector_load %arg8[%swap3A_773] {strides = array<i32>} : memref<32768xf32, #tpu.memory_space<vmem>>, vector<16xf32>,
      %swap3A_775 = vector.shape_cast %swap3A_774 : vector<16xf32> to vector<16xf32>
      %swap3A_776 = vector.shape_cast %add3A_772 : vector<16xf32> to vector<16xf32>
      tpu.vector_store %arg8[%swap3A_773], %swap3A_776 {strides = array<i32>} : memref<32768xf32, #tpu.memory_space<vmem>>, vector<16xf32>,
      %mul3A_777 = arith.constant 128 : i32
      %mul3A_778 = arith.muli %while3A_729, %mul3A_777 : i32
      %add3A_779 = arith.constant 64 : i32
      %add3A_780 = arith.addi %mul3A_778, %add3A_779 : i32
      %get3A_781 = arith.index_cast %add3A_780 : i32 to index
      %get3A_782 = tpu.vector_load %arg8[%get3A_781] {strides = array<i32>} : memref<32768xf32, #tpu.memory_space<vmem>>, vector<16xf32>,
      %get3A_783 = vector.shape_cast %get3A_782 : vector<16xf32> to vector<16xf32>
      %add3A_784 = arith.addf %get3A_783, %get3A_576 : vector<16xf32>
      %swap3A_785 = arith.index_cast %add3A_780 : i32 to index
      %swap3A_786 = tpu.vector_load %arg8[%swap3A_785] {strides = array<i32>} : memref<32768xf32, #tpu.memory_space<vmem>>, vector<16xf32>,
      %swap3A_787 = vector.shape_cast %swap3A_786 : vector<16xf32> to vector<16xf32>
      %swap3A_788 = vector.shape_cast %add3A_784 : vector<16xf32> to vector<16xf32>
      tpu.vector_store %arg8[%swap3A_785], %swap3A_788 {strides = array<i32>} : memref<32768xf32, #tpu.memory_space<vmem>>, vector<16xf32>,
      %mul3A_789 = arith.constant 128 : i32
      %mul3A_790 = arith.muli %while3A_729, %mul3A_789 : i32
      %add3A_791 = arith.constant 80 : i32
      %add3A_792 = arith.addi %mul3A_790, %add3A_791 : i32
      %get3A_793 = arith.index_cast %add3A_792 : i32 to index
      %get3A_794 = tpu.vector_load %arg8[%get3A_793] {strides = array<i32>} : memref<32768xf32, #tpu.memory_space<vmem>>, vector<16xf32>,
      %get3A_795 = vector.shape_cast %get3A_794 : vector<16xf32> to vector<16xf32>
      %add3A_796 = arith.addf %get3A_795, %get3A_579 : vector<16xf32>
      %swap3A_797 = arith.index_cast %add3A_792 : i32 to index
      %swap3A_798 = tpu.vector_load %arg8[%swap3A_797] {strides = array<i32>} : memref<32768xf32, #tpu.memory_space<vmem>>, vector<16xf32>,
      %swap3A_799 = vector.shape_cast %swap3A_798 : vector<16xf32> to vector<16xf32>
      %swap3A_800 = vector.shape_cast %add3A_796 : vector<16xf32> to vector<16xf32>
      tpu.vector_store %arg8[%swap3A_797], %swap3A_800 {strides = array<i32>} : memref<32768xf32, #tpu.memory_space<vmem>>, vector<16xf32>,
      %mul3A_801 = arith.constant 128 : i32
      %mul3A_802 = arith.muli %while3A_729, %mul3A_801 : i32
      %add3A_803 = arith.constant 96 : i32
      %add3A_804 = arith.addi %mul3A_802, %add3A_803 : i32
      %get3A_805 = arith.index_cast %add3A_804 : i32 to index
      %get3A_806 = tpu.vector_load %arg8[%get3A_805] {strides = array<i32>} : memref<32768xf32, #tpu.memory_space<vmem>>, vector<16xf32>,
      %get3A_807 = vector.shape_cast %get3A_806 : vector<16xf32> to vector<16xf32>
      %add3A_808 = arith.addf %get3A_807, %get3A_582 : vector<16xf32>
      %swap3A_809 = arith.index_cast %add3A_804 : i32 to index
      %swap3A_810 = tpu.vector_load %arg8[%swap3A_809] {strides = array<i32>} : memref<32768xf32, #tpu.memory_space<vmem>>, vector<16xf32>,
      %swap3A_811 = vector.shape_cast %swap3A_810 : vector<16xf32> to vector<16xf32>
      %swap3A_812 = vector.shape_cast %add3A_808 : vector<16xf32> to vector<16xf32>
      tpu.vector_store %arg8[%swap3A_809], %swap3A_812 {strides = array<i32>} : memref<32768xf32, #tpu.memory_space<vmem>>, vector<16xf32>,
      %mul3A_813 = arith.constant 128 : i32
      %mul3A_814 = arith.muli %while3A_729, %mul3A_813 : i32
      %add3A_815 = arith.constant 112 : i32
      %add3A_816 = arith.addi %mul3A_814, %add3A_815 : i32
      %get3A_817 = arith.index_cast %add3A_816 : i32 to index
      %get3A_818 = tpu.vector_load %arg8[%get3A_817] {strides = array<i32>} : memref<32768xf32, #tpu.memory_space<vmem>>, vector<16xf32>,
      %get3A_819 = vector.shape_cast %get3A_818 : vector<16xf32> to vector<16xf32>
      %add3A_820 = arith.addf %get3A_819, %get3A_585 : vector<16xf32>
      %swap3A_821 = arith.index_cast %add3A_816 : i32 to index
      %swap3A_822 = tpu.vector_load %arg8[%swap3A_821] {strides = array<i32>} : memref<32768xf32, #tpu.memory_space<vmem>>, vector<16xf32>,
      %swap3A_823 = vector.shape_cast %swap3A_822 : vector<16xf32> to vector<16xf32>
      %swap3A_824 = vector.shape_cast %add3A_820 : vector<16xf32> to vector<16xf32>
      tpu.vector_store %arg8[%swap3A_821], %swap3A_824 {strides = array<i32>} : memref<32768xf32, #tpu.memory_space<vmem>>, vector<16xf32>,
    }
    %sub3A_595 = arith.subi %squeeze3A_31, %add3A_40 : i32
    %jit3A_596 = arith.constant 0 : i32
    %jit3A_597 = arith.constant 256 : i32
    %max3A_598 = arith.maxsi %jit3A_596, %sub3A_595 : i32
    %min3A_599 = arith.minsi %jit3A_597, %max3A_598 : i32
    %sub3A_600 = arith.subi %squeeze3A_33, %add3A_40 : i32
    %jit3A_601 = arith.constant 0 : i32
    %jit3A_602 = arith.constant 256 : i32
    %max3A_603 = arith.maxsi %jit3A_601, %sub3A_600 : i32
    %min3A_604 = arith.minsi %jit3A_602, %max3A_603 : i32
    %get3A_605 = arith.constant 1664 : index
    %get3A_606 = tpu.vector_load %arg6[%get3A_605] {strides = array<i32>} : memref<2048xf32, #tpu.memory_space<vmem>>, vector<16xf32>,
    %get3A_607 = vector.shape_cast %get3A_606 : vector<16xf32> to vector<16xf32>
    %get3A_608 = arith.constant 1680 : index
    %get3A_609 = tpu.vector_load %arg6[%get3A_608] {strides = array<i32>} : memref<2048xf32, #tpu.memory_space<vmem>>, vector<16xf32>,
    %get3A_610 = vector.shape_cast %get3A_609 : vector<16xf32> to vector<16xf32>
    %get3A_611 = arith.constant 1696 : index
    %get3A_612 = tpu.vector_load %arg6[%get3A_611] {strides = array<i32>} : memref<2048xf32, #tpu.memory_space<vmem>>, vector<16xf32>,
    %get3A_613 = vector.shape_cast %get3A_612 : vector<16xf32> to vector<16xf32>
    %get3A_614 = arith.constant 1712 : index
    %get3A_615 = tpu.vector_load %arg6[%get3A_614] {strides = array<i32>} : memref<2048xf32, #tpu.memory_space<vmem>>, vector<16xf32>,
    %get3A_616 = vector.shape_cast %get3A_615 : vector<16xf32> to vector<16xf32>
    %get3A_617 = arith.constant 1728 : index
    %get3A_618 = tpu.vector_load %arg6[%get3A_617] {strides = array<i32>} : memref<2048xf32, #tpu.memory_space<vmem>>, vector<16xf32>,
    %get3A_619 = vector.shape_cast %get3A_618 : vector<16xf32> to vector<16xf32>
    %get3A_620 = arith.constant 1744 : index
    %get3A_621 = tpu.vector_load %arg6[%get3A_620] {strides = array<i32>} : memref<2048xf32, #tpu.memory_space<vmem>>, vector<16xf32>,
    %get3A_622 = vector.shape_cast %get3A_621 : vector<16xf32> to vector<16xf32>
    %get3A_623 = arith.constant 1760 : index
    %get3A_624 = tpu.vector_load %arg6[%get3A_623] {strides = array<i32>} : memref<2048xf32, #tpu.memory_space<vmem>>, vector<16xf32>,
    %get3A_625 = vector.shape_cast %get3A_624 : vector<16xf32> to vector<16xf32>
    %get3A_626 = arith.constant 1776 : index
    %get3A_627 = tpu.vector_load %arg6[%get3A_626] {strides = array<i32>} : memref<2048xf32, #tpu.memory_space<vmem>>, vector<16xf32>,
    %get3A_628 = vector.shape_cast %get3A_627 : vector<16xf32> to vector<16xf32>
    %while3A_629 = arith.constant 0 : i32
    %while3A_630 = arith.subi %min3A_604, %min3A_599 : i32
    %while3A_631 = arith.addi %min3A_599, %while3A_630 : i32
    %while3A_632 = arith.constant 1 : i32
    %while3A_633 = arith.divsi %while3A_630, %while3A_632 : i32
    %while3A_634 = arith.muli %while3A_633, %while3A_632 : i32
    %while3A_635 = arith.addi %min3A_599, %while3A_634 : i32
    %while3A_636 = arith.constant 1 : i32
    scf.for %while3A_729 = %min3A_599 to %while3A_635 step %while3A_636  : i32 {
      %mul3A_730 = arith.constant 128 : i32
      %mul3A_731 = arith.muli %while3A_729, %mul3A_730 : i32
      %add3A_732 = arith.constant 0 : i32
      %add3A_733 = arith.addi %mul3A_731, %add3A_732 : i32
      %get3A_734 = arith.index_cast %add3A_733 : i32 to index
      %get3A_735 = tpu.vector_load %arg8[%get3A_734] {strides = array<i32>} : memref<32768xf32, #tpu.memory_space<vmem>>, vector<16xf32>,
      %get3A_736 = vector.shape_cast %get3A_735 : vector<16xf32> to vector<16xf32>
      %add3A_737 = arith.addf %get3A_736, %get3A_607 : vector<16xf32>
      %swap3A = arith.index_cast %add3A_733 : i32 to index
      %swap3A_738 = tpu.vector_load %arg8[%swap3A] {strides = array<i32>} : memref<32768xf32, #tpu.memory_space<vmem>>, vector<16xf32>,
      %swap3A_739 = vector.shape_cast %swap3A_738 : vector<16xf32> to vector<16xf32>
      %swap3A_740 = vector.shape_cast %add3A_737 : vector<16xf32> to vector<16xf32>
      tpu.vector_store %arg8[%swap3A], %swap3A_740 {strides = array<i32>} : memref<32768xf32, #tpu.memory_space<vmem>>, vector<16xf32>,
      %mul3A_741 = arith.constant 128 : i32
      %mul3A_742 = arith.muli %while3A_729, %mul3A_741 : i32
      %add3A_743 = arith.constant 16 : i32
      %add3A_744 = arith.addi %mul3A_742, %add3A_743 : i32
      %get3A_745 = arith.index_cast %add3A_744 : i32 to index
      %get3A_746 = tpu.vector_load %arg8[%get3A_745] {strides = array<i32>} : memref<32768xf32, #tpu.memory_space<vmem>>, vector<16xf32>,
      %get3A_747 = vector.shape_cast %get3A_746 : vector<16xf32> to vector<16xf32>
      %add3A_748 = arith.addf %get3A_747, %get3A_610 : vector<16xf32>
      %swap3A_749 = arith.index_cast %add3A_744 : i32 to index
      %swap3A_750 = tpu.vector_load %arg8[%swap3A_749] {strides = array<i32>} : memref<32768xf32, #tpu.memory_space<vmem>>, vector<16xf32>,
      %swap3A_751 = vector.shape_cast %swap3A_750 : vector<16xf32> to vector<16xf32>
      %swap3A_752 = vector.shape_cast %add3A_748 : vector<16xf32> to vector<16xf32>
      tpu.vector_store %arg8[%swap3A_749], %swap3A_752 {strides = array<i32>} : memref<32768xf32, #tpu.memory_space<vmem>>, vector<16xf32>,
      %mul3A_753 = arith.constant 128 : i32
      %mul3A_754 = arith.muli %while3A_729, %mul3A_753 : i32
      %add3A_755 = arith.constant 32 : i32
      %add3A_756 = arith.addi %mul3A_754, %add3A_755 : i32
      %get3A_757 = arith.index_cast %add3A_756 : i32 to index
      %get3A_758 = tpu.vector_load %arg8[%get3A_757] {strides = array<i32>} : memref<32768xf32, #tpu.memory_space<vmem>>, vector<16xf32>,
      %get3A_759 = vector.shape_cast %get3A_758 : vector<16xf32> to vector<16xf32>
      %add3A_760 = arith.addf %get3A_759, %get3A_613 : vector<16xf32>
      %swap3A_761 = arith.index_cast %add3A_756 : i32 to index
      %swap3A_762 = tpu.vector_load %arg8[%swap3A_761] {strides = array<i32>} : memref<32768xf32, #tpu.memory_space<vmem>>, vector<16xf32>,
      %swap3A_763 = vector.shape_cast %swap3A_762 : vector<16xf32> to vector<16xf32>
      %swap3A_764 = vector.shape_cast %add3A_760 : vector<16xf32> to vector<16xf32>
      tpu.vector_store %arg8[%swap3A_761], %swap3A_764 {strides = array<i32>} : memref<32768xf32, #tpu.memory_space<vmem>>, vector<16xf32>,
      %mul3A_765 = arith.constant 128 : i32
      %mul3A_766 = arith.muli %while3A_729, %mul3A_765 : i32
      %add3A_767 = arith.constant 48 : i32
      %add3A_768 = arith.addi %mul3A_766, %add3A_767 : i32
      %get3A_769 = arith.index_cast %add3A_768 : i32 to index
      %get3A_770 = tpu.vector_load %arg8[%get3A_769] {strides = array<i32>} : memref<32768xf32, #tpu.memory_space<vmem>>, vector<16xf32>,
      %get3A_771 = vector.shape_cast %get3A_770 : vector<16xf32> to vector<16xf32>
      %add3A_772 = arith.addf %get3A_771, %get3A_616 : vector<16xf32>
      %swap3A_773 = arith.index_cast %add3A_768 : i32 to index
      %swap3A_774 = tpu.vector_load %arg8[%swap3A_773] {strides = array<i32>} : memref<32768xf32, #tpu.memory_space<vmem>>, vector<16xf32>,
      %swap3A_775 = vector.shape_cast %swap3A_774 : vector<16xf32> to vector<16xf32>
      %swap3A_776 = vector.shape_cast %add3A_772 : vector<16xf32> to vector<16xf32>
      tpu.vector_store %arg8[%swap3A_773], %swap3A_776 {strides = array<i32>} : memref<32768xf32, #tpu.memory_space<vmem>>, vector<16xf32>,
      %mul3A_777 = arith.constant 128 : i32
      %mul3A_778 = arith.muli %while3A_729, %mul3A_777 : i32
      %add3A_779 = arith.constant 64 : i32
      %add3A_780 = arith.addi %mul3A_778, %add3A_779 : i32
      %get3A_781 = arith.index_cast %add3A_780 : i32 to index
      %get3A_782 = tpu.vector_load %arg8[%get3A_781] {strides = array<i32>} : memref<32768xf32, #tpu.memory_space<vmem>>, vector<16xf32>,
      %get3A_783 = vector.shape_cast %get3A_782 : vector<16xf32> to vector<16xf32>
      %add3A_784 = arith.addf %get3A_783, %get3A_619 : vector<16xf32>
      %swap3A_785 = arith.index_cast %add3A_780 : i32 to index
      %swap3A_786 = tpu.vector_load %arg8[%swap3A_785] {strides = array<i32>} : memref<32768xf32, #tpu.memory_space<vmem>>, vector<16xf32>,
      %swap3A_787 = vector.shape_cast %swap3A_786 : vector<16xf32> to vector<16xf32>
      %swap3A_788 = vector.shape_cast %add3A_784 : vector<16xf32> to vector<16xf32>
      tpu.vector_store %arg8[%swap3A_785], %swap3A_788 {strides = array<i32>} : memref<32768xf32, #tpu.memory_space<vmem>>, vector<16xf32>,
      %mul3A_789 = arith.constant 128 : i32
      %mul3A_790 = arith.muli %while3A_729, %mul3A_789 : i32
      %add3A_791 = arith.constant 80 : i32
      %add3A_792 = arith.addi %mul3A_790, %add3A_791 : i32
      %get3A_793 = arith.index_cast %add3A_792 : i32 to index
      %get3A_794 = tpu.vector_load %arg8[%get3A_793] {strides = array<i32>} : memref<32768xf32, #tpu.memory_space<vmem>>, vector<16xf32>,
      %get3A_795 = vector.shape_cast %get3A_794 : vector<16xf32> to vector<16xf32>
      %add3A_796 = arith.addf %get3A_795, %get3A_622 : vector<16xf32>
      %swap3A_797 = arith.index_cast %add3A_792 : i32 to index
      %swap3A_798 = tpu.vector_load %arg8[%swap3A_797] {strides = array<i32>} : memref<32768xf32, #tpu.memory_space<vmem>>, vector<16xf32>,
      %swap3A_799 = vector.shape_cast %swap3A_798 : vector<16xf32> to vector<16xf32>
      %swap3A_800 = vector.shape_cast %add3A_796 : vector<16xf32> to vector<16xf32>
      tpu.vector_store %arg8[%swap3A_797], %swap3A_800 {strides = array<i32>} : memref<32768xf32, #tpu.memory_space<vmem>>, vector<16xf32>,
      %mul3A_801 = arith.constant 128 : i32
      %mul3A_802 = arith.muli %while3A_729, %mul3A_801 : i32
      %add3A_803 = arith.constant 96 : i32
      %add3A_804 = arith.addi %mul3A_802, %add3A_803 : i32
      %get3A_805 = arith.index_cast %add3A_804 : i32 to index
      %get3A_806 = tpu.vector_load %arg8[%get3A_805] {strides = array<i32>} : memref<32768xf32, #tpu.memory_space<vmem>>, vector<16xf32>,
      %get3A_807 = vector.shape_cast %get3A_806 : vector<16xf32> to vector<16xf32>
      %add3A_808 = arith.addf %get3A_807, %get3A_625 : vector<16xf32>
      %swap3A_809 = arith.index_cast %add3A_804 : i32 to index
      %swap3A_810 = tpu.vector_load %arg8[%swap3A_809] {strides = array<i32>} : memref<32768xf32, #tpu.memory_space<vmem>>, vector<16xf32>,
      %swap3A_811 = vector.shape_cast %swap3A_810 : vector<16xf32> to vector<16xf32>
      %swap3A_812 = vector.shape_cast %add3A_808 : vector<16xf32> to vector<16xf32>
      tpu.vector_store %arg8[%swap3A_809], %swap3A_812 {strides = array<i32>} : memref<32768xf32, #tpu.memory_space<vmem>>, vector<16xf32>,
      %mul3A_813 = arith.constant 128 : i32
      %mul3A_814 = arith.muli %while3A_729, %mul3A_813 : i32
      %add3A_815 = arith.constant 112 : i32
      %add3A_816 = arith.addi %mul3A_814, %add3A_815 : i32
      %get3A_817 = arith.index_cast %add3A_816 : i32 to index
      %get3A_818 = tpu.vector_load %arg8[%get3A_817] {strides = array<i32>} : memref<32768xf32, #tpu.memory_space<vmem>>, vector<16xf32>,
      %get3A_819 = vector.shape_cast %get3A_818 : vector<16xf32> to vector<16xf32>
      %add3A_820 = arith.addf %get3A_819, %get3A_628 : vector<16xf32>
      %swap3A_821 = arith.index_cast %add3A_816 : i32 to index
      %swap3A_822 = tpu.vector_load %arg8[%swap3A_821] {strides = array<i32>} : memref<32768xf32, #tpu.memory_space<vmem>>, vector<16xf32>,
      %swap3A_823 = vector.shape_cast %swap3A_822 : vector<16xf32> to vector<16xf32>
      %swap3A_824 = vector.shape_cast %add3A_820 : vector<16xf32> to vector<16xf32>
      tpu.vector_store %arg8[%swap3A_821], %swap3A_824 {strides = array<i32>} : memref<32768xf32, #tpu.memory_space<vmem>>, vector<16xf32>,
    }
    %while3A_637 = arith.constant 1 : i32
    scf.for %while3A_729 = %while3A_635 to %while3A_631 step %while3A_637  : i32 {
      %mul3A_730 = arith.constant 128 : i32
      %mul3A_731 = arith.muli %while3A_729, %mul3A_730 : i32
      %add3A_732 = arith.constant 0 : i32
      %add3A_733 = arith.addi %mul3A_731, %add3A_732 : i32
      %get3A_734 = arith.index_cast %add3A_733 : i32 to index
      %get3A_735 = tpu.vector_load %arg8[%get3A_734] {strides = array<i32>} : memref<32768xf32, #tpu.memory_space<vmem>>, vector<16xf32>,
      %get3A_736 = vector.shape_cast %get3A_735 : vector<16xf32> to vector<16xf32>
      %add3A_737 = arith.addf %get3A_736, %get3A_607 : vector<16xf32>
      %swap3A = arith.index_cast %add3A_733 : i32 to index
      %swap3A_738 = tpu.vector_load %arg8[%swap3A] {strides = array<i32>} : memref<32768xf32, #tpu.memory_space<vmem>>, vector<16xf32>,
      %swap3A_739 = vector.shape_cast %swap3A_738 : vector<16xf32> to vector<16xf32>
      %swap3A_740 = vector.shape_cast %add3A_737 : vector<16xf32> to vector<16xf32>
      tpu.vector_store %arg8[%swap3A], %swap3A_740 {strides = array<i32>} : memref<32768xf32, #tpu.memory_space<vmem>>, vector<16xf32>,
      %mul3A_741 = arith.constant 128 : i32
      %mul3A_742 = arith.muli %while3A_729, %mul3A_741 : i32
      %add3A_743 = arith.constant 16 : i32
      %add3A_744 = arith.addi %mul3A_742, %add3A_743 : i32
      %get3A_745 = arith.index_cast %add3A_744 : i32 to index
      %get3A_746 = tpu.vector_load %arg8[%get3A_745] {strides = array<i32>} : memref<32768xf32, #tpu.memory_space<vmem>>, vector<16xf32>,
      %get3A_747 = vector.shape_cast %get3A_746 : vector<16xf32> to vector<16xf32>
      %add3A_748 = arith.addf %get3A_747, %get3A_610 : vector<16xf32>
      %swap3A_749 = arith.index_cast %add3A_744 : i32 to index
      %swap3A_750 = tpu.vector_load %arg8[%swap3A_749] {strides = array<i32>} : memref<32768xf32, #tpu.memory_space<vmem>>, vector<16xf32>,
      %swap3A_751 = vector.shape_cast %swap3A_750 : vector<16xf32> to vector<16xf32>
      %swap3A_752 = vector.shape_cast %add3A_748 : vector<16xf32> to vector<16xf32>
      tpu.vector_store %arg8[%swap3A_749], %swap3A_752 {strides = array<i32>} : memref<32768xf32, #tpu.memory_space<vmem>>, vector<16xf32>,
      %mul3A_753 = arith.constant 128 : i32
      %mul3A_754 = arith.muli %while3A_729, %mul3A_753 : i32
      %add3A_755 = arith.constant 32 : i32
      %add3A_756 = arith.addi %mul3A_754, %add3A_755 : i32
      %get3A_757 = arith.index_cast %add3A_756 : i32 to index
      %get3A_758 = tpu.vector_load %arg8[%get3A_757] {strides = array<i32>} : memref<32768xf32, #tpu.memory_space<vmem>>, vector<16xf32>,
      %get3A_759 = vector.shape_cast %get3A_758 : vector<16xf32> to vector<16xf32>
      %add3A_760 = arith.addf %get3A_759, %get3A_613 : vector<16xf32>
      %swap3A_761 = arith.index_cast %add3A_756 : i32 to index
      %swap3A_762 = tpu.vector_load %arg8[%swap3A_761] {strides = array<i32>} : memref<32768xf32, #tpu.memory_space<vmem>>, vector<16xf32>,
      %swap3A_763 = vector.shape_cast %swap3A_762 : vector<16xf32> to vector<16xf32>
      %swap3A_764 = vector.shape_cast %add3A_760 : vector<16xf32> to vector<16xf32>
      tpu.vector_store %arg8[%swap3A_761], %swap3A_764 {strides = array<i32>} : memref<32768xf32, #tpu.memory_space<vmem>>, vector<16xf32>,
      %mul3A_765 = arith.constant 128 : i32
      %mul3A_766 = arith.muli %while3A_729, %mul3A_765 : i32
      %add3A_767 = arith.constant 48 : i32
      %add3A_768 = arith.addi %mul3A_766, %add3A_767 : i32
      %get3A_769 = arith.index_cast %add3A_768 : i32 to index
      %get3A_770 = tpu.vector_load %arg8[%get3A_769] {strides = array<i32>} : memref<32768xf32, #tpu.memory_space<vmem>>, vector<16xf32>,
      %get3A_771 = vector.shape_cast %get3A_770 : vector<16xf32> to vector<16xf32>
      %add3A_772 = arith.addf %get3A_771, %get3A_616 : vector<16xf32>
      %swap3A_773 = arith.index_cast %add3A_768 : i32 to index
      %swap3A_774 = tpu.vector_load %arg8[%swap3A_773] {strides = array<i32>} : memref<32768xf32, #tpu.memory_space<vmem>>, vector<16xf32>,
      %swap3A_775 = vector.shape_cast %swap3A_774 : vector<16xf32> to vector<16xf32>
      %swap3A_776 = vector.shape_cast %add3A_772 : vector<16xf32> to vector<16xf32>
      tpu.vector_store %arg8[%swap3A_773], %swap3A_776 {strides = array<i32>} : memref<32768xf32, #tpu.memory_space<vmem>>, vector<16xf32>,
      %mul3A_777 = arith.constant 128 : i32
      %mul3A_778 = arith.muli %while3A_729, %mul3A_777 : i32
      %add3A_779 = arith.constant 64 : i32
      %add3A_780 = arith.addi %mul3A_778, %add3A_779 : i32
      %get3A_781 = arith.index_cast %add3A_780 : i32 to index
      %get3A_782 = tpu.vector_load %arg8[%get3A_781] {strides = array<i32>} : memref<32768xf32, #tpu.memory_space<vmem>>, vector<16xf32>,
      %get3A_783 = vector.shape_cast %get3A_782 : vector<16xf32> to vector<16xf32>
      %add3A_784 = arith.addf %get3A_783, %get3A_619 : vector<16xf32>
      %swap3A_785 = arith.index_cast %add3A_780 : i32 to index
      %swap3A_786 = tpu.vector_load %arg8[%swap3A_785] {strides = array<i32>} : memref<32768xf32, #tpu.memory_space<vmem>>, vector<16xf32>,
      %swap3A_787 = vector.shape_cast %swap3A_786 : vector<16xf32> to vector<16xf32>
      %swap3A_788 = vector.shape_cast %add3A_784 : vector<16xf32> to vector<16xf32>
      tpu.vector_store %arg8[%swap3A_785], %swap3A_788 {strides = array<i32>} : memref<32768xf32, #tpu.memory_space<vmem>>, vector<16xf32>,
      %mul3A_789 = arith.constant 128 : i32
      %mul3A_790 = arith.muli %while3A_729, %mul3A_789 : i32
      %add3A_791 = arith.constant 80 : i32
      %add3A_792 = arith.addi %mul3A_790, %add3A_791 : i32
      %get3A_793 = arith.index_cast %add3A_792 : i32 to index
      %get3A_794 = tpu.vector_load %arg8[%get3A_793] {strides = array<i32>} : memref<32768xf32, #tpu.memory_space<vmem>>, vector<16xf32>,
      %get3A_795 = vector.shape_cast %get3A_794 : vector<16xf32> to vector<16xf32>
      %add3A_796 = arith.addf %get3A_795, %get3A_622 : vector<16xf32>
      %swap3A_797 = arith.index_cast %add3A_792 : i32 to index
      %swap3A_798 = tpu.vector_load %arg8[%swap3A_797] {strides = array<i32>} : memref<32768xf32, #tpu.memory_space<vmem>>, vector<16xf32>,
      %swap3A_799 = vector.shape_cast %swap3A_798 : vector<16xf32> to vector<16xf32>
      %swap3A_800 = vector.shape_cast %add3A_796 : vector<16xf32> to vector<16xf32>
      tpu.vector_store %arg8[%swap3A_797], %swap3A_800 {strides = array<i32>} : memref<32768xf32, #tpu.memory_space<vmem>>, vector<16xf32>,
      %mul3A_801 = arith.constant 128 : i32
      %mul3A_802 = arith.muli %while3A_729, %mul3A_801 : i32
      %add3A_803 = arith.constant 96 : i32
      %add3A_804 = arith.addi %mul3A_802, %add3A_803 : i32
      %get3A_805 = arith.index_cast %add3A_804 : i32 to index
      %get3A_806 = tpu.vector_load %arg8[%get3A_805] {strides = array<i32>} : memref<32768xf32, #tpu.memory_space<vmem>>, vector<16xf32>,
      %get3A_807 = vector.shape_cast %get3A_806 : vector<16xf32> to vector<16xf32>
      %add3A_808 = arith.addf %get3A_807, %get3A_625 : vector<16xf32>
      %swap3A_809 = arith.index_cast %add3A_804 : i32 to index
      %swap3A_810 = tpu.vector_load %arg8[%swap3A_809] {strides = array<i32>} : memref<32768xf32, #tpu.memory_space<vmem>>, vector<16xf32>,
      %swap3A_811 = vector.shape_cast %swap3A_810 : vector<16xf32> to vector<16xf32>
      %swap3A_812 = vector.shape_cast %add3A_808 : vector<16xf32> to vector<16xf32>
      tpu.vector_store %arg8[%swap3A_809], %swap3A_812 {strides = array<i32>} : memref<32768xf32, #tpu.memory_space<vmem>>, vector<16xf32>,
      %mul3A_813 = arith.constant 128 : i32
      %mul3A_814 = arith.muli %while3A_729, %mul3A_813 : i32
      %add3A_815 = arith.constant 112 : i32
      %add3A_816 = arith.addi %mul3A_814, %add3A_815 : i32
      %get3A_817 = arith.index_cast %add3A_816 : i32 to index
      %get3A_818 = tpu.vector_load %arg8[%get3A_817] {strides = array<i32>} : memref<32768xf32, #tpu.memory_space<vmem>>, vector<16xf32>,
      %get3A_819 = vector.shape_cast %get3A_818 : vector<16xf32> to vector<16xf32>
      %add3A_820 = arith.addf %get3A_819, %get3A_628 : vector<16xf32>
      %swap3A_821 = arith.index_cast %add3A_816 : i32 to index
      %swap3A_822 = tpu.vector_load %arg8[%swap3A_821] {strides = array<i32>} : memref<32768xf32, #tpu.memory_space<vmem>>, vector<16xf32>,
      %swap3A_823 = vector.shape_cast %swap3A_822 : vector<16xf32> to vector<16xf32>
      %swap3A_824 = vector.shape_cast %add3A_820 : vector<16xf32> to vector<16xf32>
      tpu.vector_store %arg8[%swap3A_821], %swap3A_824 {strides = array<i32>} : memref<32768xf32, #tpu.memory_space<vmem>>, vector<16xf32>,
    }
    %sub3A_638 = arith.subi %squeeze3A_33, %add3A_40 : i32
    %jit3A_639 = arith.constant 0 : i32
    %jit3A_640 = arith.constant 256 : i32
    %max3A_641 = arith.maxsi %jit3A_639, %sub3A_638 : i32
    %min3A_642 = arith.minsi %jit3A_640, %max3A_641 : i32
    %sub3A_643 = arith.subi %squeeze3A_35, %add3A_40 : i32
    %jit3A_644 = arith.constant 0 : i32
    %jit3A_645 = arith.constant 256 : i32
    %max3A_646 = arith.maxsi %jit3A_644, %sub3A_643 : i32
    %min3A_647 = arith.minsi %jit3A_645, %max3A_646 : i32
    %get3A_648 = arith.constant 1792 : index
    %get3A_649 = tpu.vector_load %arg6[%get3A_648] {strides = array<i32>} : memref<2048xf32, #tpu.memory_space<vmem>>, vector<16xf32>,
    %get3A_650 = vector.shape_cast %get3A_649 : vector<16xf32> to vector<16xf32>
    %get3A_651 = arith.constant 1808 : index
    %get3A_652 = tpu.vector_load %arg6[%get3A_651] {strides = array<i32>} : memref<2048xf32, #tpu.memory_space<vmem>>, vector<16xf32>,
    %get3A_653 = vector.shape_cast %get3A_652 : vector<16xf32> to vector<16xf32>
    %get3A_654 = arith.constant 1824 : index
    %get3A_655 = tpu.vector_load %arg6[%get3A_654] {strides = array<i32>} : memref<2048xf32, #tpu.memory_space<vmem>>, vector<16xf32>,
    %get3A_656 = vector.shape_cast %get3A_655 : vector<16xf32> to vector<16xf32>
    %get3A_657 = arith.constant 1840 : index
    %get3A_658 = tpu.vector_load %arg6[%get3A_657] {strides = array<i32>} : memref<2048xf32, #tpu.memory_space<vmem>>, vector<16xf32>,
    %get3A_659 = vector.shape_cast %get3A_658 : vector<16xf32> to vector<16xf32>
    %get3A_660 = arith.constant 1856 : index
    %get3A_661 = tpu.vector_load %arg6[%get3A_660] {strides = array<i32>} : memref<2048xf32, #tpu.memory_space<vmem>>, vector<16xf32>,
    %get3A_662 = vector.shape_cast %get3A_661 : vector<16xf32> to vector<16xf32>
    %get3A_663 = arith.constant 1872 : index
    %get3A_664 = tpu.vector_load %arg6[%get3A_663] {strides = array<i32>} : memref<2048xf32, #tpu.memory_space<vmem>>, vector<16xf32>,
    %get3A_665 = vector.shape_cast %get3A_664 : vector<16xf32> to vector<16xf32>
    %get3A_666 = arith.constant 1888 : index
    %get3A_667 = tpu.vector_load %arg6[%get3A_666] {strides = array<i32>} : memref<2048xf32, #tpu.memory_space<vmem>>, vector<16xf32>,
    %get3A_668 = vector.shape_cast %get3A_667 : vector<16xf32> to vector<16xf32>
    %get3A_669 = arith.constant 1904 : index
    %get3A_670 = tpu.vector_load %arg6[%get3A_669] {strides = array<i32>} : memref<2048xf32, #tpu.memory_space<vmem>>, vector<16xf32>,
    %get3A_671 = vector.shape_cast %get3A_670 : vector<16xf32> to vector<16xf32>
    %while3A_672 = arith.constant 0 : i32
    %while3A_673 = arith.subi %min3A_647, %min3A_642 : i32
    %while3A_674 = arith.addi %min3A_642, %while3A_673 : i32
    %while3A_675 = arith.constant 1 : i32
    %while3A_676 = arith.divsi %while3A_673, %while3A_675 : i32
    %while3A_677 = arith.muli %while3A_676, %while3A_675 : i32
    %while3A_678 = arith.addi %min3A_642, %while3A_677 : i32
    %while3A_679 = arith.constant 1 : i32
    scf.for %while3A_729 = %min3A_642 to %while3A_678 step %while3A_679  : i32 {
      %mul3A_730 = arith.constant 128 : i32
      %mul3A_731 = arith.muli %while3A_729, %mul3A_730 : i32
      %add3A_732 = arith.constant 0 : i32
      %add3A_733 = arith.addi %mul3A_731, %add3A_732 : i32
      %get3A_734 = arith.index_cast %add3A_733 : i32 to index
      %get3A_735 = tpu.vector_load %arg8[%get3A_734] {strides = array<i32>} : memref<32768xf32, #tpu.memory_space<vmem>>, vector<16xf32>,
      %get3A_736 = vector.shape_cast %get3A_735 : vector<16xf32> to vector<16xf32>
      %add3A_737 = arith.addf %get3A_736, %get3A_650 : vector<16xf32>
      %swap3A = arith.index_cast %add3A_733 : i32 to index
      %swap3A_738 = tpu.vector_load %arg8[%swap3A] {strides = array<i32>} : memref<32768xf32, #tpu.memory_space<vmem>>, vector<16xf32>,
      %swap3A_739 = vector.shape_cast %swap3A_738 : vector<16xf32> to vector<16xf32>
      %swap3A_740 = vector.shape_cast %add3A_737 : vector<16xf32> to vector<16xf32>
      tpu.vector_store %arg8[%swap3A], %swap3A_740 {strides = array<i32>} : memref<32768xf32, #tpu.memory_space<vmem>>, vector<16xf32>,
      %mul3A_741 = arith.constant 128 : i32
      %mul3A_742 = arith.muli %while3A_729, %mul3A_741 : i32
      %add3A_743 = arith.constant 16 : i32
      %add3A_744 = arith.addi %mul3A_742, %add3A_743 : i32
      %get3A_745 = arith.index_cast %add3A_744 : i32 to index
      %get3A_746 = tpu.vector_load %arg8[%get3A_745] {strides = array<i32>} : memref<32768xf32, #tpu.memory_space<vmem>>, vector<16xf32>,
      %get3A_747 = vector.shape_cast %get3A_746 : vector<16xf32> to vector<16xf32>
      %add3A_748 = arith.addf %get3A_747, %get3A_653 : vector<16xf32>
      %swap3A_749 = arith.index_cast %add3A_744 : i32 to index
      %swap3A_750 = tpu.vector_load %arg8[%swap3A_749] {strides = array<i32>} : memref<32768xf32, #tpu.memory_space<vmem>>, vector<16xf32>,
      %swap3A_751 = vector.shape_cast %swap3A_750 : vector<16xf32> to vector<16xf32>
      %swap3A_752 = vector.shape_cast %add3A_748 : vector<16xf32> to vector<16xf32>
      tpu.vector_store %arg8[%swap3A_749], %swap3A_752 {strides = array<i32>} : memref<32768xf32, #tpu.memory_space<vmem>>, vector<16xf32>,
      %mul3A_753 = arith.constant 128 : i32
      %mul3A_754 = arith.muli %while3A_729, %mul3A_753 : i32
      %add3A_755 = arith.constant 32 : i32
      %add3A_756 = arith.addi %mul3A_754, %add3A_755 : i32
      %get3A_757 = arith.index_cast %add3A_756 : i32 to index
      %get3A_758 = tpu.vector_load %arg8[%get3A_757] {strides = array<i32>} : memref<32768xf32, #tpu.memory_space<vmem>>, vector<16xf32>,
      %get3A_759 = vector.shape_cast %get3A_758 : vector<16xf32> to vector<16xf32>
      %add3A_760 = arith.addf %get3A_759, %get3A_656 : vector<16xf32>
      %swap3A_761 = arith.index_cast %add3A_756 : i32 to index
      %swap3A_762 = tpu.vector_load %arg8[%swap3A_761] {strides = array<i32>} : memref<32768xf32, #tpu.memory_space<vmem>>, vector<16xf32>,
      %swap3A_763 = vector.shape_cast %swap3A_762 : vector<16xf32> to vector<16xf32>
      %swap3A_764 = vector.shape_cast %add3A_760 : vector<16xf32> to vector<16xf32>
      tpu.vector_store %arg8[%swap3A_761], %swap3A_764 {strides = array<i32>} : memref<32768xf32, #tpu.memory_space<vmem>>, vector<16xf32>,
      %mul3A_765 = arith.constant 128 : i32
      %mul3A_766 = arith.muli %while3A_729, %mul3A_765 : i32
      %add3A_767 = arith.constant 48 : i32
      %add3A_768 = arith.addi %mul3A_766, %add3A_767 : i32
      %get3A_769 = arith.index_cast %add3A_768 : i32 to index
      %get3A_770 = tpu.vector_load %arg8[%get3A_769] {strides = array<i32>} : memref<32768xf32, #tpu.memory_space<vmem>>, vector<16xf32>,
      %get3A_771 = vector.shape_cast %get3A_770 : vector<16xf32> to vector<16xf32>
      %add3A_772 = arith.addf %get3A_771, %get3A_659 : vector<16xf32>
      %swap3A_773 = arith.index_cast %add3A_768 : i32 to index
      %swap3A_774 = tpu.vector_load %arg8[%swap3A_773] {strides = array<i32>} : memref<32768xf32, #tpu.memory_space<vmem>>, vector<16xf32>,
      %swap3A_775 = vector.shape_cast %swap3A_774 : vector<16xf32> to vector<16xf32>
      %swap3A_776 = vector.shape_cast %add3A_772 : vector<16xf32> to vector<16xf32>
      tpu.vector_store %arg8[%swap3A_773], %swap3A_776 {strides = array<i32>} : memref<32768xf32, #tpu.memory_space<vmem>>, vector<16xf32>,
      %mul3A_777 = arith.constant 128 : i32
      %mul3A_778 = arith.muli %while3A_729, %mul3A_777 : i32
      %add3A_779 = arith.constant 64 : i32
      %add3A_780 = arith.addi %mul3A_778, %add3A_779 : i32
      %get3A_781 = arith.index_cast %add3A_780 : i32 to index
      %get3A_782 = tpu.vector_load %arg8[%get3A_781] {strides = array<i32>} : memref<32768xf32, #tpu.memory_space<vmem>>, vector<16xf32>,
      %get3A_783 = vector.shape_cast %get3A_782 : vector<16xf32> to vector<16xf32>
      %add3A_784 = arith.addf %get3A_783, %get3A_662 : vector<16xf32>
      %swap3A_785 = arith.index_cast %add3A_780 : i32 to index
      %swap3A_786 = tpu.vector_load %arg8[%swap3A_785] {strides = array<i32>} : memref<32768xf32, #tpu.memory_space<vmem>>, vector<16xf32>,
      %swap3A_787 = vector.shape_cast %swap3A_786 : vector<16xf32> to vector<16xf32>
      %swap3A_788 = vector.shape_cast %add3A_784 : vector<16xf32> to vector<16xf32>
      tpu.vector_store %arg8[%swap3A_785], %swap3A_788 {strides = array<i32>} : memref<32768xf32, #tpu.memory_space<vmem>>, vector<16xf32>,
      %mul3A_789 = arith.constant 128 : i32
      %mul3A_790 = arith.muli %while3A_729, %mul3A_789 : i32
      %add3A_791 = arith.constant 80 : i32
      %add3A_792 = arith.addi %mul3A_790, %add3A_791 : i32
      %get3A_793 = arith.index_cast %add3A_792 : i32 to index
      %get3A_794 = tpu.vector_load %arg8[%get3A_793] {strides = array<i32>} : memref<32768xf32, #tpu.memory_space<vmem>>, vector<16xf32>,
      %get3A_795 = vector.shape_cast %get3A_794 : vector<16xf32> to vector<16xf32>
      %add3A_796 = arith.addf %get3A_795, %get3A_665 : vector<16xf32>
      %swap3A_797 = arith.index_cast %add3A_792 : i32 to index
      %swap3A_798 = tpu.vector_load %arg8[%swap3A_797] {strides = array<i32>} : memref<32768xf32, #tpu.memory_space<vmem>>, vector<16xf32>,
      %swap3A_799 = vector.shape_cast %swap3A_798 : vector<16xf32> to vector<16xf32>
      %swap3A_800 = vector.shape_cast %add3A_796 : vector<16xf32> to vector<16xf32>
      tpu.vector_store %arg8[%swap3A_797], %swap3A_800 {strides = array<i32>} : memref<32768xf32, #tpu.memory_space<vmem>>, vector<16xf32>,
      %mul3A_801 = arith.constant 128 : i32
      %mul3A_802 = arith.muli %while3A_729, %mul3A_801 : i32
      %add3A_803 = arith.constant 96 : i32
      %add3A_804 = arith.addi %mul3A_802, %add3A_803 : i32
      %get3A_805 = arith.index_cast %add3A_804 : i32 to index
      %get3A_806 = tpu.vector_load %arg8[%get3A_805] {strides = array<i32>} : memref<32768xf32, #tpu.memory_space<vmem>>, vector<16xf32>,
      %get3A_807 = vector.shape_cast %get3A_806 : vector<16xf32> to vector<16xf32>
      %add3A_808 = arith.addf %get3A_807, %get3A_668 : vector<16xf32>
      %swap3A_809 = arith.index_cast %add3A_804 : i32 to index
      %swap3A_810 = tpu.vector_load %arg8[%swap3A_809] {strides = array<i32>} : memref<32768xf32, #tpu.memory_space<vmem>>, vector<16xf32>,
      %swap3A_811 = vector.shape_cast %swap3A_810 : vector<16xf32> to vector<16xf32>
      %swap3A_812 = vector.shape_cast %add3A_808 : vector<16xf32> to vector<16xf32>
      tpu.vector_store %arg8[%swap3A_809], %swap3A_812 {strides = array<i32>} : memref<32768xf32, #tpu.memory_space<vmem>>, vector<16xf32>,
      %mul3A_813 = arith.constant 128 : i32
      %mul3A_814 = arith.muli %while3A_729, %mul3A_813 : i32
      %add3A_815 = arith.constant 112 : i32
      %add3A_816 = arith.addi %mul3A_814, %add3A_815 : i32
      %get3A_817 = arith.index_cast %add3A_816 : i32 to index
      %get3A_818 = tpu.vector_load %arg8[%get3A_817] {strides = array<i32>} : memref<32768xf32, #tpu.memory_space<vmem>>, vector<16xf32>,
      %get3A_819 = vector.shape_cast %get3A_818 : vector<16xf32> to vector<16xf32>
      %add3A_820 = arith.addf %get3A_819, %get3A_671 : vector<16xf32>
      %swap3A_821 = arith.index_cast %add3A_816 : i32 to index
      %swap3A_822 = tpu.vector_load %arg8[%swap3A_821] {strides = array<i32>} : memref<32768xf32, #tpu.memory_space<vmem>>, vector<16xf32>,
      %swap3A_823 = vector.shape_cast %swap3A_822 : vector<16xf32> to vector<16xf32>
      %swap3A_824 = vector.shape_cast %add3A_820 : vector<16xf32> to vector<16xf32>
      tpu.vector_store %arg8[%swap3A_821], %swap3A_824 {strides = array<i32>} : memref<32768xf32, #tpu.memory_space<vmem>>, vector<16xf32>,
    }
    %while3A_680 = arith.constant 1 : i32
    scf.for %while3A_729 = %while3A_678 to %while3A_674 step %while3A_680  : i32 {
      %mul3A_730 = arith.constant 128 : i32
      %mul3A_731 = arith.muli %while3A_729, %mul3A_730 : i32
      %add3A_732 = arith.constant 0 : i32
      %add3A_733 = arith.addi %mul3A_731, %add3A_732 : i32
      %get3A_734 = arith.index_cast %add3A_733 : i32 to index
      %get3A_735 = tpu.vector_load %arg8[%get3A_734] {strides = array<i32>} : memref<32768xf32, #tpu.memory_space<vmem>>, vector<16xf32>,
      %get3A_736 = vector.shape_cast %get3A_735 : vector<16xf32> to vector<16xf32>
      %add3A_737 = arith.addf %get3A_736, %get3A_650 : vector<16xf32>
      %swap3A = arith.index_cast %add3A_733 : i32 to index
      %swap3A_738 = tpu.vector_load %arg8[%swap3A] {strides = array<i32>} : memref<32768xf32, #tpu.memory_space<vmem>>, vector<16xf32>,
      %swap3A_739 = vector.shape_cast %swap3A_738 : vector<16xf32> to vector<16xf32>
      %swap3A_740 = vector.shape_cast %add3A_737 : vector<16xf32> to vector<16xf32>
      tpu.vector_store %arg8[%swap3A], %swap3A_740 {strides = array<i32>} : memref<32768xf32, #tpu.memory_space<vmem>>, vector<16xf32>,
      %mul3A_741 = arith.constant 128 : i32
      %mul3A_742 = arith.muli %while3A_729, %mul3A_741 : i32
      %add3A_743 = arith.constant 16 : i32
      %add3A_744 = arith.addi %mul3A_742, %add3A_743 : i32
      %get3A_745 = arith.index_cast %add3A_744 : i32 to index
      %get3A_746 = tpu.vector_load %arg8[%get3A_745] {strides = array<i32>} : memref<32768xf32, #tpu.memory_space<vmem>>, vector<16xf32>,
      %get3A_747 = vector.shape_cast %get3A_746 : vector<16xf32> to vector<16xf32>
      %add3A_748 = arith.addf %get3A_747, %get3A_653 : vector<16xf32>
      %swap3A_749 = arith.index_cast %add3A_744 : i32 to index
      %swap3A_750 = tpu.vector_load %arg8[%swap3A_749] {strides = array<i32>} : memref<32768xf32, #tpu.memory_space<vmem>>, vector<16xf32>,
      %swap3A_751 = vector.shape_cast %swap3A_750 : vector<16xf32> to vector<16xf32>
      %swap3A_752 = vector.shape_cast %add3A_748 : vector<16xf32> to vector<16xf32>
      tpu.vector_store %arg8[%swap3A_749], %swap3A_752 {strides = array<i32>} : memref<32768xf32, #tpu.memory_space<vmem>>, vector<16xf32>,
      %mul3A_753 = arith.constant 128 : i32
      %mul3A_754 = arith.muli %while3A_729, %mul3A_753 : i32
      %add3A_755 = arith.constant 32 : i32
      %add3A_756 = arith.addi %mul3A_754, %add3A_755 : i32
      %get3A_757 = arith.index_cast %add3A_756 : i32 to index
      %get3A_758 = tpu.vector_load %arg8[%get3A_757] {strides = array<i32>} : memref<32768xf32, #tpu.memory_space<vmem>>, vector<16xf32>,
      %get3A_759 = vector.shape_cast %get3A_758 : vector<16xf32> to vector<16xf32>
      %add3A_760 = arith.addf %get3A_759, %get3A_656 : vector<16xf32>
      %swap3A_761 = arith.index_cast %add3A_756 : i32 to index
      %swap3A_762 = tpu.vector_load %arg8[%swap3A_761] {strides = array<i32>} : memref<32768xf32, #tpu.memory_space<vmem>>, vector<16xf32>,
      %swap3A_763 = vector.shape_cast %swap3A_762 : vector<16xf32> to vector<16xf32>
      %swap3A_764 = vector.shape_cast %add3A_760 : vector<16xf32> to vector<16xf32>
      tpu.vector_store %arg8[%swap3A_761], %swap3A_764 {strides = array<i32>} : memref<32768xf32, #tpu.memory_space<vmem>>, vector<16xf32>,
      %mul3A_765 = arith.constant 128 : i32
      %mul3A_766 = arith.muli %while3A_729, %mul3A_765 : i32
      %add3A_767 = arith.constant 48 : i32
      %add3A_768 = arith.addi %mul3A_766, %add3A_767 : i32
      %get3A_769 = arith.index_cast %add3A_768 : i32 to index
      %get3A_770 = tpu.vector_load %arg8[%get3A_769] {strides = array<i32>} : memref<32768xf32, #tpu.memory_space<vmem>>, vector<16xf32>,
      %get3A_771 = vector.shape_cast %get3A_770 : vector<16xf32> to vector<16xf32>
      %add3A_772 = arith.addf %get3A_771, %get3A_659 : vector<16xf32>
      %swap3A_773 = arith.index_cast %add3A_768 : i32 to index
      %swap3A_774 = tpu.vector_load %arg8[%swap3A_773] {strides = array<i32>} : memref<32768xf32, #tpu.memory_space<vmem>>, vector<16xf32>,
      %swap3A_775 = vector.shape_cast %swap3A_774 : vector<16xf32> to vector<16xf32>
      %swap3A_776 = vector.shape_cast %add3A_772 : vector<16xf32> to vector<16xf32>
      tpu.vector_store %arg8[%swap3A_773], %swap3A_776 {strides = array<i32>} : memref<32768xf32, #tpu.memory_space<vmem>>, vector<16xf32>,
      %mul3A_777 = arith.constant 128 : i32
      %mul3A_778 = arith.muli %while3A_729, %mul3A_777 : i32
      %add3A_779 = arith.constant 64 : i32
      %add3A_780 = arith.addi %mul3A_778, %add3A_779 : i32
      %get3A_781 = arith.index_cast %add3A_780 : i32 to index
      %get3A_782 = tpu.vector_load %arg8[%get3A_781] {strides = array<i32>} : memref<32768xf32, #tpu.memory_space<vmem>>, vector<16xf32>,
      %get3A_783 = vector.shape_cast %get3A_782 : vector<16xf32> to vector<16xf32>
      %add3A_784 = arith.addf %get3A_783, %get3A_662 : vector<16xf32>
      %swap3A_785 = arith.index_cast %add3A_780 : i32 to index
      %swap3A_786 = tpu.vector_load %arg8[%swap3A_785] {strides = array<i32>} : memref<32768xf32, #tpu.memory_space<vmem>>, vector<16xf32>,
      %swap3A_787 = vector.shape_cast %swap3A_786 : vector<16xf32> to vector<16xf32>
      %swap3A_788 = vector.shape_cast %add3A_784 : vector<16xf32> to vector<16xf32>
      tpu.vector_store %arg8[%swap3A_785], %swap3A_788 {strides = array<i32>} : memref<32768xf32, #tpu.memory_space<vmem>>, vector<16xf32>,
      %mul3A_789 = arith.constant 128 : i32
      %mul3A_790 = arith.muli %while3A_729, %mul3A_789 : i32
      %add3A_791 = arith.constant 80 : i32
      %add3A_792 = arith.addi %mul3A_790, %add3A_791 : i32
      %get3A_793 = arith.index_cast %add3A_792 : i32 to index
      %get3A_794 = tpu.vector_load %arg8[%get3A_793] {strides = array<i32>} : memref<32768xf32, #tpu.memory_space<vmem>>, vector<16xf32>,
      %get3A_795 = vector.shape_cast %get3A_794 : vector<16xf32> to vector<16xf32>
      %add3A_796 = arith.addf %get3A_795, %get3A_665 : vector<16xf32>
      %swap3A_797 = arith.index_cast %add3A_792 : i32 to index
      %swap3A_798 = tpu.vector_load %arg8[%swap3A_797] {strides = array<i32>} : memref<32768xf32, #tpu.memory_space<vmem>>, vector<16xf32>,
      %swap3A_799 = vector.shape_cast %swap3A_798 : vector<16xf32> to vector<16xf32>
      %swap3A_800 = vector.shape_cast %add3A_796 : vector<16xf32> to vector<16xf32>
      tpu.vector_store %arg8[%swap3A_797], %swap3A_800 {strides = array<i32>} : memref<32768xf32, #tpu.memory_space<vmem>>, vector<16xf32>,
      %mul3A_801 = arith.constant 128 : i32
      %mul3A_802 = arith.muli %while3A_729, %mul3A_801 : i32
      %add3A_803 = arith.constant 96 : i32
      %add3A_804 = arith.addi %mul3A_802, %add3A_803 : i32
      %get3A_805 = arith.index_cast %add3A_804 : i32 to index
      %get3A_806 = tpu.vector_load %arg8[%get3A_805] {strides = array<i32>} : memref<32768xf32, #tpu.memory_space<vmem>>, vector<16xf32>,
      %get3A_807 = vector.shape_cast %get3A_806 : vector<16xf32> to vector<16xf32>
      %add3A_808 = arith.addf %get3A_807, %get3A_668 : vector<16xf32>
      %swap3A_809 = arith.index_cast %add3A_804 : i32 to index
      %swap3A_810 = tpu.vector_load %arg8[%swap3A_809] {strides = array<i32>} : memref<32768xf32, #tpu.memory_space<vmem>>, vector<16xf32>,
      %swap3A_811 = vector.shape_cast %swap3A_810 : vector<16xf32> to vector<16xf32>
      %swap3A_812 = vector.shape_cast %add3A_808 : vector<16xf32> to vector<16xf32>
      tpu.vector_store %arg8[%swap3A_809], %swap3A_812 {strides = array<i32>} : memref<32768xf32, #tpu.memory_space<vmem>>, vector<16xf32>,
      %mul3A_813 = arith.constant 128 : i32
      %mul3A_814 = arith.muli %while3A_729, %mul3A_813 : i32
      %add3A_815 = arith.constant 112 : i32
      %add3A_816 = arith.addi %mul3A_814, %add3A_815 : i32
      %get3A_817 = arith.index_cast %add3A_816 : i32 to index
      %get3A_818 = tpu.vector_load %arg8[%get3A_817] {strides = array<i32>} : memref<32768xf32, #tpu.memory_space<vmem>>, vector<16xf32>,
      %get3A_819 = vector.shape_cast %get3A_818 : vector<16xf32> to vector<16xf32>
      %add3A_820 = arith.addf %get3A_819, %get3A_671 : vector<16xf32>
      %swap3A_821 = arith.index_cast %add3A_816 : i32 to index
      %swap3A_822 = tpu.vector_load %arg8[%swap3A_821] {strides = array<i32>} : memref<32768xf32, #tpu.memory_space<vmem>>, vector<16xf32>,
      %swap3A_823 = vector.shape_cast %swap3A_822 : vector<16xf32> to vector<16xf32>
      %swap3A_824 = vector.shape_cast %add3A_820 : vector<16xf32> to vector<16xf32>
      tpu.vector_store %arg8[%swap3A_821], %swap3A_824 {strides = array<i32>} : memref<32768xf32, #tpu.memory_space<vmem>>, vector<16xf32>,
    }
    %sub3A_681 = arith.subi %squeeze3A_35, %add3A_40 : i32
    %jit3A_682 = arith.constant 0 : i32
    %jit3A_683 = arith.constant 256 : i32
    %max3A_684 = arith.maxsi %jit3A_682, %sub3A_681 : i32
    %min3A_685 = arith.minsi %jit3A_683, %max3A_684 : i32
    %sub3A_686 = arith.constant 32768 : i32
    %sub3A_687 = arith.subi %sub3A_686, %add3A_40 : i32
    %jit3A_688 = arith.constant 0 : i32
    %jit3A_689 = arith.constant 256 : i32
    %max3A_690 = arith.maxsi %jit3A_688, %sub3A_687 : i32
    %min3A_691 = arith.minsi %jit3A_689, %max3A_690 : i32
    %get3A_692 = arith.constant 1920 : index
    %get3A_693 = tpu.vector_load %arg6[%get3A_692] {strides = array<i32>} : memref<2048xf32, #tpu.memory_space<vmem>>, vector<16xf32>,
    %get3A_694 = vector.shape_cast %get3A_693 : vector<16xf32> to vector<16xf32>
    %get3A_695 = arith.constant 1936 : index
    %get3A_696 = tpu.vector_load %arg6[%get3A_695] {strides = array<i32>} : memref<2048xf32, #tpu.memory_space<vmem>>, vector<16xf32>,
    %get3A_697 = vector.shape_cast %get3A_696 : vector<16xf32> to vector<16xf32>
    %get3A_698 = arith.constant 1952 : index
    %get3A_699 = tpu.vector_load %arg6[%get3A_698] {strides = array<i32>} : memref<2048xf32, #tpu.memory_space<vmem>>, vector<16xf32>,
    %get3A_700 = vector.shape_cast %get3A_699 : vector<16xf32> to vector<16xf32>
    %get3A_701 = arith.constant 1968 : index
    %get3A_702 = tpu.vector_load %arg6[%get3A_701] {strides = array<i32>} : memref<2048xf32, #tpu.memory_space<vmem>>, vector<16xf32>,
    %get3A_703 = vector.shape_cast %get3A_702 : vector<16xf32> to vector<16xf32>
    %get3A_704 = arith.constant 1984 : index
    %get3A_705 = tpu.vector_load %arg6[%get3A_704] {strides = array<i32>} : memref<2048xf32, #tpu.memory_space<vmem>>, vector<16xf32>,
    %get3A_706 = vector.shape_cast %get3A_705 : vector<16xf32> to vector<16xf32>
    %get3A_707 = arith.constant 2000 : index
    %get3A_708 = tpu.vector_load %arg6[%get3A_707] {strides = array<i32>} : memref<2048xf32, #tpu.memory_space<vmem>>, vector<16xf32>,
    %get3A_709 = vector.shape_cast %get3A_708 : vector<16xf32> to vector<16xf32>
    %get3A_710 = arith.constant 2016 : index
    %get3A_711 = tpu.vector_load %arg6[%get3A_710] {strides = array<i32>} : memref<2048xf32, #tpu.memory_space<vmem>>, vector<16xf32>,
    %get3A_712 = vector.shape_cast %get3A_711 : vector<16xf32> to vector<16xf32>
    %get3A_713 = arith.constant 2032 : index
    %get3A_714 = tpu.vector_load %arg6[%get3A_713] {strides = array<i32>} : memref<2048xf32, #tpu.memory_space<vmem>>, vector<16xf32>,
    %get3A_715 = vector.shape_cast %get3A_714 : vector<16xf32> to vector<16xf32>
    %while3A_716 = arith.constant 0 : i32
    %while3A_717 = arith.subi %min3A_691, %min3A_685 : i32
    %while3A_718 = arith.addi %min3A_685, %while3A_717 : i32
    %while3A_719 = arith.constant 1 : i32
    %while3A_720 = arith.divsi %while3A_717, %while3A_719 : i32
    %while3A_721 = arith.muli %while3A_720, %while3A_719 : i32
    %while3A_722 = arith.addi %min3A_685, %while3A_721 : i32
    %while3A_723 = arith.constant 1 : i32
    scf.for %while3A_729 = %min3A_685 to %while3A_722 step %while3A_723  : i32 {
      %mul3A_730 = arith.constant 128 : i32
      %mul3A_731 = arith.muli %while3A_729, %mul3A_730 : i32
      %add3A_732 = arith.constant 0 : i32
      %add3A_733 = arith.addi %mul3A_731, %add3A_732 : i32
      %get3A_734 = arith.index_cast %add3A_733 : i32 to index
      %get3A_735 = tpu.vector_load %arg8[%get3A_734] {strides = array<i32>} : memref<32768xf32, #tpu.memory_space<vmem>>, vector<16xf32>,
      %get3A_736 = vector.shape_cast %get3A_735 : vector<16xf32> to vector<16xf32>
      %add3A_737 = arith.addf %get3A_736, %get3A_694 : vector<16xf32>
      %swap3A = arith.index_cast %add3A_733 : i32 to index
      %swap3A_738 = tpu.vector_load %arg8[%swap3A] {strides = array<i32>} : memref<32768xf32, #tpu.memory_space<vmem>>, vector<16xf32>,
      %swap3A_739 = vector.shape_cast %swap3A_738 : vector<16xf32> to vector<16xf32>
      %swap3A_740 = vector.shape_cast %add3A_737 : vector<16xf32> to vector<16xf32>
      tpu.vector_store %arg8[%swap3A], %swap3A_740 {strides = array<i32>} : memref<32768xf32, #tpu.memory_space<vmem>>, vector<16xf32>,
      %mul3A_741 = arith.constant 128 : i32
      %mul3A_742 = arith.muli %while3A_729, %mul3A_741 : i32
      %add3A_743 = arith.constant 16 : i32
      %add3A_744 = arith.addi %mul3A_742, %add3A_743 : i32
      %get3A_745 = arith.index_cast %add3A_744 : i32 to index
      %get3A_746 = tpu.vector_load %arg8[%get3A_745] {strides = array<i32>} : memref<32768xf32, #tpu.memory_space<vmem>>, vector<16xf32>,
      %get3A_747 = vector.shape_cast %get3A_746 : vector<16xf32> to vector<16xf32>
      %add3A_748 = arith.addf %get3A_747, %get3A_697 : vector<16xf32>
      %swap3A_749 = arith.index_cast %add3A_744 : i32 to index
      %swap3A_750 = tpu.vector_load %arg8[%swap3A_749] {strides = array<i32>} : memref<32768xf32, #tpu.memory_space<vmem>>, vector<16xf32>,
      %swap3A_751 = vector.shape_cast %swap3A_750 : vector<16xf32> to vector<16xf32>
      %swap3A_752 = vector.shape_cast %add3A_748 : vector<16xf32> to vector<16xf32>
      tpu.vector_store %arg8[%swap3A_749], %swap3A_752 {strides = array<i32>} : memref<32768xf32, #tpu.memory_space<vmem>>, vector<16xf32>,
      %mul3A_753 = arith.constant 128 : i32
      %mul3A_754 = arith.muli %while3A_729, %mul3A_753 : i32
      %add3A_755 = arith.constant 32 : i32
      %add3A_756 = arith.addi %mul3A_754, %add3A_755 : i32
      %get3A_757 = arith.index_cast %add3A_756 : i32 to index
      %get3A_758 = tpu.vector_load %arg8[%get3A_757] {strides = array<i32>} : memref<32768xf32, #tpu.memory_space<vmem>>, vector<16xf32>,
      %get3A_759 = vector.shape_cast %get3A_758 : vector<16xf32> to vector<16xf32>
      %add3A_760 = arith.addf %get3A_759, %get3A_700 : vector<16xf32>
      %swap3A_761 = arith.index_cast %add3A_756 : i32 to index
      %swap3A_762 = tpu.vector_load %arg8[%swap3A_761] {strides = array<i32>} : memref<32768xf32, #tpu.memory_space<vmem>>, vector<16xf32>,
      %swap3A_763 = vector.shape_cast %swap3A_762 : vector<16xf32> to vector<16xf32>
      %swap3A_764 = vector.shape_cast %add3A_760 : vector<16xf32> to vector<16xf32>
      tpu.vector_store %arg8[%swap3A_761], %swap3A_764 {strides = array<i32>} : memref<32768xf32, #tpu.memory_space<vmem>>, vector<16xf32>,
      %mul3A_765 = arith.constant 128 : i32
      %mul3A_766 = arith.muli %while3A_729, %mul3A_765 : i32
      %add3A_767 = arith.constant 48 : i32
      %add3A_768 = arith.addi %mul3A_766, %add3A_767 : i32
      %get3A_769 = arith.index_cast %add3A_768 : i32 to index
      %get3A_770 = tpu.vector_load %arg8[%get3A_769] {strides = array<i32>} : memref<32768xf32, #tpu.memory_space<vmem>>, vector<16xf32>,
      %get3A_771 = vector.shape_cast %get3A_770 : vector<16xf32> to vector<16xf32>
      %add3A_772 = arith.addf %get3A_771, %get3A_703 : vector<16xf32>
      %swap3A_773 = arith.index_cast %add3A_768 : i32 to index
      %swap3A_774 = tpu.vector_load %arg8[%swap3A_773] {strides = array<i32>} : memref<32768xf32, #tpu.memory_space<vmem>>, vector<16xf32>,
      %swap3A_775 = vector.shape_cast %swap3A_774 : vector<16xf32> to vector<16xf32>
      %swap3A_776 = vector.shape_cast %add3A_772 : vector<16xf32> to vector<16xf32>
      tpu.vector_store %arg8[%swap3A_773], %swap3A_776 {strides = array<i32>} : memref<32768xf32, #tpu.memory_space<vmem>>, vector<16xf32>,
      %mul3A_777 = arith.constant 128 : i32
      %mul3A_778 = arith.muli %while3A_729, %mul3A_777 : i32
      %add3A_779 = arith.constant 64 : i32
      %add3A_780 = arith.addi %mul3A_778, %add3A_779 : i32
      %get3A_781 = arith.index_cast %add3A_780 : i32 to index
      %get3A_782 = tpu.vector_load %arg8[%get3A_781] {strides = array<i32>} : memref<32768xf32, #tpu.memory_space<vmem>>, vector<16xf32>,
      %get3A_783 = vector.shape_cast %get3A_782 : vector<16xf32> to vector<16xf32>
      %add3A_784 = arith.addf %get3A_783, %get3A_706 : vector<16xf32>
      %swap3A_785 = arith.index_cast %add3A_780 : i32 to index
      %swap3A_786 = tpu.vector_load %arg8[%swap3A_785] {strides = array<i32>} : memref<32768xf32, #tpu.memory_space<vmem>>, vector<16xf32>,
      %swap3A_787 = vector.shape_cast %swap3A_786 : vector<16xf32> to vector<16xf32>
      %swap3A_788 = vector.shape_cast %add3A_784 : vector<16xf32> to vector<16xf32>
      tpu.vector_store %arg8[%swap3A_785], %swap3A_788 {strides = array<i32>} : memref<32768xf32, #tpu.memory_space<vmem>>, vector<16xf32>,
      %mul3A_789 = arith.constant 128 : i32
      %mul3A_790 = arith.muli %while3A_729, %mul3A_789 : i32
      %add3A_791 = arith.constant 80 : i32
      %add3A_792 = arith.addi %mul3A_790, %add3A_791 : i32
      %get3A_793 = arith.index_cast %add3A_792 : i32 to index
      %get3A_794 = tpu.vector_load %arg8[%get3A_793] {strides = array<i32>} : memref<32768xf32, #tpu.memory_space<vmem>>, vector<16xf32>,
      %get3A_795 = vector.shape_cast %get3A_794 : vector<16xf32> to vector<16xf32>
      %add3A_796 = arith.addf %get3A_795, %get3A_709 : vector<16xf32>
      %swap3A_797 = arith.index_cast %add3A_792 : i32 to index
      %swap3A_798 = tpu.vector_load %arg8[%swap3A_797] {strides = array<i32>} : memref<32768xf32, #tpu.memory_space<vmem>>, vector<16xf32>,
      %swap3A_799 = vector.shape_cast %swap3A_798 : vector<16xf32> to vector<16xf32>
      %swap3A_800 = vector.shape_cast %add3A_796 : vector<16xf32> to vector<16xf32>
      tpu.vector_store %arg8[%swap3A_797], %swap3A_800 {strides = array<i32>} : memref<32768xf32, #tpu.memory_space<vmem>>, vector<16xf32>,
      %mul3A_801 = arith.constant 128 : i32
      %mul3A_802 = arith.muli %while3A_729, %mul3A_801 : i32
      %add3A_803 = arith.constant 96 : i32
      %add3A_804 = arith.addi %mul3A_802, %add3A_803 : i32
      %get3A_805 = arith.index_cast %add3A_804 : i32 to index
      %get3A_806 = tpu.vector_load %arg8[%get3A_805] {strides = array<i32>} : memref<32768xf32, #tpu.memory_space<vmem>>, vector<16xf32>,
      %get3A_807 = vector.shape_cast %get3A_806 : vector<16xf32> to vector<16xf32>
      %add3A_808 = arith.addf %get3A_807, %get3A_712 : vector<16xf32>
      %swap3A_809 = arith.index_cast %add3A_804 : i32 to index
      %swap3A_810 = tpu.vector_load %arg8[%swap3A_809] {strides = array<i32>} : memref<32768xf32, #tpu.memory_space<vmem>>, vector<16xf32>,
      %swap3A_811 = vector.shape_cast %swap3A_810 : vector<16xf32> to vector<16xf32>
      %swap3A_812 = vector.shape_cast %add3A_808 : vector<16xf32> to vector<16xf32>
      tpu.vector_store %arg8[%swap3A_809], %swap3A_812 {strides = array<i32>} : memref<32768xf32, #tpu.memory_space<vmem>>, vector<16xf32>,
      %mul3A_813 = arith.constant 128 : i32
      %mul3A_814 = arith.muli %while3A_729, %mul3A_813 : i32
      %add3A_815 = arith.constant 112 : i32
      %add3A_816 = arith.addi %mul3A_814, %add3A_815 : i32
      %get3A_817 = arith.index_cast %add3A_816 : i32 to index
      %get3A_818 = tpu.vector_load %arg8[%get3A_817] {strides = array<i32>} : memref<32768xf32, #tpu.memory_space<vmem>>, vector<16xf32>,
      %get3A_819 = vector.shape_cast %get3A_818 : vector<16xf32> to vector<16xf32>
      %add3A_820 = arith.addf %get3A_819, %get3A_715 : vector<16xf32>
      %swap3A_821 = arith.index_cast %add3A_816 : i32 to index
      %swap3A_822 = tpu.vector_load %arg8[%swap3A_821] {strides = array<i32>} : memref<32768xf32, #tpu.memory_space<vmem>>, vector<16xf32>,
      %swap3A_823 = vector.shape_cast %swap3A_822 : vector<16xf32> to vector<16xf32>
      %swap3A_824 = vector.shape_cast %add3A_820 : vector<16xf32> to vector<16xf32>
      tpu.vector_store %arg8[%swap3A_821], %swap3A_824 {strides = array<i32>} : memref<32768xf32, #tpu.memory_space<vmem>>, vector<16xf32>,
    }
    %while3A_724 = arith.constant 1 : i32
    scf.for %while3A_729 = %while3A_722 to %while3A_718 step %while3A_724  : i32 {
      %mul3A_730 = arith.constant 128 : i32
      %mul3A_731 = arith.muli %while3A_729, %mul3A_730 : i32
      %add3A_732 = arith.constant 0 : i32
      %add3A_733 = arith.addi %mul3A_731, %add3A_732 : i32
      %get3A_734 = arith.index_cast %add3A_733 : i32 to index
      %get3A_735 = tpu.vector_load %arg8[%get3A_734] {strides = array<i32>} : memref<32768xf32, #tpu.memory_space<vmem>>, vector<16xf32>,
      %get3A_736 = vector.shape_cast %get3A_735 : vector<16xf32> to vector<16xf32>
      %add3A_737 = arith.addf %get3A_736, %get3A_694 : vector<16xf32>
      %swap3A = arith.index_cast %add3A_733 : i32 to index
      %swap3A_738 = tpu.vector_load %arg8[%swap3A] {strides = array<i32>} : memref<32768xf32, #tpu.memory_space<vmem>>, vector<16xf32>,
      %swap3A_739 = vector.shape_cast %swap3A_738 : vector<16xf32> to vector<16xf32>
      %swap3A_740 = vector.shape_cast %add3A_737 : vector<16xf32> to vector<16xf32>
      tpu.vector_store %arg8[%swap3A], %swap3A_740 {strides = array<i32>} : memref<32768xf32, #tpu.memory_space<vmem>>, vector<16xf32>,
      %mul3A_741 = arith.constant 128 : i32
      %mul3A_742 = arith.muli %while3A_729, %mul3A_741 : i32
      %add3A_743 = arith.constant 16 : i32
      %add3A_744 = arith.addi %mul3A_742, %add3A_743 : i32
      %get3A_745 = arith.index_cast %add3A_744 : i32 to index
      %get3A_746 = tpu.vector_load %arg8[%get3A_745] {strides = array<i32>} : memref<32768xf32, #tpu.memory_space<vmem>>, vector<16xf32>,
      %get3A_747 = vector.shape_cast %get3A_746 : vector<16xf32> to vector<16xf32>
      %add3A_748 = arith.addf %get3A_747, %get3A_697 : vector<16xf32>
      %swap3A_749 = arith.index_cast %add3A_744 : i32 to index
      %swap3A_750 = tpu.vector_load %arg8[%swap3A_749] {strides = array<i32>} : memref<32768xf32, #tpu.memory_space<vmem>>, vector<16xf32>,
      %swap3A_751 = vector.shape_cast %swap3A_750 : vector<16xf32> to vector<16xf32>
      %swap3A_752 = vector.shape_cast %add3A_748 : vector<16xf32> to vector<16xf32>
      tpu.vector_store %arg8[%swap3A_749], %swap3A_752 {strides = array<i32>} : memref<32768xf32, #tpu.memory_space<vmem>>, vector<16xf32>,
      %mul3A_753 = arith.constant 128 : i32
      %mul3A_754 = arith.muli %while3A_729, %mul3A_753 : i32
      %add3A_755 = arith.constant 32 : i32
      %add3A_756 = arith.addi %mul3A_754, %add3A_755 : i32
      %get3A_757 = arith.index_cast %add3A_756 : i32 to index
      %get3A_758 = tpu.vector_load %arg8[%get3A_757] {strides = array<i32>} : memref<32768xf32, #tpu.memory_space<vmem>>, vector<16xf32>,
      %get3A_759 = vector.shape_cast %get3A_758 : vector<16xf32> to vector<16xf32>
      %add3A_760 = arith.addf %get3A_759, %get3A_700 : vector<16xf32>
      %swap3A_761 = arith.index_cast %add3A_756 : i32 to index
      %swap3A_762 = tpu.vector_load %arg8[%swap3A_761] {strides = array<i32>} : memref<32768xf32, #tpu.memory_space<vmem>>, vector<16xf32>,
      %swap3A_763 = vector.shape_cast %swap3A_762 : vector<16xf32> to vector<16xf32>
      %swap3A_764 = vector.shape_cast %add3A_760 : vector<16xf32> to vector<16xf32>
      tpu.vector_store %arg8[%swap3A_761], %swap3A_764 {strides = array<i32>} : memref<32768xf32, #tpu.memory_space<vmem>>, vector<16xf32>,
      %mul3A_765 = arith.constant 128 : i32
      %mul3A_766 = arith.muli %while3A_729, %mul3A_765 : i32
      %add3A_767 = arith.constant 48 : i32
      %add3A_768 = arith.addi %mul3A_766, %add3A_767 : i32
      %get3A_769 = arith.index_cast %add3A_768 : i32 to index
      %get3A_770 = tpu.vector_load %arg8[%get3A_769] {strides = array<i32>} : memref<32768xf32, #tpu.memory_space<vmem>>, vector<16xf32>,
      %get3A_771 = vector.shape_cast %get3A_770 : vector<16xf32> to vector<16xf32>
      %add3A_772 = arith.addf %get3A_771, %get3A_703 : vector<16xf32>
      %swap3A_773 = arith.index_cast %add3A_768 : i32 to index
      %swap3A_774 = tpu.vector_load %arg8[%swap3A_773] {strides = array<i32>} : memref<32768xf32, #tpu.memory_space<vmem>>, vector<16xf32>,
      %swap3A_775 = vector.shape_cast %swap3A_774 : vector<16xf32> to vector<16xf32>
      %swap3A_776 = vector.shape_cast %add3A_772 : vector<16xf32> to vector<16xf32>
      tpu.vector_store %arg8[%swap3A_773], %swap3A_776 {strides = array<i32>} : memref<32768xf32, #tpu.memory_space<vmem>>, vector<16xf32>,
      %mul3A_777 = arith.constant 128 : i32
      %mul3A_778 = arith.muli %while3A_729, %mul3A_777 : i32
      %add3A_779 = arith.constant 64 : i32
      %add3A_780 = arith.addi %mul3A_778, %add3A_779 : i32
      %get3A_781 = arith.index_cast %add3A_780 : i32 to index
      %get3A_782 = tpu.vector_load %arg8[%get3A_781] {strides = array<i32>} : memref<32768xf32, #tpu.memory_space<vmem>>, vector<16xf32>,
      %get3A_783 = vector.shape_cast %get3A_782 : vector<16xf32> to vector<16xf32>
      %add3A_784 = arith.addf %get3A_783, %get3A_706 : vector<16xf32>
      %swap3A_785 = arith.index_cast %add3A_780 : i32 to index
      %swap3A_786 = tpu.vector_load %arg8[%swap3A_785] {strides = array<i32>} : memref<32768xf32, #tpu.memory_space<vmem>>, vector<16xf32>,
      %swap3A_787 = vector.shape_cast %swap3A_786 : vector<16xf32> to vector<16xf32>
      %swap3A_788 = vector.shape_cast %add3A_784 : vector<16xf32> to vector<16xf32>
      tpu.vector_store %arg8[%swap3A_785], %swap3A_788 {strides = array<i32>} : memref<32768xf32, #tpu.memory_space<vmem>>, vector<16xf32>,
      %mul3A_789 = arith.constant 128 : i32
      %mul3A_790 = arith.muli %while3A_729, %mul3A_789 : i32
      %add3A_791 = arith.constant 80 : i32
      %add3A_792 = arith.addi %mul3A_790, %add3A_791 : i32
      %get3A_793 = arith.index_cast %add3A_792 : i32 to index
      %get3A_794 = tpu.vector_load %arg8[%get3A_793] {strides = array<i32>} : memref<32768xf32, #tpu.memory_space<vmem>>, vector<16xf32>,
      %get3A_795 = vector.shape_cast %get3A_794 : vector<16xf32> to vector<16xf32>
      %add3A_796 = arith.addf %get3A_795, %get3A_709 : vector<16xf32>
      %swap3A_797 = arith.index_cast %add3A_792 : i32 to index
      %swap3A_798 = tpu.vector_load %arg8[%swap3A_797] {strides = array<i32>} : memref<32768xf32, #tpu.memory_space<vmem>>, vector<16xf32>,
      %swap3A_799 = vector.shape_cast %swap3A_798 : vector<16xf32> to vector<16xf32>
      %swap3A_800 = vector.shape_cast %add3A_796 : vector<16xf32> to vector<16xf32>
      tpu.vector_store %arg8[%swap3A_797], %swap3A_800 {strides = array<i32>} : memref<32768xf32, #tpu.memory_space<vmem>>, vector<16xf32>,
      %mul3A_801 = arith.constant 128 : i32
      %mul3A_802 = arith.muli %while3A_729, %mul3A_801 : i32
      %add3A_803 = arith.constant 96 : i32
      %add3A_804 = arith.addi %mul3A_802, %add3A_803 : i32
      %get3A_805 = arith.index_cast %add3A_804 : i32 to index
      %get3A_806 = tpu.vector_load %arg8[%get3A_805] {strides = array<i32>} : memref<32768xf32, #tpu.memory_space<vmem>>, vector<16xf32>,
      %get3A_807 = vector.shape_cast %get3A_806 : vector<16xf32> to vector<16xf32>
      %add3A_808 = arith.addf %get3A_807, %get3A_712 : vector<16xf32>
      %swap3A_809 = arith.index_cast %add3A_804 : i32 to index
      %swap3A_810 = tpu.vector_load %arg8[%swap3A_809] {strides = array<i32>} : memref<32768xf32, #tpu.memory_space<vmem>>, vector<16xf32>,
      %swap3A_811 = vector.shape_cast %swap3A_810 : vector<16xf32> to vector<16xf32>
      %swap3A_812 = vector.shape_cast %add3A_808 : vector<16xf32> to vector<16xf32>
      tpu.vector_store %arg8[%swap3A_809], %swap3A_812 {strides = array<i32>} : memref<32768xf32, #tpu.memory_space<vmem>>, vector<16xf32>,
      %mul3A_813 = arith.constant 128 : i32
      %mul3A_814 = arith.muli %while3A_729, %mul3A_813 : i32
      %add3A_815 = arith.constant 112 : i32
      %add3A_816 = arith.addi %mul3A_814, %add3A_815 : i32
      %get3A_817 = arith.index_cast %add3A_816 : i32 to index
      %get3A_818 = tpu.vector_load %arg8[%get3A_817] {strides = array<i32>} : memref<32768xf32, #tpu.memory_space<vmem>>, vector<16xf32>,
      %get3A_819 = vector.shape_cast %get3A_818 : vector<16xf32> to vector<16xf32>
      %add3A_820 = arith.addf %get3A_819, %get3A_715 : vector<16xf32>
      %swap3A_821 = arith.index_cast %add3A_816 : i32 to index
      %swap3A_822 = tpu.vector_load %arg8[%swap3A_821] {strides = array<i32>} : memref<32768xf32, #tpu.memory_space<vmem>>, vector<16xf32>,
      %swap3A_823 = vector.shape_cast %swap3A_822 : vector<16xf32> to vector<16xf32>
      %swap3A_824 = vector.shape_cast %add3A_820 : vector<16xf32> to vector<16xf32>
      tpu.vector_store %arg8[%swap3A_821], %swap3A_824 {strides = array<i32>} : memref<32768xf32, #tpu.memory_space<vmem>>, vector<16xf32>,
    }
    %dma_start3A_725 = tpu.memref_slice %arg5[%mul3A_2] : memref<1048576xf32, #tpu.memory_space<hbm>> -> memref<32768xf32, #tpu.memory_space<hbm>>
    %dma_start3A_726 = tpu.memref_slice %arg5[%mul3A_2] : memref<1048576xf32, #tpu.memory_space<hbm>> -> memref<32768xf32, #tpu.memory_space<hbm>>
    tpu.enqueue_dma source(%arg8 : memref<32768xf32, #tpu.memory_space<vmem>>) target(%dma_start3A_726 : memref<32768xf32, #tpu.memory_space<hbm>>) target_semaphore(%arg10 : memref<!tpu.dma_semaphore, #tpu.memory_space<semaphore_mem>>)
    %dma_wait3A_727 = tpu.memref_slice %arg5[%mul3A_2] : memref<1048576xf32, #tpu.memory_space<hbm>> -> memref<32768xf32, #tpu.memory_space<hbm>>
    %dma_wait3A_728 = tpu.memref_slice %arg5[%mul3A_2] : memref<1048576xf32, #tpu.memory_space<hbm>> -> memref<32768xf32, #tpu.memory_space<hbm>>
    tpu.wait_dma2 semaphore(%arg10 : memref<!tpu.dma_semaphore, #tpu.memory_space<semaphore_mem>>) src(%arg8 : memref<32768xf32, #tpu.memory_space<vmem>>) dst(%dma_wait3A_728 : memref<32768xf32, #tpu.memory_space<hbm>>)
    return
  }
}

module attributes {stable_mosaic.version = 14 : i64} {
  func.func @_head_kernel(%arg0: i32, %arg1: memref<1x1x12288xi32, #tpu.memory_space<vmem>>, %arg2: memref<12288x128xf32, #tpu.memory_space<vmem>>, %arg3: memref<128x128xf32, #tpu.memory_space<vmem>>, %arg4: memref<16x8x128xf32, #tpu.memory_space<vmem>>, %arg5: memref<128x128xf32, #tpu.memory_space<vmem>>, %arg6: memref<1x128xf32, #tpu.memory_space<vmem>>, %arg7: memref<128x128xf32, #tpu.memory_space<vmem>>, %arg8: memref<1x128xf32, #tpu.memory_space<vmem>>, %arg9: memref<12288x128xf32, #tpu.memory_space<vmem>>) attributes {dimension_semantics = [#tpu.dimension_semantics<arbitrary>], iteration_bounds = array<i64: 2>, scalar_prefetch = 0 : i64, scratch_operands = 0 : i64, tpu.core_type = #tpu.core_type<tc>, window_params = [{transform_indices = @transform_0, window_bounds = array<i64: 1, 1, 12288>}, {transform_indices = @transform_1, window_bounds = array<i64: 12288, 128>}, {pipeline_mode = #tpu.pipeline_mode<synchronous>, transform_indices = @transform_2, window_bounds = array<i64: 128, 128>}, {pipeline_mode = #tpu.pipeline_mode<synchronous>, transform_indices = @transform_3, window_bounds = array<i64: 16, 8, 128>}, {pipeline_mode = #tpu.pipeline_mode<synchronous>, transform_indices = @transform_4, window_bounds = array<i64: 128, 128>}, {pipeline_mode = #tpu.pipeline_mode<synchronous>, transform_indices = @transform_5, window_bounds = array<i64: 1, 128>}, {pipeline_mode = #tpu.pipeline_mode<synchronous>, transform_indices = @transform_6, window_bounds = array<i64: 128, 128>}, {pipeline_mode = #tpu.pipeline_mode<synchronous>, transform_indices = @transform_7, window_bounds = array<i64: 1, 128>}, {transform_indices = @transform_8, window_bounds = array<i64: 12288, 128>}]} {
    %get3A = arith.constant 0 : index
    %get3A_0 = arith.constant 0 : index
    %get3A_1 = arith.constant 0 : index
    %get3A_2 = vector.load %arg4[%get3A, %get3A_0, %get3A_1] : memref<16x8x128xf32, #tpu.memory_space<vmem>>, vector<16x8x128xf32>
    %reduce_sum3A = arith.constant dense<0.000000e+00> : vector<16x128xf32>
    %reduce_sum3A_3 = vector.multi_reduction <add>, %get3A_2, %reduce_sum3A [1] : vector<16x8x128xf32> to vector<16x128xf32>
    %div3A = arith.constant 8.000000e+00 : f32
    %div3A_4 = vector.broadcast %div3A : f32 to vector<16x128xf32>
    %div3A_5 = arith.divf %reduce_sum3A_3, %div3A_4 : vector<16x128xf32>
    %get3A_6 = arith.constant 0 : index
    %get3A_7 = arith.constant 0 : index
    %get3A_8 = vector.load %arg5[%get3A_6, %get3A_7] : memref<128x128xf32, #tpu.memory_space<vmem>>, vector<128x128xf32>
    %dot_general3A = arith.constant dense<0.000000e+00> : vector<16x128xf32>
    %dot_general3A_9 = tpu.matmul %div3A_5, %get3A_8, %dot_general3A {dimension_numbers = #tpu.dot_dimension_numbers<[1], [0], [0], [1], [0, 0, 1, 1], [], []>, transpose_lhs_hint = false} : vector<16x128xf32>, vector<128x128xf32>, vector<16x128xf32> -> vector<16x128xf32>
    %get3A_10 = arith.constant 0 : index
    %get3A_11 = arith.constant 0 : index
    %get3A_12 = vector.load %arg6[%get3A_10, %get3A_11] : memref<1x128xf32, #tpu.memory_space<vmem>>, vector<1x128xf32>
    %add3A = vector.broadcast %get3A_12 : vector<1x128xf32> to vector<16x128xf32>
    %add3A_13 = arith.addf %dot_general3A_9, %add3A : vector<16x128xf32>
    %get3A_14 = arith.constant 0 : index
    %get3A_15 = arith.constant 0 : index
    %get3A_16 = vector.load %arg7[%get3A_14, %get3A_15] : memref<128x128xf32, #tpu.memory_space<vmem>>, vector<128x128xf32>
    %dot_general3A_17 = arith.constant dense<0.000000e+00> : vector<16x128xf32>
    %dot_general3A_18 = tpu.matmul %add3A_13, %get3A_16, %dot_general3A_17 {dimension_numbers = #tpu.dot_dimension_numbers<[1], [0], [0], [1], [0, 0, 1, 1], [], []>, transpose_lhs_hint = false} : vector<16x128xf32>, vector<128x128xf32>, vector<16x128xf32> -> vector<16x128xf32>
    %get3A_19 = arith.constant 0 : index
    %get3A_20 = arith.constant 0 : index
    %get3A_21 = vector.load %arg8[%get3A_19, %get3A_20] : memref<1x128xf32, #tpu.memory_space<vmem>>, vector<1x128xf32>
    %add3A_22 = vector.broadcast %get3A_21 : vector<1x128xf32> to vector<16x128xf32>
    %add3A_23 = arith.addf %dot_general3A_18, %add3A_22 : vector<16x128xf32>
    %get3A_24 = arith.constant 0 : index
    %get3A_25 = arith.constant 0 : index
    %get3A_26 = arith.constant 0 : index
    %get3A_27 = vector.load %arg1[%get3A_24, %get3A_25, %get3A_26] : memref<1x1x12288xi32, #tpu.memory_space<vmem>>, vector<1x1x12288xi32>
    %get3A_28 = vector.shape_cast %get3A_27 : vector<1x1x12288xi32> to vector<12288xi32>
    %broadcast_in_dim3A = vector.shape_cast %get3A_28 : vector<12288xi32> to vector<12288x1xi32>
    %iota3A = tpu.iota {dimensions = array<i32: 1>} : vector<12288x16xi32>
    %eq3A = vector.broadcast %broadcast_in_dim3A : vector<12288x1xi32> to vector<12288x16xi32>
    %eq3A_29 = arith.cmpi eq, %eq3A, %iota3A : vector<12288x16xi32>
    %convert_element_type3A = arith.extui %eq3A_29 : vector<12288x16xi1> to vector<12288x16xi32>
    %convert_element_type3A_30 = arith.sitofp %convert_element_type3A : vector<12288x16xi32> to vector<12288x16xf32>
    %get3A_31 = arith.constant 0 : index
    %get3A_32 = arith.constant 0 : index
    %get3A_33 = vector.load %arg2[%get3A_31, %get3A_32] : memref<12288x128xf32, #tpu.memory_space<vmem>>, vector<12288x128xf32>
    %get3A_34 = arith.constant 0 : index
    %get3A_35 = arith.constant 0 : index
    %get3A_36 = vector.load %arg3[%get3A_34, %get3A_35] : memref<128x128xf32, #tpu.memory_space<vmem>>, vector<128x128xf32>
    %dot_general3A_37 = arith.constant dense<0.000000e+00> : vector<12288x128xf32>
    %dot_general3A_38 = tpu.matmul %get3A_33, %get3A_36, %dot_general3A_37 {dimension_numbers = #tpu.dot_dimension_numbers<[1], [0], [0], [1], [0, 0, 1, 1], [], []>, transpose_lhs_hint = false} : vector<12288x128xf32>, vector<128x128xf32>, vector<12288x128xf32> -> vector<12288x128xf32>
    %dot_general3A_39 = arith.constant dense<0.000000e+00> : vector<12288x128xf32>
    %dot_general3A_40 = tpu.matmul %convert_element_type3A_30, %add3A_23, %dot_general3A_39 {dimension_numbers = #tpu.dot_dimension_numbers<[1], [0], [0], [1], [0, 0, 1, 1], [], []>, transpose_lhs_hint = false} : vector<12288x16xf32>, vector<16x128xf32>, vector<12288x128xf32> -> vector<12288x128xf32>
    %add3A_41 = arith.addf %dot_general3A_38, %dot_general3A_40 : vector<12288x128xf32>
    %swap3A = arith.constant 0 : index
    %swap3A_42 = arith.constant 0 : index
    %swap3A_43 = vector.load %arg9[%swap3A, %swap3A_42] : memref<12288x128xf32, #tpu.memory_space<vmem>>, vector<12288x128xf32>
    tpu.vector_store %arg9[%swap3A, %swap3A_42], %add3A_41 {strides = array<i32>} : memref<12288x128xf32, #tpu.memory_space<vmem>>, vector<12288x128xf32>,
    return
  }
  func.func @transform_0(%arg0: i32) -> (i32, i32, i32) {
    %c0_i32 = arith.constant 0 : i32
    %c0_i32_0 = arith.constant 0 : i32
    %c0_i32_1 = arith.constant 0 : i32
    return %arg0, %c0_i32, %c0_i32_0 : i32, i32, i32
  }
  func.func @transform_1(%arg0: i32) -> (i32, i32) {
    %c0_i32 = arith.constant 0 : i32
    %c0_i32_0 = arith.constant 0 : i32
    return %arg0, %c0_i32 : i32, i32
  }
  func.func @transform_2(%arg0: i32) -> (i32, i32) {
    %c0_i32 = arith.constant 0 : i32
    %c0_i32_0 = arith.constant 0 : i32
    %c0_i32_1 = arith.constant 0 : i32
    return %c0_i32, %c0_i32_0 : i32, i32
  }
  func.func @transform_3(%arg0: i32) -> (i32, i32, i32) {
    %c0_i32 = arith.constant 0 : i32
    %c0_i32_0 = arith.constant 0 : i32
    %c0_i32_1 = arith.constant 0 : i32
    %c0_i32_2 = arith.constant 0 : i32
    return %c0_i32, %c0_i32_0, %c0_i32_1 : i32, i32, i32
  }
  func.func @transform_4(%arg0: i32) -> (i32, i32) {
    %c0_i32 = arith.constant 0 : i32
    %c0_i32_0 = arith.constant 0 : i32
    %c0_i32_1 = arith.constant 0 : i32
    return %c0_i32, %c0_i32_0 : i32, i32
  }
  func.func @transform_5(%arg0: i32) -> (i32, i32) {
    %c0_i32 = arith.constant 0 : i32
    %c0_i32_0 = arith.constant 0 : i32
    %c0_i32_1 = arith.constant 0 : i32
    return %c0_i32, %c0_i32_0 : i32, i32
  }
  func.func @transform_6(%arg0: i32) -> (i32, i32) {
    %c0_i32 = arith.constant 0 : i32
    %c0_i32_0 = arith.constant 0 : i32
    %c0_i32_1 = arith.constant 0 : i32
    return %c0_i32, %c0_i32_0 : i32, i32
  }
  func.func @transform_7(%arg0: i32) -> (i32, i32) {
    %c0_i32 = arith.constant 0 : i32
    %c0_i32_0 = arith.constant 0 : i32
    %c0_i32_1 = arith.constant 0 : i32
    return %c0_i32, %c0_i32_0 : i32, i32
  }
  func.func @transform_8(%arg0: i32) -> (i32, i32) {
    %c0_i32 = arith.constant 0 : i32
    %c0_i32_0 = arith.constant 0 : i32
    return %arg0, %c0_i32 : i32, i32
  }
}

module attributes {stable_mosaic.version = 14 : i64} {
  func.func @_tail_kernel(%arg0: i32, %arg1: memref<4096x128xf32, #tpu.memory_space<vmem>>, %arg2: memref<128x128xf32, #tpu.memory_space<vmem>>, %arg3: memref<16x8x128xf32, #tpu.memory_space<vmem>>, %arg4: memref<128x128xf32, #tpu.memory_space<vmem>>, %arg5: memref<1x128xf32, #tpu.memory_space<vmem>>, %arg6: memref<128x128xf32, #tpu.memory_space<vmem>>, %arg7: memref<1x128xf32, #tpu.memory_space<vmem>>, %arg8: memref<256x128xi32, #tpu.memory_space<vmem>>, %arg9: memref<4096x128xf32, #tpu.memory_space<vmem>>, %arg10: memref<16x128xf32, #tpu.memory_space<vmem>>, %arg11: memref<1x16xi32, #tpu.memory_space<vmem>>) attributes {dimension_semantics = [#tpu.dimension_semantics<arbitrary>], iteration_bounds = array<i64: 2>, scalar_prefetch = 0 : i64, scratch_operands = 0 : i64, tpu.core_type = #tpu.core_type<tc>, window_params = [{transform_indices = @transform_0, window_bounds = array<i64: 4096, 128>}, {pipeline_mode = #tpu.pipeline_mode<synchronous>, transform_indices = @transform_1, window_bounds = array<i64: 128, 128>}, {pipeline_mode = #tpu.pipeline_mode<synchronous>, transform_indices = @transform_2, window_bounds = array<i64: 16, 8, 128>}, {pipeline_mode = #tpu.pipeline_mode<synchronous>, transform_indices = @transform_3, window_bounds = array<i64: 128, 128>}, {pipeline_mode = #tpu.pipeline_mode<synchronous>, transform_indices = @transform_4, window_bounds = array<i64: 1, 128>}, {pipeline_mode = #tpu.pipeline_mode<synchronous>, transform_indices = @transform_5, window_bounds = array<i64: 128, 128>}, {pipeline_mode = #tpu.pipeline_mode<synchronous>, transform_indices = @transform_6, window_bounds = array<i64: 1, 128>}, {pipeline_mode = #tpu.pipeline_mode<synchronous>, transform_indices = @transform_7, window_bounds = array<i64: 256, 128>}, {transform_indices = @transform_8, window_bounds = array<i64: 4096, 128>}, {pipeline_mode = #tpu.pipeline_mode<synchronous>, transform_indices = @transform_9, window_bounds = array<i64: 16, 128>}, {pipeline_mode = #tpu.pipeline_mode<synchronous>, transform_indices = @transform_10, window_bounds = array<i64: 1, 16>}]} {
    %get3A = arith.constant 0 : index
    %get3A_0 = arith.constant 0 : index
    %get3A_1 = vector.load %arg1[%get3A, %get3A_0] : memref<4096x128xf32, #tpu.memory_space<vmem>>, vector<4096x128xf32>
    %get3A_2 = arith.constant 0 : index
    %get3A_3 = arith.constant 0 : index
    %get3A_4 = vector.load %arg2[%get3A_2, %get3A_3] : memref<128x128xf32, #tpu.memory_space<vmem>>, vector<128x128xf32>
    %dot_general3A = arith.constant dense<0.000000e+00> : vector<4096x128xf32>
    %dot_general3A_5 = tpu.matmul %get3A_1, %get3A_4, %dot_general3A {dimension_numbers = #tpu.dot_dimension_numbers<[1], [0], [0], [1], [0, 0, 1, 1], [], []>, transpose_lhs_hint = false} : vector<4096x128xf32>, vector<128x128xf32>, vector<4096x128xf32> -> vector<4096x128xf32>
    %swap3A = arith.constant 0 : index
    %swap3A_6 = arith.constant 0 : index
    %swap3A_7 = vector.load %arg9[%swap3A, %swap3A_6] : memref<4096x128xf32, #tpu.memory_space<vmem>>, vector<4096x128xf32>
    tpu.vector_store %arg9[%swap3A, %swap3A_6], %dot_general3A_5 {strides = array<i32>} : memref<4096x128xf32, #tpu.memory_space<vmem>>, vector<4096x128xf32>,
    %get3A_8 = arith.constant 0 : index
    %get3A_9 = arith.constant 0 : index
    %get3A_10 = arith.constant 0 : index
    %get3A_11 = vector.load %arg3[%get3A_8, %get3A_9, %get3A_10] : memref<16x8x128xf32, #tpu.memory_space<vmem>>, vector<16x8x128xf32>
    %reduce_sum3A = arith.constant dense<0.000000e+00> : vector<16x128xf32>
    %reduce_sum3A_12 = vector.multi_reduction <add>, %get3A_11, %reduce_sum3A [1] : vector<16x8x128xf32> to vector<16x128xf32>
    %div3A = arith.constant 8.000000e+00 : f32
    %div3A_13 = vector.broadcast %div3A : f32 to vector<16x128xf32>
    %div3A_14 = arith.divf %reduce_sum3A_12, %div3A_13 : vector<16x128xf32>
    %get3A_15 = arith.constant 0 : index
    %get3A_16 = arith.constant 0 : index
    %get3A_17 = vector.load %arg4[%get3A_15, %get3A_16] : memref<128x128xf32, #tpu.memory_space<vmem>>, vector<128x128xf32>
    %dot_general3A_18 = arith.constant dense<0.000000e+00> : vector<16x128xf32>
    %dot_general3A_19 = tpu.matmul %div3A_14, %get3A_17, %dot_general3A_18 {dimension_numbers = #tpu.dot_dimension_numbers<[1], [0], [0], [1], [0, 0, 1, 1], [], []>, transpose_lhs_hint = false} : vector<16x128xf32>, vector<128x128xf32>, vector<16x128xf32> -> vector<16x128xf32>
    %get3A_20 = arith.constant 0 : index
    %get3A_21 = arith.constant 0 : index
    %get3A_22 = vector.load %arg5[%get3A_20, %get3A_21] : memref<1x128xf32, #tpu.memory_space<vmem>>, vector<1x128xf32>
    %add3A = vector.broadcast %get3A_22 : vector<1x128xf32> to vector<16x128xf32>
    %add3A_23 = arith.addf %dot_general3A_19, %add3A : vector<16x128xf32>
    %get3A_24 = arith.constant 0 : index
    %get3A_25 = arith.constant 0 : index
    %get3A_26 = vector.load %arg6[%get3A_24, %get3A_25] : memref<128x128xf32, #tpu.memory_space<vmem>>, vector<128x128xf32>
    %dot_general3A_27 = arith.constant dense<0.000000e+00> : vector<16x128xf32>
    %dot_general3A_28 = tpu.matmul %add3A_23, %get3A_26, %dot_general3A_27 {dimension_numbers = #tpu.dot_dimension_numbers<[1], [0], [0], [1], [0, 0, 1, 1], [], []>, transpose_lhs_hint = false} : vector<16x128xf32>, vector<128x128xf32>, vector<16x128xf32> -> vector<16x128xf32>
    %get3A_29 = arith.constant 0 : index
    %get3A_30 = arith.constant 0 : index
    %get3A_31 = vector.load %arg7[%get3A_29, %get3A_30] : memref<1x128xf32, #tpu.memory_space<vmem>>, vector<1x128xf32>
    %add3A_32 = vector.broadcast %get3A_31 : vector<1x128xf32> to vector<16x128xf32>
    %add3A_33 = arith.addf %dot_general3A_28, %add3A_32 : vector<16x128xf32>
    %swap3A_34 = arith.constant 0 : index
    %swap3A_35 = arith.constant 0 : index
    %swap3A_36 = vector.load %arg10[%swap3A_34, %swap3A_35] : memref<16x128xf32, #tpu.memory_space<vmem>>, vector<16x128xf32>
    tpu.vector_store %arg10[%swap3A_34, %swap3A_35], %add3A_33 {strides = array<i32>} : memref<16x128xf32, #tpu.memory_space<vmem>>, vector<16x128xf32>,
    %get3A_37 = arith.constant 0 : index
    %get3A_38 = arith.constant 0 : index
    %get3A_39 = vector.load %arg8[%get3A_37, %get3A_38] : memref<256x128xi32, #tpu.memory_space<vmem>>, vector<256x128xi32>
    %iota3A = tpu.iota {dimensions = array<i32: 1>} : vector<1x16xi32>
    %broadcast_in_dim3A = arith.constant 0 : i32
    %broadcast_in_dim3A_40 = vector.broadcast %broadcast_in_dim3A : i32 to vector<1x16xi32>
    %lt3A = arith.constant 0 : i32
    %lt3A_41 = vector.broadcast %lt3A : i32 to vector<256x128xi32>
    %lt3A_42 = arith.cmpi slt, %get3A_39, %lt3A_41 : vector<256x128xi32>
    %convert_element_type3A = arith.extui %lt3A_42 : vector<256x128xi1> to vector<256x128xi32>
    %reduce_sum3A_43 = vector.shape_cast %convert_element_type3A : vector<256x128xi32> to vector<1x256x128xi32>
    %reduce_sum3A_44 = arith.constant dense<0> : vector<1xi32>
    %reduce_sum3A_45 = vector.multi_reduction <add>, %reduce_sum3A_43, %reduce_sum3A_44 [1, 2] : vector<1x256x128xi32> to vector<1xi32>
    %reduce_sum3A_46 = vector.shape_cast %reduce_sum3A_45 : vector<1xi32> to vector<1x1x1xi32>
    %reduce_sum3A_47 = vector.extract %reduce_sum3A_46[0, 0, 0] : i32 from vector<1x1x1xi32>
    %eq3A = arith.constant 0 : i32
    %eq3A_48 = vector.broadcast %eq3A : i32 to vector<1x16xi32>
    %eq3A_49 = arith.cmpi eq, %iota3A, %eq3A_48 : vector<1x16xi32>
    %jit3A = arith.constant 0 : i32
    %broadcast_in_dim3A_50 = vector.broadcast %reduce_sum3A_47 : i32 to vector<1x16xi32>
    %broadcast_in_dim3A_51 = vector.broadcast %jit3A : i32 to vector<1x16xi32>
    %select_n3A = arith.select %eq3A_49, %broadcast_in_dim3A_50, %broadcast_in_dim3A_51 : vector<1x16xi1>, vector<1x16xi32>
    %add3A_52 = arith.addi %broadcast_in_dim3A_40, %select_n3A : vector<1x16xi32>
    %lt3A_53 = arith.constant 1 : i32
    %lt3A_54 = vector.broadcast %lt3A_53 : i32 to vector<256x128xi32>
    %lt3A_55 = arith.cmpi slt, %get3A_39, %lt3A_54 : vector<256x128xi32>
    %convert_element_type3A_56 = arith.extui %lt3A_55 : vector<256x128xi1> to vector<256x128xi32>
    %reduce_sum3A_57 = vector.shape_cast %convert_element_type3A_56 : vector<256x128xi32> to vector<1x256x128xi32>
    %reduce_sum3A_58 = arith.constant dense<0> : vector<1xi32>
    %reduce_sum3A_59 = vector.multi_reduction <add>, %reduce_sum3A_57, %reduce_sum3A_58 [1, 2] : vector<1x256x128xi32> to vector<1xi32>
    %reduce_sum3A_60 = vector.shape_cast %reduce_sum3A_59 : vector<1xi32> to vector<1x1x1xi32>
    %reduce_sum3A_61 = vector.extract %reduce_sum3A_60[0, 0, 0] : i32 from vector<1x1x1xi32>
    %eq3A_62 = arith.constant 1 : i32
    %eq3A_63 = vector.broadcast %eq3A_62 : i32 to vector<1x16xi32>
    %eq3A_64 = arith.cmpi eq, %iota3A, %eq3A_63 : vector<1x16xi32>
    %jit3A_65 = arith.constant 0 : i32
    %broadcast_in_dim3A_66 = vector.broadcast %reduce_sum3A_61 : i32 to vector<1x16xi32>
    %broadcast_in_dim3A_67 = vector.broadcast %jit3A_65 : i32 to vector<1x16xi32>
    %select_n3A_68 = arith.select %eq3A_64, %broadcast_in_dim3A_66, %broadcast_in_dim3A_67 : vector<1x16xi1>, vector<1x16xi32>
    %add3A_69 = arith.addi %add3A_52, %select_n3A_68 : vector<1x16xi32>
    %lt3A_70 = arith.constant 2 : i32
    %lt3A_71 = vector.broadcast %lt3A_70 : i32 to vector<256x128xi32>
    %lt3A_72 = arith.cmpi slt, %get3A_39, %lt3A_71 : vector<256x128xi32>
    %convert_element_type3A_73 = arith.extui %lt3A_72 : vector<256x128xi1> to vector<256x128xi32>
    %reduce_sum3A_74 = vector.shape_cast %convert_element_type3A_73 : vector<256x128xi32> to vector<1x256x128xi32>
    %reduce_sum3A_75 = arith.constant dense<0> : vector<1xi32>
    %reduce_sum3A_76 = vector.multi_reduction <add>, %reduce_sum3A_74, %reduce_sum3A_75 [1, 2] : vector<1x256x128xi32> to vector<1xi32>
    %reduce_sum3A_77 = vector.shape_cast %reduce_sum3A_76 : vector<1xi32> to vector<1x1x1xi32>
    %reduce_sum3A_78 = vector.extract %reduce_sum3A_77[0, 0, 0] : i32 from vector<1x1x1xi32>
    %eq3A_79 = arith.constant 2 : i32
    %eq3A_80 = vector.broadcast %eq3A_79 : i32 to vector<1x16xi32>
    %eq3A_81 = arith.cmpi eq, %iota3A, %eq3A_80 : vector<1x16xi32>
    %jit3A_82 = arith.constant 0 : i32
    %broadcast_in_dim3A_83 = vector.broadcast %reduce_sum3A_78 : i32 to vector<1x16xi32>
    %broadcast_in_dim3A_84 = vector.broadcast %jit3A_82 : i32 to vector<1x16xi32>
    %select_n3A_85 = arith.select %eq3A_81, %broadcast_in_dim3A_83, %broadcast_in_dim3A_84 : vector<1x16xi1>, vector<1x16xi32>
    %add3A_86 = arith.addi %add3A_69, %select_n3A_85 : vector<1x16xi32>
    %lt3A_87 = arith.constant 3 : i32
    %lt3A_88 = vector.broadcast %lt3A_87 : i32 to vector<256x128xi32>
    %lt3A_89 = arith.cmpi slt, %get3A_39, %lt3A_88 : vector<256x128xi32>
    %convert_element_type3A_90 = arith.extui %lt3A_89 : vector<256x128xi1> to vector<256x128xi32>
    %reduce_sum3A_91 = vector.shape_cast %convert_element_type3A_90 : vector<256x128xi32> to vector<1x256x128xi32>
    %reduce_sum3A_92 = arith.constant dense<0> : vector<1xi32>
    %reduce_sum3A_93 = vector.multi_reduction <add>, %reduce_sum3A_91, %reduce_sum3A_92 [1, 2] : vector<1x256x128xi32> to vector<1xi32>
    %reduce_sum3A_94 = vector.shape_cast %reduce_sum3A_93 : vector<1xi32> to vector<1x1x1xi32>
    %reduce_sum3A_95 = vector.extract %reduce_sum3A_94[0, 0, 0] : i32 from vector<1x1x1xi32>
    %eq3A_96 = arith.constant 3 : i32
    %eq3A_97 = vector.broadcast %eq3A_96 : i32 to vector<1x16xi32>
    %eq3A_98 = arith.cmpi eq, %iota3A, %eq3A_97 : vector<1x16xi32>
    %jit3A_99 = arith.constant 0 : i32
    %broadcast_in_dim3A_100 = vector.broadcast %reduce_sum3A_95 : i32 to vector<1x16xi32>
    %broadcast_in_dim3A_101 = vector.broadcast %jit3A_99 : i32 to vector<1x16xi32>
    %select_n3A_102 = arith.select %eq3A_98, %broadcast_in_dim3A_100, %broadcast_in_dim3A_101 : vector<1x16xi1>, vector<1x16xi32>
    %add3A_103 = arith.addi %add3A_86, %select_n3A_102 : vector<1x16xi32>
    %lt3A_104 = arith.constant 4 : i32
    %lt3A_105 = vector.broadcast %lt3A_104 : i32 to vector<256x128xi32>
    %lt3A_106 = arith.cmpi slt, %get3A_39, %lt3A_105 : vector<256x128xi32>
    %convert_element_type3A_107 = arith.extui %lt3A_106 : vector<256x128xi1> to vector<256x128xi32>
    %reduce_sum3A_108 = vector.shape_cast %convert_element_type3A_107 : vector<256x128xi32> to vector<1x256x128xi32>
    %reduce_sum3A_109 = arith.constant dense<0> : vector<1xi32>
    %reduce_sum3A_110 = vector.multi_reduction <add>, %reduce_sum3A_108, %reduce_sum3A_109 [1, 2] : vector<1x256x128xi32> to vector<1xi32>
    %reduce_sum3A_111 = vector.shape_cast %reduce_sum3A_110 : vector<1xi32> to vector<1x1x1xi32>
    %reduce_sum3A_112 = vector.extract %reduce_sum3A_111[0, 0, 0] : i32 from vector<1x1x1xi32>
    %eq3A_113 = arith.constant 4 : i32
    %eq3A_114 = vector.broadcast %eq3A_113 : i32 to vector<1x16xi32>
    %eq3A_115 = arith.cmpi eq, %iota3A, %eq3A_114 : vector<1x16xi32>
    %jit3A_116 = arith.constant 0 : i32
    %broadcast_in_dim3A_117 = vector.broadcast %reduce_sum3A_112 : i32 to vector<1x16xi32>
    %broadcast_in_dim3A_118 = vector.broadcast %jit3A_116 : i32 to vector<1x16xi32>
    %select_n3A_119 = arith.select %eq3A_115, %broadcast_in_dim3A_117, %broadcast_in_dim3A_118 : vector<1x16xi1>, vector<1x16xi32>
    %add3A_120 = arith.addi %add3A_103, %select_n3A_119 : vector<1x16xi32>
    %lt3A_121 = arith.constant 5 : i32
    %lt3A_122 = vector.broadcast %lt3A_121 : i32 to vector<256x128xi32>
    %lt3A_123 = arith.cmpi slt, %get3A_39, %lt3A_122 : vector<256x128xi32>
    %convert_element_type3A_124 = arith.extui %lt3A_123 : vector<256x128xi1> to vector<256x128xi32>
    %reduce_sum3A_125 = vector.shape_cast %convert_element_type3A_124 : vector<256x128xi32> to vector<1x256x128xi32>
    %reduce_sum3A_126 = arith.constant dense<0> : vector<1xi32>
    %reduce_sum3A_127 = vector.multi_reduction <add>, %reduce_sum3A_125, %reduce_sum3A_126 [1, 2] : vector<1x256x128xi32> to vector<1xi32>
    %reduce_sum3A_128 = vector.shape_cast %reduce_sum3A_127 : vector<1xi32> to vector<1x1x1xi32>
    %reduce_sum3A_129 = vector.extract %reduce_sum3A_128[0, 0, 0] : i32 from vector<1x1x1xi32>
    %eq3A_130 = arith.constant 5 : i32
    %eq3A_131 = vector.broadcast %eq3A_130 : i32 to vector<1x16xi32>
    %eq3A_132 = arith.cmpi eq, %iota3A, %eq3A_131 : vector<1x16xi32>
    %jit3A_133 = arith.constant 0 : i32
    %broadcast_in_dim3A_134 = vector.broadcast %reduce_sum3A_129 : i32 to vector<1x16xi32>
    %broadcast_in_dim3A_135 = vector.broadcast %jit3A_133 : i32 to vector<1x16xi32>
    %select_n3A_136 = arith.select %eq3A_132, %broadcast_in_dim3A_134, %broadcast_in_dim3A_135 : vector<1x16xi1>, vector<1x16xi32>
    %add3A_137 = arith.addi %add3A_120, %select_n3A_136 : vector<1x16xi32>
    %lt3A_138 = arith.constant 6 : i32
    %lt3A_139 = vector.broadcast %lt3A_138 : i32 to vector<256x128xi32>
    %lt3A_140 = arith.cmpi slt, %get3A_39, %lt3A_139 : vector<256x128xi32>
    %convert_element_type3A_141 = arith.extui %lt3A_140 : vector<256x128xi1> to vector<256x128xi32>
    %reduce_sum3A_142 = vector.shape_cast %convert_element_type3A_141 : vector<256x128xi32> to vector<1x256x128xi32>
    %reduce_sum3A_143 = arith.constant dense<0> : vector<1xi32>
    %reduce_sum3A_144 = vector.multi_reduction <add>, %reduce_sum3A_142, %reduce_sum3A_143 [1, 2] : vector<1x256x128xi32> to vector<1xi32>
    %reduce_sum3A_145 = vector.shape_cast %reduce_sum3A_144 : vector<1xi32> to vector<1x1x1xi32>
    %reduce_sum3A_146 = vector.extract %reduce_sum3A_145[0, 0, 0] : i32 from vector<1x1x1xi32>
    %eq3A_147 = arith.constant 6 : i32
    %eq3A_148 = vector.broadcast %eq3A_147 : i32 to vector<1x16xi32>
    %eq3A_149 = arith.cmpi eq, %iota3A, %eq3A_148 : vector<1x16xi32>
    %jit3A_150 = arith.constant 0 : i32
    %broadcast_in_dim3A_151 = vector.broadcast %reduce_sum3A_146 : i32 to vector<1x16xi32>
    %broadcast_in_dim3A_152 = vector.broadcast %jit3A_150 : i32 to vector<1x16xi32>
    %select_n3A_153 = arith.select %eq3A_149, %broadcast_in_dim3A_151, %broadcast_in_dim3A_152 : vector<1x16xi1>, vector<1x16xi32>
    %add3A_154 = arith.addi %add3A_137, %select_n3A_153 : vector<1x16xi32>
    %lt3A_155 = arith.constant 7 : i32
    %lt3A_156 = vector.broadcast %lt3A_155 : i32 to vector<256x128xi32>
    %lt3A_157 = arith.cmpi slt, %get3A_39, %lt3A_156 : vector<256x128xi32>
    %convert_element_type3A_158 = arith.extui %lt3A_157 : vector<256x128xi1> to vector<256x128xi32>
    %reduce_sum3A_159 = vector.shape_cast %convert_element_type3A_158 : vector<256x128xi32> to vector<1x256x128xi32>
    %reduce_sum3A_160 = arith.constant dense<0> : vector<1xi32>
    %reduce_sum3A_161 = vector.multi_reduction <add>, %reduce_sum3A_159, %reduce_sum3A_160 [1, 2] : vector<1x256x128xi32> to vector<1xi32>
    %reduce_sum3A_162 = vector.shape_cast %reduce_sum3A_161 : vector<1xi32> to vector<1x1x1xi32>
    %reduce_sum3A_163 = vector.extract %reduce_sum3A_162[0, 0, 0] : i32 from vector<1x1x1xi32>
    %eq3A_164 = arith.constant 7 : i32
    %eq3A_165 = vector.broadcast %eq3A_164 : i32 to vector<1x16xi32>
    %eq3A_166 = arith.cmpi eq, %iota3A, %eq3A_165 : vector<1x16xi32>
    %jit3A_167 = arith.constant 0 : i32
    %broadcast_in_dim3A_168 = vector.broadcast %reduce_sum3A_163 : i32 to vector<1x16xi32>
    %broadcast_in_dim3A_169 = vector.broadcast %jit3A_167 : i32 to vector<1x16xi32>
    %select_n3A_170 = arith.select %eq3A_166, %broadcast_in_dim3A_168, %broadcast_in_dim3A_169 : vector<1x16xi1>, vector<1x16xi32>
    %add3A_171 = arith.addi %add3A_154, %select_n3A_170 : vector<1x16xi32>
    %lt3A_172 = arith.constant 8 : i32
    %lt3A_173 = vector.broadcast %lt3A_172 : i32 to vector<256x128xi32>
    %lt3A_174 = arith.cmpi slt, %get3A_39, %lt3A_173 : vector<256x128xi32>
    %convert_element_type3A_175 = arith.extui %lt3A_174 : vector<256x128xi1> to vector<256x128xi32>
    %reduce_sum3A_176 = vector.shape_cast %convert_element_type3A_175 : vector<256x128xi32> to vector<1x256x128xi32>
    %reduce_sum3A_177 = arith.constant dense<0> : vector<1xi32>
    %reduce_sum3A_178 = vector.multi_reduction <add>, %reduce_sum3A_176, %reduce_sum3A_177 [1, 2] : vector<1x256x128xi32> to vector<1xi32>
    %reduce_sum3A_179 = vector.shape_cast %reduce_sum3A_178 : vector<1xi32> to vector<1x1x1xi32>
    %reduce_sum3A_180 = vector.extract %reduce_sum3A_179[0, 0, 0] : i32 from vector<1x1x1xi32>
    %eq3A_181 = arith.constant 8 : i32
    %eq3A_182 = vector.broadcast %eq3A_181 : i32 to vector<1x16xi32>
    %eq3A_183 = arith.cmpi eq, %iota3A, %eq3A_182 : vector<1x16xi32>
    %jit3A_184 = arith.constant 0 : i32
    %broadcast_in_dim3A_185 = vector.broadcast %reduce_sum3A_180 : i32 to vector<1x16xi32>
    %broadcast_in_dim3A_186 = vector.broadcast %jit3A_184 : i32 to vector<1x16xi32>
    %select_n3A_187 = arith.select %eq3A_183, %broadcast_in_dim3A_185, %broadcast_in_dim3A_186 : vector<1x16xi1>, vector<1x16xi32>
    %add3A_188 = arith.addi %add3A_171, %select_n3A_187 : vector<1x16xi32>
    %lt3A_189 = arith.constant 9 : i32
    %lt3A_190 = vector.broadcast %lt3A_189 : i32 to vector<256x128xi32>
    %lt3A_191 = arith.cmpi slt, %get3A_39, %lt3A_190 : vector<256x128xi32>
    %convert_element_type3A_192 = arith.extui %lt3A_191 : vector<256x128xi1> to vector<256x128xi32>
    %reduce_sum3A_193 = vector.shape_cast %convert_element_type3A_192 : vector<256x128xi32> to vector<1x256x128xi32>
    %reduce_sum3A_194 = arith.constant dense<0> : vector<1xi32>
    %reduce_sum3A_195 = vector.multi_reduction <add>, %reduce_sum3A_193, %reduce_sum3A_194 [1, 2] : vector<1x256x128xi32> to vector<1xi32>
    %reduce_sum3A_196 = vector.shape_cast %reduce_sum3A_195 : vector<1xi32> to vector<1x1x1xi32>
    %reduce_sum3A_197 = vector.extract %reduce_sum3A_196[0, 0, 0] : i32 from vector<1x1x1xi32>
    %eq3A_198 = arith.constant 9 : i32
    %eq3A_199 = vector.broadcast %eq3A_198 : i32 to vector<1x16xi32>
    %eq3A_200 = arith.cmpi eq, %iota3A, %eq3A_199 : vector<1x16xi32>
    %jit3A_201 = arith.constant 0 : i32
    %broadcast_in_dim3A_202 = vector.broadcast %reduce_sum3A_197 : i32 to vector<1x16xi32>
    %broadcast_in_dim3A_203 = vector.broadcast %jit3A_201 : i32 to vector<1x16xi32>
    %select_n3A_204 = arith.select %eq3A_200, %broadcast_in_dim3A_202, %broadcast_in_dim3A_203 : vector<1x16xi1>, vector<1x16xi32>
    %add3A_205 = arith.addi %add3A_188, %select_n3A_204 : vector<1x16xi32>
    %lt3A_206 = arith.constant 10 : i32
    %lt3A_207 = vector.broadcast %lt3A_206 : i32 to vector<256x128xi32>
    %lt3A_208 = arith.cmpi slt, %get3A_39, %lt3A_207 : vector<256x128xi32>
    %convert_element_type3A_209 = arith.extui %lt3A_208 : vector<256x128xi1> to vector<256x128xi32>
    %reduce_sum3A_210 = vector.shape_cast %convert_element_type3A_209 : vector<256x128xi32> to vector<1x256x128xi32>
    %reduce_sum3A_211 = arith.constant dense<0> : vector<1xi32>
    %reduce_sum3A_212 = vector.multi_reduction <add>, %reduce_sum3A_210, %reduce_sum3A_211 [1, 2] : vector<1x256x128xi32> to vector<1xi32>
    %reduce_sum3A_213 = vector.shape_cast %reduce_sum3A_212 : vector<1xi32> to vector<1x1x1xi32>
    %reduce_sum3A_214 = vector.extract %reduce_sum3A_213[0, 0, 0] : i32 from vector<1x1x1xi32>
    %eq3A_215 = arith.constant 10 : i32
    %eq3A_216 = vector.broadcast %eq3A_215 : i32 to vector<1x16xi32>
    %eq3A_217 = arith.cmpi eq, %iota3A, %eq3A_216 : vector<1x16xi32>
    %jit3A_218 = arith.constant 0 : i32
    %broadcast_in_dim3A_219 = vector.broadcast %reduce_sum3A_214 : i32 to vector<1x16xi32>
    %broadcast_in_dim3A_220 = vector.broadcast %jit3A_218 : i32 to vector<1x16xi32>
    %select_n3A_221 = arith.select %eq3A_217, %broadcast_in_dim3A_219, %broadcast_in_dim3A_220 : vector<1x16xi1>, vector<1x16xi32>
    %add3A_222 = arith.addi %add3A_205, %select_n3A_221 : vector<1x16xi32>
    %lt3A_223 = arith.constant 11 : i32
    %lt3A_224 = vector.broadcast %lt3A_223 : i32 to vector<256x128xi32>
    %lt3A_225 = arith.cmpi slt, %get3A_39, %lt3A_224 : vector<256x128xi32>
    %convert_element_type3A_226 = arith.extui %lt3A_225 : vector<256x128xi1> to vector<256x128xi32>
    %reduce_sum3A_227 = vector.shape_cast %convert_element_type3A_226 : vector<256x128xi32> to vector<1x256x128xi32>
    %reduce_sum3A_228 = arith.constant dense<0> : vector<1xi32>
    %reduce_sum3A_229 = vector.multi_reduction <add>, %reduce_sum3A_227, %reduce_sum3A_228 [1, 2] : vector<1x256x128xi32> to vector<1xi32>
    %reduce_sum3A_230 = vector.shape_cast %reduce_sum3A_229 : vector<1xi32> to vector<1x1x1xi32>
    %reduce_sum3A_231 = vector.extract %reduce_sum3A_230[0, 0, 0] : i32 from vector<1x1x1xi32>
    %eq3A_232 = arith.constant 11 : i32
    %eq3A_233 = vector.broadcast %eq3A_232 : i32 to vector<1x16xi32>
    %eq3A_234 = arith.cmpi eq, %iota3A, %eq3A_233 : vector<1x16xi32>
    %jit3A_235 = arith.constant 0 : i32
    %broadcast_in_dim3A_236 = vector.broadcast %reduce_sum3A_231 : i32 to vector<1x16xi32>
    %broadcast_in_dim3A_237 = vector.broadcast %jit3A_235 : i32 to vector<1x16xi32>
    %select_n3A_238 = arith.select %eq3A_234, %broadcast_in_dim3A_236, %broadcast_in_dim3A_237 : vector<1x16xi1>, vector<1x16xi32>
    %add3A_239 = arith.addi %add3A_222, %select_n3A_238 : vector<1x16xi32>
    %lt3A_240 = arith.constant 12 : i32
    %lt3A_241 = vector.broadcast %lt3A_240 : i32 to vector<256x128xi32>
    %lt3A_242 = arith.cmpi slt, %get3A_39, %lt3A_241 : vector<256x128xi32>
    %convert_element_type3A_243 = arith.extui %lt3A_242 : vector<256x128xi1> to vector<256x128xi32>
    %reduce_sum3A_244 = vector.shape_cast %convert_element_type3A_243 : vector<256x128xi32> to vector<1x256x128xi32>
    %reduce_sum3A_245 = arith.constant dense<0> : vector<1xi32>
    %reduce_sum3A_246 = vector.multi_reduction <add>, %reduce_sum3A_244, %reduce_sum3A_245 [1, 2] : vector<1x256x128xi32> to vector<1xi32>
    %reduce_sum3A_247 = vector.shape_cast %reduce_sum3A_246 : vector<1xi32> to vector<1x1x1xi32>
    %reduce_sum3A_248 = vector.extract %reduce_sum3A_247[0, 0, 0] : i32 from vector<1x1x1xi32>
    %eq3A_249 = arith.constant 12 : i32
    %eq3A_250 = vector.broadcast %eq3A_249 : i32 to vector<1x16xi32>
    %eq3A_251 = arith.cmpi eq, %iota3A, %eq3A_250 : vector<1x16xi32>
    %jit3A_252 = arith.constant 0 : i32
    %broadcast_in_dim3A_253 = vector.broadcast %reduce_sum3A_248 : i32 to vector<1x16xi32>
    %broadcast_in_dim3A_254 = vector.broadcast %jit3A_252 : i32 to vector<1x16xi32>
    %select_n3A_255 = arith.select %eq3A_251, %broadcast_in_dim3A_253, %broadcast_in_dim3A_254 : vector<1x16xi1>, vector<1x16xi32>
    %add3A_256 = arith.addi %add3A_239, %select_n3A_255 : vector<1x16xi32>
    %lt3A_257 = arith.constant 13 : i32
    %lt3A_258 = vector.broadcast %lt3A_257 : i32 to vector<256x128xi32>
    %lt3A_259 = arith.cmpi slt, %get3A_39, %lt3A_258 : vector<256x128xi32>
    %convert_element_type3A_260 = arith.extui %lt3A_259 : vector<256x128xi1> to vector<256x128xi32>
    %reduce_sum3A_261 = vector.shape_cast %convert_element_type3A_260 : vector<256x128xi32> to vector<1x256x128xi32>
    %reduce_sum3A_262 = arith.constant dense<0> : vector<1xi32>
    %reduce_sum3A_263 = vector.multi_reduction <add>, %reduce_sum3A_261, %reduce_sum3A_262 [1, 2] : vector<1x256x128xi32> to vector<1xi32>
    %reduce_sum3A_264 = vector.shape_cast %reduce_sum3A_263 : vector<1xi32> to vector<1x1x1xi32>
    %reduce_sum3A_265 = vector.extract %reduce_sum3A_264[0, 0, 0] : i32 from vector<1x1x1xi32>
    %eq3A_266 = arith.constant 13 : i32
    %eq3A_267 = vector.broadcast %eq3A_266 : i32 to vector<1x16xi32>
    %eq3A_268 = arith.cmpi eq, %iota3A, %eq3A_267 : vector<1x16xi32>
    %jit3A_269 = arith.constant 0 : i32
    %broadcast_in_dim3A_270 = vector.broadcast %reduce_sum3A_265 : i32 to vector<1x16xi32>
    %broadcast_in_dim3A_271 = vector.broadcast %jit3A_269 : i32 to vector<1x16xi32>
    %select_n3A_272 = arith.select %eq3A_268, %broadcast_in_dim3A_270, %broadcast_in_dim3A_271 : vector<1x16xi1>, vector<1x16xi32>
    %add3A_273 = arith.addi %add3A_256, %select_n3A_272 : vector<1x16xi32>
    %lt3A_274 = arith.constant 14 : i32
    %lt3A_275 = vector.broadcast %lt3A_274 : i32 to vector<256x128xi32>
    %lt3A_276 = arith.cmpi slt, %get3A_39, %lt3A_275 : vector<256x128xi32>
    %convert_element_type3A_277 = arith.extui %lt3A_276 : vector<256x128xi1> to vector<256x128xi32>
    %reduce_sum3A_278 = vector.shape_cast %convert_element_type3A_277 : vector<256x128xi32> to vector<1x256x128xi32>
    %reduce_sum3A_279 = arith.constant dense<0> : vector<1xi32>
    %reduce_sum3A_280 = vector.multi_reduction <add>, %reduce_sum3A_278, %reduce_sum3A_279 [1, 2] : vector<1x256x128xi32> to vector<1xi32>
    %reduce_sum3A_281 = vector.shape_cast %reduce_sum3A_280 : vector<1xi32> to vector<1x1x1xi32>
    %reduce_sum3A_282 = vector.extract %reduce_sum3A_281[0, 0, 0] : i32 from vector<1x1x1xi32>
    %eq3A_283 = arith.constant 14 : i32
    %eq3A_284 = vector.broadcast %eq3A_283 : i32 to vector<1x16xi32>
    %eq3A_285 = arith.cmpi eq, %iota3A, %eq3A_284 : vector<1x16xi32>
    %jit3A_286 = arith.constant 0 : i32
    %broadcast_in_dim3A_287 = vector.broadcast %reduce_sum3A_282 : i32 to vector<1x16xi32>
    %broadcast_in_dim3A_288 = vector.broadcast %jit3A_286 : i32 to vector<1x16xi32>
    %select_n3A_289 = arith.select %eq3A_285, %broadcast_in_dim3A_287, %broadcast_in_dim3A_288 : vector<1x16xi1>, vector<1x16xi32>
    %add3A_290 = arith.addi %add3A_273, %select_n3A_289 : vector<1x16xi32>
    %lt3A_291 = arith.constant 15 : i32
    %lt3A_292 = vector.broadcast %lt3A_291 : i32 to vector<256x128xi32>
    %lt3A_293 = arith.cmpi slt, %get3A_39, %lt3A_292 : vector<256x128xi32>
    %convert_element_type3A_294 = arith.extui %lt3A_293 : vector<256x128xi1> to vector<256x128xi32>
    %reduce_sum3A_295 = vector.shape_cast %convert_element_type3A_294 : vector<256x128xi32> to vector<1x256x128xi32>
    %reduce_sum3A_296 = arith.constant dense<0> : vector<1xi32>
    %reduce_sum3A_297 = vector.multi_reduction <add>, %reduce_sum3A_295, %reduce_sum3A_296 [1, 2] : vector<1x256x128xi32> to vector<1xi32>
    %reduce_sum3A_298 = vector.shape_cast %reduce_sum3A_297 : vector<1xi32> to vector<1x1x1xi32>
    %reduce_sum3A_299 = vector.extract %reduce_sum3A_298[0, 0, 0] : i32 from vector<1x1x1xi32>
    %eq3A_300 = arith.constant 15 : i32
    %eq3A_301 = vector.broadcast %eq3A_300 : i32 to vector<1x16xi32>
    %eq3A_302 = arith.cmpi eq, %iota3A, %eq3A_301 : vector<1x16xi32>
    %jit3A_303 = arith.constant 0 : i32
    %broadcast_in_dim3A_304 = vector.broadcast %reduce_sum3A_299 : i32 to vector<1x16xi32>
    %broadcast_in_dim3A_305 = vector.broadcast %jit3A_303 : i32 to vector<1x16xi32>
    %select_n3A_306 = arith.select %eq3A_302, %broadcast_in_dim3A_304, %broadcast_in_dim3A_305 : vector<1x16xi1>, vector<1x16xi32>
    %add3A_307 = arith.addi %add3A_290, %select_n3A_306 : vector<1x16xi32>
    %swap3A_308 = arith.constant 0 : index
    %swap3A_309 = arith.constant 0 : index
    %swap3A_310 = vector.load %arg11[%swap3A_308, %swap3A_309] : memref<1x16xi32, #tpu.memory_space<vmem>>, vector<1x16xi32>
    tpu.vector_store %arg11[%swap3A_308, %swap3A_309], %add3A_307 {strides = array<i32>} : memref<1x16xi32, #tpu.memory_space<vmem>>, vector<1x16xi32>,
    return
  }
  func.func @transform_0(%arg0: i32) -> (i32, i32) {
    %add3A = arith.constant 6 : i32
    %add3A_0 = arith.addi %arg0, %add3A : i32
    %c0_i32 = arith.constant 0 : i32
    %c0_i32_1 = arith.constant 0 : i32
    return %add3A_0, %c0_i32 : i32, i32
  }
  func.func @transform_1(%arg0: i32) -> (i32, i32) {
    %c0_i32 = arith.constant 0 : i32
    %c0_i32_0 = arith.constant 0 : i32
    %c0_i32_1 = arith.constant 0 : i32
    return %c0_i32, %c0_i32_0 : i32, i32
  }
  func.func @transform_2(%arg0: i32) -> (i32, i32, i32) {
    %c0_i32 = arith.constant 0 : i32
    %c0_i32_0 = arith.constant 0 : i32
    %c0_i32_1 = arith.constant 0 : i32
    %c0_i32_2 = arith.constant 0 : i32
    return %c0_i32, %c0_i32_0, %c0_i32_1 : i32, i32, i32
  }
  func.func @transform_3(%arg0: i32) -> (i32, i32) {
    %c0_i32 = arith.constant 0 : i32
    %c0_i32_0 = arith.constant 0 : i32
    %c0_i32_1 = arith.constant 0 : i32
    return %c0_i32, %c0_i32_0 : i32, i32
  }
  func.func @transform_4(%arg0: i32) -> (i32, i32) {
    %c0_i32 = arith.constant 0 : i32
    %c0_i32_0 = arith.constant 0 : i32
    %c0_i32_1 = arith.constant 0 : i32
    return %c0_i32, %c0_i32_0 : i32, i32
  }
  func.func @transform_5(%arg0: i32) -> (i32, i32) {
    %c0_i32 = arith.constant 0 : i32
    %c0_i32_0 = arith.constant 0 : i32
    %c0_i32_1 = arith.constant 0 : i32
    return %c0_i32, %c0_i32_0 : i32, i32
  }
  func.func @transform_6(%arg0: i32) -> (i32, i32) {
    %c0_i32 = arith.constant 0 : i32
    %c0_i32_0 = arith.constant 0 : i32
    %c0_i32_1 = arith.constant 0 : i32
    return %c0_i32, %c0_i32_0 : i32, i32
  }
  func.func @transform_7(%arg0: i32) -> (i32, i32) {
    %c0_i32 = arith.constant 0 : i32
    %c0_i32_0 = arith.constant 0 : i32
    %c0_i32_1 = arith.constant 0 : i32
    return %c0_i32, %c0_i32_0 : i32, i32
  }
  func.func @transform_8(%arg0: i32) -> (i32, i32) {
    %c0_i32 = arith.constant 0 : i32
    %c0_i32_0 = arith.constant 0 : i32
    return %arg0, %c0_i32 : i32, i32
  }
  func.func @transform_9(%arg0: i32) -> (i32, i32) {
    %c0_i32 = arith.constant 0 : i32
    %c0_i32_0 = arith.constant 0 : i32
    %c0_i32_1 = arith.constant 0 : i32
    return %c0_i32, %c0_i32_0 : i32, i32
  }
  func.func @transform_10(%arg0: i32) -> (i32, i32) {
    %c0_i32 = arith.constant 0 : i32
    %c0_i32_0 = arith.constant 0 : i32
    %c0_i32_1 = arith.constant 0 : i32
    return %c0_i32, %c0_i32_0 : i32, i32
  }
}

</mosaic_0001>

<sc_bundles>
// kernel: kernel.5.cloned.1.call-start
scs
__scs_entry_jumppad:
0x0: {  	(pc) =	sbr.rel $0x88, $3  }
0x1: {  	(tag) =	ssettag $0x0;
	lr =	simm.s32 $0x1  }
0x2: {  	[smem:$0x3F9A] =	sst lr;
	_ =	strace $0xD0000000  }
0x3: {  	_ = 	snop  }
0x4: {  	_ = 	snop  }
0x5: {  	_ = 	snop  }
0x6: {  	_ = 	snop  }
0x7: {  	_ = 	snop  }
__scs_overlays_trampoline_lowered:
0x8: {  	[smem:$0x3FA9] =	sst s0  }
0x9: {  	[smem:$0x3FAA] =	sst s1  }
0xa: {  	[smem:$0x3FAB] =	sst s2  }
0xb: {  	[smem:$0x3FAC] =	sst s3  }
0xc: {  	[smem:$0x3FAD] =	sst s4  }
0xd: {  	[smem:$0x3FAE] =	sst s5  }
0xe: {  	[smem:$0x3FAF] =	sst s6  }
0xf: {  	[smem:$0x3FB0] =	sst s7  }
0x10: {  	[smem:$0x3FB1] =	sst s8  }
0x11: {  	[smem:$0x3FB2] =	sst s9;
	s0 =	simm.s32 @!p0 $0x0  }
0x12: {  	s1 =	sld [smem:$0x3F98];
	s0 =	simm.s32 @p0 $0x1  }
0x13: {  	[smem:$0x3FB3] =	sst s0;
	s0 =	simm.s32 @!p1 $0x0  }
0x14: {  	s2 =	sld [smem:$0x3F97];
	s0 =	simm.s32 @p1 $0x1  }
0x15: {  	[smem:$0x3FB4] =	sst s0;
	s0 =	simm.s32 @!p2 $0x0  }
0x16: {  	s3 =	sld [smem:$0x3FDB];
	s0 =	simm.s32 @p2 $0x1  }
0x17: {  	s4 =	simm.s32 $0x1BF5;
	[smem:$0x3FB6] =	sst s0  }
0x18: {  	s0 =	sld [smem:$0x3F99];
	_ =	swait.ge [sflag:s4], $0x0  }
0x19: {  	s7 =	sld [smem:$0x3F9A]  }
0x1a: {  	s8 =	sadd.s32 $0xFFFFE003, lr  }
0x1b: {  	s9 =	sadd.s32 $0xFFFFFEF7, lr;
	s5 =	simm.s32 $0xFFFFFFFF;
	p2 =	slt.u32 s8, $0xFFFFF086  }
0x1c: {  	p1 =	slt.u32 s9, $0xF7A;
	s5 =	simm.s32 @!p2 $0x0  }
0x1d: {  	s5 =	simm.s32 @p1 $0x1;
	p0 =	seq.s32 s7, s2  }
0x1e: {  	s7 =	smul.u32 @!p0 $0xF7A, s2;
	p2 =	seq.s32 @!p0 s5, $0x0  }
0x1f: {  	s9 =	smul.u32 $0xF7A, s1;
	s8 =	simm.s32 @!p0 $0x1BF5;
	p2 =	por !p2, p0  }
0x20: {  	[sflag:s8] =	ssyncset.s32 @!p0 $0xFFFFF086;
	s6 =	sadd.s32 @!p0 s3, s7;
	s7 =	simm.s32 @!p0 $0x108  }
0x21: {  	s3 =	sadd.s32 s3, s9;
	s6 =	sadd.s32 @!p0 $0x88, s6;
	s7 =	simm.s32 @p2 $0x1082  }
0x22: {  	[simem:s7], [sflag:s8] =	dma.local @!p0 [hbm:s6], $0xF7A  }
0x23: {  	s9 =	sor.u32 $0xD0000000, s2;
	s6 =	simm.s32 $0x108;
	_ =	swait.ge @!p0 [sflag:s8], $0x0  }
0x24: {  	s3 =	sadd.s32 $0x88, s3;
	s6 =	simm.s32 @!p1 $0x1082;
	[sflag:s4] =	ssyncset.s32 $0xFFFFF086  }
0x25: {  	[simem:s6], [sflag:s4] =	dma.local [hbm:s3], $0xF7A  }
0x26: {  	[smem:$0x3F9A] =	sst s1;
	(tag) =	ssettag s2;
	_ =	strace s9  }
0x27: {  	s1 =	sld [smem:$0x3FAA]  }
0x28: {  	s2 =	sld [smem:$0x3FAB]  }
0x29: {  	s4 =	sld [smem:$0x3FAD]  }
0x2a: {  	p0 =	seq.s32 s5, $0x0;
	s5 =	sld [smem:$0x3FAE]  }
0x2b: {  	s6 =	sld [smem:$0x3FAF]  }
0x2c: {  	s7 =	sld [smem:$0x3FB0]  }
0x2d: {  	s3 =	simm.s32 $0x108;
	s8 =	sld [smem:$0x3FB1]  }
0x2e: {  	s3 =	simm.s32 @!p0 $0x1082;
	s9 =	sld [smem:$0x3FB2]  }
0x2f: {  	lr =	sadd.s32 s0, s3;
	s0 =	sld [smem:$0x3FA9]  }
0x30: {  	s3 =	sld [smem:$0x3FAC]  }
0x31: {  	[smem:$0x3FB5] =	sst s10  }
0x32: {  	s10 =	sld [smem:$0x3FB3];
	_ =	sdelay $0x3  }
0x33: {  	p0 =	seq.s32 s10, $0x1;
	s10 =	sld [smem:$0x3FB5];
	_ =	sdelay $0x3  }
0x34: {  	[smem:$0x3FB5] =	sst s10  }
0x35: {  	s10 =	sld [smem:$0x3FB4];
	_ =	sdelay $0x3  }
0x36: {  	p1 =	seq.s32 s10, $0x1;
	s10 =	sld [smem:$0x3FB5];
	_ =	sdelay $0x3  }
0x37: {  	[smem:$0x3FB5] =	sst s10  }
0x38: {  	s10 =	sld [smem:$0x3FB6]  }
0x39: {  	_ = 	snop;
	(pc) =	sbr.ind lr, $3  }
0x3a: {  	_ = 	snop  }
0x3b: {  	_ = 	snop  }
0x3c: {  	p2 =	seq.s32 s10, $0x1;
	s10 =	sld [smem:$0x3FB5]  }
0x3d: {  	_ =	shalt  }
0x3e: {  	_ =	shalt  }
0x3f: {  	_ =	shalt  }
0x40: {  	_ =	shalt  }
0x41: {  	_ =	shalt  }
0x42: {  	_ =	shalt  }
0x43: {  	_ =	shalt  }
0x44: {  	_ =	shalt  }
0x45: {  	_ =	shalt  }
0x46: {  	_ =	shalt  }
0x47: {  	_ =	shalt  }
0x48: {  	_ =	shalt  }
0x49: {  	_ =	shalt  }
0x4a: {  	_ =	shalt  }
0x4b: {  	_ =	shalt  }
0x4c: {  	_ =	shalt  }
0x4d: {  	_ =	shalt  }
0x4e: {  	_ =	shalt  }
0x4f: {  	_ =	shalt  }
0x50: {  	_ =	shalt  }
0x51: {  	_ =	shalt  }
0x52: {  	_ =	shalt  }
0x53: {  	_ =	shalt  }
0x54: {  	_ =	shalt  }
0x55: {  	_ =	shalt  }
0x56: {  	_ =	shalt  }
0x57: {  	_ =	shalt  }
0x58: {  	_ =	shalt  }
0x59: {  	_ =	shalt  }
0x5a: {  	_ =	shalt  }
0x5b: {  	_ =	shalt  }
0x5c: {  	_ =	shalt  }
0x5d: {  	_ =	shalt  }
0x5e: {  	_ =	shalt  }
0x5f: {  	_ =	shalt  }
0x60: {  	_ =	shalt  }
0x61: {  	_ =	shalt  }
0x62: {  	_ =	shalt  }
0x63: {  	_ =	shalt  }
0x64: {  	_ =	shalt  }
0x65: {  	_ =	shalt  }
0x66: {  	_ =	shalt  }
0x67: {  	_ =	shalt  }
0x68: {  	_ =	shalt  }
0x69: {  	_ =	shalt  }
0x6a: {  	_ =	shalt  }
0x6b: {  	_ =	shalt  }
0x6c: {  	_ =	shalt  }
0x6d: {  	_ =	shalt  }
0x6e: {  	_ =	shalt  }
0x6f: {  	_ =	shalt  }
0x70: {  	_ =	shalt  }
0x71: {  	_ =	shalt  }
0x72: {  	_ =	shalt  }
0x73: {  	_ =	shalt  }
0x74: {  	_ =	shalt  }
0x75: {  	_ =	shalt  }
0x76: {  	_ =	shalt  }
0x77: {  	_ =	shalt  }
0x78: {  	_ =	shalt  }
0x79: {  	_ =	shalt  }
0x7a: {  	_ =	shalt  }
0x7b: {  	_ =	shalt  }
0x7c: {  	_ =	shalt  }
0x7d: {  	_ =	shalt  }
0x7e: {  	_ =	shalt  }
0x7f: {  	_ =	shalt  }
0x80: {  	_ =	shalt  }
0x81: {  	_ =	shalt  }
0x82: {  	_ =	shalt  }
0x83: {  	_ =	shalt  }
0x84: {  	_ =	shalt  }
0x85: {  	_ =	shalt  }
0x86: {  	_ =	shalt  }
0x87: {  	_ =	shalt  }
.Lfunc_end0:
.L_simem_size_0:
called_computation_lowered:
.L_overlay_start_0:
0x88: {  	s2 =	sld [smem:$0x3FD9]  }
0x89: {  	s3 =	sld [smem:$0x3FFE];
	_ =	sdelay $0x1  }
0x8a: {  	s1 =	srdreg.scid  }
0x8b: {  	s0 =	sand.u32 $0x1, s1  }
0x8c: {  	s16 =	sshll.u32 s0, $0xA;
	s2 =	sadd.s32 s3, s2  }
0x8d: {  	s2 =	sadd.s32 s2, s16  }
0x8e: {  	[smem:$0x3FC1] =	sst s2  }
0x8f: {  	_ = 	snop  }
0x90: {  	(tm) =	ssettm $0x1  }
0x91: {  	s17 =	sld [smem:$0x3FFB];
	_ =	sdelay $0x3  }
0x92: {  	_ =	strace s17  }
0x93: {  	s2 =	sld [smem:$0x3FFC];
	_ =	sdelay $0x3  }
0x94: {  	_ =	strace s2  }
0x95: {  	s2 =	sld [smem:$0x3FFD];
	_ =	sdelay $0x3  }
0x96: {  	_ =	strace s2  }
0x97: {  	_ =	strace $0x8FFFFFFF  }
0x98: {  	s18 =	sld [smem:$0x3FDB];
	_ =	sdelay $0x1  }
0x99: {  	s19 =	simm.s32 $_scs_section_size  }
0x9a: {  	s4 =	simm.s32 $_size__tile_overlayer_lowered;
	s5 =	simm.s32 $_tile_overlayer_lowered  }
0x9b: {  	s22 =	simm.s32 $0x1BFF;
	s21 =	sshll.u32 s5, $0x1;
	s2 =	sadd.s32 s19, s18  }
0x9c: {  	s6 =	simm.s32 $0x0;
	s20 =	sshll.u32 s4, $0x1;
	s4 =	sadd.s32 s21, s2  }
0x9d: {  	[timem:s6], [sflag:s22] =	dma.local [hbm:s4], s20  }
0x9e: {  	_ =	swait.ge [sflag:s22], s20  }
0x9f: {  	s3 =	ssub.s32 $0x0, s20;
	[sflag:s22] =	ssyncset.done $0x0  }
0xa0: {  	[sflag:s22] =	ssyncadd.s32 s3;
	_ =	sdelay $0x1  }
0xa1: {  	s23 =	simm.s32 $0x1B8B  }
0xa2: {  	_ =	swait.ge [sflag:s23], $0x1  }
0xa3: {  	[sflag:s23] =	ssyncset.done $0x0  }
0xa4: {  	s25 =	simm.s32 $0x1B8E;
	s24 =	sld [smem:$0x3FFE];
	[sflag:s23] =	ssyncadd.s32 $0xFFFFFFFF  }
0xa5: {  	s26 =	simm.s32 $execute0_lowered;
	[smem:$0x3FD2] =	sst s25  }
0xa6: {  	s4 =	sshll.u32 s26, $0x1;
	_ =	strace $0x80000046;
	[dreg:$0x1] =	wrdreg $0xFFFFFFFF  }
0xa7: {  	s28 =	simm.s32 $_size_execute0_lowered;
	s2 =	sadd.s32 s2, s4;
	[dreg:$0x0] =	wrdreg $0x0  }
0xa8: {  	s4 =	sshll.u32 s28, $0x1;
	[dreg:$0x2] =	wrdreg s2  }
0xa9: {  	[dreg:$0x3] =	wrdreg s4  }
0xaa: {  	[dreg:$0x4] =	wrdreg $0xC0  }
0xab: {  	_ =	task [dreg:s6], $0x5FFFF  }
0xac: {  	[dreg:$0x1] =	wrdreg $0xFFFFFFFF  }
0xad: {  	[dreg:$0x0] =	wrdreg $0x60  }
0xae: {  	[dreg:$0x2] =	wrdreg s24  }
0xaf: {  	[dreg:$0x3] =	wrdreg $0x9  }
0xb0: {  	_ =	task.clear_ibuf [dreg:s6], $0x4FFFF;
	_ =	strace $0x90000046  }
0xb1: {  	s29 =	simm.s32 $0x9;
	_ =	strace $0x80000048  }
0xb2: {  	_ =	swait.ge [sflag:s29], $0x1  }
0xb3: {  	[sflag:s29] =	ssyncadd.s32 $0xFFFFFFFF  }
0xb4: {  	_ =	strace $0x90000048  }
0xb5: {  	_ =	sfence  }
0xb6: {  	s30 =	sld [smem:$0x0];
	_ =	sdelay $0x2  }
0xb7: {  	s31 =	sshll.u32 s1, $0xD;
	s1 =	sshrl.u32 s1, $0x2  }
0xb8: {  	s3 =	sand.u32 $0x4000, s31;
	s1 =	sadd.s32 s1, s30  }
0xb9: {  	s0 =	sor.u32 s3, s0;
	s1 =	sshll.u32 s1, $0x11  }
0xba: {  	s0 =	sor.u32 s1, s0  }
0xbb: {  	s0 =	sadd.s32 $0x8F2B, s0  }
0xbc: {  	[sflag:s0] =	ssyncadd.remote.s32 $0x1  }
0xbd: {  	_ =	sfence.sel $0xFFFF  }
0xbe: {  	[dreg:$0x0] =	wrdreg $0xFFFFFFFF;
	(pc) =	sbr.abs _section_cstart, $3  }
0xbf: {  	[dreg:$0x1] =	wrdreg $0xFFFFFFFF  }
0xc0: {  	_ =	task.clear_ibuf [dreg:s6], $0x2FFFF;
	_ =	strace $0x9FFFFFFF  }
0xc1: {  	(tm) =	ssettm $0x7FFFFFFF  }
tec
execute0_lowered:
.L_overlay_start_1:
0x0: {  	(tag) =	ssettag $0x1  }
0x1: {  	s0 =	rddreg [dreg:$0x0];
	s2 =	simm.s32 $0x0;
	s1 =	srdreg.scid  }
0x2: {  	s3 =	stileid.u32;
	s9 =	simm.s32 $0x880;
	s10 =	simm.s32 $0x3  }
0x3: {  	s12 =	simm.s32 $0x1;
	s13 =	simm.s32 $0x2;
	s14 =	simm.s32 $0x0  }
0x4: {  	[smem:$0x7FF] =	sst s2;
	s1 =	sand.u32 $0x1, s1;
	s3 =	sshll.u32 s3, $0x1  }
.Ltmp0:
0x5: {  	s4 =	sadd.s32 $0x21A00, s0;
	_ =	strace $0x80000047;
	(pc) =	sbr.rel .LBB2_1-.Ltmp0, $4  }
0x6: {  	s6 =	sor.u32 s1, s3;
	s3 =	sadd.s32 $0x21C00, s0;
	s1 =	ssub.s32 $0x2, s1  }
0x7: {  	s5 =	sshll.u32 s6, $0xC;
	s31 =	sshrl.u32 s1, $0x1;
	s6 =	sshll.u32 s6, $0x8  }
0x8: {  	s0 =	sadd.s32 s5, s0;
	s1 =	ssub.s32 s1, s31;
	s6 =	sor.u32 $0x6000, s6  }
0x9: {  	s5 =	sadd.s32 $0x1A00, s0;
	s7 =	sadd.s32 $0x21E00, s0;
	s8 =	smax.u32 s1, $0x1;
	v0 =	vmov s6  }
.LBB2_64:
0xa: {  	[tilespmem:s0+$0xFFFFFFD0] =	vst v14;
	v2 =	vadd.f32 v9, v6  }
0xb: {  	[tilespmem:s0+$0xFFFFFFE0] =	vst v15;
	v3 =	vadd.f32 v10, v3  }
0xc: {  	v1 =	vadd.f32 v13, v1;
	[tilespmem:s0+$0x0] =	vst v2  }
0xd: {  	v2 =	vadd.f32 v11, v4;
	[tilespmem:s0+$0x10] =	vst v3  }
0xe: {  	v3 =	vadd.f32 v12, v7;
	[tilespmem:s0+$0xFFFFFFF0] =	vst v1  }
0xf: {  	[tilespmem:s0+$0x20] =	vst v2  }
0x10: {  	[tilespmem:s0+$0x30] =	vst v3  }
.LBB2_65:
0x11: {  	s14 =	sadd.s32 $0x1, s14  }
0x12: {  	p0 =	sne.s32 s14, s8  }
.Ltmp1:
0x13: {  	_ = 	snop;
	(pc) =	sbr.rel @!p0 .LBB2_66-.Ltmp1, $4  }
0x14: {  	[hbm4b:s7+s2] =	stream.linear.scatter [tilespmem:s9], [sflag:$0x2], $0x8000, $0x38;
	[tilespmem:$0x8880] =	vst v63  }
0x15: {  	_ =	swait.ge [sflag:s13], $0x8000  }
0x16: {  	[sflag:s13] =	ssyncset.done $0x0  }
0x17: {  	[sflag:s13] =	ssyncadd.s32 $0xFFFF8000  }
.LBB2_1:
0x18: {  	[tilespmem:s9], [sflag:$0x1] =	stream.linear.gather [hbm4b:s5+s2], $0x8000, $0x38;
	[tilespmem:$0x8880] =	vst v63  }
0x19: {  	_ = 	snop  }
0x1a: {  	[tilespmem:s2], [sflag:$0x3] =	stream.linear.gather [hbm4b:s4+s2], $0x800, $0x38;
	[tilespmem:$0x8880] =	vst v63  }
0x1b: {  	_ =	swait.ge [sflag:s10], $0x800  }
0x1c: {  	[sflag:s10] =	ssyncset.done $0x0  }
0x1d: {  	s0 =	simm.s32 $0x800;
	[sflag:s10] =	ssyncadd.s32 $0xFFFFF800  }
0x1e: {  	[tilespmem:s0], [sflag:$0x3] =	stream.linear.gather [hbm4b:s3+s2], $0x80, $0x38;
	[tilespmem:$0x8880] =	vst v63  }
0x1f: {  	_ =	swait.ge [sflag:s10], $0x80  }
0x20: {  	[sflag:s10] =	ssyncset.done $0x0  }
0x21: {  	[sflag:s10] =	ssyncadd.s32 $0xFFFFFF80  }
0x22: {  	v1 =	vld [tilespmem:$0x800];
	_ =	sdelay $0x4  }
0x23: {  	(v2sf) =	vpush v1, $0x2  }
0x24: {  	(v2sf) =	vpush v1, $0x3  }
0x25: {  	(v2sf) =	vpush v1, $0x4  }
0x26: {  	(v2sf) =	vpush v1, $0x5  }
0x27: {  	(v2sf) =	vpush v1, $0x6  }
0x28: {  	(v2sf) =	vpush v1, $0x7  }
0x29: {  	(v2sf) =	vpush v1, $0x8  }
0x2a: {  	(v2sf) =	vpush v1, $0x9  }
0x2b: {  	(v2sf) =	vpush v1, $0xA  }
0x2c: {  	(v2sf) =	vpush v1, $0xB  }
0x2d: {  	(v2sf) =	vpush v1, $0xC  }
0x2e: {  	(v2sf) =	vpush v1, $0xD  }
0x2f: {  	(v2sf) =	vpush v1, $0xE  }
0x30: {  	(v2sf) =	vpush v1, $0xF;
	_ =	sdelay $0x1  }
0x31: {  	s29 =	spop (v2sf)  }
0x32: {  	s28 =	spop (v2sf)  }
0x33: {  	s26 =	spop (v2sf)  }
0x34: {  	s25 =	spop (v2sf)  }
0x35: {  	s24 =	spop (v2sf)  }
0x36: {  	s23 =	spop (v2sf)  }
0x37: {  	s22 =	spop (v2sf)  }
0x38: {  	s21 =	spop (v2sf)  }
0x39: {  	s20 =	spop (v2sf)  }
0x3a: {  	s19 =	spop (v2sf)  }
0x3b: {  	s18 =	spop (v2sf)  }
0x3c: {  	s17 =	spop (v2sf)  }
0x3d: {  	s16 =	spop (v2sf)  }
0x3e: {  	s15 =	spop (v2sf)  }
0x3f: {  	v1 =	vsub.s32 v1, v0;
	_ =	swait.ge [sflag:s12], $0x8000  }
0x40: {  	(v2sf) =	vpush v1, $0x0  }
0x41: {  	(v2sf) =	vpush v1, $0x1;
	_ =	sdelay $0xd  }
0x42: {  	s0 =	spop (v2sf)  }
0x43: {  	s31 =	spop (v2sf)  }
0x44: {  	p0 =	sgt.s32 s31, $0x0  }
0x45: {  	s31 =	simm.s32 @!p0 $0x0;
	p0 =	sgt.s32 s0, $0x0  }
0x46: {  	s0 =	simm.s32 @!p0 $0x0;
	s30 =	smin.u32 s31, $0x100  }
0x47: {  	p0 =	sle.u32 s30, s0  }
.Ltmp2:
0x48: {  	_ = 	snop;
	(pc) =	sbr.rel @p0 .LBB2_5-.Ltmp2, $3  }
0x49: {  	_ =	sdelay $0x1  }
0x4a: {  	[sflag:s12] =	ssyncset.done $0x0  }
0x4b: {  	[sflag:s12] =	ssyncadd.s32 $0xFFFF8000  }
0x4c: {  	v7 =	vld [tilespmem:$0x0]  }
0x4d: {  	v8 =	vld [tilespmem:$0x10]  }
0x4e: {  	v6 =	vld [tilespmem:$0x20]  }
0x4f: {  	v1 =	vld [tilespmem:$0x30]  }
0x50: {  	v5 =	vld [tilespmem:$0x40]  }
0x51: {  	v2 =	vld [tilespmem:$0x50];
	s1 =	sshll.u32 s0, $0x9  }
0x52: {  	v3 =	vld [tilespmem:$0x60];
	s1 =	sshra.s32 s1, $0x2  }
0x53: {  	v4 =	vld [tilespmem:$0x70];
	s11 =	sadd.s32 $0x8C0, s1  }
0x54: {  	s1 =	ssub.s32 s30, s0;
	v12 =	vld [tilespmem:s11+$0xFFFFFFC0]  }
0x55: {  	v14 =	vld [tilespmem:s11+$0xFFFFFFD0];
	p0 =	sne.s32 s1, $0x1  }
.Ltmp3:
0x56: {  	v13 =	vld [tilespmem:s11+$0xFFFFFFE0];
	(pc) =	sbr.rel @!p0 .LBB2_4-.Ltmp3, $4  }
0x57: {  	v9 =	vld [tilespmem:s11+$0x0]  }
0x58: {  	v10 =	vld [tilespmem:s11+$0x10]  }
0x59: {  	v11 =	vld [tilespmem:s11+$0x20];
	v15 =	vadd.f32 v12, v7  }
0x5a: {  	s1 =	sadd.s32 $0xFFFFFFFF, s1;
	s0 =	smov.u32 s11;
	v14 =	vadd.f32 v14, v8;
	v12 =	vld [tilespmem:s11+$0x30]  }
.LBB2_3:
0x5b: {  	p0 =	sne.s32 s1, $0x1;
	[tilespmem:s11+$0xFFFFFFC0] =	vst v15;
	v13 =	vadd.f32 v13, v6;
	v15 =	vld [tilespmem:s11+$0xFFFFFFF0];
	s0 =	sadd.s32 $0x80, s0  }
0x5c: {  	v16 =	vld [tilespmem:s0+$0xFFFFFFC0];
	[tilespmem:s11+$0xFFFFFFD0] =	vst v14;
	v9 =	vadd.f32 v9, v5  }
0x5d: {  	v14 =	vld [tilespmem:s0+$0xFFFFFFD0];
	[tilespmem:s11+$0xFFFFFFE0] =	vst v13;
	v10 =	vadd.f32 v10, v2  }
.Ltmp4:
0x5e: {  	v13 =	vld [tilespmem:s0+$0xFFFFFFE0];
	[tilespmem:s11+$0x0] =	vst v9;
	v11 =	vadd.f32 v11, v3;
	(pc) =	sbr.rel @p0 .LBB2_3-.Ltmp4, $4  }
0x5f: {  	v9 =	vld [tilespmem:s0+$0x0];
	[tilespmem:s11+$0x10] =	vst v10;
	v12 =	vadd.f32 v12, v4  }
0x60: {  	v10 =	vld [tilespmem:s0+$0x10];
	v17 =	vadd.f32 v15, v1;
	[tilespmem:s11+$0x20] =	vst v11  }
0x61: {  	v15 =	vadd.f32 v16, v7;
	v11 =	vld [tilespmem:s0+$0x20];
	[tilespmem:s11+$0x30] =	vst v12  }
0x62: {  	s1 =	sadd.s32 $0xFFFFFFFF, s1;
	v14 =	vadd.f32 v14, v8;
	v12 =	vld [tilespmem:s0+$0x30];
	[tilespmem:s11+$0xFFFFFFF0] =	vst v17;
	s11 =	smov.u32 s0  }
.LBB2_4:
0x63: {  	[tilespmem:s11+$0xFFFFFFC0] =	vst v15;
	v6 =	vadd.f32 v13, v6;
	v7 =	vld [tilespmem:s11+$0xFFFFFFF0]  }
0x64: {  	[tilespmem:s11+$0xFFFFFFD0] =	vst v14;
	v5 =	vadd.f32 v9, v5  }
0x65: {  	[tilespmem:s11+$0xFFFFFFE0] =	vst v6;
	v2 =	vadd.f32 v10, v2  }
0x66: {  	[tilespmem:s11+$0x0] =	vst v5;
	v3 =	vadd.f32 v11, v3  }
0x67: {  	[tilespmem:s11+$0x10] =	vst v2;
	v2 =	vadd.f32 v12, v4  }
0x68: {  	v1 =	vadd.f32 v7, v1;
	[tilespmem:s11+$0x20] =	vst v3  }
0x69: {  	[tilespmem:s11+$0x30] =	vst v2  }
0x6a: {  	[tilespmem:s11+$0xFFFFFFF0] =	vst v1  }
.LBB2_5:
0x6b: {  	s0 =	ssub.s32 s29, s6  }
0x6c: {  	p0 =	sgt.s32 s0, $0x0  }
0x6d: {  	s0 =	simm.s32 @!p0 $0x0  }
0x6e: {  	s29 =	smin.u32 s0, $0x100  }
0x6f: {  	p0 =	sge.u32 s31, s29  }
.Ltmp5:
0x70: {  	_ = 	snop;
	(pc) =	sbr.rel @p0 .LBB2_9-.Ltmp5, $1  }
0x71: {  	_ =	sdelay $0x3  }
0x72: {  	v7 =	vld [tilespmem:$0x80]  }
0x73: {  	v8 =	vld [tilespmem:$0x90]  }
0x74: {  	v6 =	vld [tilespmem:$0xA0]  }
0x75: {  	v1 =	vld [tilespmem:$0xB0]  }
0x76: {  	v5 =	vld [tilespmem:$0xC0]  }
0x77: {  	v4 =	vld [tilespmem:$0xD0]  }
0x78: {  	v2 =	vld [tilespmem:$0xE0];
	s1 =	sshll.u32 s30, $0x7  }
0x79: {  	v3 =	vld [tilespmem:$0xF0];
	s31 =	sadd.s32 $0x8C0, s1  }
0x7a: {  	s30 =	ssub.s32 s29, s30;
	v12 =	vld [tilespmem:s31+$0xFFFFFFC0]  }
0x7b: {  	p0 =	sne.s32 s30, $0x1;
	v14 =	vld [tilespmem:s31+$0xFFFFFFD0]  }
.Ltmp6:
0x7c: {  	v13 =	vld [tilespmem:s31+$0xFFFFFFE0];
	(pc) =	sbr.rel @!p0 .LBB2_8-.Ltmp6, $4  }
0x7d: {  	v9 =	vld [tilespmem:s31+$0x0]  }
0x7e: {  	v10 =	vld [tilespmem:s31+$0x10]  }
0x7f: {  	v11 =	vld [tilespmem:s31+$0x20];
	v15 =	vadd.f32 v12, v7  }
0x80: {  	s1 =	sadd.s32 $0xFFFFFFFF, s30;
	s11 =	smov.u32 s31;
	v14 =	vadd.f32 v14, v8;
	v12 =	vld [tilespmem:s31+$0x30]  }
.LBB2_7:
0x81: {  	p0 =	sne.s32 s1, $0x1;
	[tilespmem:s31+$0xFFFFFFC0] =	vst v15;
	v13 =	vadd.f32 v13, v6;
	v15 =	vld [tilespmem:s31+$0xFFFFFFF0];
	s11 =	sadd.s32 $0x80, s11  }
0x82: {  	v16 =	vld [tilespmem:s11+$0xFFFFFFC0];
	[tilespmem:s31+$0xFFFFFFD0] =	vst v14;
	v9 =	vadd.f32 v9, v5  }
0x83: {  	v14 =	vld [tilespmem:s11+$0xFFFFFFD0];
	[tilespmem:s31+$0xFFFFFFE0] =	vst v13;
	v10 =	vadd.f32 v10, v4  }
.Ltmp7:
0x84: {  	v13 =	vld [tilespmem:s11+$0xFFFFFFE0];
	[tilespmem:s31+$0x0] =	vst v9;
	v11 =	vadd.f32 v11, v2;
	(pc) =	sbr.rel @p0 .LBB2_7-.Ltmp7, $4  }
0x85: {  	v9 =	vld [tilespmem:s11+$0x0];
	[tilespmem:s31+$0x10] =	vst v10;
	v12 =	vadd.f32 v12, v3  }
0x86: {  	v10 =	vld [tilespmem:s11+$0x10];
	v17 =	vadd.f32 v15, v1;
	[tilespmem:s31+$0x20] =	vst v11  }
0x87: {  	v15 =	vadd.f32 v16, v7;
	v11 =	vld [tilespmem:s11+$0x20];
	[tilespmem:s31+$0x30] =	vst v12  }
0x88: {  	s1 =	sadd.s32 $0xFFFFFFFF, s1;
	v14 =	vadd.f32 v14, v8;
	v12 =	vld [tilespmem:s11+$0x30];
	[tilespmem:s31+$0xFFFFFFF0] =	vst v17;
	s31 =	smov.u32 s11  }
.LBB2_8:
0x89: {  	[tilespmem:s31+$0xFFFFFFC0] =	vst v15;
	v6 =	vadd.f32 v13, v6;
	v7 =	vld [tilespmem:s31+$0xFFFFFFF0]  }
0x8a: {  	[tilespmem:s31+$0xFFFFFFD0] =	vst v14;
	v5 =	vadd.f32 v9, v5  }
0x8b: {  	[tilespmem:s31+$0xFFFFFFE0] =	vst v6;
	v4 =	vadd.f32 v10, v4  }
0x8c: {  	[tilespmem:s31+$0x0] =	vst v5;
	v2 =	vadd.f32 v11, v2  }
0x8d: {  	[tilespmem:s31+$0x10] =	vst v4;
	v3 =	vadd.f32 v12, v3  }
0x8e: {  	v1 =	vadd.f32 v7, v1;
	[tilespmem:s31+$0x20] =	vst v2  }
0x8f: {  	[tilespmem:s31+$0x30] =	vst v3  }
0x90: {  	[tilespmem:s31+$0xFFFFFFF0] =	vst v1  }
.LBB2_9:
0x91: {  	s30 =	ssub.s32 s28, s6  }
0x92: {  	p0 =	sgt.s32 s30, $0x0  }
0x93: {  	s30 =	simm.s32 @!p0 $0x0  }
0x94: {  	s28 =	smin.u32 s30, $0x100  }
0x95: {  	p0 =	sge.u32 s0, s28  }
.Ltmp8:
0x96: {  	_ = 	snop;
	(pc) =	sbr.rel @p0 .LBB2_13-.Ltmp8, $1  }
0x97: {  	_ =	sdelay $0x3  }
0x98: {  	v7 =	vld [tilespmem:$0x100]  }
0x99: {  	v8 =	vld [tilespmem:$0x110]  }
0x9a: {  	v6 =	vld [tilespmem:$0x120]  }
0x9b: {  	v1 =	vld [tilespmem:$0x130]  }
0x9c: {  	v5 =	vld [tilespmem:$0x140]  }
0x9d: {  	v4 =	vld [tilespmem:$0x150]  }
0x9e: {  	v2 =	vld [tilespmem:$0x160];
	s0 =	sshll.u32 s29, $0x7  }
0x9f: {  	v3 =	vld [tilespmem:$0x170];
	s0 =	sadd.s32 $0x8C0, s0  }
0xa0: {  	s1 =	ssub.s32 s28, s29;
	v12 =	vld [tilespmem:s0+$0xFFFFFFC0]  }
0xa1: {  	p0 =	sne.s32 s1, $0x1;
	v14 =	vld [tilespmem:s0+$0xFFFFFFD0]  }
.Ltmp9:
0xa2: {  	v13 =	vld [tilespmem:s0+$0xFFFFFFE0];
	(pc) =	sbr.rel @!p0 .LBB2_12-.Ltmp9, $4  }
0xa3: {  	v9 =	vld [tilespmem:s0+$0x0]  }
0xa4: {  	v10 =	vld [tilespmem:s0+$0x10]  }
0xa5: {  	v11 =	vld [tilespmem:s0+$0x20];
	v15 =	vadd.f32 v12, v7  }
0xa6: {  	s1 =	sadd.s32 $0xFFFFFFFF, s1;
	s11 =	smov.u32 s0;
	v14 =	vadd.f32 v14, v8;
	v12 =	vld [tilespmem:s0+$0x30]  }
.LBB2_11:
0xa7: {  	p0 =	sne.s32 s1, $0x1;
	[tilespmem:s0+$0xFFFFFFC0] =	vst v15;
	v13 =	vadd.f32 v13, v6;
	v15 =	vld [tilespmem:s0+$0xFFFFFFF0];
	s11 =	sadd.s32 $0x80, s11  }
0xa8: {  	v16 =	vld [tilespmem:s11+$0xFFFFFFC0];
	[tilespmem:s0+$0xFFFFFFD0] =	vst v14;
	v9 =	vadd.f32 v9, v5  }
0xa9: {  	v14 =	vld [tilespmem:s11+$0xFFFFFFD0];
	[tilespmem:s0+$0xFFFFFFE0] =	vst v13;
	v10 =	vadd.f32 v10, v4  }
.Ltmp10:
0xaa: {  	v13 =	vld [tilespmem:s11+$0xFFFFFFE0];
	[tilespmem:s0+$0x0] =	vst v9;
	v11 =	vadd.f32 v11, v2;
	(pc) =	sbr.rel @p0 .LBB2_11-.Ltmp10, $4  }
0xab: {  	v9 =	vld [tilespmem:s11+$0x0];
	[tilespmem:s0+$0x10] =	vst v10;
	v12 =	vadd.f32 v12, v3  }
0xac: {  	v10 =	vld [tilespmem:s11+$0x10];
	v17 =	vadd.f32 v15, v1;
	[tilespmem:s0+$0x20] =	vst v11  }
0xad: {  	v15 =	vadd.f32 v16, v7;
	v11 =	vld [tilespmem:s11+$0x20];
	[tilespmem:s0+$0x30] =	vst v12  }
0xae: {  	s1 =	sadd.s32 $0xFFFFFFFF, s1;
	v14 =	vadd.f32 v14, v8;
	v12 =	vld [tilespmem:s11+$0x30];
	[tilespmem:s0+$0xFFFFFFF0] =	vst v17;
	s0 =	smov.u32 s11  }
.LBB2_12:
0xaf: {  	[tilespmem:s0+$0xFFFFFFC0] =	vst v15;
	v6 =	vadd.f32 v13, v6;
	v7 =	vld [tilespmem:s0+$0xFFFFFFF0]  }
0xb0: {  	[tilespmem:s0+$0xFFFFFFD0] =	vst v14;
	v5 =	vadd.f32 v9, v5  }
0xb1: {  	[tilespmem:s0+$0xFFFFFFE0] =	vst v6;
	v4 =	vadd.f32 v10, v4  }
0xb2: {  	[tilespmem:s0+$0x0] =	vst v5;
	v2 =	vadd.f32 v11, v2  }
0xb3: {  	[tilespmem:s0+$0x10] =	vst v4;
	v3 =	vadd.f32 v12, v3  }
0xb4: {  	v1 =	vadd.f32 v7, v1;
	[tilespmem:s0+$0x20] =	vst v2  }
0xb5: {  	[tilespmem:s0+$0x30] =	vst v3  }
0xb6: {  	[tilespmem:s0+$0xFFFFFFF0] =	vst v1  }
.LBB2_13:
0xb7: {  	s0 =	ssub.s32 s26, s6  }
0xb8: {  	p0 =	sgt.s32 s0, $0x0  }
0xb9: {  	s0 =	simm.s32 @!p0 $0x0  }
0xba: {  	s26 =	smin.u32 s0, $0x100  }
0xbb: {  	p0 =	sge.u32 s30, s26  }
.Ltmp11:
0xbc: {  	_ = 	snop;
	(pc) =	sbr.rel @p0 .LBB2_17-.Ltmp11, $1  }
0xbd: {  	_ =	sdelay $0x3  }
0xbe: {  	v7 =	vld [tilespmem:$0x180]  }
0xbf: {  	v8 =	vld [tilespmem:$0x190]  }
0xc0: {  	v6 =	vld [tilespmem:$0x1A0]  }
0xc1: {  	v1 =	vld [tilespmem:$0x1B0]  }
0xc2: {  	v5 =	vld [tilespmem:$0x1C0]  }
0xc3: {  	v4 =	vld [tilespmem:$0x1D0]  }
0xc4: {  	v2 =	vld [tilespmem:$0x1E0];
	s1 =	sshll.u32 s28, $0x7  }
0xc5: {  	v3 =	vld [tilespmem:$0x1F0];
	s29 =	sadd.s32 $0x8C0, s1  }
0xc6: {  	s31 =	ssub.s32 s26, s28;
	v12 =	vld [tilespmem:s29+$0xFFFFFFC0]  }
0xc7: {  	p0 =	sne.s32 s31, $0x1;
	v14 =	vld [tilespmem:s29+$0xFFFFFFD0]  }
.Ltmp12:
0xc8: {  	v13 =	vld [tilespmem:s29+$0xFFFFFFE0];
	(pc) =	sbr.rel @!p0 .LBB2_16-.Ltmp12, $4  }
0xc9: {  	v9 =	vld [tilespmem:s29+$0x0]  }
0xca: {  	v10 =	vld [tilespmem:s29+$0x10]  }
0xcb: {  	v11 =	vld [tilespmem:s29+$0x20];
	v15 =	vadd.f32 v12, v7  }
0xcc: {  	s1 =	sadd.s32 $0xFFFFFFFF, s31;
	s11 =	smov.u32 s29;
	v14 =	vadd.f32 v14, v8;
	v12 =	vld [tilespmem:s29+$0x30]  }
.LBB2_15:
0xcd: {  	p0 =	sne.s32 s1, $0x1;
	[tilespmem:s29+$0xFFFFFFC0] =	vst v15;
	v13 =	vadd.f32 v13, v6;
	v15 =	vld [tilespmem:s29+$0xFFFFFFF0];
	s11 =	sadd.s32 $0x80, s11  }
0xce: {  	v16 =	vld [tilespmem:s11+$0xFFFFFFC0];
	[tilespmem:s29+$0xFFFFFFD0] =	vst v14;
	v9 =	vadd.f32 v9, v5  }
0xcf: {  	v14 =	vld [tilespmem:s11+$0xFFFFFFD0];
	[tilespmem:s29+$0xFFFFFFE0] =	vst v13;
	v10 =	vadd.f32 v10, v4  }
.Ltmp13:
0xd0: {  	v13 =	vld [tilespmem:s11+$0xFFFFFFE0];
	[tilespmem:s29+$0x0] =	vst v9;
	v11 =	vadd.f32 v11, v2;
	(pc) =	sbr.rel @p0 .LBB2_15-.Ltmp13, $4  }
0xd1: {  	v9 =	vld [tilespmem:s11+$0x0];
	[tilespmem:s29+$0x10] =	vst v10;
	v12 =	vadd.f32 v12, v3  }
0xd2: {  	v10 =	vld [tilespmem:s11+$0x10];
	v17 =	vadd.f32 v15, v1;
	[tilespmem:s29+$0x20] =	vst v11  }
0xd3: {  	v15 =	vadd.f32 v16, v7;
	v11 =	vld [tilespmem:s11+$0x20];
	[tilespmem:s29+$0x30] =	vst v12  }
0xd4: {  	s1 =	sadd.s32 $0xFFFFFFFF, s1;
	v14 =	vadd.f32 v14, v8;
	v12 =	vld [tilespmem:s11+$0x30];
	[tilespmem:s29+$0xFFFFFFF0] =	vst v17;
	s29 =	smov.u32 s11  }
.LBB2_16:
0xd5: {  	[tilespmem:s29+$0xFFFFFFC0] =	vst v15;
	v6 =	vadd.f32 v13, v6;
	v7 =	vld [tilespmem:s29+$0xFFFFFFF0]  }
0xd6: {  	[tilespmem:s29+$0xFFFFFFD0] =	vst v14;
	v5 =	vadd.f32 v9, v5  }
0xd7: {  	[tilespmem:s29+$0xFFFFFFE0] =	vst v6;
	v4 =	vadd.f32 v10, v4  }
0xd8: {  	[tilespmem:s29+$0x0] =	vst v5;
	v2 =	vadd.f32 v11, v2  }
0xd9: {  	[tilespmem:s29+$0x10] =	vst v4;
	v3 =	vadd.f32 v12, v3  }
0xda: {  	v1 =	vadd.f32 v7, v1;
	[tilespmem:s29+$0x20] =	vst v2  }
0xdb: {  	[tilespmem:s29+$0x30] =	vst v3  }
0xdc: {  	[tilespmem:s29+$0xFFFFFFF0] =	vst v1  }
.LBB2_17:
0xdd: {  	s28 =	ssub.s32 s25, s6  }
0xde: {  	p0 =	sgt.s32 s28, $0x0  }
0xdf: {  	s28 =	simm.s32 @!p0 $0x0  }
0xe0: {  	s25 =	smin.u32 s28, $0x100  }
0xe1: {  	p0 =	sge.u32 s0, s25  }
.Ltmp14:
0xe2: {  	_ = 	snop;
	(pc) =	sbr.rel @p0 .LBB2_21-.Ltmp14, $1  }
0xe3: {  	_ =	sdelay $0x3  }
0xe4: {  	v7 =	vld [tilespmem:$0x200]  }
0xe5: {  	v8 =	vld [tilespmem:$0x210]  }
0xe6: {  	v6 =	vld [tilespmem:$0x220]  }
0xe7: {  	v1 =	vld [tilespmem:$0x230]  }
0xe8: {  	v5 =	vld [tilespmem:$0x240]  }
0xe9: {  	v4 =	vld [tilespmem:$0x250]  }
0xea: {  	v2 =	vld [tilespmem:$0x260];
	s0 =	sshll.u32 s26, $0x7  }
0xeb: {  	v3 =	vld [tilespmem:$0x270];
	s0 =	sadd.s32 $0x8C0, s0  }
0xec: {  	s1 =	ssub.s32 s25, s26;
	v12 =	vld [tilespmem:s0+$0xFFFFFFC0]  }
0xed: {  	p0 =	sne.s32 s1, $0x1;
	v14 =	vld [tilespmem:s0+$0xFFFFFFD0]  }
.Ltmp15:
0xee: {  	v13 =	vld [tilespmem:s0+$0xFFFFFFE0];
	(pc) =	sbr.rel @!p0 .LBB2_20-.Ltmp15, $4  }
0xef: {  	v9 =	vld [tilespmem:s0+$0x0]  }
0xf0: {  	v10 =	vld [tilespmem:s0+$0x10]  }
0xf1: {  	v11 =	vld [tilespmem:s0+$0x20];
	v15 =	vadd.f32 v12, v7  }
0xf2: {  	s1 =	sadd.s32 $0xFFFFFFFF, s1;
	s11 =	smov.u32 s0;
	v14 =	vadd.f32 v14, v8;
	v12 =	vld [tilespmem:s0+$0x30]  }
.LBB2_19:
0xf3: {  	p0 =	sne.s32 s1, $0x1;
	[tilespmem:s0+$0xFFFFFFC0] =	vst v15;
	v13 =	vadd.f32 v13, v6;
	v15 =	vld [tilespmem:s0+$0xFFFFFFF0];
	s11 =	sadd.s32 $0x80, s11  }
0xf4: {  	v16 =	vld [tilespmem:s11+$0xFFFFFFC0];
	[tilespmem:s0+$0xFFFFFFD0] =	vst v14;
	v9 =	vadd.f32 v9, v5  }
0xf5: {  	v14 =	vld [tilespmem:s11+$0xFFFFFFD0];
	[tilespmem:s0+$0xFFFFFFE0] =	vst v13;
	v10 =	vadd.f32 v10, v4  }
.Ltmp16:
0xf6: {  	v13 =	vld [tilespmem:s11+$0xFFFFFFE0];
	[tilespmem:s0+$0x0] =	vst v9;
	v11 =	vadd.f32 v11, v2;
	(pc) =	sbr.rel @p0 .LBB2_19-.Ltmp16, $4  }
0xf7: {  	v9 =	vld [tilespmem:s11+$0x0];
	[tilespmem:s0+$0x10] =	vst v10;
	v12 =	vadd.f32 v12, v3  }
0xf8: {  	v10 =	vld [tilespmem:s11+$0x10];
	v17 =	vadd.f32 v15, v1;
	[tilespmem:s0+$0x20] =	vst v11  }
0xf9: {  	v15 =	vadd.f32 v16, v7;
	v11 =	vld [tilespmem:s11+$0x20];
	[tilespmem:s0+$0x30] =	vst v12  }
0xfa: {  	s1 =	sadd.s32 $0xFFFFFFFF, s1;
	v14 =	vadd.f32 v14, v8;
	v12 =	vld [tilespmem:s11+$0x30];
	[tilespmem:s0+$0xFFFFFFF0] =	vst v17;
	s0 =	smov.u32 s11  }
.LBB2_20:
0xfb: {  	[tilespmem:s0+$0xFFFFFFC0] =	vst v15;
	v6 =	vadd.f32 v13, v6;
	v7 =	vld [tilespmem:s0+$0xFFFFFFF0]  }
0xfc: {  	[tilespmem:s0+$0xFFFFFFD0] =	vst v14;
	v5 =	vadd.f32 v9, v5  }
0xfd: {  	[tilespmem:s0+$0xFFFFFFE0] =	vst v6;
	v4 =	vadd.f32 v10, v4  }
0xfe: {  	[tilespmem:s0+$0x0] =	vst v5;
	v2 =	vadd.f32 v11, v2  }
0xff: {  	[tilespmem:s0+$0x10] =	vst v4;
	v3 =	vadd.f32 v12, v3  }
0x100: {  	v1 =	vadd.f32 v7, v1;
	[tilespmem:s0+$0x20] =	vst v2  }
0x101: {  	[tilespmem:s0+$0x30] =	vst v3  }
0x102: {  	[tilespmem:s0+$0xFFFFFFF0] =	vst v1  }
.LBB2_21:
0x103: {  	s0 =	ssub.s32 s24, s6  }
0x104: {  	p0 =	sgt.s32 s0, $0x0  }
0x105: {  	s0 =	simm.s32 @!p0 $0x0  }
0x106: {  	s24 =	smin.u32 s0, $0x100  }
0x107: {  	p0 =	sge.u32 s28, s24  }
.Ltmp17:
0x108: {  	_ = 	snop;
	(pc) =	sbr.rel @p0 .LBB2_25-.Ltmp17, $1  }
0x109: {  	_ =	sdelay $0x3  }
0x10a: {  	v7 =	vld [tilespmem:$0x280]  }
0x10b: {  	v8 =	vld [tilespmem:$0x290]  }
0x10c: {  	v6 =	vld [tilespmem:$0x2A0]  }
0x10d: {  	v1 =	vld [tilespmem:$0x2B0]  }
0x10e: {  	v5 =	vld [tilespmem:$0x2C0]  }
0x10f: {  	v4 =	vld [tilespmem:$0x2D0]  }
0x110: {  	v2 =	vld [tilespmem:$0x2E0];
	s1 =	sshll.u32 s25, $0x7  }
0x111: {  	v3 =	vld [tilespmem:$0x2F0];
	s26 =	sadd.s32 $0x8C0, s1  }
0x112: {  	s31 =	ssub.s32 s24, s25;
	v12 =	vld [tilespmem:s26+$0xFFFFFFC0]  }
0x113: {  	p0 =	sne.s32 s31, $0x1;
	v14 =	vld [tilespmem:s26+$0xFFFFFFD0]  }
.Ltmp18:
0x114: {  	v13 =	vld [tilespmem:s26+$0xFFFFFFE0];
	(pc) =	sbr.rel @!p0 .LBB2_24-.Ltmp18, $4  }
0x115: {  	v9 =	vld [tilespmem:s26+$0x0]  }
0x116: {  	v10 =	vld [tilespmem:s26+$0x10]  }
0x117: {  	v11 =	vld [tilespmem:s26+$0x20];
	v15 =	vadd.f32 v12, v7  }
0x118: {  	s1 =	sadd.s32 $0xFFFFFFFF, s31;
	s11 =	smov.u32 s26;
	v14 =	vadd.f32 v14, v8;
	v12 =	vld [tilespmem:s26+$0x30]  }
.LBB2_23:
0x119: {  	p0 =	sne.s32 s1, $0x1;
	[tilespmem:s26+$0xFFFFFFC0] =	vst v15;
	v13 =	vadd.f32 v13, v6;
	v15 =	vld [tilespmem:s26+$0xFFFFFFF0];
	s11 =	sadd.s32 $0x80, s11  }
0x11a: {  	v16 =	vld [tilespmem:s11+$0xFFFFFFC0];
	[tilespmem:s26+$0xFFFFFFD0] =	vst v14;
	v9 =	vadd.f32 v9, v5  }
0x11b: {  	v14 =	vld [tilespmem:s11+$0xFFFFFFD0];
	[tilespmem:s26+$0xFFFFFFE0] =	vst v13;
	v10 =	vadd.f32 v10, v4  }
.Ltmp19:
0x11c: {  	v13 =	vld [tilespmem:s11+$0xFFFFFFE0];
	[tilespmem:s26+$0x0] =	vst v9;
	v11 =	vadd.f32 v11, v2;
	(pc) =	sbr.rel @p0 .LBB2_23-.Ltmp19, $4  }
0x11d: {  	v9 =	vld [tilespmem:s11+$0x0];
	[tilespmem:s26+$0x10] =	vst v10;
	v12 =	vadd.f32 v12, v3  }
0x11e: {  	v10 =	vld [tilespmem:s11+$0x10];
	v17 =	vadd.f32 v15, v1;
	[tilespmem:s26+$0x20] =	vst v11  }
0x11f: {  	v15 =	vadd.f32 v16, v7;
	v11 =	vld [tilespmem:s11+$0x20];
	[tilespmem:s26+$0x30] =	vst v12  }
0x120: {  	s1 =	sadd.s32 $0xFFFFFFFF, s1;
	v14 =	vadd.f32 v14, v8;
	v12 =	vld [tilespmem:s11+$0x30];
	[tilespmem:s26+$0xFFFFFFF0] =	vst v17;
	s26 =	smov.u32 s11  }
.LBB2_24:
0x121: {  	[tilespmem:s26+$0xFFFFFFC0] =	vst v15;
	v6 =	vadd.f32 v13, v6;
	v7 =	vld [tilespmem:s26+$0xFFFFFFF0]  }
0x122: {  	[tilespmem:s26+$0xFFFFFFD0] =	vst v14;
	v5 =	vadd.f32 v9, v5  }
0x123: {  	[tilespmem:s26+$0xFFFFFFE0] =	vst v6;
	v4 =	vadd.f32 v10, v4  }
0x124: {  	[tilespmem:s26+$0x0] =	vst v5;
	v2 =	vadd.f32 v11, v2  }
0x125: {  	[tilespmem:s26+$0x10] =	vst v4;
	v3 =	vadd.f32 v12, v3  }
0x126: {  	v1 =	vadd.f32 v7, v1;
	[tilespmem:s26+$0x20] =	vst v2  }
0x127: {  	[tilespmem:s26+$0x30] =	vst v3  }
0x128: {  	[tilespmem:s26+$0xFFFFFFF0] =	vst v1  }
.LBB2_25:
0x129: {  	s25 =	ssub.s32 s23, s6  }
0x12a: {  	p0 =	sgt.s32 s25, $0x0  }
0x12b: {  	s25 =	simm.s32 @!p0 $0x0  }
0x12c: {  	s23 =	smin.u32 s25, $0x100  }
0x12d: {  	p0 =	sge.u32 s0, s23  }
.Ltmp20:
0x12e: {  	_ = 	snop;
	(pc) =	sbr.rel @p0 .LBB2_29-.Ltmp20, $1  }
0x12f: {  	_ =	sdelay $0x3  }
0x130: {  	v7 =	vld [tilespmem:$0x300]  }
0x131: {  	v8 =	vld [tilespmem:$0x310]  }
0x132: {  	v6 =	vld [tilespmem:$0x320]  }
0x133: {  	v1 =	vld [tilespmem:$0x330]  }
0x134: {  	v5 =	vld [tilespmem:$0x340]  }
0x135: {  	v4 =	vld [tilespmem:$0x350]  }
0x136: {  	v2 =	vld [tilespmem:$0x360];
	s0 =	sshll.u32 s24, $0x7  }
0x137: {  	v3 =	vld [tilespmem:$0x370];
	s0 =	sadd.s32 $0x8C0, s0  }
0x138: {  	s1 =	ssub.s32 s23, s24;
	v12 =	vld [tilespmem:s0+$0xFFFFFFC0]  }
0x139: {  	p0 =	sne.s32 s1, $0x1;
	v14 =	vld [tilespmem:s0+$0xFFFFFFD0]  }
.Ltmp21:
0x13a: {  	v13 =	vld [tilespmem:s0+$0xFFFFFFE0];
	(pc) =	sbr.rel @!p0 .LBB2_28-.Ltmp21, $4  }
0x13b: {  	v9 =	vld [tilespmem:s0+$0x0]  }
0x13c: {  	v10 =	vld [tilespmem:s0+$0x10]  }
0x13d: {  	v11 =	vld [tilespmem:s0+$0x20];
	v15 =	vadd.f32 v12, v7  }
0x13e: {  	s1 =	sadd.s32 $0xFFFFFFFF, s1;
	s11 =	smov.u32 s0;
	v14 =	vadd.f32 v14, v8;
	v12 =	vld [tilespmem:s0+$0x30]  }
.LBB2_27:
0x13f: {  	p0 =	sne.s32 s1, $0x1;
	[tilespmem:s0+$0xFFFFFFC0] =	vst v15;
	v13 =	vadd.f32 v13, v6;
	v15 =	vld [tilespmem:s0+$0xFFFFFFF0];
	s11 =	sadd.s32 $0x80, s11  }
0x140: {  	v16 =	vld [tilespmem:s11+$0xFFFFFFC0];
	[tilespmem:s0+$0xFFFFFFD0] =	vst v14;
	v9 =	vadd.f32 v9, v5  }
0x141: {  	v14 =	vld [tilespmem:s11+$0xFFFFFFD0];
	[tilespmem:s0+$0xFFFFFFE0] =	vst v13;
	v10 =	vadd.f32 v10, v4  }
.Ltmp22:
0x142: {  	v13 =	vld [tilespmem:s11+$0xFFFFFFE0];
	[tilespmem:s0+$0x0] =	vst v9;
	v11 =	vadd.f32 v11, v2;
	(pc) =	sbr.rel @p0 .LBB2_27-.Ltmp22, $4  }
0x143: {  	v9 =	vld [tilespmem:s11+$0x0];
	[tilespmem:s0+$0x10] =	vst v10;
	v12 =	vadd.f32 v12, v3  }
0x144: {  	v10 =	vld [tilespmem:s11+$0x10];
	v17 =	vadd.f32 v15, v1;
	[tilespmem:s0+$0x20] =	vst v11  }
0x145: {  	v15 =	vadd.f32 v16, v7;
	v11 =	vld [tilespmem:s11+$0x20];
	[tilespmem:s0+$0x30] =	vst v12  }
0x146: {  	s1 =	sadd.s32 $0xFFFFFFFF, s1;
	v14 =	vadd.f32 v14, v8;
	v12 =	vld [tilespmem:s11+$0x30];
	[tilespmem:s0+$0xFFFFFFF0] =	vst v17;
	s0 =	smov.u32 s11  }
.LBB2_28:
0x147: {  	[tilespmem:s0+$0xFFFFFFC0] =	vst v15;
	v6 =	vadd.f32 v13, v6;
	v7 =	vld [tilespmem:s0+$0xFFFFFFF0]  }
0x148: {  	[tilespmem:s0+$0xFFFFFFD0] =	vst v14;
	v5 =	vadd.f32 v9, v5  }
0x149: {  	[tilespmem:s0+$0xFFFFFFE0] =	vst v6;
	v4 =	vadd.f32 v10, v4  }
0x14a: {  	[tilespmem:s0+$0x0] =	vst v5;
	v2 =	vadd.f32 v11, v2  }
0x14b: {  	[tilespmem:s0+$0x10] =	vst v4;
	v3 =	vadd.f32 v12, v3  }
0x14c: {  	v1 =	vadd.f32 v7, v1;
	[tilespmem:s0+$0x20] =	vst v2  }
0x14d: {  	[tilespmem:s0+$0x30] =	vst v3  }
0x14e: {  	[tilespmem:s0+$0xFFFFFFF0] =	vst v1  }
.LBB2_29:
0x14f: {  	s0 =	ssub.s32 s22, s6  }
0x150: {  	p0 =	sgt.s32 s0, $0x0  }
0x151: {  	s0 =	simm.s32 @!p0 $0x0  }
0x152: {  	s22 =	smin.u32 s0, $0x100  }
0x153: {  	p0 =	sge.u32 s25, s22  }
.Ltmp23:
0x154: {  	_ = 	snop;
	(pc) =	sbr.rel @p0 .LBB2_33-.Ltmp23, $1  }
0x155: {  	_ =	sdelay $0x3  }
0x156: {  	v7 =	vld [tilespmem:$0x380]  }
0x157: {  	v8 =	vld [tilespmem:$0x390]  }
0x158: {  	v6 =	vld [tilespmem:$0x3A0]  }
0x159: {  	v1 =	vld [tilespmem:$0x3B0]  }
0x15a: {  	v5 =	vld [tilespmem:$0x3C0]  }
0x15b: {  	v4 =	vld [tilespmem:$0x3D0]  }
0x15c: {  	v2 =	vld [tilespmem:$0x3E0];
	s1 =	sshll.u32 s23, $0x7  }
0x15d: {  	v3 =	vld [tilespmem:$0x3F0];
	s24 =	sadd.s32 $0x8C0, s1  }
0x15e: {  	s31 =	ssub.s32 s22, s23;
	v12 =	vld [tilespmem:s24+$0xFFFFFFC0]  }
0x15f: {  	p0 =	sne.s32 s31, $0x1;
	v14 =	vld [tilespmem:s24+$0xFFFFFFD0]  }
.Ltmp24:
0x160: {  	v13 =	vld [tilespmem:s24+$0xFFFFFFE0];
	(pc) =	sbr.rel @!p0 .LBB2_32-.Ltmp24, $4  }
0x161: {  	v9 =	vld [tilespmem:s24+$0x0]  }
0x162: {  	v10 =	vld [tilespmem:s24+$0x10]  }
0x163: {  	v11 =	vld [tilespmem:s24+$0x20];
	v15 =	vadd.f32 v12, v7  }
0x164: {  	s1 =	sadd.s32 $0xFFFFFFFF, s31;
	s11 =	smov.u32 s24;
	v14 =	vadd.f32 v14, v8;
	v12 =	vld [tilespmem:s24+$0x30]  }
.LBB2_31:
0x165: {  	p0 =	sne.s32 s1, $0x1;
	[tilespmem:s24+$0xFFFFFFC0] =	vst v15;
	v13 =	vadd.f32 v13, v6;
	v15 =	vld [tilespmem:s24+$0xFFFFFFF0];
	s11 =	sadd.s32 $0x80, s11  }
0x166: {  	v16 =	vld [tilespmem:s11+$0xFFFFFFC0];
	[tilespmem:s24+$0xFFFFFFD0] =	vst v14;
	v9 =	vadd.f32 v9, v5  }
0x167: {  	v14 =	vld [tilespmem:s11+$0xFFFFFFD0];
	[tilespmem:s24+$0xFFFFFFE0] =	vst v13;
	v10 =	vadd.f32 v10, v4  }
.Ltmp25:
0x168: {  	v13 =	vld [tilespmem:s11+$0xFFFFFFE0];
	[tilespmem:s24+$0x0] =	vst v9;
	v11 =	vadd.f32 v11, v2;
	(pc) =	sbr.rel @p0 .LBB2_31-.Ltmp25, $4  }
0x169: {  	v9 =	vld [tilespmem:s11+$0x0];
	[tilespmem:s24+$0x10] =	vst v10;
	v12 =	vadd.f32 v12, v3  }
0x16a: {  	v10 =	vld [tilespmem:s11+$0x10];
	v17 =	vadd.f32 v15, v1;
	[tilespmem:s24+$0x20] =	vst v11  }
0x16b: {  	v15 =	vadd.f32 v16, v7;
	v11 =	vld [tilespmem:s11+$0x20];
	[tilespmem:s24+$0x30] =	vst v12  }
0x16c: {  	s1 =	sadd.s32 $0xFFFFFFFF, s1;
	v14 =	vadd.f32 v14, v8;
	v12 =	vld [tilespmem:s11+$0x30];
	[tilespmem:s24+$0xFFFFFFF0] =	vst v17;
	s24 =	smov.u32 s11  }
.LBB2_32:
0x16d: {  	[tilespmem:s24+$0xFFFFFFC0] =	vst v15;
	v6 =	vadd.f32 v13, v6;
	v7 =	vld [tilespmem:s24+$0xFFFFFFF0]  }
0x16e: {  	[tilespmem:s24+$0xFFFFFFD0] =	vst v14;
	v5 =	vadd.f32 v9, v5  }
0x16f: {  	[tilespmem:s24+$0xFFFFFFE0] =	vst v6;
	v4 =	vadd.f32 v10, v4  }
0x170: {  	[tilespmem:s24+$0x0] =	vst v5;
	v2 =	vadd.f32 v11, v2  }
0x171: {  	[tilespmem:s24+$0x10] =	vst v4;
	v3 =	vadd.f32 v12, v3  }
0x172: {  	v1 =	vadd.f32 v7, v1;
	[tilespmem:s24+$0x20] =	vst v2  }
0x173: {  	[tilespmem:s24+$0x30] =	vst v3  }
0x174: {  	[tilespmem:s24+$0xFFFFFFF0] =	vst v1  }
.LBB2_33:
0x175: {  	s23 =	ssub.s32 s21, s6  }
0x176: {  	p0 =	sgt.s32 s23, $0x0  }
0x177: {  	s23 =	simm.s32 @!p0 $0x0  }
0x178: {  	s21 =	smin.u32 s23, $0x100  }
0x179: {  	p0 =	sge.u32 s0, s21  }
.Ltmp26:
0x17a: {  	_ = 	snop;
	(pc) =	sbr.rel @p0 .LBB2_37-.Ltmp26, $1  }
0x17b: {  	_ =	sdelay $0x3  }
0x17c: {  	v7 =	vld [tilespmem:$0x400]  }
0x17d: {  	v8 =	vld [tilespmem:$0x410]  }
0x17e: {  	v6 =	vld [tilespmem:$0x420]  }
0x17f: {  	v1 =	vld [tilespmem:$0x430]  }
0x180: {  	v5 =	vld [tilespmem:$0x440]  }
0x181: {  	v4 =	vld [tilespmem:$0x450]  }
0x182: {  	v2 =	vld [tilespmem:$0x460];
	s0 =	sshll.u32 s22, $0x7  }
0x183: {  	v3 =	vld [tilespmem:$0x470];
	s0 =	sadd.s32 $0x8C0, s0  }
0x184: {  	s1 =	ssub.s32 s21, s22;
	v12 =	vld [tilespmem:s0+$0xFFFFFFC0]  }
0x185: {  	p0 =	sne.s32 s1, $0x1;
	v14 =	vld [tilespmem:s0+$0xFFFFFFD0]  }
.Ltmp27:
0x186: {  	v13 =	vld [tilespmem:s0+$0xFFFFFFE0];
	(pc) =	sbr.rel @!p0 .LBB2_36-.Ltmp27, $4  }
0x187: {  	v9 =	vld [tilespmem:s0+$0x0]  }
0x188: {  	v10 =	vld [tilespmem:s0+$0x10]  }
0x189: {  	v11 =	vld [tilespmem:s0+$0x20];
	v15 =	vadd.f32 v12, v7  }
0x18a: {  	s1 =	sadd.s32 $0xFFFFFFFF, s1;
	s11 =	smov.u32 s0;
	v14 =	vadd.f32 v14, v8;
	v12 =	vld [tilespmem:s0+$0x30]  }
.LBB2_35:
0x18b: {  	p0 =	sne.s32 s1, $0x1;
	[tilespmem:s0+$0xFFFFFFC0] =	vst v15;
	v13 =	vadd.f32 v13, v6;
	v15 =	vld [tilespmem:s0+$0xFFFFFFF0];
	s11 =	sadd.s32 $0x80, s11  }
0x18c: {  	v16 =	vld [tilespmem:s11+$0xFFFFFFC0];
	[tilespmem:s0+$0xFFFFFFD0] =	vst v14;
	v9 =	vadd.f32 v9, v5  }
0x18d: {  	v14 =	vld [tilespmem:s11+$0xFFFFFFD0];
	[tilespmem:s0+$0xFFFFFFE0] =	vst v13;
	v10 =	vadd.f32 v10, v4  }
.Ltmp28:
0x18e: {  	v13 =	vld [tilespmem:s11+$0xFFFFFFE0];
	[tilespmem:s0+$0x0] =	vst v9;
	v11 =	vadd.f32 v11, v2;
	(pc) =	sbr.rel @p0 .LBB2_35-.Ltmp28, $4  }
0x18f: {  	v9 =	vld [tilespmem:s11+$0x0];
	[tilespmem:s0+$0x10] =	vst v10;
	v12 =	vadd.f32 v12, v3  }
0x190: {  	v10 =	vld [tilespmem:s11+$0x10];
	v17 =	vadd.f32 v15, v1;
	[tilespmem:s0+$0x20] =	vst v11  }
0x191: {  	v15 =	vadd.f32 v16, v7;
	v11 =	vld [tilespmem:s11+$0x20];
	[tilespmem:s0+$0x30] =	vst v12  }
0x192: {  	s1 =	sadd.s32 $0xFFFFFFFF, s1;
	v14 =	vadd.f32 v14, v8;
	v12 =	vld [tilespmem:s11+$0x30];
	[tilespmem:s0+$0xFFFFFFF0] =	vst v17;
	s0 =	smov.u32 s11  }
.LBB2_36:
0x193: {  	[tilespmem:s0+$0xFFFFFFC0] =	vst v15;
	v6 =	vadd.f32 v13, v6;
	v7 =	vld [tilespmem:s0+$0xFFFFFFF0]  }
0x194: {  	[tilespmem:s0+$0xFFFFFFD0] =	vst v14;
	v5 =	vadd.f32 v9, v5  }
0x195: {  	[tilespmem:s0+$0xFFFFFFE0] =	vst v6;
	v4 =	vadd.f32 v10, v4  }
0x196: {  	[tilespmem:s0+$0x0] =	vst v5;
	v2 =	vadd.f32 v11, v2  }
0x197: {  	[tilespmem:s0+$0x10] =	vst v4;
	v3 =	vadd.f32 v12, v3  }
0x198: {  	v1 =	vadd.f32 v7, v1;
	[tilespmem:s0+$0x20] =	vst v2  }
0x199: {  	[tilespmem:s0+$0x30] =	vst v3  }
0x19a: {  	[tilespmem:s0+$0xFFFFFFF0] =	vst v1  }
.LBB2_37:
0x19b: {  	s0 =	ssub.s32 s20, s6  }
0x19c: {  	p0 =	sgt.s32 s0, $0x0  }
0x19d: {  	s0 =	simm.s32 @!p0 $0x0  }
0x19e: {  	s20 =	smin.u32 s0, $0x100  }
0x19f: {  	p0 =	sge.u32 s23, s20  }
.Ltmp29:
0x1a0: {  	_ = 	snop;
	(pc) =	sbr.rel @p0 .LBB2_41-.Ltmp29, $1  }
0x1a1: {  	_ =	sdelay $0x3  }
0x1a2: {  	v7 =	vld [tilespmem:$0x480]  }
0x1a3: {  	v8 =	vld [tilespmem:$0x490]  }
0x1a4: {  	v6 =	vld [tilespmem:$0x4A0]  }
0x1a5: {  	v1 =	vld [tilespmem:$0x4B0]  }
0x1a6: {  	v5 =	vld [tilespmem:$0x4C0]  }
0x1a7: {  	v4 =	vld [tilespmem:$0x4D0]  }
0x1a8: {  	v2 =	vld [tilespmem:$0x4E0];
	s1 =	sshll.u32 s21, $0x7  }
0x1a9: {  	v3 =	vld [tilespmem:$0x4F0];
	s22 =	sadd.s32 $0x8C0, s1  }
0x1aa: {  	s31 =	ssub.s32 s20, s21;
	v12 =	vld [tilespmem:s22+$0xFFFFFFC0]  }
0x1ab: {  	p0 =	sne.s32 s31, $0x1;
	v14 =	vld [tilespmem:s22+$0xFFFFFFD0]  }
.Ltmp30:
0x1ac: {  	v13 =	vld [tilespmem:s22+$0xFFFFFFE0];
	(pc) =	sbr.rel @!p0 .LBB2_40-.Ltmp30, $4  }
0x1ad: {  	v9 =	vld [tilespmem:s22+$0x0]  }
0x1ae: {  	v10 =	vld [tilespmem:s22+$0x10]  }
0x1af: {  	v11 =	vld [tilespmem:s22+$0x20];
	v15 =	vadd.f32 v12, v7  }
0x1b0: {  	s1 =	sadd.s32 $0xFFFFFFFF, s31;
	s11 =	smov.u32 s22;
	v14 =	vadd.f32 v14, v8;
	v12 =	vld [tilespmem:s22+$0x30]  }
.LBB2_39:
0x1b1: {  	p0 =	sne.s32 s1, $0x1;
	[tilespmem:s22+$0xFFFFFFC0] =	vst v15;
	v13 =	vadd.f32 v13, v6;
	v15 =	vld [tilespmem:s22+$0xFFFFFFF0];
	s11 =	sadd.s32 $0x80, s11  }
0x1b2: {  	v16 =	vld [tilespmem:s11+$0xFFFFFFC0];
	[tilespmem:s22+$0xFFFFFFD0] =	vst v14;
	v9 =	vadd.f32 v9, v5  }
0x1b3: {  	v14 =	vld [tilespmem:s11+$0xFFFFFFD0];
	[tilespmem:s22+$0xFFFFFFE0] =	vst v13;
	v10 =	vadd.f32 v10, v4  }
.Ltmp31:
0x1b4: {  	v13 =	vld [tilespmem:s11+$0xFFFFFFE0];
	[tilespmem:s22+$0x0] =	vst v9;
	v11 =	vadd.f32 v11, v2;
	(pc) =	sbr.rel @p0 .LBB2_39-.Ltmp31, $4  }
0x1b5: {  	v9 =	vld [tilespmem:s11+$0x0];
	[tilespmem:s22+$0x10] =	vst v10;
	v12 =	vadd.f32 v12, v3  }
0x1b6: {  	v10 =	vld [tilespmem:s11+$0x10];
	v17 =	vadd.f32 v15, v1;
	[tilespmem:s22+$0x20] =	vst v11  }
0x1b7: {  	v15 =	vadd.f32 v16, v7;
	v11 =	vld [tilespmem:s11+$0x20];
	[tilespmem:s22+$0x30] =	vst v12  }
0x1b8: {  	s1 =	sadd.s32 $0xFFFFFFFF, s1;
	v14 =	vadd.f32 v14, v8;
	v12 =	vld [tilespmem:s11+$0x30];
	[tilespmem:s22+$0xFFFFFFF0] =	vst v17;
	s22 =	smov.u32 s11  }
.LBB2_40:
0x1b9: {  	[tilespmem:s22+$0xFFFFFFC0] =	vst v15;
	v6 =	vadd.f32 v13, v6;
	v7 =	vld [tilespmem:s22+$0xFFFFFFF0]  }
0x1ba: {  	[tilespmem:s22+$0xFFFFFFD0] =	vst v14;
	v5 =	vadd.f32 v9, v5  }
0x1bb: {  	[tilespmem:s22+$0xFFFFFFE0] =	vst v6;
	v4 =	vadd.f32 v10, v4  }
0x1bc: {  	[tilespmem:s22+$0x0] =	vst v5;
	v2 =	vadd.f32 v11, v2  }
0x1bd: {  	[tilespmem:s22+$0x10] =	vst v4;
	v3 =	vadd.f32 v12, v3  }
0x1be: {  	v1 =	vadd.f32 v7, v1;
	[tilespmem:s22+$0x20] =	vst v2  }
0x1bf: {  	[tilespmem:s22+$0x30] =	vst v3  }
0x1c0: {  	[tilespmem:s22+$0xFFFFFFF0] =	vst v1  }
.LBB2_41:
0x1c1: {  	s21 =	ssub.s32 s19, s6  }
0x1c2: {  	p0 =	sgt.s32 s21, $0x0  }
0x1c3: {  	s21 =	simm.s32 @!p0 $0x0  }
0x1c4: {  	s19 =	smin.u32 s21, $0x100  }
0x1c5: {  	p0 =	sge.u32 s0, s19  }
.Ltmp32:
0x1c6: {  	_ = 	snop;
	(pc) =	sbr.rel @p0 .LBB2_45-.Ltmp32, $1  }
0x1c7: {  	_ =	sdelay $0x3  }
0x1c8: {  	v7 =	vld [tilespmem:$0x500]  }
0x1c9: {  	v8 =	vld [tilespmem:$0x510]  }
0x1ca: {  	v6 =	vld [tilespmem:$0x520]  }
0x1cb: {  	v1 =	vld [tilespmem:$0x530]  }
0x1cc: {  	v5 =	vld [tilespmem:$0x540]  }
0x1cd: {  	v4 =	vld [tilespmem:$0x550]  }
0x1ce: {  	v2 =	vld [tilespmem:$0x560];
	s0 =	sshll.u32 s20, $0x7  }
0x1cf: {  	v3 =	vld [tilespmem:$0x570];
	s0 =	sadd.s32 $0x8C0, s0  }
0x1d0: {  	s1 =	ssub.s32 s19, s20;
	v12 =	vld [tilespmem:s0+$0xFFFFFFC0]  }
0x1d1: {  	p0 =	sne.s32 s1, $0x1;
	v14 =	vld [tilespmem:s0+$0xFFFFFFD0]  }
.Ltmp33:
0x1d2: {  	v13 =	vld [tilespmem:s0+$0xFFFFFFE0];
	(pc) =	sbr.rel @!p0 .LBB2_44-.Ltmp33, $4  }
0x1d3: {  	v9 =	vld [tilespmem:s0+$0x0]  }
0x1d4: {  	v10 =	vld [tilespmem:s0+$0x10]  }
0x1d5: {  	v11 =	vld [tilespmem:s0+$0x20];
	v15 =	vadd.f32 v12, v7  }
0x1d6: {  	s1 =	sadd.s32 $0xFFFFFFFF, s1;
	s11 =	smov.u32 s0;
	v14 =	vadd.f32 v14, v8;
	v12 =	vld [tilespmem:s0+$0x30]  }
.LBB2_43:
0x1d7: {  	p0 =	sne.s32 s1, $0x1;
	[tilespmem:s0+$0xFFFFFFC0] =	vst v15;
	v13 =	vadd.f32 v13, v6;
	v15 =	vld [tilespmem:s0+$0xFFFFFFF0];
	s11 =	sadd.s32 $0x80, s11  }
0x1d8: {  	v16 =	vld [tilespmem:s11+$0xFFFFFFC0];
	[tilespmem:s0+$0xFFFFFFD0] =	vst v14;
	v9 =	vadd.f32 v9, v5  }
0x1d9: {  	v14 =	vld [tilespmem:s11+$0xFFFFFFD0];
	[tilespmem:s0+$0xFFFFFFE0] =	vst v13;
	v10 =	vadd.f32 v10, v4  }
.Ltmp34:
0x1da: {  	v13 =	vld [tilespmem:s11+$0xFFFFFFE0];
	[tilespmem:s0+$0x0] =	vst v9;
	v11 =	vadd.f32 v11, v2;
	(pc) =	sbr.rel @p0 .LBB2_43-.Ltmp34, $4  }
0x1db: {  	v9 =	vld [tilespmem:s11+$0x0];
	[tilespmem:s0+$0x10] =	vst v10;
	v12 =	vadd.f32 v12, v3  }
0x1dc: {  	v10 =	vld [tilespmem:s11+$0x10];
	v17 =	vadd.f32 v15, v1;
	[tilespmem:s0+$0x20] =	vst v11  }
0x1dd: {  	v15 =	vadd.f32 v16, v7;
	v11 =	vld [tilespmem:s11+$0x20];
	[tilespmem:s0+$0x30] =	vst v12  }
0x1de: {  	s1 =	sadd.s32 $0xFFFFFFFF, s1;
	v14 =	vadd.f32 v14, v8;
	v12 =	vld [tilespmem:s11+$0x30];
	[tilespmem:s0+$0xFFFFFFF0] =	vst v17;
	s0 =	smov.u32 s11  }
.LBB2_44:
0x1df: {  	[tilespmem:s0+$0xFFFFFFC0] =	vst v15;
	v6 =	vadd.f32 v13, v6;
	v7 =	vld [tilespmem:s0+$0xFFFFFFF0]  }
0x1e0: {  	[tilespmem:s0+$0xFFFFFFD0] =	vst v14;
	v5 =	vadd.f32 v9, v5  }
0x1e1: {  	[tilespmem:s0+$0xFFFFFFE0] =	vst v6;
	v4 =	vadd.f32 v10, v4  }
0x1e2: {  	[tilespmem:s0+$0x0] =	vst v5;
	v2 =	vadd.f32 v11, v2  }
0x1e3: {  	[tilespmem:s0+$0x10] =	vst v4;
	v3 =	vadd.f32 v12, v3  }
0x1e4: {  	v1 =	vadd.f32 v7, v1;
	[tilespmem:s0+$0x20] =	vst v2  }
0x1e5: {  	[tilespmem:s0+$0x30] =	vst v3  }
0x1e6: {  	[tilespmem:s0+$0xFFFFFFF0] =	vst v1  }
.LBB2_45:
0x1e7: {  	s0 =	ssub.s32 s18, s6  }
0x1e8: {  	p0 =	sgt.s32 s0, $0x0  }
0x1e9: {  	s0 =	simm.s32 @!p0 $0x0  }
0x1ea: {  	s18 =	smin.u32 s0, $0x100  }
0x1eb: {  	p0 =	sge.u32 s21, s18  }
.Ltmp35:
0x1ec: {  	_ = 	snop;
	(pc) =	sbr.rel @p0 .LBB2_49-.Ltmp35, $1  }
0x1ed: {  	_ =	sdelay $0x3  }
0x1ee: {  	v7 =	vld [tilespmem:$0x580]  }
0x1ef: {  	v8 =	vld [tilespmem:$0x590]  }
0x1f0: {  	v6 =	vld [tilespmem:$0x5A0]  }
0x1f1: {  	v1 =	vld [tilespmem:$0x5B0]  }
0x1f2: {  	v5 =	vld [tilespmem:$0x5C0]  }
0x1f3: {  	v4 =	vld [tilespmem:$0x5D0]  }
0x1f4: {  	v2 =	vld [tilespmem:$0x5E0];
	s1 =	sshll.u32 s19, $0x7  }
0x1f5: {  	v3 =	vld [tilespmem:$0x5F0];
	s20 =	sadd.s32 $0x8C0, s1  }
0x1f6: {  	s31 =	ssub.s32 s18, s19;
	v12 =	vld [tilespmem:s20+$0xFFFFFFC0]  }
0x1f7: {  	p0 =	sne.s32 s31, $0x1;
	v14 =	vld [tilespmem:s20+$0xFFFFFFD0]  }
.Ltmp36:
0x1f8: {  	v13 =	vld [tilespmem:s20+$0xFFFFFFE0];
	(pc) =	sbr.rel @!p0 .LBB2_48-.Ltmp36, $4  }
0x1f9: {  	v9 =	vld [tilespmem:s20+$0x0]  }
0x1fa: {  	v10 =	vld [tilespmem:s20+$0x10]  }
0x1fb: {  	v11 =	vld [tilespmem:s20+$0x20];
	v15 =	vadd.f32 v12, v7  }
0x1fc: {  	s1 =	sadd.s32 $0xFFFFFFFF, s31;
	s11 =	smov.u32 s20;
	v14 =	vadd.f32 v14, v8;
	v12 =	vld [tilespmem:s20+$0x30]  }
.LBB2_47:
0x1fd: {  	p0 =	sne.s32 s1, $0x1;
	[tilespmem:s20+$0xFFFFFFC0] =	vst v15;
	v13 =	vadd.f32 v13, v6;
	v15 =	vld [tilespmem:s20+$0xFFFFFFF0];
	s11 =	sadd.s32 $0x80, s11  }
0x1fe: {  	v16 =	vld [tilespmem:s11+$0xFFFFFFC0];
	[tilespmem:s20+$0xFFFFFFD0] =	vst v14;
	v9 =	vadd.f32 v9, v5  }
0x1ff: {  	v14 =	vld [tilespmem:s11+$0xFFFFFFD0];
	[tilespmem:s20+$0xFFFFFFE0] =	vst v13;
	v10 =	vadd.f32 v10, v4  }
.Ltmp37:
0x200: {  	v13 =	vld [tilespmem:s11+$0xFFFFFFE0];
	[tilespmem:s20+$0x0] =	vst v9;
	v11 =	vadd.f32 v11, v2;
	(pc) =	sbr.rel @p0 .LBB2_47-.Ltmp37, $4  }
0x201: {  	v9 =	vld [tilespmem:s11+$0x0];
	[tilespmem:s20+$0x10] =	vst v10;
	v12 =	vadd.f32 v12, v3  }
0x202: {  	v10 =	vld [tilespmem:s11+$0x10];
	v17 =	vadd.f32 v15, v1;
	[tilespmem:s20+$0x20] =	vst v11  }
0x203: {  	v15 =	vadd.f32 v16, v7;
	v11 =	vld [tilespmem:s11+$0x20];
	[tilespmem:s20+$0x30] =	vst v12  }
0x204: {  	s1 =	sadd.s32 $0xFFFFFFFF, s1;
	v14 =	vadd.f32 v14, v8;
	v12 =	vld [tilespmem:s11+$0x30];
	[tilespmem:s20+$0xFFFFFFF0] =	vst v17;
	s20 =	smov.u32 s11  }
.LBB2_48:
0x205: {  	[tilespmem:s20+$0xFFFFFFC0] =	vst v15;
	v6 =	vadd.f32 v13, v6;
	v7 =	vld [tilespmem:s20+$0xFFFFFFF0]  }
0x206: {  	[tilespmem:s20+$0xFFFFFFD0] =	vst v14;
	v5 =	vadd.f32 v9, v5  }
0x207: {  	[tilespmem:s20+$0xFFFFFFE0] =	vst v6;
	v4 =	vadd.f32 v10, v4  }
0x208: {  	[tilespmem:s20+$0x0] =	vst v5;
	v2 =	vadd.f32 v11, v2  }
0x209: {  	[tilespmem:s20+$0x10] =	vst v4;
	v3 =	vadd.f32 v12, v3  }
0x20a: {  	v1 =	vadd.f32 v7, v1;
	[tilespmem:s20+$0x20] =	vst v2  }
0x20b: {  	[tilespmem:s20+$0x30] =	vst v3  }
0x20c: {  	[tilespmem:s20+$0xFFFFFFF0] =	vst v1  }
.LBB2_49:
0x20d: {  	s19 =	ssub.s32 s17, s6  }
0x20e: {  	p0 =	sgt.s32 s19, $0x0  }
0x20f: {  	s19 =	simm.s32 @!p0 $0x0  }
0x210: {  	s17 =	smin.u32 s19, $0x100  }
0x211: {  	p0 =	sge.u32 s0, s17  }
.Ltmp38:
0x212: {  	_ = 	snop;
	(pc) =	sbr.rel @p0 .LBB2_53-.Ltmp38, $1  }
0x213: {  	_ =	sdelay $0x3  }
0x214: {  	v7 =	vld [tilespmem:$0x600]  }
0x215: {  	v8 =	vld [tilespmem:$0x610]  }
0x216: {  	v6 =	vld [tilespmem:$0x620]  }
0x217: {  	v1 =	vld [tilespmem:$0x630]  }
0x218: {  	v5 =	vld [tilespmem:$0x640]  }
0x219: {  	v4 =	vld [tilespmem:$0x650]  }
0x21a: {  	v2 =	vld [tilespmem:$0x660];
	s0 =	sshll.u32 s18, $0x7  }
0x21b: {  	v3 =	vld [tilespmem:$0x670];
	s0 =	sadd.s32 $0x8C0, s0  }
0x21c: {  	s1 =	ssub.s32 s17, s18;
	v12 =	vld [tilespmem:s0+$0xFFFFFFC0]  }
0x21d: {  	p0 =	sne.s32 s1, $0x1;
	v14 =	vld [tilespmem:s0+$0xFFFFFFD0]  }
.Ltmp39:
0x21e: {  	v13 =	vld [tilespmem:s0+$0xFFFFFFE0];
	(pc) =	sbr.rel @!p0 .LBB2_52-.Ltmp39, $4  }
0x21f: {  	v9 =	vld [tilespmem:s0+$0x0]  }
0x220: {  	v10 =	vld [tilespmem:s0+$0x10]  }
0x221: {  	v11 =	vld [tilespmem:s0+$0x20];
	v15 =	vadd.f32 v12, v7  }
0x222: {  	s1 =	sadd.s32 $0xFFFFFFFF, s1;
	s11 =	smov.u32 s0;
	v14 =	vadd.f32 v14, v8;
	v12 =	vld [tilespmem:s0+$0x30]  }
.LBB2_51:
0x223: {  	p0 =	sne.s32 s1, $0x1;
	[tilespmem:s0+$0xFFFFFFC0] =	vst v15;
	v13 =	vadd.f32 v13, v6;
	v15 =	vld [tilespmem:s0+$0xFFFFFFF0];
	s11 =	sadd.s32 $0x80, s11  }
0x224: {  	v16 =	vld [tilespmem:s11+$0xFFFFFFC0];
	[tilespmem:s0+$0xFFFFFFD0] =	vst v14;
	v9 =	vadd.f32 v9, v5  }
0x225: {  	v14 =	vld [tilespmem:s11+$0xFFFFFFD0];
	[tilespmem:s0+$0xFFFFFFE0] =	vst v13;
	v10 =	vadd.f32 v10, v4  }
.Ltmp40:
0x226: {  	v13 =	vld [tilespmem:s11+$0xFFFFFFE0];
	[tilespmem:s0+$0x0] =	vst v9;
	v11 =	vadd.f32 v11, v2;
	(pc) =	sbr.rel @p0 .LBB2_51-.Ltmp40, $4  }
0x227: {  	v9 =	vld [tilespmem:s11+$0x0];
	[tilespmem:s0+$0x10] =	vst v10;
	v12 =	vadd.f32 v12, v3  }
0x228: {  	v10 =	vld [tilespmem:s11+$0x10];
	v17 =	vadd.f32 v15, v1;
	[tilespmem:s0+$0x20] =	vst v11  }
0x229: {  	v15 =	vadd.f32 v16, v7;
	v11 =	vld [tilespmem:s11+$0x20];
	[tilespmem:s0+$0x30] =	vst v12  }
0x22a: {  	s1 =	sadd.s32 $0xFFFFFFFF, s1;
	v14 =	vadd.f32 v14, v8;
	v12 =	vld [tilespmem:s11+$0x30];
	[tilespmem:s0+$0xFFFFFFF0] =	vst v17;
	s0 =	smov.u32 s11  }
.LBB2_52:
0x22b: {  	[tilespmem:s0+$0xFFFFFFC0] =	vst v15;
	v6 =	vadd.f32 v13, v6;
	v7 =	vld [tilespmem:s0+$0xFFFFFFF0]  }
0x22c: {  	[tilespmem:s0+$0xFFFFFFD0] =	vst v14;
	v5 =	vadd.f32 v9, v5  }
0x22d: {  	[tilespmem:s0+$0xFFFFFFE0] =	vst v6;
	v4 =	vadd.f32 v10, v4  }
0x22e: {  	[tilespmem:s0+$0x0] =	vst v5;
	v2 =	vadd.f32 v11, v2  }
0x22f: {  	[tilespmem:s0+$0x10] =	vst v4;
	v3 =	vadd.f32 v12, v3  }
0x230: {  	v1 =	vadd.f32 v7, v1;
	[tilespmem:s0+$0x20] =	vst v2  }
0x231: {  	[tilespmem:s0+$0x30] =	vst v3  }
0x232: {  	[tilespmem:s0+$0xFFFFFFF0] =	vst v1  }
.LBB2_53:
0x233: {  	s18 =	ssub.s32 s16, s6  }
0x234: {  	p0 =	sgt.s32 s18, $0x0  }
0x235: {  	s18 =	simm.s32 @!p0 $0x0  }
0x236: {  	s16 =	smin.u32 s18, $0x100  }
0x237: {  	p0 =	sge.u32 s19, s16  }
.Ltmp41:
0x238: {  	_ = 	snop;
	(pc) =	sbr.rel @p0 .LBB2_57-.Ltmp41, $1  }
0x239: {  	_ =	sdelay $0x3  }
0x23a: {  	v7 =	vld [tilespmem:$0x680]  }
0x23b: {  	v8 =	vld [tilespmem:$0x690]  }
0x23c: {  	v6 =	vld [tilespmem:$0x6A0]  }
0x23d: {  	v1 =	vld [tilespmem:$0x6B0]  }
0x23e: {  	v5 =	vld [tilespmem:$0x6C0]  }
0x23f: {  	v4 =	vld [tilespmem:$0x6D0]  }
0x240: {  	v2 =	vld [tilespmem:$0x6E0];
	s0 =	sshll.u32 s17, $0x7  }
0x241: {  	v3 =	vld [tilespmem:$0x6F0];
	s0 =	sadd.s32 $0x8C0, s0  }
0x242: {  	s1 =	ssub.s32 s16, s17;
	v12 =	vld [tilespmem:s0+$0xFFFFFFC0]  }
0x243: {  	p0 =	sne.s32 s1, $0x1;
	v14 =	vld [tilespmem:s0+$0xFFFFFFD0]  }
.Ltmp42:
0x244: {  	v13 =	vld [tilespmem:s0+$0xFFFFFFE0];
	(pc) =	sbr.rel @!p0 .LBB2_56-.Ltmp42, $4  }
0x245: {  	v9 =	vld [tilespmem:s0+$0x0]  }
0x246: {  	v10 =	vld [tilespmem:s0+$0x10]  }
0x247: {  	v11 =	vld [tilespmem:s0+$0x20];
	v15 =	vadd.f32 v12, v7  }
0x248: {  	s1 =	sadd.s32 $0xFFFFFFFF, s1;
	s11 =	smov.u32 s0;
	v14 =	vadd.f32 v14, v8;
	v12 =	vld [tilespmem:s0+$0x30]  }
.LBB2_55:
0x249: {  	p0 =	sne.s32 s1, $0x1;
	[tilespmem:s0+$0xFFFFFFC0] =	vst v15;
	v13 =	vadd.f32 v13, v6;
	v15 =	vld [tilespmem:s0+$0xFFFFFFF0];
	s11 =	sadd.s32 $0x80, s11  }
0x24a: {  	v16 =	vld [tilespmem:s11+$0xFFFFFFC0];
	[tilespmem:s0+$0xFFFFFFD0] =	vst v14;
	v9 =	vadd.f32 v9, v5  }
0x24b: {  	v14 =	vld [tilespmem:s11+$0xFFFFFFD0];
	[tilespmem:s0+$0xFFFFFFE0] =	vst v13;
	v10 =	vadd.f32 v10, v4  }
.Ltmp43:
0x24c: {  	v13 =	vld [tilespmem:s11+$0xFFFFFFE0];
	[tilespmem:s0+$0x0] =	vst v9;
	v11 =	vadd.f32 v11, v2;
	(pc) =	sbr.rel @p0 .LBB2_55-.Ltmp43, $4  }
0x24d: {  	v9 =	vld [tilespmem:s11+$0x0];
	[tilespmem:s0+$0x10] =	vst v10;
	v12 =	vadd.f32 v12, v3  }
0x24e: {  	v10 =	vld [tilespmem:s11+$0x10];
	v17 =	vadd.f32 v15, v1;
	[tilespmem:s0+$0x20] =	vst v11  }
0x24f: {  	v15 =	vadd.f32 v16, v7;
	v11 =	vld [tilespmem:s11+$0x20];
	[tilespmem:s0+$0x30] =	vst v12  }
0x250: {  	s1 =	sadd.s32 $0xFFFFFFFF, s1;
	v14 =	vadd.f32 v14, v8;
	v12 =	vld [tilespmem:s11+$0x30];
	[tilespmem:s0+$0xFFFFFFF0] =	vst v17;
	s0 =	smov.u32 s11  }
.LBB2_56:
0x251: {  	[tilespmem:s0+$0xFFFFFFC0] =	vst v15;
	v6 =	vadd.f32 v13, v6;
	v7 =	vld [tilespmem:s0+$0xFFFFFFF0]  }
0x252: {  	[tilespmem:s0+$0xFFFFFFD0] =	vst v14;
	v5 =	vadd.f32 v9, v5  }
0x253: {  	[tilespmem:s0+$0xFFFFFFE0] =	vst v6;
	v4 =	vadd.f32 v10, v4  }
0x254: {  	[tilespmem:s0+$0x0] =	vst v5;
	v2 =	vadd.f32 v11, v2  }
0x255: {  	[tilespmem:s0+$0x10] =	vst v4;
	v3 =	vadd.f32 v12, v3  }
0x256: {  	v1 =	vadd.f32 v7, v1;
	[tilespmem:s0+$0x20] =	vst v2  }
0x257: {  	[tilespmem:s0+$0x30] =	vst v3  }
0x258: {  	[tilespmem:s0+$0xFFFFFFF0] =	vst v1  }
.LBB2_57:
0x259: {  	s0 =	ssub.s32 s15, s6  }
0x25a: {  	p0 =	sgt.s32 s0, $0x0;
	s1 =	smov.u32 s0  }
0x25b: {  	s1 =	simm.s32 @!p0 $0x0  }
0x25c: {  	s15 =	smin.u32 s1, $0x100  }
0x25d: {  	p0 =	sge.u32 s18, s15  }
.Ltmp44:
0x25e: {  	_ = 	snop;
	(pc) =	sbr.rel @p0 .LBB2_61-.Ltmp44, $1  }
0x25f: {  	_ =	sdelay $0x3  }
0x260: {  	v7 =	vld [tilespmem:$0x700]  }
0x261: {  	v8 =	vld [tilespmem:$0x710]  }
0x262: {  	v6 =	vld [tilespmem:$0x720]  }
0x263: {  	v1 =	vld [tilespmem:$0x730]  }
0x264: {  	v5 =	vld [tilespmem:$0x740]  }
0x265: {  	v4 =	vld [tilespmem:$0x750]  }
0x266: {  	v2 =	vld [tilespmem:$0x760];
	s1 =	sshll.u32 s16, $0x7  }
0x267: {  	v3 =	vld [tilespmem:$0x770];
	s17 =	sadd.s32 $0x8C0, s1  }
0x268: {  	s31 =	ssub.s32 s15, s16;
	v12 =	vld [tilespmem:s17+$0xFFFFFFC0]  }
0x269: {  	p0 =	sne.s32 s31, $0x1;
	v14 =	vld [tilespmem:s17+$0xFFFFFFD0]  }
.Ltmp45:
0x26a: {  	v13 =	vld [tilespmem:s17+$0xFFFFFFE0];
	(pc) =	sbr.rel @!p0 .LBB2_60-.Ltmp45, $4  }
0x26b: {  	v9 =	vld [tilespmem:s17+$0x0]  }
0x26c: {  	v10 =	vld [tilespmem:s17+$0x10]  }
0x26d: {  	v11 =	vld [tilespmem:s17+$0x20];
	v15 =	vadd.f32 v12, v7  }
0x26e: {  	s1 =	sadd.s32 $0xFFFFFFFF, s31;
	s11 =	smov.u32 s17;
	v14 =	vadd.f32 v14, v8;
	v12 =	vld [tilespmem:s17+$0x30]  }
.LBB2_59:
0x26f: {  	p0 =	sne.s32 s1, $0x1;
	[tilespmem:s17+$0xFFFFFFC0] =	vst v15;
	v13 =	vadd.f32 v13, v6;
	v15 =	vld [tilespmem:s17+$0xFFFFFFF0];
	s11 =	sadd.s32 $0x80, s11  }
0x270: {  	v16 =	vld [tilespmem:s11+$0xFFFFFFC0];
	[tilespmem:s17+$0xFFFFFFD0] =	vst v14;
	v9 =	vadd.f32 v9, v5  }
0x271: {  	v14 =	vld [tilespmem:s11+$0xFFFFFFD0];
	[tilespmem:s17+$0xFFFFFFE0] =	vst v13;
	v10 =	vadd.f32 v10, v4  }
.Ltmp46:
0x272: {  	v13 =	vld [tilespmem:s11+$0xFFFFFFE0];
	[tilespmem:s17+$0x0] =	vst v9;
	v11 =	vadd.f32 v11, v2;
	(pc) =	sbr.rel @p0 .LBB2_59-.Ltmp46, $4  }
0x273: {  	v9 =	vld [tilespmem:s11+$0x0];
	[tilespmem:s17+$0x10] =	vst v10;
	v12 =	vadd.f32 v12, v3  }
0x274: {  	v10 =	vld [tilespmem:s11+$0x10];
	v17 =	vadd.f32 v15, v1;
	[tilespmem:s17+$0x20] =	vst v11  }
0x275: {  	v15 =	vadd.f32 v16, v7;
	v11 =	vld [tilespmem:s11+$0x20];
	[tilespmem:s17+$0x30] =	vst v12  }
0x276: {  	s1 =	sadd.s32 $0xFFFFFFFF, s1;
	v14 =	vadd.f32 v14, v8;
	v12 =	vld [tilespmem:s11+$0x30];
	[tilespmem:s17+$0xFFFFFFF0] =	vst v17;
	s17 =	smov.u32 s11  }
.LBB2_60:
0x277: {  	[tilespmem:s17+$0xFFFFFFC0] =	vst v15;
	v6 =	vadd.f32 v13, v6;
	v7 =	vld [tilespmem:s17+$0xFFFFFFF0]  }
0x278: {  	[tilespmem:s17+$0xFFFFFFD0] =	vst v14;
	v5 =	vadd.f32 v9, v5  }
0x279: {  	[tilespmem:s17+$0xFFFFFFE0] =	vst v6;
	v4 =	vadd.f32 v10, v4  }
0x27a: {  	[tilespmem:s17+$0x0] =	vst v5;
	v2 =	vadd.f32 v11, v2  }
0x27b: {  	[tilespmem:s17+$0x10] =	vst v4;
	v3 =	vadd.f32 v12, v3  }
0x27c: {  	v1 =	vadd.f32 v7, v1;
	[tilespmem:s17+$0x20] =	vst v2  }
0x27d: {  	[tilespmem:s17+$0x30] =	vst v3  }
0x27e: {  	[tilespmem:s17+$0xFFFFFFF0] =	vst v1  }
.LBB2_61:
0x27f: {  	p0 =	sgt.s32 s0, $0xFF  }
.Ltmp47:
0x280: {  	_ = 	snop;
	(pc) =	sbr.rel @p0 .LBB2_65-.Ltmp47, $1  }
0x281: {  	_ =	sdelay $0x3  }
0x282: {  	v2 =	vld [tilespmem:$0x780]  }
0x283: {  	v5 =	vld [tilespmem:$0x790]  }
0x284: {  	v8 =	vld [tilespmem:$0x7A0]  }
0x285: {  	v1 =	vld [tilespmem:$0x7B0]  }
0x286: {  	v6 =	vld [tilespmem:$0x7C0]  }
0x287: {  	v3 =	vld [tilespmem:$0x7D0];
	s0 =	sshll.u32 s15, $0x7  }
0x288: {  	v4 =	vld [tilespmem:$0x7E0];
	s0 =	sadd.s32 $0x8C0, s0  }
0x289: {  	s1 =	smax.u32 s15, $0xFF;
	v11 =	vld [tilespmem:s0+$0xFFFFFFC0]  }
0x28a: {  	v7 =	vld [tilespmem:$0x7F0];
	s1 =	sxor.u32 $0xFFFFFFFF, s1  }
0x28b: {  	v13 =	vld [tilespmem:s0+$0xFFFFFFD0];
	s1 =	sadd.s32 s15, s1  }
0x28c: {  	v15 =	vld [tilespmem:s0+$0xFFFFFFE0];
	s15 =	sadd.s32 $0x1, s1  }
0x28d: {  	v9 =	vld [tilespmem:s0+$0x0];
	p0 =	seq.s32 s15, $0x0  }
.Ltmp48:
0x28e: {  	v10 =	vld [tilespmem:s0+$0x10];
	v14 =	vadd.f32 v11, v2;
	(pc) =	sbr.rel @p0 .LBB2_64-.Ltmp48, $4  }
0x28f: {  	v11 =	vld [tilespmem:s0+$0x20]  }
0x290: {  	[tilespmem:s0+$0xFFFFFFC0] =	vst v14;
	v14 =	vadd.f32 v13, v5;
	v13 =	vld [tilespmem:s0+$0xFFFFFFF0]  }
0x291: {  	v12 =	vld [tilespmem:s0+$0x30]  }
0x292: {  	s1 =	sadd.s32 $0x80, s0;
	v15 =	vadd.f32 v15, v8  }
.LBB2_63:
0x293: {  	v16 =	vld [tilespmem:s1+$0xFFFFFFC0];
	[tilespmem:s0+$0xFFFFFFD0] =	vst v14;
	v9 =	vadd.f32 v9, v6  }
0x294: {  	v10 =	vadd.f32 v10, v3;
	s15 =	sadd.s32 $0x1, s15;
	v14 =	vld [tilespmem:s1+$0xFFFFFFD0];
	[tilespmem:s0+$0xFFFFFFE0] =	vst v15  }
0x295: {  	v11 =	vadd.f32 v11, v4;
	p0 =	seq.s32 s15, $0x0;
	v15 =	vld [tilespmem:s1+$0xFFFFFFE0];
	[tilespmem:s0+$0x0] =	vst v9  }
.Ltmp49:
0x296: {  	v12 =	vadd.f32 v12, v7;
	v9 =	vld [tilespmem:s1+$0x0];
	[tilespmem:s0+$0x10] =	vst v10;
	(pc) =	sbr.rel @!p0 .LBB2_63-.Ltmp49, $4  }
0x297: {  	v13 =	vadd.f32 v13, v1;
	v10 =	vld [tilespmem:s1+$0x10];
	[tilespmem:s0+$0x20] =	vst v11  }
0x298: {  	v16 =	vadd.f32 v16, v2;
	v11 =	vld [tilespmem:s1+$0x20];
	[tilespmem:s0+$0x30] =	vst v12  }
0x299: {  	v14 =	vadd.f32 v14, v5;
	v12 =	vld [tilespmem:s1+$0x30];
	[tilespmem:s0+$0xFFFFFFF0] =	vst v13;
	s0 =	smov.u32 s1  }
0x29a: {  	s1 =	sadd.s32 $0x80, s1;
	[tilespmem:s0+$0xFFFFFFC0] =	vst v16;
	v15 =	vadd.f32 v15, v8;
	v13 =	vld [tilespmem:s0+$0xFFFFFFF0]  }
.Ltmp50:
0x29b: {  	_ = 	snop;
	(pc) =	sbr.rel .LBB2_64-.Ltmp50, $1  }
0x29c: {  	_ =	sdelay $0x3  }
.LBB2_66:
0x29d: {  	_ =	sfence.sel $0x180000  }
0x29e: {  	[bflag:$0x0] =	sbarrier.arrive $0xFFFF  }
0x29f: {  	_ =	strace $0x90000047  }
0x2a0: {  	s0 =	stileid.u32;
	[bflag:$0x2] =	sbarrier.arrive $0xFFFF  }
0x2a1: {  	p0 =	sne.s32 s0, $0x0;
	s0 =	rddreg [dreg:$0x1]  }
0x2a2: {  	s0 =	sadd.s32 @!p0 $0x100000, s0  }
0x2a3: {  	[sflag:s0] =	ssyncadd.tile.s32 @!p0 $0x1;
	_ =	shalt  }
.Lfunc_end2:
_tile_overlayer_lowered:
.L_overlay_start_2:
0x2a4: {  	(tag) =	ssettag $0x2  }
0x2a5: {  	s0 =	rddreg [dreg:$0x0];
	s2 =	stileid.u32  }
0x2a6: {  	s1 =	rddreg [dreg:$0x1];
	p0 =	sne.s32 s2, $0x0  }
0x2a7: {  	s3 =	rddreg [dreg:$0x2];
	[bflag:$0x3] =	sbarrier.arrive $0xFFFF;
	s2 =	simm.s32 @!p0 $0x1C03  }
0x2a8: {  	[timem:s3], [sflag:s2] =	dma.local @!p0 [hbm:s0], s1  }
0x2a9: {  	s0 =	simm.s32 @!p0 $0x3  }
0x2aa: {  	_ =	swait.ge @!p0 [sflag:s0], s1  }
0x2ab: {  	s1 =	ssub.s32 @!p0 $0x0, s1;
	[sflag:s0] =	ssyncset.done @!p0 $0x0  }
0x2ac: {  	[sflag:s0] =	ssyncadd.s32 @!p0 s1  }
0x2ad: {  	[bflag:$0x3] =	sbarrier.arrive $0xFFFF  }
0x2ae: {  	_ =	shalt  }

</sc_bundles>
